<compile_context>
chip_gen: v7x
topology: tpu7x:2x2x1
jax: 0.10.2.dev20260603
libtpu: 0.0.44.dev20260713+nightly
codegen_flags: <defaults>
</compile_context>

<pallas_src>
import functools

import jax
import jax.numpy as jnp
from jax import lax
from jax.experimental import pallas as pl
from jax.experimental.pallas import tpu as pltpu
from jax.experimental.pallas import tpu_sc as plsc

N = 10000
NP = 10240
E = 320000
D_IN = 128
D_HID = 256
D_OUT = 128
N_EXP = 4

NTILES = 32
NB = 80
ET = NB * 128
SW = 2
SB = NB // SW
EP = NTILES * ET
DEG_W = 128
RPT = NP // 16

BLK = 256

_MESH = plsc.VectorSubcoreMesh(core_axis_name="c", subcore_axis_name="s")



@functools.partial(
    pl.kernel,
    mesh=_MESH,
    out_type=jax.ShapeDtypeStruct((2 * NP, DEG_W), jnp.float32),
    scratch_types=[
        pltpu.VMEM((NB, 128), jnp.int32),
        pltpu.VMEM((128, DEG_W), jnp.float32),
        pltpu.VMEM_SHARED((NP, DEG_W), jnp.float32),
        pltpu.SemaphoreType.DMA,
    ],
)
def _deg_kernel(dst_hbm, ones_hbm, zeros_hbm, out_hbm, dst_v, ones_v, acc,
                sem):
    c = lax.axis_index("c")
    s = lax.axis_index("s")
    wid = s * 2 + c
    pltpu.sync_copy(zeros_hbm.at[pl.ds(s * RPT, RPT)],
                    acc.at[pl.ds(s * RPT, RPT)])
    pltpu.sync_copy(ones_hbm, ones_v)
    pltpu.sync_copy(dst_hbm.at[wid], dst_v)
    plsc.subcore_barrier()

    def body(i, carry):
        for b in range(2):
            pltpu.async_copy(ones_v, acc.at[dst_v.at[2 * i + b]], sem,
                             add=True)
        for b in range(2):
            pltpu.make_async_copy(ones_v, acc.at[dst_v.at[2 * i + b]],
                                  sem).wait()
        return carry

    lax.fori_loop(0, NB // 2, body, 0)
    plsc.subcore_barrier()
    pltpu.sync_copy(acc.at[pl.ds(s * RPT, RPT)],
                    out_hbm.at[pl.ds(c * NP + s * RPT, RPT)])


def _make_prop(nchunks):

    @functools.partial(
        pl.kernel,
        mesh=_MESH,
        out_type=jax.ShapeDtypeStruct((nchunks * 2 * NP, 128), jnp.float32),
        scratch_types=[
            pltpu.VMEM((SB, 128), jnp.int32),
            pltpu.VMEM((SB, 128), jnp.int32),
            pltpu.VMEM((128, 128), jnp.float32),
            pltpu.VMEM((128, 128), jnp.float32),
            pltpu.VMEM_SHARED((NP, 128), jnp.float32),
            pltpu.SemaphoreType.DMA,
            pltpu.SemaphoreType.DMA,
            pltpu.SemaphoreType.DMA,
        ],
    )
    def prop(table_hbm, src_hbm, dst_hbm, zeros_hbm, out_hbm,
             src_v, dst_v, r0, r1, acc, sg, ss0, ss1):
        c = lax.axis_index("c")
        s = lax.axis_index("s")
        wid = s * 2 + c
        rows = [r0, r1]
        ss = [ss0, ss1]

        def gather(j, b):
            pltpu.async_copy(table_hbm.at[src_v.at[j]], rows[b], sg)

        def wait_gather(j, b):
            pltpu.make_async_copy(table_hbm.at[src_v.at[j]], rows[b],
                                  sg).wait()

        def scatter(j, b):
            pltpu.async_copy(rows[b], acc.at[dst_v.at[j]], ss[b], add=True)

        def wait_scatter(j, b):
            pltpu.make_async_copy(rows[b], acc.at[dst_v.at[j]], ss[b]).wait()

        for ci in range(nchunks):
            pltpu.sync_copy(zeros_hbm.at[pl.ds(s * RPT, RPT)],
                            acc.at[pl.ds(s * RPT, RPT)])
            plsc.subcore_barrier()
            for t in range(SW):
                pltpu.sync_copy(
                    src_hbm.at[(ci * NTILES + wid) * SW + t], src_v)
                pltpu.sync_copy(dst_hbm.at[wid * SW + t], dst_v)
                gather(0, 0)
                wait_gather(0, 0)
                gather(1, 1)
                scatter(0, 0)
                wait_gather(1, 1)
                wait_scatter(0, 0)
                gather(2, 0)
                scatter(1, 1)

                def body(i, carry):
                    for b in range(2):
                        j = 2 * i + b
                        wait_gather(j, b)
                        wait_scatter(j - 1, 1 - b)
                        gather(j + 1, 1 - b)
                        scatter(j, b)
                    return carry

                lax.fori_loop(1, SB // 2 - 1, body, 0)
                j = SB - 2
                wait_gather(j, 0)
                wait_scatter(j - 1, 1)
                gather(j + 1, 1)
                scatter(j, 0)
                wait_gather(j + 1, 1)
                wait_scatter(j, 0)
                scatter(j + 1, 1)
                wait_scatter(j + 1, 1)

            plsc.subcore_barrier()
            pltpu.sync_copy(
                acc.at[pl.ds(s * RPT, RPT)],
                out_hbm.at[pl.ds((2 * ci + c) * NP + s * RPT, RPT)])

    return prop


_prop1 = _make_prop(1)
_prop4 = _make_prop(N_EXP)



def _prep_body(x_ref, d0_ref, d1_ref, xs_ref, inv_ref):
    d = d0_ref[:, 0:1] + d1_ref[:, 0:1]
    inv = lax.rsqrt(jnp.maximum(d, 1.0))
    inv_b = jnp.broadcast_to(inv, (BLK, 128))
    inv_ref[...] = inv_b
    xs_ref[...] = x_ref[...] * inv_b


def _prep_call(x_pad, deg0, deg1):
    return pl.pallas_call(
        _prep_body,
        grid=(NP // BLK,),
        in_specs=[
            pl.BlockSpec((BLK, 128), lambda i: (i, 0)),
            pl.BlockSpec((BLK, DEG_W), lambda i: (i, 0)),
            pl.BlockSpec((BLK, DEG_W), lambda i: (i, 0)),
        ],
        out_specs=[
            pl.BlockSpec((BLK, 128), lambda i: (i, 0)),
            pl.BlockSpec((BLK, 128), lambda i: (i, 0)),
        ],
        out_shape=[
            jax.ShapeDtypeStruct((NP, 128), jnp.float32),
            jax.ShapeDtypeStruct((NP, 128), jnp.float32),
        ],
    )(x_pad, deg0, deg1)


def _experts_body(s0_ref, s1_ref, inv_ref, w1_ref, b1_ref, w2_ref, y4_ref):
    inv = inv_ref[...]
    px = (s0_ref[...] + s1_ref[...]) * inv
    for e in range(N_EXP):
        h = jnp.dot(px, w1_ref[e], preferred_element_type=jnp.float32)
        h = jnp.maximum(h + b1_ref[e:e + 1, :], 0.0)
        y = jnp.dot(h, w2_ref[e], preferred_element_type=jnp.float32)
        y4_ref[e] = y * inv


def _experts_call(s0, s1, inv_bc, W1, b1, W2):
    return pl.pallas_call(
        _experts_body,
        grid=(NP // BLK,),
        in_specs=[
            pl.BlockSpec((BLK, 128), lambda i: (i, 0)),
            pl.BlockSpec((BLK, 128), lambda i: (i, 0)),
            pl.BlockSpec((BLK, 128), lambda i: (i, 0)),
            pl.BlockSpec((N_EXP, D_IN, D_HID), lambda i: (0, 0, 0)),
            pl.BlockSpec((N_EXP, D_HID), lambda i: (0, 0)),
            pl.BlockSpec((N_EXP, D_HID, D_OUT), lambda i: (0, 0, 0)),
        ],
        out_specs=pl.BlockSpec((N_EXP, BLK, 128), lambda i: (0, i, 0)),
        out_shape=jax.ShapeDtypeStruct((N_EXP, NP, 128), jnp.float32),
    )(s0, s1, inv_bc, W1, b1, W2)


def _combine_body(x_ref, wg_ref, thr_ref, msk_ref, b2_ref, inv_ref, t_ref,
                  out_ref):
    logits = jnp.dot(x_ref[...], wg_ref[...],
                     preferred_element_type=jnp.float32)
    col = lax.broadcasted_iota(jnp.int32, (BLK, 128), 1)
    valid = col < N_EXP
    lm = jnp.where(valid, logits, -1e30)
    m = jnp.max(lm, axis=1, keepdims=True)
    ex = jnp.where(valid, jnp.exp(logits - m), 0.0)
    soft = ex / jnp.sum(ex, axis=1, keepdims=True)
    hard = 0.5 * (jnp.sign(logits - thr_ref[0:1, :]) + 1.0)
    g = soft * hard * msk_ref[0:1, :]
    g = g / (jnp.sum(g, axis=1, keepdims=True) + 1e-10)

    out = jnp.dot(g, b2_ref[...], preferred_element_type=jnp.float32)
    inv = inv_ref[...]
    for e in range(N_EXP):
        pe = (t_ref[2 * e] + t_ref[2 * e + 1]) * inv
        out = out + g[:, e:e + 1] * pe
    out_ref[...] = out


def _combine_call(x_pad, wg_pad, thr_bc, msk_bc, b2_pad, inv_bc, tstack):
    return pl.pallas_call(
        _combine_body,
        grid=(NP // BLK,),
        in_specs=[
            pl.BlockSpec((BLK, 128), lambda i: (i, 0)),
            pl.BlockSpec((128, 128), lambda i: (0, 0)),
            pl.BlockSpec((8, 128), lambda i: (0, 0)),
            pl.BlockSpec((8, 128), lambda i: (0, 0)),
            pl.BlockSpec((128, 128), lambda i: (0, 0)),
            pl.BlockSpec((BLK, 128), lambda i: (i, 0)),
            pl.BlockSpec((2 * N_EXP, BLK, 128), lambda i: (0, i, 0)),
        ],
        out_specs=pl.BlockSpec((BLK, 128), lambda i: (i, 0)),
        out_shape=jax.ShapeDtypeStruct((NP, 128), jnp.float32),
    )(x_pad, wg_pad, thr_bc, msk_bc, b2_pad, inv_bc, tstack)



def kernel(x, edge_index, w_gate, gate_threshold, W1, b1, W2, b2,
           experts_mask):
    f32 = jnp.float32
    x = x.astype(f32)
    src = edge_index[0].astype(jnp.int32)
    dst = edge_index[1].astype(jnp.int32)
    padn = EP - E
    fill = N + (jnp.arange(padn, dtype=jnp.int32) % (NP - N))
    src_flat = jnp.concatenate([src, fill])
    dst_flat = jnp.concatenate([dst, fill])
    dst_p = dst_flat.reshape(NTILES, NB, 128)
    src_p = src_flat.reshape(NTILES * SW, SB, 128)
    dst_q = dst_flat.reshape(NTILES * SW, SB, 128)
    shift = (jnp.arange(N_EXP, dtype=jnp.int32) * NP)[:, None]
    src4 = (src_flat[None, :] + shift).reshape(N_EXP * NTILES * SW, SB, 128)
    x_pad = jnp.pad(x, ((0, NP - N), (0, 0)))
    zeros128 = jnp.zeros((NP, 128), f32)
    zerosW = jnp.zeros((NP, DEG_W), f32)
    onesW = jnp.ones((128, DEG_W), f32)

    degp = _deg_kernel(dst_p, onesW, zerosW)
    xs, inv_bc = _prep_call(x_pad, degp[:NP], degp[NP:])
    sp = _prop1(xs, src_p, dst_q, zeros128)
    y4 = _experts_call(sp[:NP], sp[NP:], inv_bc,
                       W1.astype(f32), b1.astype(f32), W2.astype(f32))
    t4 = _prop4(y4.reshape(N_EXP * NP, 128), src4, dst_q, zeros128)
    tstack = t4.reshape(2 * N_EXP, NP, 128)

    wg_pad = jnp.zeros((128, 128), f32).at[:, :N_EXP].set(w_gate.astype(f32))
    thr_bc = jnp.zeros((8, 128), f32).at[:, :N_EXP].set(
        jnp.broadcast_to(gate_threshold.astype(f32), (8, N_EXP)))
    msk_bc = jnp.zeros((8, 128), f32).at[:, :N_EXP].set(
        jnp.broadcast_to(experts_mask.astype(f32), (8, N_EXP)))
    b2_pad = jnp.zeros((128, 128), f32).at[:N_EXP, :].set(b2.astype(f32))

    out = _combine_call(x_pad, wg_pad, thr_bc, msk_bc, b2_pad, inv_bc, tstack)
    return out[:N]

# --- scband reference (transcript-rebuilt; emitter-appended) ---
"""Pipeline reference for scband-sagmm-network-1623497638192 (READ-ONLY COPY).

The authoritative reference and input builder live on the scoring server;
editing this copy changes nothing except your own understanding.
"""

import jax, jax.numpy as jnp
import numpy as np

N = 10000
E_EDGES = 320000
D_IN = 128
D_HID = 256
D_OUT = 128
N_EXP = 4


def sign_ste(x):
    # SAGMMGateBackward: sign in fwd, identity grad in bwd
    return x + jax.lax.stop_gradient(jnp.sign(x) - x)


def setup_inputs(seed: int = 0):
    key = jax.random.key(seed)
    ks = jax.random.split(key, 8)
    x = jax.random.normal(ks[0], (N, D_IN), dtype=jnp.float32)
    edge_index = jax.random.randint(ks[1], (2, E_EDGES), 0, N)
    w_gate = jax.random.normal(ks[2], (D_IN, N_EXP), dtype=jnp.float32) * 0.01
    gate_threshold = jnp.zeros((N_EXP,), dtype=jnp.float32)
    W1 = jax.random.normal(ks[3], (N_EXP, D_IN, D_HID), dtype=jnp.float32) * (1.0 / np.sqrt(D_IN))
    b1 = jnp.zeros((N_EXP, D_HID), dtype=jnp.float32)
    W2 = jax.random.normal(ks[4], (N_EXP, D_HID, D_OUT), dtype=jnp.float32) * (1.0 / np.sqrt(D_HID))
    b2 = jnp.zeros((N_EXP, D_OUT), dtype=jnp.float32)
    experts_mask = jnp.ones((N_EXP,), dtype=jnp.float32)
    return {"x": x, "edge_index": edge_index, "w_gate": w_gate, "gate_threshold": gate_threshold,
            "W1": W1, "b1": b1, "W2": W2, "b2": b2, "experts_mask": experts_mask}


def _propagate(h, src, dst, coef):
    msg = h[src] * coef[:, None]
    return jax.ops.segment_sum(msg, dst, num_segments=N)


def reference(x, edge_index, w_gate, gate_threshold, W1, b1, W2, b2, experts_mask):
    src = edge_index[0]
    dst = edge_index[1]
    deg = jax.ops.segment_sum(jnp.ones((E_EDGES,), dtype=jnp.float32), dst, num_segments=N)
    deg = jnp.maximum(deg, 1.0)
    inv_sqrt = 1.0 / jnp.sqrt(deg)
    coef = inv_sqrt[src] * inv_sqrt[dst]
    # gating: clean logits (eval mode, no noise), threshold via sign-STE gate, softmax weights
    logits = x @ w_gate
    hard = 0.5 * (sign_ste(logits - gate_threshold[None, :]) + 1.0)
    soft = jax.nn.softmax(logits, axis=1)
    gates = soft * hard * experts_mask[None, :]
    gates = gates / (jnp.sum(gates, axis=1, keepdims=True) + 1e-10)
    # experts: 2-layer GCN each (GCN/SAGE/JK/SGC pool approximated by GCN propagation math)
    outs = []
    for e in range(N_EXP):
        h = _propagate(x, src, dst, coef) @ W1[e] + b1[e]
        h = jax.nn.relu(h)
        h = _propagate(h, src, dst, coef) @ W2[e] + b2[e]
        outs.append(h)
    stacked = jnp.stack(outs, axis=1)  # [N, E, C]
    out = jnp.sum(gates[:, :, None] * stacked, axis=1)
    return out

if __name__ == "__main__":
    import jax
    _d = setup_inputs()
    print(jax.jit(kernel)(*tuple(_d.values())))

</pallas_src>

<mosaic_0001>
#map = affine_map<(d0, d1) -> (0, 0, 0)>
#map1 = affine_map<(d0, d1) -> (0, 0)>
module attributes {stable_mosaic.version = 14 : i64} {
  func.func @_deg_kernel(%arg0: i32, %arg1: i32, %arg2: memref<32x80x128xi32, #tpu.memory_space<hbm>>, %arg3: memref<128x128xf32, #tpu.memory_space<hbm>>, %arg4: memref<10240x128xf32, #tpu.memory_space<hbm>>, %arg5: memref<20480x128xf32, #tpu.memory_space<hbm>>, %arg6: memref<80x128xi32, #tpu.memory_space<vmem>>, %arg7: memref<128x128xf32, #tpu.memory_space<vmem>>, %arg8: memref<10240x128xf32, #tpu.memory_space<vmem_shared>>, %arg9: memref<!tpu.dma_semaphore, #tpu.memory_space<semaphore_mem>>) attributes {dimension_semantics = [#tpu.dimension_semantics<core_parallel>, #tpu.dimension_semantics<subcore_parallel>], iteration_bounds = array<i64: 2, 16>, scalar_prefetch = 0 : i64, scratch_operands = 4 : i64, tpu.core_type = #tpu.core_type<sc_vector_subcore>, window_params = [{transform_indices = #map}, {transform_indices = #map1}, {transform_indices = #map1}, {transform_indices = #map1}]} {
    %mul3A = arith.constant 2 : i32
    %mul3A_0 = arith.muli %arg1, %mul3A : i32
    %add3A = arith.addi %mul3A_0, %arg0 : i32
    %mul3A_1 = arith.constant 640 : i32
    %mul3A_2 = arith.muli %arg1, %mul3A_1 : i32
    %mul3A_3 = arith.constant 640 : i32
    %mul3A_4 = arith.muli %arg1, %mul3A_3 : i32
    "tpu.region"() ({
      %run_scoped3A = tpu.sem_alloc : memref<!tpu.dma_semaphore, #tpu.memory_space<semaphore_mem>>
      %dma_start3A = arith.constant 0 : i32
      %dma_start3A_18 = tpu.memref_slice %arg8[%mul3A_4, %dma_start3A] : memref<10240x128xf32, #tpu.memory_space<vmem_shared>> -> memref<640x128xf32, #tpu.memory_space<vmem_shared>>
      %dma_start3A_19 = arith.constant 0 : i32
      %dma_start3A_20 = tpu.memref_slice %arg4[%mul3A_2, %dma_start3A_19] : memref<10240x128xf32, #tpu.memory_space<hbm>> -> memref<640x128xf32, #tpu.memory_space<hbm>>
      tpu.enqueue_dma source(%dma_start3A_20 : memref<640x128xf32, #tpu.memory_space<hbm>>) target(%dma_start3A_18 : memref<640x128xf32, #tpu.memory_space<vmem_shared>>) target_semaphore(%run_scoped3A : memref<!tpu.dma_semaphore, #tpu.memory_space<semaphore_mem>>)
      %dma_wait3A = arith.constant 0 : i32
      %dma_wait3A_21 = tpu.memref_slice %arg8[%mul3A_4, %dma_wait3A] : memref<10240x128xf32, #tpu.memory_space<vmem_shared>> -> memref<640x128xf32, #tpu.memory_space<vmem_shared>>
      %dma_wait3A_22 = arith.constant 0 : i32
      %dma_wait3A_23 = tpu.memref_slice %arg4[%mul3A_2, %dma_wait3A_22] : memref<10240x128xf32, #tpu.memory_space<hbm>> -> memref<640x128xf32, #tpu.memory_space<hbm>>
      tpu.wait_dma2 semaphore(%run_scoped3A : memref<!tpu.dma_semaphore, #tpu.memory_space<semaphore_mem>>) src(%dma_wait3A_23 : memref<640x128xf32, #tpu.memory_space<hbm>>) dst(%dma_wait3A_21 : memref<640x128xf32, #tpu.memory_space<vmem_shared>>)
      tpu.yield
    }) : () -> ()
    "tpu.region"() ({
      %run_scoped3A = tpu.sem_alloc : memref<!tpu.dma_semaphore, #tpu.memory_space<semaphore_mem>>
      tpu.enqueue_dma source(%arg3 : memref<128x128xf32, #tpu.memory_space<hbm>>) target(%arg7 : memref<128x128xf32, #tpu.memory_space<vmem>>) target_semaphore(%run_scoped3A : memref<!tpu.dma_semaphore, #tpu.memory_space<semaphore_mem>>)
      tpu.wait_dma2 semaphore(%run_scoped3A : memref<!tpu.dma_semaphore, #tpu.memory_space<semaphore_mem>>) src(%arg3 : memref<128x128xf32, #tpu.memory_space<hbm>>) dst(%arg7 : memref<128x128xf32, #tpu.memory_space<vmem>>)
      tpu.yield
    }) : () -> ()
    "tpu.region"() ({
      %run_scoped3A = tpu.sem_alloc : memref<!tpu.dma_semaphore, #tpu.memory_space<semaphore_mem>>
      %dma_start3A = arith.constant 0 : i32
      %dma_start3A_18 = arith.constant 0 : i32
      %dma_start3A_19 = tpu.memref_slice %arg2[%add3A, %dma_start3A, %dma_start3A_18] : memref<32x80x128xi32, #tpu.memory_space<hbm>> -> memref<1x80x128xi32, #tpu.memory_space<hbm>>
      %dma_start3A_20 = tpu.memref_squeeze %dma_start3A_19 : memref<1x80x128xi32, #tpu.memory_space<hbm>> -> memref<80x128xi32, #tpu.memory_space<hbm>>
      %dma_start3A_21 = arith.constant 0 : i32
      %dma_start3A_22 = arith.constant 0 : i32
      %dma_start3A_23 = tpu.memref_slice %arg2[%add3A, %dma_start3A_21, %dma_start3A_22] : memref<32x80x128xi32, #tpu.memory_space<hbm>> -> memref<1x80x128xi32, #tpu.memory_space<hbm>>
      %dma_start3A_24 = tpu.memref_squeeze %dma_start3A_23 : memref<1x80x128xi32, #tpu.memory_space<hbm>> -> memref<80x128xi32, #tpu.memory_space<hbm>>
      tpu.enqueue_dma source(%dma_start3A_24 : memref<80x128xi32, #tpu.memory_space<hbm>>) target(%arg6 : memref<80x128xi32, #tpu.memory_space<vmem>>) target_semaphore(%run_scoped3A : memref<!tpu.dma_semaphore, #tpu.memory_space<semaphore_mem>>)
      %dma_wait3A = arith.constant 0 : i32
      %dma_wait3A_25 = arith.constant 0 : i32
      %dma_wait3A_26 = tpu.memref_slice %arg2[%add3A, %dma_wait3A, %dma_wait3A_25] : memref<32x80x128xi32, #tpu.memory_space<hbm>> -> memref<1x80x128xi32, #tpu.memory_space<hbm>>
      %dma_wait3A_27 = tpu.memref_squeeze %dma_wait3A_26 : memref<1x80x128xi32, #tpu.memory_space<hbm>> -> memref<80x128xi32, #tpu.memory_space<hbm>>
      %dma_wait3A_28 = arith.constant 0 : i32
      %dma_wait3A_29 = arith.constant 0 : i32
      %dma_wait3A_30 = tpu.memref_slice %arg2[%add3A, %dma_wait3A_28, %dma_wait3A_29] : memref<32x80x128xi32, #tpu.memory_space<hbm>> -> memref<1x80x128xi32, #tpu.memory_space<hbm>>
      %dma_wait3A_31 = tpu.memref_squeeze %dma_wait3A_30 : memref<1x80x128xi32, #tpu.memory_space<hbm>> -> memref<80x128xi32, #tpu.memory_space<hbm>>
      tpu.wait_dma2 semaphore(%run_scoped3A : memref<!tpu.dma_semaphore, #tpu.memory_space<semaphore_mem>>) src(%dma_wait3A_31 : memref<80x128xi32, #tpu.memory_space<hbm>>) dst(%arg6 : memref<80x128xi32, #tpu.memory_space<vmem>>)
      tpu.yield
    }) : () -> ()
    %barrier3A = arith.constant 0 : index
    tpu.barrier barrier_id(%barrier3A)
    %scan3A = arith.constant 0 : i32
    %scan3A_5 = arith.constant 0 : i32
    %scan3A_6 = arith.constant 40 : i32
    %scan3A_7 = arith.addi %scan3A_5, %scan3A_6 : i32
    %scan3A_8 = arith.constant 1 : i32
    scf.for %scan3A_18 = %scan3A_5 to %scan3A_7 step %scan3A_8  : i32 {
      %mul3A_19 = arith.constant 2 : i32
      %mul3A_20 = arith.muli %mul3A_19, %scan3A_18 : i32
      %add3A_21 = arith.constant 0 : i32
      %add3A_22 = arith.addi %mul3A_20, %add3A_21 : i32
      %dma_start3A = arith.constant 0 : i32
      %dma_start3A_23 = tpu.memref_slice %arg6[%add3A_22, %dma_start3A] : memref<80x128xi32, #tpu.memory_space<vmem>> -> memref<1x128xi32, #tpu.memory_space<vmem>>
      %dma_start3A_24 = tpu.memref_squeeze %dma_start3A_23 : memref<1x128xi32, #tpu.memory_space<vmem>> -> memref<128xi32, #tpu.memory_space<vmem>>
      %dma_start3A_25 = arith.constant 0 : i32
      %dma_start3A_26 = arith.constant 0 : i32
      %dma_start3A_27 = tpu.memref_slice %arg8[%dma_start3A_25, %dma_start3A_26] : memref<10240x128xf32, #tpu.memory_space<vmem_shared>> -> memref<10240x128xf32, #tpu.memory_space<vmem_shared>>
      tpu.enqueue_indirect_dma source(%arg7 : memref<128x128xf32, #tpu.memory_space<vmem>>) target(%dma_start3A_27 : memref<10240x128xf32, #tpu.memory_space<vmem_shared>>) offsets(%dma_start3A_24 : memref<128xi32, #tpu.memory_space<vmem>>) semaphore(%arg9 : memref<!tpu.dma_semaphore, #tpu.memory_space<semaphore_mem>>) {add = true}
      %mul3A_28 = arith.constant 2 : i32
      %mul3A_29 = arith.muli %mul3A_28, %scan3A_18 : i32
      %add3A_30 = arith.constant 1 : i32
      %add3A_31 = arith.addi %mul3A_29, %add3A_30 : i32
      %dma_start3A_32 = arith.constant 0 : i32
      %dma_start3A_33 = tpu.memref_slice %arg6[%add3A_31, %dma_start3A_32] : memref<80x128xi32, #tpu.memory_space<vmem>> -> memref<1x128xi32, #tpu.memory_space<vmem>>
      %dma_start3A_34 = tpu.memref_squeeze %dma_start3A_33 : memref<1x128xi32, #tpu.memory_space<vmem>> -> memref<128xi32, #tpu.memory_space<vmem>>
      %dma_start3A_35 = arith.constant 0 : i32
      %dma_start3A_36 = arith.constant 0 : i32
      %dma_start3A_37 = tpu.memref_slice %arg8[%dma_start3A_35, %dma_start3A_36] : memref<10240x128xf32, #tpu.memory_space<vmem_shared>> -> memref<10240x128xf32, #tpu.memory_space<vmem_shared>>
      tpu.enqueue_indirect_dma source(%arg7 : memref<128x128xf32, #tpu.memory_space<vmem>>) target(%dma_start3A_37 : memref<10240x128xf32, #tpu.memory_space<vmem_shared>>) offsets(%dma_start3A_34 : memref<128xi32, #tpu.memory_space<vmem>>) semaphore(%arg9 : memref<!tpu.dma_semaphore, #tpu.memory_space<semaphore_mem>>) {add = true}
      %mul3A_38 = arith.constant 2 : i32
      %mul3A_39 = arith.muli %mul3A_38, %scan3A_18 : i32
      %add3A_40 = arith.constant 0 : i32
      %add3A_41 = arith.addi %mul3A_39, %add3A_40 : i32
      %dma_wait3A = arith.constant 0 : i32
      %dma_wait3A_42 = tpu.memref_slice %arg6[%add3A_41, %dma_wait3A] : memref<80x128xi32, #tpu.memory_space<vmem>> -> memref<1x128xi32, #tpu.memory_space<vmem>>
      %dma_wait3A_43 = tpu.memref_squeeze %dma_wait3A_42 : memref<1x128xi32, #tpu.memory_space<vmem>> -> memref<128xi32, #tpu.memory_space<vmem>>
      %dma_wait3A_44 = arith.constant 0 : i32
      %dma_wait3A_45 = arith.constant 0 : i32
      %dma_wait3A_46 = tpu.memref_slice %arg8[%dma_wait3A_44, %dma_wait3A_45] : memref<10240x128xf32, #tpu.memory_space<vmem_shared>> -> memref<10240x128xf32, #tpu.memory_space<vmem_shared>>
      tpu.wait_indirect_dma semaphore(%arg9 : memref<!tpu.dma_semaphore, #tpu.memory_space<semaphore_mem>>) src(%arg7 : memref<128x128xf32, #tpu.memory_space<vmem>>) dst(%dma_wait3A_46 : memref<10240x128xf32, #tpu.memory_space<vmem_shared>>)
      %mul3A_47 = arith.constant 2 : i32
      %mul3A_48 = arith.muli %mul3A_47, %scan3A_18 : i32
      %add3A_49 = arith.constant 1 : i32
      %add3A_50 = arith.addi %mul3A_48, %add3A_49 : i32
      %dma_wait3A_51 = arith.constant 0 : i32
      %dma_wait3A_52 = tpu.memref_slice %arg6[%add3A_50, %dma_wait3A_51] : memref<80x128xi32, #tpu.memory_space<vmem>> -> memref<1x128xi32, #tpu.memory_space<vmem>>
      %dma_wait3A_53 = tpu.memref_squeeze %dma_wait3A_52 : memref<1x128xi32, #tpu.memory_space<vmem>> -> memref<128xi32, #tpu.memory_space<vmem>>
      %dma_wait3A_54 = arith.constant 0 : i32
      %dma_wait3A_55 = arith.constant 0 : i32
      %dma_wait3A_56 = tpu.memref_slice %arg8[%dma_wait3A_54, %dma_wait3A_55] : memref<10240x128xf32, #tpu.memory_space<vmem_shared>> -> memref<10240x128xf32, #tpu.memory_space<vmem_shared>>
      tpu.wait_indirect_dma semaphore(%arg9 : memref<!tpu.dma_semaphore, #tpu.memory_space<semaphore_mem>>) src(%arg7 : memref<128x128xf32, #tpu.memory_space<vmem>>) dst(%dma_wait3A_56 : memref<10240x128xf32, #tpu.memory_space<vmem_shared>>)
    }
    %scan3A_9 = arith.constant 40 : i32
    %barrier3A_10 = arith.constant 0 : index
    tpu.barrier barrier_id(%barrier3A_10)
    %mul3A_11 = arith.constant 640 : i32
    %mul3A_12 = arith.muli %arg1, %mul3A_11 : i32
    %mul3A_13 = arith.constant 10240 : i32
    %mul3A_14 = arith.muli %arg0, %mul3A_13 : i32
    %mul3A_15 = arith.constant 640 : i32
    %mul3A_16 = arith.muli %arg1, %mul3A_15 : i32
    %add3A_17 = arith.addi %mul3A_14, %mul3A_16 : i32
    "tpu.region"() ({
      %run_scoped3A = tpu.sem_alloc : memref<!tpu.dma_semaphore, #tpu.memory_space<semaphore_mem>>
      %dma_start3A = arith.constant 0 : i32
      %dma_start3A_18 = tpu.memref_slice %arg5[%add3A_17, %dma_start3A] : memref<20480x128xf32, #tpu.memory_space<hbm>> -> memref<640x128xf32, #tpu.memory_space<hbm>>
      %dma_start3A_19 = arith.constant 0 : i32
      %dma_start3A_20 = tpu.memref_slice %arg8[%mul3A_12, %dma_start3A_19] : memref<10240x128xf32, #tpu.memory_space<vmem_shared>> -> memref<640x128xf32, #tpu.memory_space<vmem_shared>>
      tpu.enqueue_dma source(%dma_start3A_20 : memref<640x128xf32, #tpu.memory_space<vmem_shared>>) target(%dma_start3A_18 : memref<640x128xf32, #tpu.memory_space<hbm>>) target_semaphore(%run_scoped3A : memref<!tpu.dma_semaphore, #tpu.memory_space<semaphore_mem>>)
      %dma_wait3A = arith.constant 0 : i32
      %dma_wait3A_21 = tpu.memref_slice %arg5[%add3A_17, %dma_wait3A] : memref<20480x128xf32, #tpu.memory_space<hbm>> -> memref<640x128xf32, #tpu.memory_space<hbm>>
      %dma_wait3A_22 = arith.constant 0 : i32
      %dma_wait3A_23 = tpu.memref_slice %arg8[%mul3A_12, %dma_wait3A_22] : memref<10240x128xf32, #tpu.memory_space<vmem_shared>> -> memref<640x128xf32, #tpu.memory_space<vmem_shared>>
      tpu.wait_dma2 semaphore(%run_scoped3A : memref<!tpu.dma_semaphore, #tpu.memory_space<semaphore_mem>>) src(%dma_wait3A_23 : memref<640x128xf32, #tpu.memory_space<vmem_shared>>) dst(%dma_wait3A_21 : memref<640x128xf32, #tpu.memory_space<hbm>>)
      tpu.yield
    }) : () -> ()
    return
  }
}

#map = affine_map<(d0, d1) -> (0, 0)>
#map1 = affine_map<(d0, d1) -> (0, 0, 0)>
module attributes {stable_mosaic.version = 14 : i64} {
  func.func @prop(%arg0: i32, %arg1: i32, %arg2: memref<10240x128xf32, #tpu.memory_space<hbm>>, %arg3: memref<64x40x128xi32, #tpu.memory_space<hbm>>, %arg4: memref<64x40x128xi32, #tpu.memory_space<hbm>>, %arg5: memref<10240x128xf32, #tpu.memory_space<hbm>>, %arg6: memref<20480x128xf32, #tpu.memory_space<hbm>>, %arg7: memref<40x128xi32, #tpu.memory_space<vmem>>, %arg8: memref<40x128xi32, #tpu.memory_space<vmem>>, %arg9: memref<128x128xf32, #tpu.memory_space<vmem>>, %arg10: memref<128x128xf32, #tpu.memory_space<vmem>>, %arg11: memref<10240x128xf32, #tpu.memory_space<vmem_shared>>, %arg12: memref<!tpu.dma_semaphore, #tpu.memory_space<semaphore_mem>>, %arg13: memref<!tpu.dma_semaphore, #tpu.memory_space<semaphore_mem>>, %arg14: memref<!tpu.dma_semaphore, #tpu.memory_space<semaphore_mem>>) attributes {dimension_semantics = [#tpu.dimension_semantics<core_parallel>, #tpu.dimension_semantics<subcore_parallel>], iteration_bounds = array<i64: 2, 16>, scalar_prefetch = 0 : i64, scratch_operands = 8 : i64, tpu.core_type = #tpu.core_type<sc_vector_subcore>, window_params = [{transform_indices = #map}, {transform_indices = #map1}, {transform_indices = #map1}, {transform_indices = #map}, {transform_indices = #map}]} {
    %mul3A = arith.constant 2 : i32
    %mul3A_0 = arith.muli %arg1, %mul3A : i32
    %add3A = arith.addi %mul3A_0, %arg0 : i32
    %mul3A_1 = arith.constant 640 : i32
    %mul3A_2 = arith.muli %arg1, %mul3A_1 : i32
    %mul3A_3 = arith.constant 640 : i32
    %mul3A_4 = arith.muli %arg1, %mul3A_3 : i32
    "tpu.region"() ({
      %run_scoped3A = tpu.sem_alloc : memref<!tpu.dma_semaphore, #tpu.memory_space<semaphore_mem>>
      %dma_start3A_268 = arith.constant 0 : i32
      %dma_start3A_269 = tpu.memref_slice %arg11[%mul3A_4, %dma_start3A_268] : memref<10240x128xf32, #tpu.memory_space<vmem_shared>> -> memref<640x128xf32, #tpu.memory_space<vmem_shared>>
      %dma_start3A_270 = arith.constant 0 : i32
      %dma_start3A_271 = tpu.memref_slice %arg5[%mul3A_2, %dma_start3A_270] : memref<10240x128xf32, #tpu.memory_space<hbm>> -> memref<640x128xf32, #tpu.memory_space<hbm>>
      tpu.enqueue_dma source(%dma_start3A_271 : memref<640x128xf32, #tpu.memory_space<hbm>>) target(%dma_start3A_269 : memref<640x128xf32, #tpu.memory_space<vmem_shared>>) target_semaphore(%run_scoped3A : memref<!tpu.dma_semaphore, #tpu.memory_space<semaphore_mem>>)
      %dma_wait3A_272 = arith.constant 0 : i32
      %dma_wait3A_273 = tpu.memref_slice %arg11[%mul3A_4, %dma_wait3A_272] : memref<10240x128xf32, #tpu.memory_space<vmem_shared>> -> memref<640x128xf32, #tpu.memory_space<vmem_shared>>
      %dma_wait3A_274 = arith.constant 0 : i32
      %dma_wait3A_275 = tpu.memref_slice %arg5[%mul3A_2, %dma_wait3A_274] : memref<10240x128xf32, #tpu.memory_space<hbm>> -> memref<640x128xf32, #tpu.memory_space<hbm>>
      tpu.wait_dma2 semaphore(%run_scoped3A : memref<!tpu.dma_semaphore, #tpu.memory_space<semaphore_mem>>) src(%dma_wait3A_275 : memref<640x128xf32, #tpu.memory_space<hbm>>) dst(%dma_wait3A_273 : memref<640x128xf32, #tpu.memory_space<vmem_shared>>)
      tpu.yield
    }) : () -> ()
    %barrier3A = arith.constant 0 : index
    tpu.barrier barrier_id(%barrier3A)
    %add3A_5 = arith.constant 0 : i32
    %add3A_6 = arith.addi %add3A_5, %add3A : i32
    %mul3A_7 = arith.constant 2 : i32
    %mul3A_8 = arith.muli %add3A_6, %mul3A_7 : i32
    %add3A_9 = arith.constant 0 : i32
    %add3A_10 = arith.addi %mul3A_8, %add3A_9 : i32
    "tpu.region"() ({
      %run_scoped3A = tpu.sem_alloc : memref<!tpu.dma_semaphore, #tpu.memory_space<semaphore_mem>>
      %dma_start3A_268 = arith.constant 0 : i32
      %dma_start3A_269 = arith.constant 0 : i32
      %dma_start3A_270 = tpu.memref_slice %arg3[%add3A_10, %dma_start3A_268, %dma_start3A_269] : memref<64x40x128xi32, #tpu.memory_space<hbm>> -> memref<1x40x128xi32, #tpu.memory_space<hbm>>
      %dma_start3A_271 = tpu.memref_squeeze %dma_start3A_270 : memref<1x40x128xi32, #tpu.memory_space<hbm>> -> memref<40x128xi32, #tpu.memory_space<hbm>>
      %dma_start3A_272 = arith.constant 0 : i32
      %dma_start3A_273 = arith.constant 0 : i32
      %dma_start3A_274 = tpu.memref_slice %arg3[%add3A_10, %dma_start3A_272, %dma_start3A_273] : memref<64x40x128xi32, #tpu.memory_space<hbm>> -> memref<1x40x128xi32, #tpu.memory_space<hbm>>
      %dma_start3A_275 = tpu.memref_squeeze %dma_start3A_274 : memref<1x40x128xi32, #tpu.memory_space<hbm>> -> memref<40x128xi32, #tpu.memory_space<hbm>>
      tpu.enqueue_dma source(%dma_start3A_275 : memref<40x128xi32, #tpu.memory_space<hbm>>) target(%arg7 : memref<40x128xi32, #tpu.memory_space<vmem>>) target_semaphore(%run_scoped3A : memref<!tpu.dma_semaphore, #tpu.memory_space<semaphore_mem>>)
      %dma_wait3A_276 = arith.constant 0 : i32
      %dma_wait3A_277 = arith.constant 0 : i32
      %dma_wait3A_278 = tpu.memref_slice %arg3[%add3A_10, %dma_wait3A_276, %dma_wait3A_277] : memref<64x40x128xi32, #tpu.memory_space<hbm>> -> memref<1x40x128xi32, #tpu.memory_space<hbm>>
      %dma_wait3A_279 = tpu.memref_squeeze %dma_wait3A_278 : memref<1x40x128xi32, #tpu.memory_space<hbm>> -> memref<40x128xi32, #tpu.memory_space<hbm>>
      %dma_wait3A_280 = arith.constant 0 : i32
      %dma_wait3A_281 = arith.constant 0 : i32
      %dma_wait3A_282 = tpu.memref_slice %arg3[%add3A_10, %dma_wait3A_280, %dma_wait3A_281] : memref<64x40x128xi32, #tpu.memory_space<hbm>> -> memref<1x40x128xi32, #tpu.memory_space<hbm>>
      %dma_wait3A_283 = tpu.memref_squeeze %dma_wait3A_282 : memref<1x40x128xi32, #tpu.memory_space<hbm>> -> memref<40x128xi32, #tpu.memory_space<hbm>>
      tpu.wait_dma2 semaphore(%run_scoped3A : memref<!tpu.dma_semaphore, #tpu.memory_space<semaphore_mem>>) src(%dma_wait3A_283 : memref<40x128xi32, #tpu.memory_space<hbm>>) dst(%arg7 : memref<40x128xi32, #tpu.memory_space<vmem>>)
      tpu.yield
    }) : () -> ()
    %mul3A_11 = arith.constant 2 : i32
    %mul3A_12 = arith.muli %add3A, %mul3A_11 : i32
    %add3A_13 = arith.constant 0 : i32
    %add3A_14 = arith.addi %mul3A_12, %add3A_13 : i32
    "tpu.region"() ({
      %run_scoped3A = tpu.sem_alloc : memref<!tpu.dma_semaphore, #tpu.memory_space<semaphore_mem>>
      %dma_start3A_268 = arith.constant 0 : i32
      %dma_start3A_269 = arith.constant 0 : i32
      %dma_start3A_270 = tpu.memref_slice %arg4[%add3A_14, %dma_start3A_268, %dma_start3A_269] : memref<64x40x128xi32, #tpu.memory_space<hbm>> -> memref<1x40x128xi32, #tpu.memory_space<hbm>>
      %dma_start3A_271 = tpu.memref_squeeze %dma_start3A_270 : memref<1x40x128xi32, #tpu.memory_space<hbm>> -> memref<40x128xi32, #tpu.memory_space<hbm>>
      %dma_start3A_272 = arith.constant 0 : i32
      %dma_start3A_273 = arith.constant 0 : i32
      %dma_start3A_274 = tpu.memref_slice %arg4[%add3A_14, %dma_start3A_272, %dma_start3A_273] : memref<64x40x128xi32, #tpu.memory_space<hbm>> -> memref<1x40x128xi32, #tpu.memory_space<hbm>>
      %dma_start3A_275 = tpu.memref_squeeze %dma_start3A_274 : memref<1x40x128xi32, #tpu.memory_space<hbm>> -> memref<40x128xi32, #tpu.memory_space<hbm>>
      tpu.enqueue_dma source(%dma_start3A_275 : memref<40x128xi32, #tpu.memory_space<hbm>>) target(%arg8 : memref<40x128xi32, #tpu.memory_space<vmem>>) target_semaphore(%run_scoped3A : memref<!tpu.dma_semaphore, #tpu.memory_space<semaphore_mem>>)
      %dma_wait3A_276 = arith.constant 0 : i32
      %dma_wait3A_277 = arith.constant 0 : i32
      %dma_wait3A_278 = tpu.memref_slice %arg4[%add3A_14, %dma_wait3A_276, %dma_wait3A_277] : memref<64x40x128xi32, #tpu.memory_space<hbm>> -> memref<1x40x128xi32, #tpu.memory_space<hbm>>
      %dma_wait3A_279 = tpu.memref_squeeze %dma_wait3A_278 : memref<1x40x128xi32, #tpu.memory_space<hbm>> -> memref<40x128xi32, #tpu.memory_space<hbm>>
      %dma_wait3A_280 = arith.constant 0 : i32
      %dma_wait3A_281 = arith.constant 0 : i32
      %dma_wait3A_282 = tpu.memref_slice %arg4[%add3A_14, %dma_wait3A_280, %dma_wait3A_281] : memref<64x40x128xi32, #tpu.memory_space<hbm>> -> memref<1x40x128xi32, #tpu.memory_space<hbm>>
      %dma_wait3A_283 = tpu.memref_squeeze %dma_wait3A_282 : memref<1x40x128xi32, #tpu.memory_space<hbm>> -> memref<40x128xi32, #tpu.memory_space<hbm>>
      tpu.wait_dma2 semaphore(%run_scoped3A : memref<!tpu.dma_semaphore, #tpu.memory_space<semaphore_mem>>) src(%dma_wait3A_283 : memref<40x128xi32, #tpu.memory_space<hbm>>) dst(%arg8 : memref<40x128xi32, #tpu.memory_space<vmem>>)
      tpu.yield
    }) : () -> ()
    %dma_start3A = arith.constant 0 : i32
    %dma_start3A_15 = arith.constant 0 : i32
    %dma_start3A_16 = tpu.memref_slice %arg7[%dma_start3A, %dma_start3A_15] : memref<40x128xi32, #tpu.memory_space<vmem>> -> memref<1x128xi32, #tpu.memory_space<vmem>>
    %dma_start3A_17 = tpu.memref_squeeze %dma_start3A_16 : memref<1x128xi32, #tpu.memory_space<vmem>> -> memref<128xi32, #tpu.memory_space<vmem>>
    %dma_start3A_18 = arith.constant 0 : i32
    %dma_start3A_19 = arith.constant 0 : i32
    %dma_start3A_20 = tpu.memref_slice %arg2[%dma_start3A_18, %dma_start3A_19] : memref<10240x128xf32, #tpu.memory_space<hbm>> -> memref<10240x128xf32, #tpu.memory_space<hbm>>
    tpu.enqueue_indirect_dma source(%dma_start3A_20 : memref<10240x128xf32, #tpu.memory_space<hbm>>) target(%arg9 : memref<128x128xf32, #tpu.memory_space<vmem>>) offsets(%dma_start3A_17 : memref<128xi32, #tpu.memory_space<vmem>>) semaphore(%arg12 : memref<!tpu.dma_semaphore, #tpu.memory_space<semaphore_mem>>)
    %dma_wait3A = arith.constant 0 : i32
    %dma_wait3A_21 = arith.constant 0 : i32
    %dma_wait3A_22 = tpu.memref_slice %arg7[%dma_wait3A, %dma_wait3A_21] : memref<40x128xi32, #tpu.memory_space<vmem>> -> memref<1x128xi32, #tpu.memory_space<vmem>>
    %dma_wait3A_23 = tpu.memref_squeeze %dma_wait3A_22 : memref<1x128xi32, #tpu.memory_space<vmem>> -> memref<128xi32, #tpu.memory_space<vmem>>
    %dma_wait3A_24 = arith.constant 0 : i32
    %dma_wait3A_25 = arith.constant 0 : i32
    %dma_wait3A_26 = tpu.memref_slice %arg2[%dma_wait3A_24, %dma_wait3A_25] : memref<10240x128xf32, #tpu.memory_space<hbm>> -> memref<10240x128xf32, #tpu.memory_space<hbm>>
    tpu.wait_indirect_dma semaphore(%arg12 : memref<!tpu.dma_semaphore, #tpu.memory_space<semaphore_mem>>) src(%dma_wait3A_26 : memref<10240x128xf32, #tpu.memory_space<hbm>>) dst(%arg9 : memref<128x128xf32, #tpu.memory_space<vmem>>)
    %dma_start3A_27 = arith.constant 1 : i32
    %dma_start3A_28 = arith.constant 0 : i32
    %dma_start3A_29 = tpu.memref_slice %arg7[%dma_start3A_27, %dma_start3A_28] : memref<40x128xi32, #tpu.memory_space<vmem>> -> memref<1x128xi32, #tpu.memory_space<vmem>>
    %dma_start3A_30 = tpu.memref_squeeze %dma_start3A_29 : memref<1x128xi32, #tpu.memory_space<vmem>> -> memref<128xi32, #tpu.memory_space<vmem>>
    %dma_start3A_31 = arith.constant 0 : i32
    %dma_start3A_32 = arith.constant 0 : i32
    %dma_start3A_33 = tpu.memref_slice %arg2[%dma_start3A_31, %dma_start3A_32] : memref<10240x128xf32, #tpu.memory_space<hbm>> -> memref<10240x128xf32, #tpu.memory_space<hbm>>
    tpu.enqueue_indirect_dma source(%dma_start3A_33 : memref<10240x128xf32, #tpu.memory_space<hbm>>) target(%arg10 : memref<128x128xf32, #tpu.memory_space<vmem>>) offsets(%dma_start3A_30 : memref<128xi32, #tpu.memory_space<vmem>>) semaphore(%arg12 : memref<!tpu.dma_semaphore, #tpu.memory_space<semaphore_mem>>)
    %dma_start3A_34 = arith.constant 0 : i32
    %dma_start3A_35 = arith.constant 0 : i32
    %dma_start3A_36 = tpu.memref_slice %arg8[%dma_start3A_34, %dma_start3A_35] : memref<40x128xi32, #tpu.memory_space<vmem>> -> memref<1x128xi32, #tpu.memory_space<vmem>>
    %dma_start3A_37 = tpu.memref_squeeze %dma_start3A_36 : memref<1x128xi32, #tpu.memory_space<vmem>> -> memref<128xi32, #tpu.memory_space<vmem>>
    %dma_start3A_38 = arith.constant 0 : i32
    %dma_start3A_39 = arith.constant 0 : i32
    %dma_start3A_40 = tpu.memref_slice %arg11[%dma_start3A_38, %dma_start3A_39] : memref<10240x128xf32, #tpu.memory_space<vmem_shared>> -> memref<10240x128xf32, #tpu.memory_space<vmem_shared>>
    tpu.enqueue_indirect_dma source(%arg9 : memref<128x128xf32, #tpu.memory_space<vmem>>) target(%dma_start3A_40 : memref<10240x128xf32, #tpu.memory_space<vmem_shared>>) offsets(%dma_start3A_37 : memref<128xi32, #tpu.memory_space<vmem>>) semaphore(%arg13 : memref<!tpu.dma_semaphore, #tpu.memory_space<semaphore_mem>>) {add = true}
    %dma_wait3A_41 = arith.constant 1 : i32
    %dma_wait3A_42 = arith.constant 0 : i32
    %dma_wait3A_43 = tpu.memref_slice %arg7[%dma_wait3A_41, %dma_wait3A_42] : memref<40x128xi32, #tpu.memory_space<vmem>> -> memref<1x128xi32, #tpu.memory_space<vmem>>
    %dma_wait3A_44 = tpu.memref_squeeze %dma_wait3A_43 : memref<1x128xi32, #tpu.memory_space<vmem>> -> memref<128xi32, #tpu.memory_space<vmem>>
    %dma_wait3A_45 = arith.constant 0 : i32
    %dma_wait3A_46 = arith.constant 0 : i32
    %dma_wait3A_47 = tpu.memref_slice %arg2[%dma_wait3A_45, %dma_wait3A_46] : memref<10240x128xf32, #tpu.memory_space<hbm>> -> memref<10240x128xf32, #tpu.memory_space<hbm>>
    tpu.wait_indirect_dma semaphore(%arg12 : memref<!tpu.dma_semaphore, #tpu.memory_space<semaphore_mem>>) src(%dma_wait3A_47 : memref<10240x128xf32, #tpu.memory_space<hbm>>) dst(%arg10 : memref<128x128xf32, #tpu.memory_space<vmem>>)
    %dma_wait3A_48 = arith.constant 0 : i32
    %dma_wait3A_49 = arith.constant 0 : i32
    %dma_wait3A_50 = tpu.memref_slice %arg8[%dma_wait3A_48, %dma_wait3A_49] : memref<40x128xi32, #tpu.memory_space<vmem>> -> memref<1x128xi32, #tpu.memory_space<vmem>>
    %dma_wait3A_51 = tpu.memref_squeeze %dma_wait3A_50 : memref<1x128xi32, #tpu.memory_space<vmem>> -> memref<128xi32, #tpu.memory_space<vmem>>
    %dma_wait3A_52 = arith.constant 0 : i32
    %dma_wait3A_53 = arith.constant 0 : i32
    %dma_wait3A_54 = tpu.memref_slice %arg11[%dma_wait3A_52, %dma_wait3A_53] : memref<10240x128xf32, #tpu.memory_space<vmem_shared>> -> memref<10240x128xf32, #tpu.memory_space<vmem_shared>>
    tpu.wait_indirect_dma semaphore(%arg13 : memref<!tpu.dma_semaphore, #tpu.memory_space<semaphore_mem>>) src(%arg9 : memref<128x128xf32, #tpu.memory_space<vmem>>) dst(%dma_wait3A_54 : memref<10240x128xf32, #tpu.memory_space<vmem_shared>>)
    %dma_start3A_55 = arith.constant 2 : i32
    %dma_start3A_56 = arith.constant 0 : i32
    %dma_start3A_57 = tpu.memref_slice %arg7[%dma_start3A_55, %dma_start3A_56] : memref<40x128xi32, #tpu.memory_space<vmem>> -> memref<1x128xi32, #tpu.memory_space<vmem>>
    %dma_start3A_58 = tpu.memref_squeeze %dma_start3A_57 : memref<1x128xi32, #tpu.memory_space<vmem>> -> memref<128xi32, #tpu.memory_space<vmem>>
    %dma_start3A_59 = arith.constant 0 : i32
    %dma_start3A_60 = arith.constant 0 : i32
    %dma_start3A_61 = tpu.memref_slice %arg2[%dma_start3A_59, %dma_start3A_60] : memref<10240x128xf32, #tpu.memory_space<hbm>> -> memref<10240x128xf32, #tpu.memory_space<hbm>>
    tpu.enqueue_indirect_dma source(%dma_start3A_61 : memref<10240x128xf32, #tpu.memory_space<hbm>>) target(%arg9 : memref<128x128xf32, #tpu.memory_space<vmem>>) offsets(%dma_start3A_58 : memref<128xi32, #tpu.memory_space<vmem>>) semaphore(%arg12 : memref<!tpu.dma_semaphore, #tpu.memory_space<semaphore_mem>>)
    %dma_start3A_62 = arith.constant 1 : i32
    %dma_start3A_63 = arith.constant 0 : i32
    %dma_start3A_64 = tpu.memref_slice %arg8[%dma_start3A_62, %dma_start3A_63] : memref<40x128xi32, #tpu.memory_space<vmem>> -> memref<1x128xi32, #tpu.memory_space<vmem>>
    %dma_start3A_65 = tpu.memref_squeeze %dma_start3A_64 : memref<1x128xi32, #tpu.memory_space<vmem>> -> memref<128xi32, #tpu.memory_space<vmem>>
    %dma_start3A_66 = arith.constant 0 : i32
    %dma_start3A_67 = arith.constant 0 : i32
    %dma_start3A_68 = tpu.memref_slice %arg11[%dma_start3A_66, %dma_start3A_67] : memref<10240x128xf32, #tpu.memory_space<vmem_shared>> -> memref<10240x128xf32, #tpu.memory_space<vmem_shared>>
    tpu.enqueue_indirect_dma source(%arg10 : memref<128x128xf32, #tpu.memory_space<vmem>>) target(%dma_start3A_68 : memref<10240x128xf32, #tpu.memory_space<vmem_shared>>) offsets(%dma_start3A_65 : memref<128xi32, #tpu.memory_space<vmem>>) semaphore(%arg14 : memref<!tpu.dma_semaphore, #tpu.memory_space<semaphore_mem>>) {add = true}
    %scan3A = arith.constant 0 : i32
    %scan3A_69 = arith.constant 1 : i32
    %scan3A_70 = arith.constant 18 : i32
    %scan3A_71 = arith.addi %scan3A_69, %scan3A_70 : i32
    %scan3A_72 = arith.constant 1 : i32
    scf.for %scan3A_268 = %scan3A_69 to %scan3A_71 step %scan3A_72  : i32 {
      %mul3A_269 = arith.constant 2 : i32
      %mul3A_270 = arith.muli %mul3A_269, %scan3A_268 : i32
      %add3A_271 = arith.constant 0 : i32
      %add3A_272 = arith.addi %mul3A_270, %add3A_271 : i32
      %dma_wait3A_273 = arith.constant 0 : i32
      %dma_wait3A_274 = tpu.memref_slice %arg7[%add3A_272, %dma_wait3A_273] : memref<40x128xi32, #tpu.memory_space<vmem>> -> memref<1x128xi32, #tpu.memory_space<vmem>>
      %dma_wait3A_275 = tpu.memref_squeeze %dma_wait3A_274 : memref<1x128xi32, #tpu.memory_space<vmem>> -> memref<128xi32, #tpu.memory_space<vmem>>
      %dma_wait3A_276 = arith.constant 0 : i32
      %dma_wait3A_277 = arith.constant 0 : i32
      %dma_wait3A_278 = tpu.memref_slice %arg2[%dma_wait3A_276, %dma_wait3A_277] : memref<10240x128xf32, #tpu.memory_space<hbm>> -> memref<10240x128xf32, #tpu.memory_space<hbm>>
      tpu.wait_indirect_dma semaphore(%arg12 : memref<!tpu.dma_semaphore, #tpu.memory_space<semaphore_mem>>) src(%dma_wait3A_278 : memref<10240x128xf32, #tpu.memory_space<hbm>>) dst(%arg9 : memref<128x128xf32, #tpu.memory_space<vmem>>)
      %sub3A = arith.constant 1 : i32
      %sub3A_279 = arith.subi %add3A_272, %sub3A : i32
      %dma_wait3A_280 = arith.constant 0 : i32
      %dma_wait3A_281 = tpu.memref_slice %arg8[%sub3A_279, %dma_wait3A_280] : memref<40x128xi32, #tpu.memory_space<vmem>> -> memref<1x128xi32, #tpu.memory_space<vmem>>
      %dma_wait3A_282 = tpu.memref_squeeze %dma_wait3A_281 : memref<1x128xi32, #tpu.memory_space<vmem>> -> memref<128xi32, #tpu.memory_space<vmem>>
      %dma_wait3A_283 = arith.constant 0 : i32
      %dma_wait3A_284 = arith.constant 0 : i32
      %dma_wait3A_285 = tpu.memref_slice %arg11[%dma_wait3A_283, %dma_wait3A_284] : memref<10240x128xf32, #tpu.memory_space<vmem_shared>> -> memref<10240x128xf32, #tpu.memory_space<vmem_shared>>
      tpu.wait_indirect_dma semaphore(%arg14 : memref<!tpu.dma_semaphore, #tpu.memory_space<semaphore_mem>>) src(%arg10 : memref<128x128xf32, #tpu.memory_space<vmem>>) dst(%dma_wait3A_285 : memref<10240x128xf32, #tpu.memory_space<vmem_shared>>)
      %add3A_286 = arith.constant 1 : i32
      %add3A_287 = arith.addi %add3A_272, %add3A_286 : i32
      %dma_start3A_288 = arith.constant 0 : i32
      %dma_start3A_289 = tpu.memref_slice %arg7[%add3A_287, %dma_start3A_288] : memref<40x128xi32, #tpu.memory_space<vmem>> -> memref<1x128xi32, #tpu.memory_space<vmem>>
      %dma_start3A_290 = tpu.memref_squeeze %dma_start3A_289 : memref<1x128xi32, #tpu.memory_space<vmem>> -> memref<128xi32, #tpu.memory_space<vmem>>
      %dma_start3A_291 = arith.constant 0 : i32
      %dma_start3A_292 = arith.constant 0 : i32
      %dma_start3A_293 = tpu.memref_slice %arg2[%dma_start3A_291, %dma_start3A_292] : memref<10240x128xf32, #tpu.memory_space<hbm>> -> memref<10240x128xf32, #tpu.memory_space<hbm>>
      tpu.enqueue_indirect_dma source(%dma_start3A_293 : memref<10240x128xf32, #tpu.memory_space<hbm>>) target(%arg10 : memref<128x128xf32, #tpu.memory_space<vmem>>) offsets(%dma_start3A_290 : memref<128xi32, #tpu.memory_space<vmem>>) semaphore(%arg12 : memref<!tpu.dma_semaphore, #tpu.memory_space<semaphore_mem>>)
      %dma_start3A_294 = arith.constant 0 : i32
      %dma_start3A_295 = tpu.memref_slice %arg8[%add3A_272, %dma_start3A_294] : memref<40x128xi32, #tpu.memory_space<vmem>> -> memref<1x128xi32, #tpu.memory_space<vmem>>
      %dma_start3A_296 = tpu.memref_squeeze %dma_start3A_295 : memref<1x128xi32, #tpu.memory_space<vmem>> -> memref<128xi32, #tpu.memory_space<vmem>>
      %dma_start3A_297 = arith.constant 0 : i32
      %dma_start3A_298 = arith.constant 0 : i32
      %dma_start3A_299 = tpu.memref_slice %arg11[%dma_start3A_297, %dma_start3A_298] : memref<10240x128xf32, #tpu.memory_space<vmem_shared>> -> memref<10240x128xf32, #tpu.memory_space<vmem_shared>>
      tpu.enqueue_indirect_dma source(%arg9 : memref<128x128xf32, #tpu.memory_space<vmem>>) target(%dma_start3A_299 : memref<10240x128xf32, #tpu.memory_space<vmem_shared>>) offsets(%dma_start3A_296 : memref<128xi32, #tpu.memory_space<vmem>>) semaphore(%arg13 : memref<!tpu.dma_semaphore, #tpu.memory_space<semaphore_mem>>) {add = true}
      %mul3A_300 = arith.constant 2 : i32
      %mul3A_301 = arith.muli %mul3A_300, %scan3A_268 : i32
      %add3A_302 = arith.constant 1 : i32
      %add3A_303 = arith.addi %mul3A_301, %add3A_302 : i32
      %dma_wait3A_304 = arith.constant 0 : i32
      %dma_wait3A_305 = tpu.memref_slice %arg7[%add3A_303, %dma_wait3A_304] : memref<40x128xi32, #tpu.memory_space<vmem>> -> memref<1x128xi32, #tpu.memory_space<vmem>>
      %dma_wait3A_306 = tpu.memref_squeeze %dma_wait3A_305 : memref<1x128xi32, #tpu.memory_space<vmem>> -> memref<128xi32, #tpu.memory_space<vmem>>
      %dma_wait3A_307 = arith.constant 0 : i32
      %dma_wait3A_308 = arith.constant 0 : i32
      %dma_wait3A_309 = tpu.memref_slice %arg2[%dma_wait3A_307, %dma_wait3A_308] : memref<10240x128xf32, #tpu.memory_space<hbm>> -> memref<10240x128xf32, #tpu.memory_space<hbm>>
      tpu.wait_indirect_dma semaphore(%arg12 : memref<!tpu.dma_semaphore, #tpu.memory_space<semaphore_mem>>) src(%dma_wait3A_309 : memref<10240x128xf32, #tpu.memory_space<hbm>>) dst(%arg10 : memref<128x128xf32, #tpu.memory_space<vmem>>)
      %sub3A_310 = arith.constant 1 : i32
      %sub3A_311 = arith.subi %add3A_303, %sub3A_310 : i32
      %dma_wait3A_312 = arith.constant 0 : i32
      %dma_wait3A_313 = tpu.memref_slice %arg8[%sub3A_311, %dma_wait3A_312] : memref<40x128xi32, #tpu.memory_space<vmem>> -> memref<1x128xi32, #tpu.memory_space<vmem>>
      %dma_wait3A_314 = tpu.memref_squeeze %dma_wait3A_313 : memref<1x128xi32, #tpu.memory_space<vmem>> -> memref<128xi32, #tpu.memory_space<vmem>>
      %dma_wait3A_315 = arith.constant 0 : i32
      %dma_wait3A_316 = arith.constant 0 : i32
      %dma_wait3A_317 = tpu.memref_slice %arg11[%dma_wait3A_315, %dma_wait3A_316] : memref<10240x128xf32, #tpu.memory_space<vmem_shared>> -> memref<10240x128xf32, #tpu.memory_space<vmem_shared>>
      tpu.wait_indirect_dma semaphore(%arg13 : memref<!tpu.dma_semaphore, #tpu.memory_space<semaphore_mem>>) src(%arg9 : memref<128x128xf32, #tpu.memory_space<vmem>>) dst(%dma_wait3A_317 : memref<10240x128xf32, #tpu.memory_space<vmem_shared>>)
      %add3A_318 = arith.constant 1 : i32
      %add3A_319 = arith.addi %add3A_303, %add3A_318 : i32
      %dma_start3A_320 = arith.constant 0 : i32
      %dma_start3A_321 = tpu.memref_slice %arg7[%add3A_319, %dma_start3A_320] : memref<40x128xi32, #tpu.memory_space<vmem>> -> memref<1x128xi32, #tpu.memory_space<vmem>>
      %dma_start3A_322 = tpu.memref_squeeze %dma_start3A_321 : memref<1x128xi32, #tpu.memory_space<vmem>> -> memref<128xi32, #tpu.memory_space<vmem>>
      %dma_start3A_323 = arith.constant 0 : i32
      %dma_start3A_324 = arith.constant 0 : i32
      %dma_start3A_325 = tpu.memref_slice %arg2[%dma_start3A_323, %dma_start3A_324] : memref<10240x128xf32, #tpu.memory_space<hbm>> -> memref<10240x128xf32, #tpu.memory_space<hbm>>
      tpu.enqueue_indirect_dma source(%dma_start3A_325 : memref<10240x128xf32, #tpu.memory_space<hbm>>) target(%arg9 : memref<128x128xf32, #tpu.memory_space<vmem>>) offsets(%dma_start3A_322 : memref<128xi32, #tpu.memory_space<vmem>>) semaphore(%arg12 : memref<!tpu.dma_semaphore, #tpu.memory_space<semaphore_mem>>)
      %dma_start3A_326 = arith.constant 0 : i32
      %dma_start3A_327 = tpu.memref_slice %arg8[%add3A_303, %dma_start3A_326] : memref<40x128xi32, #tpu.memory_space<vmem>> -> memref<1x128xi32, #tpu.memory_space<vmem>>
      %dma_start3A_328 = tpu.memref_squeeze %dma_start3A_327 : memref<1x128xi32, #tpu.memory_space<vmem>> -> memref<128xi32, #tpu.memory_space<vmem>>
      %dma_start3A_329 = arith.constant 0 : i32
      %dma_start3A_330 = arith.constant 0 : i32
      %dma_start3A_331 = tpu.memref_slice %arg11[%dma_start3A_329, %dma_start3A_330] : memref<10240x128xf32, #tpu.memory_space<vmem_shared>> -> memref<10240x128xf32, #tpu.memory_space<vmem_shared>>
      tpu.enqueue_indirect_dma source(%arg10 : memref<128x128xf32, #tpu.memory_space<vmem>>) target(%dma_start3A_331 : memref<10240x128xf32, #tpu.memory_space<vmem_shared>>) offsets(%dma_start3A_328 : memref<128xi32, #tpu.memory_space<vmem>>) semaphore(%arg14 : memref<!tpu.dma_semaphore, #tpu.memory_space<semaphore_mem>>) {add = true}
    }
    %scan3A_73 = arith.constant 18 : i32
    %dma_wait3A_74 = arith.constant 38 : i32
    %dma_wait3A_75 = arith.constant 0 : i32
    %dma_wait3A_76 = tpu.memref_slice %arg7[%dma_wait3A_74, %dma_wait3A_75] : memref<40x128xi32, #tpu.memory_space<vmem>> -> memref<1x128xi32, #tpu.memory_space<vmem>>
    %dma_wait3A_77 = tpu.memref_squeeze %dma_wait3A_76 : memref<1x128xi32, #tpu.memory_space<vmem>> -> memref<128xi32, #tpu.memory_space<vmem>>
    %dma_wait3A_78 = arith.constant 0 : i32
    %dma_wait3A_79 = arith.constant 0 : i32
    %dma_wait3A_80 = tpu.memref_slice %arg2[%dma_wait3A_78, %dma_wait3A_79] : memref<10240x128xf32, #tpu.memory_space<hbm>> -> memref<10240x128xf32, #tpu.memory_space<hbm>>
    tpu.wait_indirect_dma semaphore(%arg12 : memref<!tpu.dma_semaphore, #tpu.memory_space<semaphore_mem>>) src(%dma_wait3A_80 : memref<10240x128xf32, #tpu.memory_space<hbm>>) dst(%arg9 : memref<128x128xf32, #tpu.memory_space<vmem>>)
    %dma_wait3A_81 = arith.constant 37 : i32
    %dma_wait3A_82 = arith.constant 0 : i32
    %dma_wait3A_83 = tpu.memref_slice %arg8[%dma_wait3A_81, %dma_wait3A_82] : memref<40x128xi32, #tpu.memory_space<vmem>> -> memref<1x128xi32, #tpu.memory_space<vmem>>
    %dma_wait3A_84 = tpu.memref_squeeze %dma_wait3A_83 : memref<1x128xi32, #tpu.memory_space<vmem>> -> memref<128xi32, #tpu.memory_space<vmem>>
    %dma_wait3A_85 = arith.constant 0 : i32
    %dma_wait3A_86 = arith.constant 0 : i32
    %dma_wait3A_87 = tpu.memref_slice %arg11[%dma_wait3A_85, %dma_wait3A_86] : memref<10240x128xf32, #tpu.memory_space<vmem_shared>> -> memref<10240x128xf32, #tpu.memory_space<vmem_shared>>
    tpu.wait_indirect_dma semaphore(%arg14 : memref<!tpu.dma_semaphore, #tpu.memory_space<semaphore_mem>>) src(%arg10 : memref<128x128xf32, #tpu.memory_space<vmem>>) dst(%dma_wait3A_87 : memref<10240x128xf32, #tpu.memory_space<vmem_shared>>)
    %dma_start3A_88 = arith.constant 39 : i32
    %dma_start3A_89 = arith.constant 0 : i32
    %dma_start3A_90 = tpu.memref_slice %arg7[%dma_start3A_88, %dma_start3A_89] : memref<40x128xi32, #tpu.memory_space<vmem>> -> memref<1x128xi32, #tpu.memory_space<vmem>>
    %dma_start3A_91 = tpu.memref_squeeze %dma_start3A_90 : memref<1x128xi32, #tpu.memory_space<vmem>> -> memref<128xi32, #tpu.memory_space<vmem>>
    %dma_start3A_92 = arith.constant 0 : i32
    %dma_start3A_93 = arith.constant 0 : i32
    %dma_start3A_94 = tpu.memref_slice %arg2[%dma_start3A_92, %dma_start3A_93] : memref<10240x128xf32, #tpu.memory_space<hbm>> -> memref<10240x128xf32, #tpu.memory_space<hbm>>
    tpu.enqueue_indirect_dma source(%dma_start3A_94 : memref<10240x128xf32, #tpu.memory_space<hbm>>) target(%arg10 : memref<128x128xf32, #tpu.memory_space<vmem>>) offsets(%dma_start3A_91 : memref<128xi32, #tpu.memory_space<vmem>>) semaphore(%arg12 : memref<!tpu.dma_semaphore, #tpu.memory_space<semaphore_mem>>)
    %dma_start3A_95 = arith.constant 38 : i32
    %dma_start3A_96 = arith.constant 0 : i32
    %dma_start3A_97 = tpu.memref_slice %arg8[%dma_start3A_95, %dma_start3A_96] : memref<40x128xi32, #tpu.memory_space<vmem>> -> memref<1x128xi32, #tpu.memory_space<vmem>>
    %dma_start3A_98 = tpu.memref_squeeze %dma_start3A_97 : memref<1x128xi32, #tpu.memory_space<vmem>> -> memref<128xi32, #tpu.memory_space<vmem>>
    %dma_start3A_99 = arith.constant 0 : i32
    %dma_start3A_100 = arith.constant 0 : i32
    %dma_start3A_101 = tpu.memref_slice %arg11[%dma_start3A_99, %dma_start3A_100] : memref<10240x128xf32, #tpu.memory_space<vmem_shared>> -> memref<10240x128xf32, #tpu.memory_space<vmem_shared>>
    tpu.enqueue_indirect_dma source(%arg9 : memref<128x128xf32, #tpu.memory_space<vmem>>) target(%dma_start3A_101 : memref<10240x128xf32, #tpu.memory_space<vmem_shared>>) offsets(%dma_start3A_98 : memref<128xi32, #tpu.memory_space<vmem>>) semaphore(%arg13 : memref<!tpu.dma_semaphore, #tpu.memory_space<semaphore_mem>>) {add = true}
    %dma_wait3A_102 = arith.constant 39 : i32
    %dma_wait3A_103 = arith.constant 0 : i32
    %dma_wait3A_104 = tpu.memref_slice %arg7[%dma_wait3A_102, %dma_wait3A_103] : memref<40x128xi32, #tpu.memory_space<vmem>> -> memref<1x128xi32, #tpu.memory_space<vmem>>
    %dma_wait3A_105 = tpu.memref_squeeze %dma_wait3A_104 : memref<1x128xi32, #tpu.memory_space<vmem>> -> memref<128xi32, #tpu.memory_space<vmem>>
    %dma_wait3A_106 = arith.constant 0 : i32
    %dma_wait3A_107 = arith.constant 0 : i32
    %dma_wait3A_108 = tpu.memref_slice %arg2[%dma_wait3A_106, %dma_wait3A_107] : memref<10240x128xf32, #tpu.memory_space<hbm>> -> memref<10240x128xf32, #tpu.memory_space<hbm>>
    tpu.wait_indirect_dma semaphore(%arg12 : memref<!tpu.dma_semaphore, #tpu.memory_space<semaphore_mem>>) src(%dma_wait3A_108 : memref<10240x128xf32, #tpu.memory_space<hbm>>) dst(%arg10 : memref<128x128xf32, #tpu.memory_space<vmem>>)
    %dma_wait3A_109 = arith.constant 38 : i32
    %dma_wait3A_110 = arith.constant 0 : i32
    %dma_wait3A_111 = tpu.memref_slice %arg8[%dma_wait3A_109, %dma_wait3A_110] : memref<40x128xi32, #tpu.memory_space<vmem>> -> memref<1x128xi32, #tpu.memory_space<vmem>>
    %dma_wait3A_112 = tpu.memref_squeeze %dma_wait3A_111 : memref<1x128xi32, #tpu.memory_space<vmem>> -> memref<128xi32, #tpu.memory_space<vmem>>
    %dma_wait3A_113 = arith.constant 0 : i32
    %dma_wait3A_114 = arith.constant 0 : i32
    %dma_wait3A_115 = tpu.memref_slice %arg11[%dma_wait3A_113, %dma_wait3A_114] : memref<10240x128xf32, #tpu.memory_space<vmem_shared>> -> memref<10240x128xf32, #tpu.memory_space<vmem_shared>>
    tpu.wait_indirect_dma semaphore(%arg13 : memref<!tpu.dma_semaphore, #tpu.memory_space<semaphore_mem>>) src(%arg9 : memref<128x128xf32, #tpu.memory_space<vmem>>) dst(%dma_wait3A_115 : memref<10240x128xf32, #tpu.memory_space<vmem_shared>>)
    %dma_start3A_116 = arith.constant 39 : i32
    %dma_start3A_117 = arith.constant 0 : i32
    %dma_start3A_118 = tpu.memref_slice %arg8[%dma_start3A_116, %dma_start3A_117] : memref<40x128xi32, #tpu.memory_space<vmem>> -> memref<1x128xi32, #tpu.memory_space<vmem>>
    %dma_start3A_119 = tpu.memref_squeeze %dma_start3A_118 : memref<1x128xi32, #tpu.memory_space<vmem>> -> memref<128xi32, #tpu.memory_space<vmem>>
    %dma_start3A_120 = arith.constant 0 : i32
    %dma_start3A_121 = arith.constant 0 : i32
    %dma_start3A_122 = tpu.memref_slice %arg11[%dma_start3A_120, %dma_start3A_121] : memref<10240x128xf32, #tpu.memory_space<vmem_shared>> -> memref<10240x128xf32, #tpu.memory_space<vmem_shared>>
    tpu.enqueue_indirect_dma source(%arg10 : memref<128x128xf32, #tpu.memory_space<vmem>>) target(%dma_start3A_122 : memref<10240x128xf32, #tpu.memory_space<vmem_shared>>) offsets(%dma_start3A_119 : memref<128xi32, #tpu.memory_space<vmem>>) semaphore(%arg14 : memref<!tpu.dma_semaphore, #tpu.memory_space<semaphore_mem>>) {add = true}
    %dma_wait3A_123 = arith.constant 39 : i32
    %dma_wait3A_124 = arith.constant 0 : i32
    %dma_wait3A_125 = tpu.memref_slice %arg8[%dma_wait3A_123, %dma_wait3A_124] : memref<40x128xi32, #tpu.memory_space<vmem>> -> memref<1x128xi32, #tpu.memory_space<vmem>>
    %dma_wait3A_126 = tpu.memref_squeeze %dma_wait3A_125 : memref<1x128xi32, #tpu.memory_space<vmem>> -> memref<128xi32, #tpu.memory_space<vmem>>
    %dma_wait3A_127 = arith.constant 0 : i32
    %dma_wait3A_128 = arith.constant 0 : i32
    %dma_wait3A_129 = tpu.memref_slice %arg11[%dma_wait3A_127, %dma_wait3A_128] : memref<10240x128xf32, #tpu.memory_space<vmem_shared>> -> memref<10240x128xf32, #tpu.memory_space<vmem_shared>>
    tpu.wait_indirect_dma semaphore(%arg14 : memref<!tpu.dma_semaphore, #tpu.memory_space<semaphore_mem>>) src(%arg10 : memref<128x128xf32, #tpu.memory_space<vmem>>) dst(%dma_wait3A_129 : memref<10240x128xf32, #tpu.memory_space<vmem_shared>>)
    %add3A_130 = arith.constant 0 : i32
    %add3A_131 = arith.addi %add3A_130, %add3A : i32
    %mul3A_132 = arith.constant 2 : i32
    %mul3A_133 = arith.muli %add3A_131, %mul3A_132 : i32
    %add3A_134 = arith.constant 1 : i32
    %add3A_135 = arith.addi %mul3A_133, %add3A_134 : i32
    "tpu.region"() ({
      %run_scoped3A = tpu.sem_alloc : memref<!tpu.dma_semaphore, #tpu.memory_space<semaphore_mem>>
      %dma_start3A_268 = arith.constant 0 : i32
      %dma_start3A_269 = arith.constant 0 : i32
      %dma_start3A_270 = tpu.memref_slice %arg3[%add3A_135, %dma_start3A_268, %dma_start3A_269] : memref<64x40x128xi32, #tpu.memory_space<hbm>> -> memref<1x40x128xi32, #tpu.memory_space<hbm>>
      %dma_start3A_271 = tpu.memref_squeeze %dma_start3A_270 : memref<1x40x128xi32, #tpu.memory_space<hbm>> -> memref<40x128xi32, #tpu.memory_space<hbm>>
      %dma_start3A_272 = arith.constant 0 : i32
      %dma_start3A_273 = arith.constant 0 : i32
      %dma_start3A_274 = tpu.memref_slice %arg3[%add3A_135, %dma_start3A_272, %dma_start3A_273] : memref<64x40x128xi32, #tpu.memory_space<hbm>> -> memref<1x40x128xi32, #tpu.memory_space<hbm>>
      %dma_start3A_275 = tpu.memref_squeeze %dma_start3A_274 : memref<1x40x128xi32, #tpu.memory_space<hbm>> -> memref<40x128xi32, #tpu.memory_space<hbm>>
      tpu.enqueue_dma source(%dma_start3A_275 : memref<40x128xi32, #tpu.memory_space<hbm>>) target(%arg7 : memref<40x128xi32, #tpu.memory_space<vmem>>) target_semaphore(%run_scoped3A : memref<!tpu.dma_semaphore, #tpu.memory_space<semaphore_mem>>)
      %dma_wait3A_276 = arith.constant 0 : i32
      %dma_wait3A_277 = arith.constant 0 : i32
      %dma_wait3A_278 = tpu.memref_slice %arg3[%add3A_135, %dma_wait3A_276, %dma_wait3A_277] : memref<64x40x128xi32, #tpu.memory_space<hbm>> -> memref<1x40x128xi32, #tpu.memory_space<hbm>>
      %dma_wait3A_279 = tpu.memref_squeeze %dma_wait3A_278 : memref<1x40x128xi32, #tpu.memory_space<hbm>> -> memref<40x128xi32, #tpu.memory_space<hbm>>
      %dma_wait3A_280 = arith.constant 0 : i32
      %dma_wait3A_281 = arith.constant 0 : i32
      %dma_wait3A_282 = tpu.memref_slice %arg3[%add3A_135, %dma_wait3A_280, %dma_wait3A_281] : memref<64x40x128xi32, #tpu.memory_space<hbm>> -> memref<1x40x128xi32, #tpu.memory_space<hbm>>
      %dma_wait3A_283 = tpu.memref_squeeze %dma_wait3A_282 : memref<1x40x128xi32, #tpu.memory_space<hbm>> -> memref<40x128xi32, #tpu.memory_space<hbm>>
      tpu.wait_dma2 semaphore(%run_scoped3A : memref<!tpu.dma_semaphore, #tpu.memory_space<semaphore_mem>>) src(%dma_wait3A_283 : memref<40x128xi32, #tpu.memory_space<hbm>>) dst(%arg7 : memref<40x128xi32, #tpu.memory_space<vmem>>)
      tpu.yield
    }) : () -> ()
    %mul3A_136 = arith.constant 2 : i32
    %mul3A_137 = arith.muli %add3A, %mul3A_136 : i32
    %add3A_138 = arith.constant 1 : i32
    %add3A_139 = arith.addi %mul3A_137, %add3A_138 : i32
    "tpu.region"() ({
      %run_scoped3A = tpu.sem_alloc : memref<!tpu.dma_semaphore, #tpu.memory_space<semaphore_mem>>
      %dma_start3A_268 = arith.constant 0 : i32
      %dma_start3A_269 = arith.constant 0 : i32
      %dma_start3A_270 = tpu.memref_slice %arg4[%add3A_139, %dma_start3A_268, %dma_start3A_269] : memref<64x40x128xi32, #tpu.memory_space<hbm>> -> memref<1x40x128xi32, #tpu.memory_space<hbm>>
      %dma_start3A_271 = tpu.memref_squeeze %dma_start3A_270 : memref<1x40x128xi32, #tpu.memory_space<hbm>> -> memref<40x128xi32, #tpu.memory_space<hbm>>
      %dma_start3A_272 = arith.constant 0 : i32
      %dma_start3A_273 = arith.constant 0 : i32
      %dma_start3A_274 = tpu.memref_slice %arg4[%add3A_139, %dma_start3A_272, %dma_start3A_273] : memref<64x40x128xi32, #tpu.memory_space<hbm>> -> memref<1x40x128xi32, #tpu.memory_space<hbm>>
      %dma_start3A_275 = tpu.memref_squeeze %dma_start3A_274 : memref<1x40x128xi32, #tpu.memory_space<hbm>> -> memref<40x128xi32, #tpu.memory_space<hbm>>
      tpu.enqueue_dma source(%dma_start3A_275 : memref<40x128xi32, #tpu.memory_space<hbm>>) target(%arg8 : memref<40x128xi32, #tpu.memory_space<vmem>>) target_semaphore(%run_scoped3A : memref<!tpu.dma_semaphore, #tpu.memory_space<semaphore_mem>>)
      %dma_wait3A_276 = arith.constant 0 : i32
      %dma_wait3A_277 = arith.constant 0 : i32
      %dma_wait3A_278 = tpu.memref_slice %arg4[%add3A_139, %dma_wait3A_276, %dma_wait3A_277] : memref<64x40x128xi32, #tpu.memory_space<hbm>> -> memref<1x40x128xi32, #tpu.memory_space<hbm>>
      %dma_wait3A_279 = tpu.memref_squeeze %dma_wait3A_278 : memref<1x40x128xi32, #tpu.memory_space<hbm>> -> memref<40x128xi32, #tpu.memory_space<hbm>>
      %dma_wait3A_280 = arith.constant 0 : i32
      %dma_wait3A_281 = arith.constant 0 : i32
      %dma_wait3A_282 = tpu.memref_slice %arg4[%add3A_139, %dma_wait3A_280, %dma_wait3A_281] : memref<64x40x128xi32, #tpu.memory_space<hbm>> -> memref<1x40x128xi32, #tpu.memory_space<hbm>>
      %dma_wait3A_283 = tpu.memref_squeeze %dma_wait3A_282 : memref<1x40x128xi32, #tpu.memory_space<hbm>> -> memref<40x128xi32, #tpu.memory_space<hbm>>
      tpu.wait_dma2 semaphore(%run_scoped3A : memref<!tpu.dma_semaphore, #tpu.memory_space<semaphore_mem>>) src(%dma_wait3A_283 : memref<40x128xi32, #tpu.memory_space<hbm>>) dst(%arg8 : memref<40x128xi32, #tpu.memory_space<vmem>>)
      tpu.yield
    }) : () -> ()
    %dma_start3A_140 = arith.constant 0 : i32
    %dma_start3A_141 = arith.constant 0 : i32
    %dma_start3A_142 = tpu.memref_slice %arg7[%dma_start3A_140, %dma_start3A_141] : memref<40x128xi32, #tpu.memory_space<vmem>> -> memref<1x128xi32, #tpu.memory_space<vmem>>
    %dma_start3A_143 = tpu.memref_squeeze %dma_start3A_142 : memref<1x128xi32, #tpu.memory_space<vmem>> -> memref<128xi32, #tpu.memory_space<vmem>>
    %dma_start3A_144 = arith.constant 0 : i32
    %dma_start3A_145 = arith.constant 0 : i32
    %dma_start3A_146 = tpu.memref_slice %arg2[%dma_start3A_144, %dma_start3A_145] : memref<10240x128xf32, #tpu.memory_space<hbm>> -> memref<10240x128xf32, #tpu.memory_space<hbm>>
    tpu.enqueue_indirect_dma source(%dma_start3A_146 : memref<10240x128xf32, #tpu.memory_space<hbm>>) target(%arg9 : memref<128x128xf32, #tpu.memory_space<vmem>>) offsets(%dma_start3A_143 : memref<128xi32, #tpu.memory_space<vmem>>) semaphore(%arg12 : memref<!tpu.dma_semaphore, #tpu.memory_space<semaphore_mem>>)
    %dma_wait3A_147 = arith.constant 0 : i32
    %dma_wait3A_148 = arith.constant 0 : i32
    %dma_wait3A_149 = tpu.memref_slice %arg7[%dma_wait3A_147, %dma_wait3A_148] : memref<40x128xi32, #tpu.memory_space<vmem>> -> memref<1x128xi32, #tpu.memory_space<vmem>>
    %dma_wait3A_150 = tpu.memref_squeeze %dma_wait3A_149 : memref<1x128xi32, #tpu.memory_space<vmem>> -> memref<128xi32, #tpu.memory_space<vmem>>
    %dma_wait3A_151 = arith.constant 0 : i32
    %dma_wait3A_152 = arith.constant 0 : i32
    %dma_wait3A_153 = tpu.memref_slice %arg2[%dma_wait3A_151, %dma_wait3A_152] : memref<10240x128xf32, #tpu.memory_space<hbm>> -> memref<10240x128xf32, #tpu.memory_space<hbm>>
    tpu.wait_indirect_dma semaphore(%arg12 : memref<!tpu.dma_semaphore, #tpu.memory_space<semaphore_mem>>) src(%dma_wait3A_153 : memref<10240x128xf32, #tpu.memory_space<hbm>>) dst(%arg9 : memref<128x128xf32, #tpu.memory_space<vmem>>)
    %dma_start3A_154 = arith.constant 1 : i32
    %dma_start3A_155 = arith.constant 0 : i32
    %dma_start3A_156 = tpu.memref_slice %arg7[%dma_start3A_154, %dma_start3A_155] : memref<40x128xi32, #tpu.memory_space<vmem>> -> memref<1x128xi32, #tpu.memory_space<vmem>>
    %dma_start3A_157 = tpu.memref_squeeze %dma_start3A_156 : memref<1x128xi32, #tpu.memory_space<vmem>> -> memref<128xi32, #tpu.memory_space<vmem>>
    %dma_start3A_158 = arith.constant 0 : i32
    %dma_start3A_159 = arith.constant 0 : i32
    %dma_start3A_160 = tpu.memref_slice %arg2[%dma_start3A_158, %dma_start3A_159] : memref<10240x128xf32, #tpu.memory_space<hbm>> -> memref<10240x128xf32, #tpu.memory_space<hbm>>
    tpu.enqueue_indirect_dma source(%dma_start3A_160 : memref<10240x128xf32, #tpu.memory_space<hbm>>) target(%arg10 : memref<128x128xf32, #tpu.memory_space<vmem>>) offsets(%dma_start3A_157 : memref<128xi32, #tpu.memory_space<vmem>>) semaphore(%arg12 : memref<!tpu.dma_semaphore, #tpu.memory_space<semaphore_mem>>)
    %dma_start3A_161 = arith.constant 0 : i32
    %dma_start3A_162 = arith.constant 0 : i32
    %dma_start3A_163 = tpu.memref_slice %arg8[%dma_start3A_161, %dma_start3A_162] : memref<40x128xi32, #tpu.memory_space<vmem>> -> memref<1x128xi32, #tpu.memory_space<vmem>>
    %dma_start3A_164 = tpu.memref_squeeze %dma_start3A_163 : memref<1x128xi32, #tpu.memory_space<vmem>> -> memref<128xi32, #tpu.memory_space<vmem>>
    %dma_start3A_165 = arith.constant 0 : i32
    %dma_start3A_166 = arith.constant 0 : i32
    %dma_start3A_167 = tpu.memref_slice %arg11[%dma_start3A_165, %dma_start3A_166] : memref<10240x128xf32, #tpu.memory_space<vmem_shared>> -> memref<10240x128xf32, #tpu.memory_space<vmem_shared>>
    tpu.enqueue_indirect_dma source(%arg9 : memref<128x128xf32, #tpu.memory_space<vmem>>) target(%dma_start3A_167 : memref<10240x128xf32, #tpu.memory_space<vmem_shared>>) offsets(%dma_start3A_164 : memref<128xi32, #tpu.memory_space<vmem>>) semaphore(%arg13 : memref<!tpu.dma_semaphore, #tpu.memory_space<semaphore_mem>>) {add = true}
    %dma_wait3A_168 = arith.constant 1 : i32
    %dma_wait3A_169 = arith.constant 0 : i32
    %dma_wait3A_170 = tpu.memref_slice %arg7[%dma_wait3A_168, %dma_wait3A_169] : memref<40x128xi32, #tpu.memory_space<vmem>> -> memref<1x128xi32, #tpu.memory_space<vmem>>
    %dma_wait3A_171 = tpu.memref_squeeze %dma_wait3A_170 : memref<1x128xi32, #tpu.memory_space<vmem>> -> memref<128xi32, #tpu.memory_space<vmem>>
    %dma_wait3A_172 = arith.constant 0 : i32
    %dma_wait3A_173 = arith.constant 0 : i32
    %dma_wait3A_174 = tpu.memref_slice %arg2[%dma_wait3A_172, %dma_wait3A_173] : memref<10240x128xf32, #tpu.memory_space<hbm>> -> memref<10240x128xf32, #tpu.memory_space<hbm>>
    tpu.wait_indirect_dma semaphore(%arg12 : memref<!tpu.dma_semaphore, #tpu.memory_space<semaphore_mem>>) src(%dma_wait3A_174 : memref<10240x128xf32, #tpu.memory_space<hbm>>) dst(%arg10 : memref<128x128xf32, #tpu.memory_space<vmem>>)
    %dma_wait3A_175 = arith.constant 0 : i32
    %dma_wait3A_176 = arith.constant 0 : i32
    %dma_wait3A_177 = tpu.memref_slice %arg8[%dma_wait3A_175, %dma_wait3A_176] : memref<40x128xi32, #tpu.memory_space<vmem>> -> memref<1x128xi32, #tpu.memory_space<vmem>>
    %dma_wait3A_178 = tpu.memref_squeeze %dma_wait3A_177 : memref<1x128xi32, #tpu.memory_space<vmem>> -> memref<128xi32, #tpu.memory_space<vmem>>
    %dma_wait3A_179 = arith.constant 0 : i32
    %dma_wait3A_180 = arith.constant 0 : i32
    %dma_wait3A_181 = tpu.memref_slice %arg11[%dma_wait3A_179, %dma_wait3A_180] : memref<10240x128xf32, #tpu.memory_space<vmem_shared>> -> memref<10240x128xf32, #tpu.memory_space<vmem_shared>>
    tpu.wait_indirect_dma semaphore(%arg13 : memref<!tpu.dma_semaphore, #tpu.memory_space<semaphore_mem>>) src(%arg9 : memref<128x128xf32, #tpu.memory_space<vmem>>) dst(%dma_wait3A_181 : memref<10240x128xf32, #tpu.memory_space<vmem_shared>>)
    %dma_start3A_182 = arith.constant 2 : i32
    %dma_start3A_183 = arith.constant 0 : i32
    %dma_start3A_184 = tpu.memref_slice %arg7[%dma_start3A_182, %dma_start3A_183] : memref<40x128xi32, #tpu.memory_space<vmem>> -> memref<1x128xi32, #tpu.memory_space<vmem>>
    %dma_start3A_185 = tpu.memref_squeeze %dma_start3A_184 : memref<1x128xi32, #tpu.memory_space<vmem>> -> memref<128xi32, #tpu.memory_space<vmem>>
    %dma_start3A_186 = arith.constant 0 : i32
    %dma_start3A_187 = arith.constant 0 : i32
    %dma_start3A_188 = tpu.memref_slice %arg2[%dma_start3A_186, %dma_start3A_187] : memref<10240x128xf32, #tpu.memory_space<hbm>> -> memref<10240x128xf32, #tpu.memory_space<hbm>>
    tpu.enqueue_indirect_dma source(%dma_start3A_188 : memref<10240x128xf32, #tpu.memory_space<hbm>>) target(%arg9 : memref<128x128xf32, #tpu.memory_space<vmem>>) offsets(%dma_start3A_185 : memref<128xi32, #tpu.memory_space<vmem>>) semaphore(%arg12 : memref<!tpu.dma_semaphore, #tpu.memory_space<semaphore_mem>>)
    %dma_start3A_189 = arith.constant 1 : i32
    %dma_start3A_190 = arith.constant 0 : i32
    %dma_start3A_191 = tpu.memref_slice %arg8[%dma_start3A_189, %dma_start3A_190] : memref<40x128xi32, #tpu.memory_space<vmem>> -> memref<1x128xi32, #tpu.memory_space<vmem>>
    %dma_start3A_192 = tpu.memref_squeeze %dma_start3A_191 : memref<1x128xi32, #tpu.memory_space<vmem>> -> memref<128xi32, #tpu.memory_space<vmem>>
    %dma_start3A_193 = arith.constant 0 : i32
    %dma_start3A_194 = arith.constant 0 : i32
    %dma_start3A_195 = tpu.memref_slice %arg11[%dma_start3A_193, %dma_start3A_194] : memref<10240x128xf32, #tpu.memory_space<vmem_shared>> -> memref<10240x128xf32, #tpu.memory_space<vmem_shared>>
    tpu.enqueue_indirect_dma source(%arg10 : memref<128x128xf32, #tpu.memory_space<vmem>>) target(%dma_start3A_195 : memref<10240x128xf32, #tpu.memory_space<vmem_shared>>) offsets(%dma_start3A_192 : memref<128xi32, #tpu.memory_space<vmem>>) semaphore(%arg14 : memref<!tpu.dma_semaphore, #tpu.memory_space<semaphore_mem>>) {add = true}
    %scan3A_196 = arith.constant 0 : i32
    %scan3A_197 = arith.constant 1 : i32
    %scan3A_198 = arith.constant 18 : i32
    %scan3A_199 = arith.addi %scan3A_197, %scan3A_198 : i32
    %scan3A_200 = arith.constant 1 : i32
    scf.for %scan3A_268 = %scan3A_197 to %scan3A_199 step %scan3A_200  : i32 {
      %mul3A_269 = arith.constant 2 : i32
      %mul3A_270 = arith.muli %mul3A_269, %scan3A_268 : i32
      %add3A_271 = arith.constant 0 : i32
      %add3A_272 = arith.addi %mul3A_270, %add3A_271 : i32
      %dma_wait3A_273 = arith.constant 0 : i32
      %dma_wait3A_274 = tpu.memref_slice %arg7[%add3A_272, %dma_wait3A_273] : memref<40x128xi32, #tpu.memory_space<vmem>> -> memref<1x128xi32, #tpu.memory_space<vmem>>
      %dma_wait3A_275 = tpu.memref_squeeze %dma_wait3A_274 : memref<1x128xi32, #tpu.memory_space<vmem>> -> memref<128xi32, #tpu.memory_space<vmem>>
      %dma_wait3A_276 = arith.constant 0 : i32
      %dma_wait3A_277 = arith.constant 0 : i32
      %dma_wait3A_278 = tpu.memref_slice %arg2[%dma_wait3A_276, %dma_wait3A_277] : memref<10240x128xf32, #tpu.memory_space<hbm>> -> memref<10240x128xf32, #tpu.memory_space<hbm>>
      tpu.wait_indirect_dma semaphore(%arg12 : memref<!tpu.dma_semaphore, #tpu.memory_space<semaphore_mem>>) src(%dma_wait3A_278 : memref<10240x128xf32, #tpu.memory_space<hbm>>) dst(%arg9 : memref<128x128xf32, #tpu.memory_space<vmem>>)
      %sub3A = arith.constant 1 : i32
      %sub3A_279 = arith.subi %add3A_272, %sub3A : i32
      %dma_wait3A_280 = arith.constant 0 : i32
      %dma_wait3A_281 = tpu.memref_slice %arg8[%sub3A_279, %dma_wait3A_280] : memref<40x128xi32, #tpu.memory_space<vmem>> -> memref<1x128xi32, #tpu.memory_space<vmem>>
      %dma_wait3A_282 = tpu.memref_squeeze %dma_wait3A_281 : memref<1x128xi32, #tpu.memory_space<vmem>> -> memref<128xi32, #tpu.memory_space<vmem>>
      %dma_wait3A_283 = arith.constant 0 : i32
      %dma_wait3A_284 = arith.constant 0 : i32
      %dma_wait3A_285 = tpu.memref_slice %arg11[%dma_wait3A_283, %dma_wait3A_284] : memref<10240x128xf32, #tpu.memory_space<vmem_shared>> -> memref<10240x128xf32, #tpu.memory_space<vmem_shared>>
      tpu.wait_indirect_dma semaphore(%arg14 : memref<!tpu.dma_semaphore, #tpu.memory_space<semaphore_mem>>) src(%arg10 : memref<128x128xf32, #tpu.memory_space<vmem>>) dst(%dma_wait3A_285 : memref<10240x128xf32, #tpu.memory_space<vmem_shared>>)
      %add3A_286 = arith.constant 1 : i32
      %add3A_287 = arith.addi %add3A_272, %add3A_286 : i32
      %dma_start3A_288 = arith.constant 0 : i32
      %dma_start3A_289 = tpu.memref_slice %arg7[%add3A_287, %dma_start3A_288] : memref<40x128xi32, #tpu.memory_space<vmem>> -> memref<1x128xi32, #tpu.memory_space<vmem>>
      %dma_start3A_290 = tpu.memref_squeeze %dma_start3A_289 : memref<1x128xi32, #tpu.memory_space<vmem>> -> memref<128xi32, #tpu.memory_space<vmem>>
      %dma_start3A_291 = arith.constant 0 : i32
      %dma_start3A_292 = arith.constant 0 : i32
      %dma_start3A_293 = tpu.memref_slice %arg2[%dma_start3A_291, %dma_start3A_292] : memref<10240x128xf32, #tpu.memory_space<hbm>> -> memref<10240x128xf32, #tpu.memory_space<hbm>>
      tpu.enqueue_indirect_dma source(%dma_start3A_293 : memref<10240x128xf32, #tpu.memory_space<hbm>>) target(%arg10 : memref<128x128xf32, #tpu.memory_space<vmem>>) offsets(%dma_start3A_290 : memref<128xi32, #tpu.memory_space<vmem>>) semaphore(%arg12 : memref<!tpu.dma_semaphore, #tpu.memory_space<semaphore_mem>>)
      %dma_start3A_294 = arith.constant 0 : i32
      %dma_start3A_295 = tpu.memref_slice %arg8[%add3A_272, %dma_start3A_294] : memref<40x128xi32, #tpu.memory_space<vmem>> -> memref<1x128xi32, #tpu.memory_space<vmem>>
      %dma_start3A_296 = tpu.memref_squeeze %dma_start3A_295 : memref<1x128xi32, #tpu.memory_space<vmem>> -> memref<128xi32, #tpu.memory_space<vmem>>
      %dma_start3A_297 = arith.constant 0 : i32
      %dma_start3A_298 = arith.constant 0 : i32
      %dma_start3A_299 = tpu.memref_slice %arg11[%dma_start3A_297, %dma_start3A_298] : memref<10240x128xf32, #tpu.memory_space<vmem_shared>> -> memref<10240x128xf32, #tpu.memory_space<vmem_shared>>
      tpu.enqueue_indirect_dma source(%arg9 : memref<128x128xf32, #tpu.memory_space<vmem>>) target(%dma_start3A_299 : memref<10240x128xf32, #tpu.memory_space<vmem_shared>>) offsets(%dma_start3A_296 : memref<128xi32, #tpu.memory_space<vmem>>) semaphore(%arg13 : memref<!tpu.dma_semaphore, #tpu.memory_space<semaphore_mem>>) {add = true}
      %mul3A_300 = arith.constant 2 : i32
      %mul3A_301 = arith.muli %mul3A_300, %scan3A_268 : i32
      %add3A_302 = arith.constant 1 : i32
      %add3A_303 = arith.addi %mul3A_301, %add3A_302 : i32
      %dma_wait3A_304 = arith.constant 0 : i32
      %dma_wait3A_305 = tpu.memref_slice %arg7[%add3A_303, %dma_wait3A_304] : memref<40x128xi32, #tpu.memory_space<vmem>> -> memref<1x128xi32, #tpu.memory_space<vmem>>
      %dma_wait3A_306 = tpu.memref_squeeze %dma_wait3A_305 : memref<1x128xi32, #tpu.memory_space<vmem>> -> memref<128xi32, #tpu.memory_space<vmem>>
      %dma_wait3A_307 = arith.constant 0 : i32
      %dma_wait3A_308 = arith.constant 0 : i32
      %dma_wait3A_309 = tpu.memref_slice %arg2[%dma_wait3A_307, %dma_wait3A_308] : memref<10240x128xf32, #tpu.memory_space<hbm>> -> memref<10240x128xf32, #tpu.memory_space<hbm>>
      tpu.wait_indirect_dma semaphore(%arg12 : memref<!tpu.dma_semaphore, #tpu.memory_space<semaphore_mem>>) src(%dma_wait3A_309 : memref<10240x128xf32, #tpu.memory_space<hbm>>) dst(%arg10 : memref<128x128xf32, #tpu.memory_space<vmem>>)
      %sub3A_310 = arith.constant 1 : i32
      %sub3A_311 = arith.subi %add3A_303, %sub3A_310 : i32
      %dma_wait3A_312 = arith.constant 0 : i32
      %dma_wait3A_313 = tpu.memref_slice %arg8[%sub3A_311, %dma_wait3A_312] : memref<40x128xi32, #tpu.memory_space<vmem>> -> memref<1x128xi32, #tpu.memory_space<vmem>>
      %dma_wait3A_314 = tpu.memref_squeeze %dma_wait3A_313 : memref<1x128xi32, #tpu.memory_space<vmem>> -> memref<128xi32, #tpu.memory_space<vmem>>
      %dma_wait3A_315 = arith.constant 0 : i32
      %dma_wait3A_316 = arith.constant 0 : i32
      %dma_wait3A_317 = tpu.memref_slice %arg11[%dma_wait3A_315, %dma_wait3A_316] : memref<10240x128xf32, #tpu.memory_space<vmem_shared>> -> memref<10240x128xf32, #tpu.memory_space<vmem_shared>>
      tpu.wait_indirect_dma semaphore(%arg13 : memref<!tpu.dma_semaphore, #tpu.memory_space<semaphore_mem>>) src(%arg9 : memref<128x128xf32, #tpu.memory_space<vmem>>) dst(%dma_wait3A_317 : memref<10240x128xf32, #tpu.memory_space<vmem_shared>>)
      %add3A_318 = arith.constant 1 : i32
      %add3A_319 = arith.addi %add3A_303, %add3A_318 : i32
      %dma_start3A_320 = arith.constant 0 : i32
      %dma_start3A_321 = tpu.memref_slice %arg7[%add3A_319, %dma_start3A_320] : memref<40x128xi32, #tpu.memory_space<vmem>> -> memref<1x128xi32, #tpu.memory_space<vmem>>
      %dma_start3A_322 = tpu.memref_squeeze %dma_start3A_321 : memref<1x128xi32, #tpu.memory_space<vmem>> -> memref<128xi32, #tpu.memory_space<vmem>>
      %dma_start3A_323 = arith.constant 0 : i32
      %dma_start3A_324 = arith.constant 0 : i32
      %dma_start3A_325 = tpu.memref_slice %arg2[%dma_start3A_323, %dma_start3A_324] : memref<10240x128xf32, #tpu.memory_space<hbm>> -> memref<10240x128xf32, #tpu.memory_space<hbm>>
      tpu.enqueue_indirect_dma source(%dma_start3A_325 : memref<10240x128xf32, #tpu.memory_space<hbm>>) target(%arg9 : memref<128x128xf32, #tpu.memory_space<vmem>>) offsets(%dma_start3A_322 : memref<128xi32, #tpu.memory_space<vmem>>) semaphore(%arg12 : memref<!tpu.dma_semaphore, #tpu.memory_space<semaphore_mem>>)
      %dma_start3A_326 = arith.constant 0 : i32
      %dma_start3A_327 = tpu.memref_slice %arg8[%add3A_303, %dma_start3A_326] : memref<40x128xi32, #tpu.memory_space<vmem>> -> memref<1x128xi32, #tpu.memory_space<vmem>>
      %dma_start3A_328 = tpu.memref_squeeze %dma_start3A_327 : memref<1x128xi32, #tpu.memory_space<vmem>> -> memref<128xi32, #tpu.memory_space<vmem>>
      %dma_start3A_329 = arith.constant 0 : i32
      %dma_start3A_330 = arith.constant 0 : i32
      %dma_start3A_331 = tpu.memref_slice %arg11[%dma_start3A_329, %dma_start3A_330] : memref<10240x128xf32, #tpu.memory_space<vmem_shared>> -> memref<10240x128xf32, #tpu.memory_space<vmem_shared>>
      tpu.enqueue_indirect_dma source(%arg10 : memref<128x128xf32, #tpu.memory_space<vmem>>) target(%dma_start3A_331 : memref<10240x128xf32, #tpu.memory_space<vmem_shared>>) offsets(%dma_start3A_328 : memref<128xi32, #tpu.memory_space<vmem>>) semaphore(%arg14 : memref<!tpu.dma_semaphore, #tpu.memory_space<semaphore_mem>>) {add = true}
    }
    %scan3A_201 = arith.constant 18 : i32
    %dma_wait3A_202 = arith.constant 38 : i32
    %dma_wait3A_203 = arith.constant 0 : i32
    %dma_wait3A_204 = tpu.memref_slice %arg7[%dma_wait3A_202, %dma_wait3A_203] : memref<40x128xi32, #tpu.memory_space<vmem>> -> memref<1x128xi32, #tpu.memory_space<vmem>>
    %dma_wait3A_205 = tpu.memref_squeeze %dma_wait3A_204 : memref<1x128xi32, #tpu.memory_space<vmem>> -> memref<128xi32, #tpu.memory_space<vmem>>
    %dma_wait3A_206 = arith.constant 0 : i32
    %dma_wait3A_207 = arith.constant 0 : i32
    %dma_wait3A_208 = tpu.memref_slice %arg2[%dma_wait3A_206, %dma_wait3A_207] : memref<10240x128xf32, #tpu.memory_space<hbm>> -> memref<10240x128xf32, #tpu.memory_space<hbm>>
    tpu.wait_indirect_dma semaphore(%arg12 : memref<!tpu.dma_semaphore, #tpu.memory_space<semaphore_mem>>) src(%dma_wait3A_208 : memref<10240x128xf32, #tpu.memory_space<hbm>>) dst(%arg9 : memref<128x128xf32, #tpu.memory_space<vmem>>)
    %dma_wait3A_209 = arith.constant 37 : i32
    %dma_wait3A_210 = arith.constant 0 : i32
    %dma_wait3A_211 = tpu.memref_slice %arg8[%dma_wait3A_209, %dma_wait3A_210] : memref<40x128xi32, #tpu.memory_space<vmem>> -> memref<1x128xi32, #tpu.memory_space<vmem>>
    %dma_wait3A_212 = tpu.memref_squeeze %dma_wait3A_211 : memref<1x128xi32, #tpu.memory_space<vmem>> -> memref<128xi32, #tpu.memory_space<vmem>>
    %dma_wait3A_213 = arith.constant 0 : i32
    %dma_wait3A_214 = arith.constant 0 : i32
    %dma_wait3A_215 = tpu.memref_slice %arg11[%dma_wait3A_213, %dma_wait3A_214] : memref<10240x128xf32, #tpu.memory_space<vmem_shared>> -> memref<10240x128xf32, #tpu.memory_space<vmem_shared>>
    tpu.wait_indirect_dma semaphore(%arg14 : memref<!tpu.dma_semaphore, #tpu.memory_space<semaphore_mem>>) src(%arg10 : memref<128x128xf32, #tpu.memory_space<vmem>>) dst(%dma_wait3A_215 : memref<10240x128xf32, #tpu.memory_space<vmem_shared>>)
    %dma_start3A_216 = arith.constant 39 : i32
    %dma_start3A_217 = arith.constant 0 : i32
    %dma_start3A_218 = tpu.memref_slice %arg7[%dma_start3A_216, %dma_start3A_217] : memref<40x128xi32, #tpu.memory_space<vmem>> -> memref<1x128xi32, #tpu.memory_space<vmem>>
    %dma_start3A_219 = tpu.memref_squeeze %dma_start3A_218 : memref<1x128xi32, #tpu.memory_space<vmem>> -> memref<128xi32, #tpu.memory_space<vmem>>
    %dma_start3A_220 = arith.constant 0 : i32
    %dma_start3A_221 = arith.constant 0 : i32
    %dma_start3A_222 = tpu.memref_slice %arg2[%dma_start3A_220, %dma_start3A_221] : memref<10240x128xf32, #tpu.memory_space<hbm>> -> memref<10240x128xf32, #tpu.memory_space<hbm>>
    tpu.enqueue_indirect_dma source(%dma_start3A_222 : memref<10240x128xf32, #tpu.memory_space<hbm>>) target(%arg10 : memref<128x128xf32, #tpu.memory_space<vmem>>) offsets(%dma_start3A_219 : memref<128xi32, #tpu.memory_space<vmem>>) semaphore(%arg12 : memref<!tpu.dma_semaphore, #tpu.memory_space<semaphore_mem>>)
    %dma_start3A_223 = arith.constant 38 : i32
    %dma_start3A_224 = arith.constant 0 : i32
    %dma_start3A_225 = tpu.memref_slice %arg8[%dma_start3A_223, %dma_start3A_224] : memref<40x128xi32, #tpu.memory_space<vmem>> -> memref<1x128xi32, #tpu.memory_space<vmem>>
    %dma_start3A_226 = tpu.memref_squeeze %dma_start3A_225 : memref<1x128xi32, #tpu.memory_space<vmem>> -> memref<128xi32, #tpu.memory_space<vmem>>
    %dma_start3A_227 = arith.constant 0 : i32
    %dma_start3A_228 = arith.constant 0 : i32
    %dma_start3A_229 = tpu.memref_slice %arg11[%dma_start3A_227, %dma_start3A_228] : memref<10240x128xf32, #tpu.memory_space<vmem_shared>> -> memref<10240x128xf32, #tpu.memory_space<vmem_shared>>
    tpu.enqueue_indirect_dma source(%arg9 : memref<128x128xf32, #tpu.memory_space<vmem>>) target(%dma_start3A_229 : memref<10240x128xf32, #tpu.memory_space<vmem_shared>>) offsets(%dma_start3A_226 : memref<128xi32, #tpu.memory_space<vmem>>) semaphore(%arg13 : memref<!tpu.dma_semaphore, #tpu.memory_space<semaphore_mem>>) {add = true}
    %dma_wait3A_230 = arith.constant 39 : i32
    %dma_wait3A_231 = arith.constant 0 : i32
    %dma_wait3A_232 = tpu.memref_slice %arg7[%dma_wait3A_230, %dma_wait3A_231] : memref<40x128xi32, #tpu.memory_space<vmem>> -> memref<1x128xi32, #tpu.memory_space<vmem>>
    %dma_wait3A_233 = tpu.memref_squeeze %dma_wait3A_232 : memref<1x128xi32, #tpu.memory_space<vmem>> -> memref<128xi32, #tpu.memory_space<vmem>>
    %dma_wait3A_234 = arith.constant 0 : i32
    %dma_wait3A_235 = arith.constant 0 : i32
    %dma_wait3A_236 = tpu.memref_slice %arg2[%dma_wait3A_234, %dma_wait3A_235] : memref<10240x128xf32, #tpu.memory_space<hbm>> -> memref<10240x128xf32, #tpu.memory_space<hbm>>
    tpu.wait_indirect_dma semaphore(%arg12 : memref<!tpu.dma_semaphore, #tpu.memory_space<semaphore_mem>>) src(%dma_wait3A_236 : memref<10240x128xf32, #tpu.memory_space<hbm>>) dst(%arg10 : memref<128x128xf32, #tpu.memory_space<vmem>>)
    %dma_wait3A_237 = arith.constant 38 : i32
    %dma_wait3A_238 = arith.constant 0 : i32
    %dma_wait3A_239 = tpu.memref_slice %arg8[%dma_wait3A_237, %dma_wait3A_238] : memref<40x128xi32, #tpu.memory_space<vmem>> -> memref<1x128xi32, #tpu.memory_space<vmem>>
    %dma_wait3A_240 = tpu.memref_squeeze %dma_wait3A_239 : memref<1x128xi32, #tpu.memory_space<vmem>> -> memref<128xi32, #tpu.memory_space<vmem>>
    %dma_wait3A_241 = arith.constant 0 : i32
    %dma_wait3A_242 = arith.constant 0 : i32
    %dma_wait3A_243 = tpu.memref_slice %arg11[%dma_wait3A_241, %dma_wait3A_242] : memref<10240x128xf32, #tpu.memory_space<vmem_shared>> -> memref<10240x128xf32, #tpu.memory_space<vmem_shared>>
    tpu.wait_indirect_dma semaphore(%arg13 : memref<!tpu.dma_semaphore, #tpu.memory_space<semaphore_mem>>) src(%arg9 : memref<128x128xf32, #tpu.memory_space<vmem>>) dst(%dma_wait3A_243 : memref<10240x128xf32, #tpu.memory_space<vmem_shared>>)
    %dma_start3A_244 = arith.constant 39 : i32
    %dma_start3A_245 = arith.constant 0 : i32
    %dma_start3A_246 = tpu.memref_slice %arg8[%dma_start3A_244, %dma_start3A_245] : memref<40x128xi32, #tpu.memory_space<vmem>> -> memref<1x128xi32, #tpu.memory_space<vmem>>
    %dma_start3A_247 = tpu.memref_squeeze %dma_start3A_246 : memref<1x128xi32, #tpu.memory_space<vmem>> -> memref<128xi32, #tpu.memory_space<vmem>>
    %dma_start3A_248 = arith.constant 0 : i32
    %dma_start3A_249 = arith.constant 0 : i32
    %dma_start3A_250 = tpu.memref_slice %arg11[%dma_start3A_248, %dma_start3A_249] : memref<10240x128xf32, #tpu.memory_space<vmem_shared>> -> memref<10240x128xf32, #tpu.memory_space<vmem_shared>>
    tpu.enqueue_indirect_dma source(%arg10 : memref<128x128xf32, #tpu.memory_space<vmem>>) target(%dma_start3A_250 : memref<10240x128xf32, #tpu.memory_space<vmem_shared>>) offsets(%dma_start3A_247 : memref<128xi32, #tpu.memory_space<vmem>>) semaphore(%arg14 : memref<!tpu.dma_semaphore, #tpu.memory_space<semaphore_mem>>) {add = true}
    %dma_wait3A_251 = arith.constant 39 : i32
    %dma_wait3A_252 = arith.constant 0 : i32
    %dma_wait3A_253 = tpu.memref_slice %arg8[%dma_wait3A_251, %dma_wait3A_252] : memref<40x128xi32, #tpu.memory_space<vmem>> -> memref<1x128xi32, #tpu.memory_space<vmem>>
    %dma_wait3A_254 = tpu.memref_squeeze %dma_wait3A_253 : memref<1x128xi32, #tpu.memory_space<vmem>> -> memref<128xi32, #tpu.memory_space<vmem>>
    %dma_wait3A_255 = arith.constant 0 : i32
    %dma_wait3A_256 = arith.constant 0 : i32
    %dma_wait3A_257 = tpu.memref_slice %arg11[%dma_wait3A_255, %dma_wait3A_256] : memref<10240x128xf32, #tpu.memory_space<vmem_shared>> -> memref<10240x128xf32, #tpu.memory_space<vmem_shared>>
    tpu.wait_indirect_dma semaphore(%arg14 : memref<!tpu.dma_semaphore, #tpu.memory_space<semaphore_mem>>) src(%arg10 : memref<128x128xf32, #tpu.memory_space<vmem>>) dst(%dma_wait3A_257 : memref<10240x128xf32, #tpu.memory_space<vmem_shared>>)
    %barrier3A_258 = arith.constant 0 : index
    tpu.barrier barrier_id(%barrier3A_258)
    %mul3A_259 = arith.constant 640 : i32
    %mul3A_260 = arith.muli %arg1, %mul3A_259 : i32
    %add3A_261 = arith.constant 0 : i32
    %add3A_262 = arith.addi %add3A_261, %arg0 : i32
    %mul3A_263 = arith.constant 10240 : i32
    %mul3A_264 = arith.muli %add3A_262, %mul3A_263 : i32
    %mul3A_265 = arith.constant 640 : i32
    %mul3A_266 = arith.muli %arg1, %mul3A_265 : i32
    %add3A_267 = arith.addi %mul3A_264, %mul3A_266 : i32
    "tpu.region"() ({
      %run_scoped3A = tpu.sem_alloc : memref<!tpu.dma_semaphore, #tpu.memory_space<semaphore_mem>>
      %dma_start3A_268 = arith.constant 0 : i32
      %dma_start3A_269 = tpu.memref_slice %arg6[%add3A_267, %dma_start3A_268] : memref<20480x128xf32, #tpu.memory_space<hbm>> -> memref<640x128xf32, #tpu.memory_space<hbm>>
      %dma_start3A_270 = arith.constant 0 : i32
      %dma_start3A_271 = tpu.memref_slice %arg11[%mul3A_260, %dma_start3A_270] : memref<10240x128xf32, #tpu.memory_space<vmem_shared>> -> memref<640x128xf32, #tpu.memory_space<vmem_shared>>
      tpu.enqueue_dma source(%dma_start3A_271 : memref<640x128xf32, #tpu.memory_space<vmem_shared>>) target(%dma_start3A_269 : memref<640x128xf32, #tpu.memory_space<hbm>>) target_semaphore(%run_scoped3A : memref<!tpu.dma_semaphore, #tpu.memory_space<semaphore_mem>>)
      %dma_wait3A_272 = arith.constant 0 : i32
      %dma_wait3A_273 = tpu.memref_slice %arg6[%add3A_267, %dma_wait3A_272] : memref<20480x128xf32, #tpu.memory_space<hbm>> -> memref<640x128xf32, #tpu.memory_space<hbm>>
      %dma_wait3A_274 = arith.constant 0 : i32
      %dma_wait3A_275 = tpu.memref_slice %arg11[%mul3A_260, %dma_wait3A_274] : memref<10240x128xf32, #tpu.memory_space<vmem_shared>> -> memref<640x128xf32, #tpu.memory_space<vmem_shared>>
      tpu.wait_dma2 semaphore(%run_scoped3A : memref<!tpu.dma_semaphore, #tpu.memory_space<semaphore_mem>>) src(%dma_wait3A_275 : memref<640x128xf32, #tpu.memory_space<vmem_shared>>) dst(%dma_wait3A_273 : memref<640x128xf32, #tpu.memory_space<hbm>>)
      tpu.yield
    }) : () -> ()
    return
  }
}

#map = affine_map<(d0, d1) -> (0, 0)>
#map1 = affine_map<(d0, d1) -> (0, 0, 0)>
module attributes {stable_mosaic.version = 14 : i64} {
  func.func @prop(%arg0: i32, %arg1: i32, %arg2: memref<40960x128xf32, #tpu.memory_space<hbm>>, %arg3: memref<256x40x128xi32, #tpu.memory_space<hbm>>, %arg4: memref<64x40x128xi32, #tpu.memory_space<hbm>>, %arg5: memref<10240x128xf32, #tpu.memory_space<hbm>>, %arg6: memref<81920x128xf32, #tpu.memory_space<hbm>>, %arg7: memref<40x128xi32, #tpu.memory_space<vmem>>, %arg8: memref<40x128xi32, #tpu.memory_space<vmem>>, %arg9: memref<128x128xf32, #tpu.memory_space<vmem>>, %arg10: memref<128x128xf32, #tpu.memory_space<vmem>>, %arg11: memref<10240x128xf32, #tpu.memory_space<vmem_shared>>, %arg12: memref<!tpu.dma_semaphore, #tpu.memory_space<semaphore_mem>>, %arg13: memref<!tpu.dma_semaphore, #tpu.memory_space<semaphore_mem>>, %arg14: memref<!tpu.dma_semaphore, #tpu.memory_space<semaphore_mem>>) attributes {dimension_semantics = [#tpu.dimension_semantics<core_parallel>, #tpu.dimension_semantics<subcore_parallel>], iteration_bounds = array<i64: 2, 16>, scalar_prefetch = 0 : i64, scratch_operands = 8 : i64, tpu.core_type = #tpu.core_type<sc_vector_subcore>, window_params = [{transform_indices = #map}, {transform_indices = #map1}, {transform_indices = #map1}, {transform_indices = #map}, {transform_indices = #map}]} {
    %mul3A = arith.constant 2 : i32
    %mul3A_0 = arith.muli %arg1, %mul3A : i32
    %add3A = arith.addi %mul3A_0, %arg0 : i32
    %mul3A_1 = arith.constant 640 : i32
    %mul3A_2 = arith.muli %arg1, %mul3A_1 : i32
    %mul3A_3 = arith.constant 640 : i32
    %mul3A_4 = arith.muli %arg1, %mul3A_3 : i32
    "tpu.region"() ({
      %run_scoped3A = tpu.sem_alloc : memref<!tpu.dma_semaphore, #tpu.memory_space<semaphore_mem>>
      %dma_start3A_1081 = arith.constant 0 : i32
      %dma_start3A_1082 = tpu.memref_slice %arg11[%mul3A_4, %dma_start3A_1081] : memref<10240x128xf32, #tpu.memory_space<vmem_shared>> -> memref<640x128xf32, #tpu.memory_space<vmem_shared>>
      %dma_start3A_1083 = arith.constant 0 : i32
      %dma_start3A_1084 = tpu.memref_slice %arg5[%mul3A_2, %dma_start3A_1083] : memref<10240x128xf32, #tpu.memory_space<hbm>> -> memref<640x128xf32, #tpu.memory_space<hbm>>
      tpu.enqueue_dma source(%dma_start3A_1084 : memref<640x128xf32, #tpu.memory_space<hbm>>) target(%dma_start3A_1082 : memref<640x128xf32, #tpu.memory_space<vmem_shared>>) target_semaphore(%run_scoped3A : memref<!tpu.dma_semaphore, #tpu.memory_space<semaphore_mem>>)
      %dma_wait3A_1085 = arith.constant 0 : i32
      %dma_wait3A_1086 = tpu.memref_slice %arg11[%mul3A_4, %dma_wait3A_1085] : memref<10240x128xf32, #tpu.memory_space<vmem_shared>> -> memref<640x128xf32, #tpu.memory_space<vmem_shared>>
      %dma_wait3A_1087 = arith.constant 0 : i32
      %dma_wait3A_1088 = tpu.memref_slice %arg5[%mul3A_2, %dma_wait3A_1087] : memref<10240x128xf32, #tpu.memory_space<hbm>> -> memref<640x128xf32, #tpu.memory_space<hbm>>
      tpu.wait_dma2 semaphore(%run_scoped3A : memref<!tpu.dma_semaphore, #tpu.memory_space<semaphore_mem>>) src(%dma_wait3A_1088 : memref<640x128xf32, #tpu.memory_space<hbm>>) dst(%dma_wait3A_1086 : memref<640x128xf32, #tpu.memory_space<vmem_shared>>)
      tpu.yield
    }) : () -> ()
    %barrier3A = arith.constant 0 : index
    tpu.barrier barrier_id(%barrier3A)
    %add3A_5 = arith.constant 0 : i32
    %add3A_6 = arith.addi %add3A_5, %add3A : i32
    %mul3A_7 = arith.constant 2 : i32
    %mul3A_8 = arith.muli %add3A_6, %mul3A_7 : i32
    %add3A_9 = arith.constant 0 : i32
    %add3A_10 = arith.addi %mul3A_8, %add3A_9 : i32
    "tpu.region"() ({
      %run_scoped3A = tpu.sem_alloc : memref<!tpu.dma_semaphore, #tpu.memory_space<semaphore_mem>>
      %dma_start3A_1081 = arith.constant 0 : i32
      %dma_start3A_1082 = arith.constant 0 : i32
      %dma_start3A_1083 = tpu.memref_slice %arg3[%add3A_10, %dma_start3A_1081, %dma_start3A_1082] : memref<256x40x128xi32, #tpu.memory_space<hbm>> -> memref<1x40x128xi32, #tpu.memory_space<hbm>>
      %dma_start3A_1084 = tpu.memref_squeeze %dma_start3A_1083 : memref<1x40x128xi32, #tpu.memory_space<hbm>> -> memref<40x128xi32, #tpu.memory_space<hbm>>
      %dma_start3A_1085 = arith.constant 0 : i32
      %dma_start3A_1086 = arith.constant 0 : i32
      %dma_start3A_1087 = tpu.memref_slice %arg3[%add3A_10, %dma_start3A_1085, %dma_start3A_1086] : memref<256x40x128xi32, #tpu.memory_space<hbm>> -> memref<1x40x128xi32, #tpu.memory_space<hbm>>
      %dma_start3A_1088 = tpu.memref_squeeze %dma_start3A_1087 : memref<1x40x128xi32, #tpu.memory_space<hbm>> -> memref<40x128xi32, #tpu.memory_space<hbm>>
      tpu.enqueue_dma source(%dma_start3A_1088 : memref<40x128xi32, #tpu.memory_space<hbm>>) target(%arg7 : memref<40x128xi32, #tpu.memory_space<vmem>>) target_semaphore(%run_scoped3A : memref<!tpu.dma_semaphore, #tpu.memory_space<semaphore_mem>>)
      %dma_wait3A_1089 = arith.constant 0 : i32
      %dma_wait3A_1090 = arith.constant 0 : i32
      %dma_wait3A_1091 = tpu.memref_slice %arg3[%add3A_10, %dma_wait3A_1089, %dma_wait3A_1090] : memref<256x40x128xi32, #tpu.memory_space<hbm>> -> memref<1x40x128xi32, #tpu.memory_space<hbm>>
      %dma_wait3A_1092 = tpu.memref_squeeze %dma_wait3A_1091 : memref<1x40x128xi32, #tpu.memory_space<hbm>> -> memref<40x128xi32, #tpu.memory_space<hbm>>
      %dma_wait3A_1093 = arith.constant 0 : i32
      %dma_wait3A_1094 = arith.constant 0 : i32
      %dma_wait3A_1095 = tpu.memref_slice %arg3[%add3A_10, %dma_wait3A_1093, %dma_wait3A_1094] : memref<256x40x128xi32, #tpu.memory_space<hbm>> -> memref<1x40x128xi32, #tpu.memory_space<hbm>>
      %dma_wait3A_1096 = tpu.memref_squeeze %dma_wait3A_1095 : memref<1x40x128xi32, #tpu.memory_space<hbm>> -> memref<40x128xi32, #tpu.memory_space<hbm>>
      tpu.wait_dma2 semaphore(%run_scoped3A : memref<!tpu.dma_semaphore, #tpu.memory_space<semaphore_mem>>) src(%dma_wait3A_1096 : memref<40x128xi32, #tpu.memory_space<hbm>>) dst(%arg7 : memref<40x128xi32, #tpu.memory_space<vmem>>)
      tpu.yield
    }) : () -> ()
    %mul3A_11 = arith.constant 2 : i32
    %mul3A_12 = arith.muli %add3A, %mul3A_11 : i32
    %add3A_13 = arith.constant 0 : i32
    %add3A_14 = arith.addi %mul3A_12, %add3A_13 : i32
    "tpu.region"() ({
      %run_scoped3A = tpu.sem_alloc : memref<!tpu.dma_semaphore, #tpu.memory_space<semaphore_mem>>
      %dma_start3A_1081 = arith.constant 0 : i32
      %dma_start3A_1082 = arith.constant 0 : i32
      %dma_start3A_1083 = tpu.memref_slice %arg4[%add3A_14, %dma_start3A_1081, %dma_start3A_1082] : memref<64x40x128xi32, #tpu.memory_space<hbm>> -> memref<1x40x128xi32, #tpu.memory_space<hbm>>
      %dma_start3A_1084 = tpu.memref_squeeze %dma_start3A_1083 : memref<1x40x128xi32, #tpu.memory_space<hbm>> -> memref<40x128xi32, #tpu.memory_space<hbm>>
      %dma_start3A_1085 = arith.constant 0 : i32
      %dma_start3A_1086 = arith.constant 0 : i32
      %dma_start3A_1087 = tpu.memref_slice %arg4[%add3A_14, %dma_start3A_1085, %dma_start3A_1086] : memref<64x40x128xi32, #tpu.memory_space<hbm>> -> memref<1x40x128xi32, #tpu.memory_space<hbm>>
      %dma_start3A_1088 = tpu.memref_squeeze %dma_start3A_1087 : memref<1x40x128xi32, #tpu.memory_space<hbm>> -> memref<40x128xi32, #tpu.memory_space<hbm>>
      tpu.enqueue_dma source(%dma_start3A_1088 : memref<40x128xi32, #tpu.memory_space<hbm>>) target(%arg8 : memref<40x128xi32, #tpu.memory_space<vmem>>) target_semaphore(%run_scoped3A : memref<!tpu.dma_semaphore, #tpu.memory_space<semaphore_mem>>)
      %dma_wait3A_1089 = arith.constant 0 : i32
      %dma_wait3A_1090 = arith.constant 0 : i32
      %dma_wait3A_1091 = tpu.memref_slice %arg4[%add3A_14, %dma_wait3A_1089, %dma_wait3A_1090] : memref<64x40x128xi32, #tpu.memory_space<hbm>> -> memref<1x40x128xi32, #tpu.memory_space<hbm>>
      %dma_wait3A_1092 = tpu.memref_squeeze %dma_wait3A_1091 : memref<1x40x128xi32, #tpu.memory_space<hbm>> -> memref<40x128xi32, #tpu.memory_space<hbm>>
      %dma_wait3A_1093 = arith.constant 0 : i32
      %dma_wait3A_1094 = arith.constant 0 : i32
      %dma_wait3A_1095 = tpu.memref_slice %arg4[%add3A_14, %dma_wait3A_1093, %dma_wait3A_1094] : memref<64x40x128xi32, #tpu.memory_space<hbm>> -> memref<1x40x128xi32, #tpu.memory_space<hbm>>
      %dma_wait3A_1096 = tpu.memref_squeeze %dma_wait3A_1095 : memref<1x40x128xi32, #tpu.memory_space<hbm>> -> memref<40x128xi32, #tpu.memory_space<hbm>>
      tpu.wait_dma2 semaphore(%run_scoped3A : memref<!tpu.dma_semaphore, #tpu.memory_space<semaphore_mem>>) src(%dma_wait3A_1096 : memref<40x128xi32, #tpu.memory_space<hbm>>) dst(%arg8 : memref<40x128xi32, #tpu.memory_space<vmem>>)
      tpu.yield
    }) : () -> ()
    %dma_start3A = arith.constant 0 : i32
    %dma_start3A_15 = arith.constant 0 : i32
    %dma_start3A_16 = tpu.memref_slice %arg7[%dma_start3A, %dma_start3A_15] : memref<40x128xi32, #tpu.memory_space<vmem>> -> memref<1x128xi32, #tpu.memory_space<vmem>>
    %dma_start3A_17 = tpu.memref_squeeze %dma_start3A_16 : memref<1x128xi32, #tpu.memory_space<vmem>> -> memref<128xi32, #tpu.memory_space<vmem>>
    %dma_start3A_18 = arith.constant 0 : i32
    %dma_start3A_19 = arith.constant 0 : i32
    %dma_start3A_20 = tpu.memref_slice %arg2[%dma_start3A_18, %dma_start3A_19] : memref<40960x128xf32, #tpu.memory_space<hbm>> -> memref<40960x128xf32, #tpu.memory_space<hbm>>
    tpu.enqueue_indirect_dma source(%dma_start3A_20 : memref<40960x128xf32, #tpu.memory_space<hbm>>) target(%arg9 : memref<128x128xf32, #tpu.memory_space<vmem>>) offsets(%dma_start3A_17 : memref<128xi32, #tpu.memory_space<vmem>>) semaphore(%arg12 : memref<!tpu.dma_semaphore, #tpu.memory_space<semaphore_mem>>)
    %dma_wait3A = arith.constant 0 : i32
    %dma_wait3A_21 = arith.constant 0 : i32
    %dma_wait3A_22 = tpu.memref_slice %arg7[%dma_wait3A, %dma_wait3A_21] : memref<40x128xi32, #tpu.memory_space<vmem>> -> memref<1x128xi32, #tpu.memory_space<vmem>>
    %dma_wait3A_23 = tpu.memref_squeeze %dma_wait3A_22 : memref<1x128xi32, #tpu.memory_space<vmem>> -> memref<128xi32, #tpu.memory_space<vmem>>
    %dma_wait3A_24 = arith.constant 0 : i32
    %dma_wait3A_25 = arith.constant 0 : i32
    %dma_wait3A_26 = tpu.memref_slice %arg2[%dma_wait3A_24, %dma_wait3A_25] : memref<40960x128xf32, #tpu.memory_space<hbm>> -> memref<40960x128xf32, #tpu.memory_space<hbm>>
    tpu.wait_indirect_dma semaphore(%arg12 : memref<!tpu.dma_semaphore, #tpu.memory_space<semaphore_mem>>) src(%dma_wait3A_26 : memref<40960x128xf32, #tpu.memory_space<hbm>>) dst(%arg9 : memref<128x128xf32, #tpu.memory_space<vmem>>)
    %dma_start3A_27 = arith.constant 1 : i32
    %dma_start3A_28 = arith.constant 0 : i32
    %dma_start3A_29 = tpu.memref_slice %arg7[%dma_start3A_27, %dma_start3A_28] : memref<40x128xi32, #tpu.memory_space<vmem>> -> memref<1x128xi32, #tpu.memory_space<vmem>>
    %dma_start3A_30 = tpu.memref_squeeze %dma_start3A_29 : memref<1x128xi32, #tpu.memory_space<vmem>> -> memref<128xi32, #tpu.memory_space<vmem>>
    %dma_start3A_31 = arith.constant 0 : i32
    %dma_start3A_32 = arith.constant 0 : i32
    %dma_start3A_33 = tpu.memref_slice %arg2[%dma_start3A_31, %dma_start3A_32] : memref<40960x128xf32, #tpu.memory_space<hbm>> -> memref<40960x128xf32, #tpu.memory_space<hbm>>
    tpu.enqueue_indirect_dma source(%dma_start3A_33 : memref<40960x128xf32, #tpu.memory_space<hbm>>) target(%arg10 : memref<128x128xf32, #tpu.memory_space<vmem>>) offsets(%dma_start3A_30 : memref<128xi32, #tpu.memory_space<vmem>>) semaphore(%arg12 : memref<!tpu.dma_semaphore, #tpu.memory_space<semaphore_mem>>)
    %dma_start3A_34 = arith.constant 0 : i32
    %dma_start3A_35 = arith.constant 0 : i32
    %dma_start3A_36 = tpu.memref_slice %arg8[%dma_start3A_34, %dma_start3A_35] : memref<40x128xi32, #tpu.memory_space<vmem>> -> memref<1x128xi32, #tpu.memory_space<vmem>>
    %dma_start3A_37 = tpu.memref_squeeze %dma_start3A_36 : memref<1x128xi32, #tpu.memory_space<vmem>> -> memref<128xi32, #tpu.memory_space<vmem>>
    %dma_start3A_38 = arith.constant 0 : i32
    %dma_start3A_39 = arith.constant 0 : i32
    %dma_start3A_40 = tpu.memref_slice %arg11[%dma_start3A_38, %dma_start3A_39] : memref<10240x128xf32, #tpu.memory_space<vmem_shared>> -> memref<10240x128xf32, #tpu.memory_space<vmem_shared>>
    tpu.enqueue_indirect_dma source(%arg9 : memref<128x128xf32, #tpu.memory_space<vmem>>) target(%dma_start3A_40 : memref<10240x128xf32, #tpu.memory_space<vmem_shared>>) offsets(%dma_start3A_37 : memref<128xi32, #tpu.memory_space<vmem>>) semaphore(%arg13 : memref<!tpu.dma_semaphore, #tpu.memory_space<semaphore_mem>>) {add = true}
    %dma_wait3A_41 = arith.constant 1 : i32
    %dma_wait3A_42 = arith.constant 0 : i32
    %dma_wait3A_43 = tpu.memref_slice %arg7[%dma_wait3A_41, %dma_wait3A_42] : memref<40x128xi32, #tpu.memory_space<vmem>> -> memref<1x128xi32, #tpu.memory_space<vmem>>
    %dma_wait3A_44 = tpu.memref_squeeze %dma_wait3A_43 : memref<1x128xi32, #tpu.memory_space<vmem>> -> memref<128xi32, #tpu.memory_space<vmem>>
    %dma_wait3A_45 = arith.constant 0 : i32
    %dma_wait3A_46 = arith.constant 0 : i32
    %dma_wait3A_47 = tpu.memref_slice %arg2[%dma_wait3A_45, %dma_wait3A_46] : memref<40960x128xf32, #tpu.memory_space<hbm>> -> memref<40960x128xf32, #tpu.memory_space<hbm>>
    tpu.wait_indirect_dma semaphore(%arg12 : memref<!tpu.dma_semaphore, #tpu.memory_space<semaphore_mem>>) src(%dma_wait3A_47 : memref<40960x128xf32, #tpu.memory_space<hbm>>) dst(%arg10 : memref<128x128xf32, #tpu.memory_space<vmem>>)
    %dma_wait3A_48 = arith.constant 0 : i32
    %dma_wait3A_49 = arith.constant 0 : i32
    %dma_wait3A_50 = tpu.memref_slice %arg8[%dma_wait3A_48, %dma_wait3A_49] : memref<40x128xi32, #tpu.memory_space<vmem>> -> memref<1x128xi32, #tpu.memory_space<vmem>>
    %dma_wait3A_51 = tpu.memref_squeeze %dma_wait3A_50 : memref<1x128xi32, #tpu.memory_space<vmem>> -> memref<128xi32, #tpu.memory_space<vmem>>
    %dma_wait3A_52 = arith.constant 0 : i32
    %dma_wait3A_53 = arith.constant 0 : i32
    %dma_wait3A_54 = tpu.memref_slice %arg11[%dma_wait3A_52, %dma_wait3A_53] : memref<10240x128xf32, #tpu.memory_space<vmem_shared>> -> memref<10240x128xf32, #tpu.memory_space<vmem_shared>>
    tpu.wait_indirect_dma semaphore(%arg13 : memref<!tpu.dma_semaphore, #tpu.memory_space<semaphore_mem>>) src(%arg9 : memref<128x128xf32, #tpu.memory_space<vmem>>) dst(%dma_wait3A_54 : memref<10240x128xf32, #tpu.memory_space<vmem_shared>>)
    %dma_start3A_55 = arith.constant 2 : i32
    %dma_start3A_56 = arith.constant 0 : i32
    %dma_start3A_57 = tpu.memref_slice %arg7[%dma_start3A_55, %dma_start3A_56] : memref<40x128xi32, #tpu.memory_space<vmem>> -> memref<1x128xi32, #tpu.memory_space<vmem>>
    %dma_start3A_58 = tpu.memref_squeeze %dma_start3A_57 : memref<1x128xi32, #tpu.memory_space<vmem>> -> memref<128xi32, #tpu.memory_space<vmem>>
    %dma_start3A_59 = arith.constant 0 : i32
    %dma_start3A_60 = arith.constant 0 : i32
    %dma_start3A_61 = tpu.memref_slice %arg2[%dma_start3A_59, %dma_start3A_60] : memref<40960x128xf32, #tpu.memory_space<hbm>> -> memref<40960x128xf32, #tpu.memory_space<hbm>>
    tpu.enqueue_indirect_dma source(%dma_start3A_61 : memref<40960x128xf32, #tpu.memory_space<hbm>>) target(%arg9 : memref<128x128xf32, #tpu.memory_space<vmem>>) offsets(%dma_start3A_58 : memref<128xi32, #tpu.memory_space<vmem>>) semaphore(%arg12 : memref<!tpu.dma_semaphore, #tpu.memory_space<semaphore_mem>>)
    %dma_start3A_62 = arith.constant 1 : i32
    %dma_start3A_63 = arith.constant 0 : i32
    %dma_start3A_64 = tpu.memref_slice %arg8[%dma_start3A_62, %dma_start3A_63] : memref<40x128xi32, #tpu.memory_space<vmem>> -> memref<1x128xi32, #tpu.memory_space<vmem>>
    %dma_start3A_65 = tpu.memref_squeeze %dma_start3A_64 : memref<1x128xi32, #tpu.memory_space<vmem>> -> memref<128xi32, #tpu.memory_space<vmem>>
    %dma_start3A_66 = arith.constant 0 : i32
    %dma_start3A_67 = arith.constant 0 : i32
    %dma_start3A_68 = tpu.memref_slice %arg11[%dma_start3A_66, %dma_start3A_67] : memref<10240x128xf32, #tpu.memory_space<vmem_shared>> -> memref<10240x128xf32, #tpu.memory_space<vmem_shared>>
    tpu.enqueue_indirect_dma source(%arg10 : memref<128x128xf32, #tpu.memory_space<vmem>>) target(%dma_start3A_68 : memref<10240x128xf32, #tpu.memory_space<vmem_shared>>) offsets(%dma_start3A_65 : memref<128xi32, #tpu.memory_space<vmem>>) semaphore(%arg14 : memref<!tpu.dma_semaphore, #tpu.memory_space<semaphore_mem>>) {add = true}
    %scan3A = arith.constant 0 : i32
    %scan3A_69 = arith.constant 1 : i32
    %scan3A_70 = arith.constant 18 : i32
    %scan3A_71 = arith.addi %scan3A_69, %scan3A_70 : i32
    %scan3A_72 = arith.constant 1 : i32
    scf.for %scan3A_1081 = %scan3A_69 to %scan3A_71 step %scan3A_72  : i32 {
      %mul3A_1082 = arith.constant 2 : i32
      %mul3A_1083 = arith.muli %mul3A_1082, %scan3A_1081 : i32
      %add3A_1084 = arith.constant 0 : i32
      %add3A_1085 = arith.addi %mul3A_1083, %add3A_1084 : i32
      %dma_wait3A_1086 = arith.constant 0 : i32
      %dma_wait3A_1087 = tpu.memref_slice %arg7[%add3A_1085, %dma_wait3A_1086] : memref<40x128xi32, #tpu.memory_space<vmem>> -> memref<1x128xi32, #tpu.memory_space<vmem>>
      %dma_wait3A_1088 = tpu.memref_squeeze %dma_wait3A_1087 : memref<1x128xi32, #tpu.memory_space<vmem>> -> memref<128xi32, #tpu.memory_space<vmem>>
      %dma_wait3A_1089 = arith.constant 0 : i32
      %dma_wait3A_1090 = arith.constant 0 : i32
      %dma_wait3A_1091 = tpu.memref_slice %arg2[%dma_wait3A_1089, %dma_wait3A_1090] : memref<40960x128xf32, #tpu.memory_space<hbm>> -> memref<40960x128xf32, #tpu.memory_space<hbm>>
      tpu.wait_indirect_dma semaphore(%arg12 : memref<!tpu.dma_semaphore, #tpu.memory_space<semaphore_mem>>) src(%dma_wait3A_1091 : memref<40960x128xf32, #tpu.memory_space<hbm>>) dst(%arg9 : memref<128x128xf32, #tpu.memory_space<vmem>>)
      %sub3A = arith.constant 1 : i32
      %sub3A_1092 = arith.subi %add3A_1085, %sub3A : i32
      %dma_wait3A_1093 = arith.constant 0 : i32
      %dma_wait3A_1094 = tpu.memref_slice %arg8[%sub3A_1092, %dma_wait3A_1093] : memref<40x128xi32, #tpu.memory_space<vmem>> -> memref<1x128xi32, #tpu.memory_space<vmem>>
      %dma_wait3A_1095 = tpu.memref_squeeze %dma_wait3A_1094 : memref<1x128xi32, #tpu.memory_space<vmem>> -> memref<128xi32, #tpu.memory_space<vmem>>
      %dma_wait3A_1096 = arith.constant 0 : i32
      %dma_wait3A_1097 = arith.constant 0 : i32
      %dma_wait3A_1098 = tpu.memref_slice %arg11[%dma_wait3A_1096, %dma_wait3A_1097] : memref<10240x128xf32, #tpu.memory_space<vmem_shared>> -> memref<10240x128xf32, #tpu.memory_space<vmem_shared>>
      tpu.wait_indirect_dma semaphore(%arg14 : memref<!tpu.dma_semaphore, #tpu.memory_space<semaphore_mem>>) src(%arg10 : memref<128x128xf32, #tpu.memory_space<vmem>>) dst(%dma_wait3A_1098 : memref<10240x128xf32, #tpu.memory_space<vmem_shared>>)
      %add3A_1099 = arith.constant 1 : i32
      %add3A_1100 = arith.addi %add3A_1085, %add3A_1099 : i32
      %dma_start3A_1101 = arith.constant 0 : i32
      %dma_start3A_1102 = tpu.memref_slice %arg7[%add3A_1100, %dma_start3A_1101] : memref<40x128xi32, #tpu.memory_space<vmem>> -> memref<1x128xi32, #tpu.memory_space<vmem>>
      %dma_start3A_1103 = tpu.memref_squeeze %dma_start3A_1102 : memref<1x128xi32, #tpu.memory_space<vmem>> -> memref<128xi32, #tpu.memory_space<vmem>>
      %dma_start3A_1104 = arith.constant 0 : i32
      %dma_start3A_1105 = arith.constant 0 : i32
      %dma_start3A_1106 = tpu.memref_slice %arg2[%dma_start3A_1104, %dma_start3A_1105] : memref<40960x128xf32, #tpu.memory_space<hbm>> -> memref<40960x128xf32, #tpu.memory_space<hbm>>
      tpu.enqueue_indirect_dma source(%dma_start3A_1106 : memref<40960x128xf32, #tpu.memory_space<hbm>>) target(%arg10 : memref<128x128xf32, #tpu.memory_space<vmem>>) offsets(%dma_start3A_1103 : memref<128xi32, #tpu.memory_space<vmem>>) semaphore(%arg12 : memref<!tpu.dma_semaphore, #tpu.memory_space<semaphore_mem>>)
      %dma_start3A_1107 = arith.constant 0 : i32
      %dma_start3A_1108 = tpu.memref_slice %arg8[%add3A_1085, %dma_start3A_1107] : memref<40x128xi32, #tpu.memory_space<vmem>> -> memref<1x128xi32, #tpu.memory_space<vmem>>
      %dma_start3A_1109 = tpu.memref_squeeze %dma_start3A_1108 : memref<1x128xi32, #tpu.memory_space<vmem>> -> memref<128xi32, #tpu.memory_space<vmem>>
      %dma_start3A_1110 = arith.constant 0 : i32
      %dma_start3A_1111 = arith.constant 0 : i32
      %dma_start3A_1112 = tpu.memref_slice %arg11[%dma_start3A_1110, %dma_start3A_1111] : memref<10240x128xf32, #tpu.memory_space<vmem_shared>> -> memref<10240x128xf32, #tpu.memory_space<vmem_shared>>
      tpu.enqueue_indirect_dma source(%arg9 : memref<128x128xf32, #tpu.memory_space<vmem>>) target(%dma_start3A_1112 : memref<10240x128xf32, #tpu.memory_space<vmem_shared>>) offsets(%dma_start3A_1109 : memref<128xi32, #tpu.memory_space<vmem>>) semaphore(%arg13 : memref<!tpu.dma_semaphore, #tpu.memory_space<semaphore_mem>>) {add = true}
      %mul3A_1113 = arith.constant 2 : i32
      %mul3A_1114 = arith.muli %mul3A_1113, %scan3A_1081 : i32
      %add3A_1115 = arith.constant 1 : i32
      %add3A_1116 = arith.addi %mul3A_1114, %add3A_1115 : i32
      %dma_wait3A_1117 = arith.constant 0 : i32
      %dma_wait3A_1118 = tpu.memref_slice %arg7[%add3A_1116, %dma_wait3A_1117] : memref<40x128xi32, #tpu.memory_space<vmem>> -> memref<1x128xi32, #tpu.memory_space<vmem>>
      %dma_wait3A_1119 = tpu.memref_squeeze %dma_wait3A_1118 : memref<1x128xi32, #tpu.memory_space<vmem>> -> memref<128xi32, #tpu.memory_space<vmem>>
      %dma_wait3A_1120 = arith.constant 0 : i32
      %dma_wait3A_1121 = arith.constant 0 : i32
      %dma_wait3A_1122 = tpu.memref_slice %arg2[%dma_wait3A_1120, %dma_wait3A_1121] : memref<40960x128xf32, #tpu.memory_space<hbm>> -> memref<40960x128xf32, #tpu.memory_space<hbm>>
      tpu.wait_indirect_dma semaphore(%arg12 : memref<!tpu.dma_semaphore, #tpu.memory_space<semaphore_mem>>) src(%dma_wait3A_1122 : memref<40960x128xf32, #tpu.memory_space<hbm>>) dst(%arg10 : memref<128x128xf32, #tpu.memory_space<vmem>>)
      %sub3A_1123 = arith.constant 1 : i32
      %sub3A_1124 = arith.subi %add3A_1116, %sub3A_1123 : i32
      %dma_wait3A_1125 = arith.constant 0 : i32
      %dma_wait3A_1126 = tpu.memref_slice %arg8[%sub3A_1124, %dma_wait3A_1125] : memref<40x128xi32, #tpu.memory_space<vmem>> -> memref<1x128xi32, #tpu.memory_space<vmem>>
      %dma_wait3A_1127 = tpu.memref_squeeze %dma_wait3A_1126 : memref<1x128xi32, #tpu.memory_space<vmem>> -> memref<128xi32, #tpu.memory_space<vmem>>
      %dma_wait3A_1128 = arith.constant 0 : i32
      %dma_wait3A_1129 = arith.constant 0 : i32
      %dma_wait3A_1130 = tpu.memref_slice %arg11[%dma_wait3A_1128, %dma_wait3A_1129] : memref<10240x128xf32, #tpu.memory_space<vmem_shared>> -> memref<10240x128xf32, #tpu.memory_space<vmem_shared>>
      tpu.wait_indirect_dma semaphore(%arg13 : memref<!tpu.dma_semaphore, #tpu.memory_space<semaphore_mem>>) src(%arg9 : memref<128x128xf32, #tpu.memory_space<vmem>>) dst(%dma_wait3A_1130 : memref<10240x128xf32, #tpu.memory_space<vmem_shared>>)
      %add3A_1131 = arith.constant 1 : i32
      %add3A_1132 = arith.addi %add3A_1116, %add3A_1131 : i32
      %dma_start3A_1133 = arith.constant 0 : i32
      %dma_start3A_1134 = tpu.memref_slice %arg7[%add3A_1132, %dma_start3A_1133] : memref<40x128xi32, #tpu.memory_space<vmem>> -> memref<1x128xi32, #tpu.memory_space<vmem>>
      %dma_start3A_1135 = tpu.memref_squeeze %dma_start3A_1134 : memref<1x128xi32, #tpu.memory_space<vmem>> -> memref<128xi32, #tpu.memory_space<vmem>>
      %dma_start3A_1136 = arith.constant 0 : i32
      %dma_start3A_1137 = arith.constant 0 : i32
      %dma_start3A_1138 = tpu.memref_slice %arg2[%dma_start3A_1136, %dma_start3A_1137] : memref<40960x128xf32, #tpu.memory_space<hbm>> -> memref<40960x128xf32, #tpu.memory_space<hbm>>
      tpu.enqueue_indirect_dma source(%dma_start3A_1138 : memref<40960x128xf32, #tpu.memory_space<hbm>>) target(%arg9 : memref<128x128xf32, #tpu.memory_space<vmem>>) offsets(%dma_start3A_1135 : memref<128xi32, #tpu.memory_space<vmem>>) semaphore(%arg12 : memref<!tpu.dma_semaphore, #tpu.memory_space<semaphore_mem>>)
      %dma_start3A_1139 = arith.constant 0 : i32
      %dma_start3A_1140 = tpu.memref_slice %arg8[%add3A_1116, %dma_start3A_1139] : memref<40x128xi32, #tpu.memory_space<vmem>> -> memref<1x128xi32, #tpu.memory_space<vmem>>
      %dma_start3A_1141 = tpu.memref_squeeze %dma_start3A_1140 : memref<1x128xi32, #tpu.memory_space<vmem>> -> memref<128xi32, #tpu.memory_space<vmem>>
      %dma_start3A_1142 = arith.constant 0 : i32
      %dma_start3A_1143 = arith.constant 0 : i32
      %dma_start3A_1144 = tpu.memref_slice %arg11[%dma_start3A_1142, %dma_start3A_1143] : memref<10240x128xf32, #tpu.memory_space<vmem_shared>> -> memref<10240x128xf32, #tpu.memory_space<vmem_shared>>
      tpu.enqueue_indirect_dma source(%arg10 : memref<128x128xf32, #tpu.memory_space<vmem>>) target(%dma_start3A_1144 : memref<10240x128xf32, #tpu.memory_space<vmem_shared>>) offsets(%dma_start3A_1141 : memref<128xi32, #tpu.memory_space<vmem>>) semaphore(%arg14 : memref<!tpu.dma_semaphore, #tpu.memory_space<semaphore_mem>>) {add = true}
    }
    %scan3A_73 = arith.constant 18 : i32
    %dma_wait3A_74 = arith.constant 38 : i32
    %dma_wait3A_75 = arith.constant 0 : i32
    %dma_wait3A_76 = tpu.memref_slice %arg7[%dma_wait3A_74, %dma_wait3A_75] : memref<40x128xi32, #tpu.memory_space<vmem>> -> memref<1x128xi32, #tpu.memory_space<vmem>>
    %dma_wait3A_77 = tpu.memref_squeeze %dma_wait3A_76 : memref<1x128xi32, #tpu.memory_space<vmem>> -> memref<128xi32, #tpu.memory_space<vmem>>
    %dma_wait3A_78 = arith.constant 0 : i32
    %dma_wait3A_79 = arith.constant 0 : i32
    %dma_wait3A_80 = tpu.memref_slice %arg2[%dma_wait3A_78, %dma_wait3A_79] : memref<40960x128xf32, #tpu.memory_space<hbm>> -> memref<40960x128xf32, #tpu.memory_space<hbm>>
    tpu.wait_indirect_dma semaphore(%arg12 : memref<!tpu.dma_semaphore, #tpu.memory_space<semaphore_mem>>) src(%dma_wait3A_80 : memref<40960x128xf32, #tpu.memory_space<hbm>>) dst(%arg9 : memref<128x128xf32, #tpu.memory_space<vmem>>)
    %dma_wait3A_81 = arith.constant 37 : i32
    %dma_wait3A_82 = arith.constant 0 : i32
    %dma_wait3A_83 = tpu.memref_slice %arg8[%dma_wait3A_81, %dma_wait3A_82] : memref<40x128xi32, #tpu.memory_space<vmem>> -> memref<1x128xi32, #tpu.memory_space<vmem>>
    %dma_wait3A_84 = tpu.memref_squeeze %dma_wait3A_83 : memref<1x128xi32, #tpu.memory_space<vmem>> -> memref<128xi32, #tpu.memory_space<vmem>>
    %dma_wait3A_85 = arith.constant 0 : i32
    %dma_wait3A_86 = arith.constant 0 : i32
    %dma_wait3A_87 = tpu.memref_slice %arg11[%dma_wait3A_85, %dma_wait3A_86] : memref<10240x128xf32, #tpu.memory_space<vmem_shared>> -> memref<10240x128xf32, #tpu.memory_space<vmem_shared>>
    tpu.wait_indirect_dma semaphore(%arg14 : memref<!tpu.dma_semaphore, #tpu.memory_space<semaphore_mem>>) src(%arg10 : memref<128x128xf32, #tpu.memory_space<vmem>>) dst(%dma_wait3A_87 : memref<10240x128xf32, #tpu.memory_space<vmem_shared>>)
    %dma_start3A_88 = arith.constant 39 : i32
    %dma_start3A_89 = arith.constant 0 : i32
    %dma_start3A_90 = tpu.memref_slice %arg7[%dma_start3A_88, %dma_start3A_89] : memref<40x128xi32, #tpu.memory_space<vmem>> -> memref<1x128xi32, #tpu.memory_space<vmem>>
    %dma_start3A_91 = tpu.memref_squeeze %dma_start3A_90 : memref<1x128xi32, #tpu.memory_space<vmem>> -> memref<128xi32, #tpu.memory_space<vmem>>
    %dma_start3A_92 = arith.constant 0 : i32
    %dma_start3A_93 = arith.constant 0 : i32
    %dma_start3A_94 = tpu.memref_slice %arg2[%dma_start3A_92, %dma_start3A_93] : memref<40960x128xf32, #tpu.memory_space<hbm>> -> memref<40960x128xf32, #tpu.memory_space<hbm>>
    tpu.enqueue_indirect_dma source(%dma_start3A_94 : memref<40960x128xf32, #tpu.memory_space<hbm>>) target(%arg10 : memref<128x128xf32, #tpu.memory_space<vmem>>) offsets(%dma_start3A_91 : memref<128xi32, #tpu.memory_space<vmem>>) semaphore(%arg12 : memref<!tpu.dma_semaphore, #tpu.memory_space<semaphore_mem>>)
    %dma_start3A_95 = arith.constant 38 : i32
    %dma_start3A_96 = arith.constant 0 : i32
    %dma_start3A_97 = tpu.memref_slice %arg8[%dma_start3A_95, %dma_start3A_96] : memref<40x128xi32, #tpu.memory_space<vmem>> -> memref<1x128xi32, #tpu.memory_space<vmem>>
    %dma_start3A_98 = tpu.memref_squeeze %dma_start3A_97 : memref<1x128xi32, #tpu.memory_space<vmem>> -> memref<128xi32, #tpu.memory_space<vmem>>
    %dma_start3A_99 = arith.constant 0 : i32
    %dma_start3A_100 = arith.constant 0 : i32
    %dma_start3A_101 = tpu.memref_slice %arg11[%dma_start3A_99, %dma_start3A_100] : memref<10240x128xf32, #tpu.memory_space<vmem_shared>> -> memref<10240x128xf32, #tpu.memory_space<vmem_shared>>
    tpu.enqueue_indirect_dma source(%arg9 : memref<128x128xf32, #tpu.memory_space<vmem>>) target(%dma_start3A_101 : memref<10240x128xf32, #tpu.memory_space<vmem_shared>>) offsets(%dma_start3A_98 : memref<128xi32, #tpu.memory_space<vmem>>) semaphore(%arg13 : memref<!tpu.dma_semaphore, #tpu.memory_space<semaphore_mem>>) {add = true}
    %dma_wait3A_102 = arith.constant 39 : i32
    %dma_wait3A_103 = arith.constant 0 : i32
    %dma_wait3A_104 = tpu.memref_slice %arg7[%dma_wait3A_102, %dma_wait3A_103] : memref<40x128xi32, #tpu.memory_space<vmem>> -> memref<1x128xi32, #tpu.memory_space<vmem>>
    %dma_wait3A_105 = tpu.memref_squeeze %dma_wait3A_104 : memref<1x128xi32, #tpu.memory_space<vmem>> -> memref<128xi32, #tpu.memory_space<vmem>>
    %dma_wait3A_106 = arith.constant 0 : i32
    %dma_wait3A_107 = arith.constant 0 : i32
    %dma_wait3A_108 = tpu.memref_slice %arg2[%dma_wait3A_106, %dma_wait3A_107] : memref<40960x128xf32, #tpu.memory_space<hbm>> -> memref<40960x128xf32, #tpu.memory_space<hbm>>
    tpu.wait_indirect_dma semaphore(%arg12 : memref<!tpu.dma_semaphore, #tpu.memory_space<semaphore_mem>>) src(%dma_wait3A_108 : memref<40960x128xf32, #tpu.memory_space<hbm>>) dst(%arg10 : memref<128x128xf32, #tpu.memory_space<vmem>>)
    %dma_wait3A_109 = arith.constant 38 : i32
    %dma_wait3A_110 = arith.constant 0 : i32
    %dma_wait3A_111 = tpu.memref_slice %arg8[%dma_wait3A_109, %dma_wait3A_110] : memref<40x128xi32, #tpu.memory_space<vmem>> -> memref<1x128xi32, #tpu.memory_space<vmem>>
    %dma_wait3A_112 = tpu.memref_squeeze %dma_wait3A_111 : memref<1x128xi32, #tpu.memory_space<vmem>> -> memref<128xi32, #tpu.memory_space<vmem>>
    %dma_wait3A_113 = arith.constant 0 : i32
    %dma_wait3A_114 = arith.constant 0 : i32
    %dma_wait3A_115 = tpu.memref_slice %arg11[%dma_wait3A_113, %dma_wait3A_114] : memref<10240x128xf32, #tpu.memory_space<vmem_shared>> -> memref<10240x128xf32, #tpu.memory_space<vmem_shared>>
    tpu.wait_indirect_dma semaphore(%arg13 : memref<!tpu.dma_semaphore, #tpu.memory_space<semaphore_mem>>) src(%arg9 : memref<128x128xf32, #tpu.memory_space<vmem>>) dst(%dma_wait3A_115 : memref<10240x128xf32, #tpu.memory_space<vmem_shared>>)
    %dma_start3A_116 = arith.constant 39 : i32
    %dma_start3A_117 = arith.constant 0 : i32
    %dma_start3A_118 = tpu.memref_slice %arg8[%dma_start3A_116, %dma_start3A_117] : memref<40x128xi32, #tpu.memory_space<vmem>> -> memref<1x128xi32, #tpu.memory_space<vmem>>
    %dma_start3A_119 = tpu.memref_squeeze %dma_start3A_118 : memref<1x128xi32, #tpu.memory_space<vmem>> -> memref<128xi32, #tpu.memory_space<vmem>>
    %dma_start3A_120 = arith.constant 0 : i32
    %dma_start3A_121 = arith.constant 0 : i32
    %dma_start3A_122 = tpu.memref_slice %arg11[%dma_start3A_120, %dma_start3A_121] : memref<10240x128xf32, #tpu.memory_space<vmem_shared>> -> memref<10240x128xf32, #tpu.memory_space<vmem_shared>>
    tpu.enqueue_indirect_dma source(%arg10 : memref<128x128xf32, #tpu.memory_space<vmem>>) target(%dma_start3A_122 : memref<10240x128xf32, #tpu.memory_space<vmem_shared>>) offsets(%dma_start3A_119 : memref<128xi32, #tpu.memory_space<vmem>>) semaphore(%arg14 : memref<!tpu.dma_semaphore, #tpu.memory_space<semaphore_mem>>) {add = true}
    %dma_wait3A_123 = arith.constant 39 : i32
    %dma_wait3A_124 = arith.constant 0 : i32
    %dma_wait3A_125 = tpu.memref_slice %arg8[%dma_wait3A_123, %dma_wait3A_124] : memref<40x128xi32, #tpu.memory_space<vmem>> -> memref<1x128xi32, #tpu.memory_space<vmem>>
    %dma_wait3A_126 = tpu.memref_squeeze %dma_wait3A_125 : memref<1x128xi32, #tpu.memory_space<vmem>> -> memref<128xi32, #tpu.memory_space<vmem>>
    %dma_wait3A_127 = arith.constant 0 : i32
    %dma_wait3A_128 = arith.constant 0 : i32
    %dma_wait3A_129 = tpu.memref_slice %arg11[%dma_wait3A_127, %dma_wait3A_128] : memref<10240x128xf32, #tpu.memory_space<vmem_shared>> -> memref<10240x128xf32, #tpu.memory_space<vmem_shared>>
    tpu.wait_indirect_dma semaphore(%arg14 : memref<!tpu.dma_semaphore, #tpu.memory_space<semaphore_mem>>) src(%arg10 : memref<128x128xf32, #tpu.memory_space<vmem>>) dst(%dma_wait3A_129 : memref<10240x128xf32, #tpu.memory_space<vmem_shared>>)
    %add3A_130 = arith.constant 0 : i32
    %add3A_131 = arith.addi %add3A_130, %add3A : i32
    %mul3A_132 = arith.constant 2 : i32
    %mul3A_133 = arith.muli %add3A_131, %mul3A_132 : i32
    %add3A_134 = arith.constant 1 : i32
    %add3A_135 = arith.addi %mul3A_133, %add3A_134 : i32
    "tpu.region"() ({
      %run_scoped3A = tpu.sem_alloc : memref<!tpu.dma_semaphore, #tpu.memory_space<semaphore_mem>>
      %dma_start3A_1081 = arith.constant 0 : i32
      %dma_start3A_1082 = arith.constant 0 : i32
      %dma_start3A_1083 = tpu.memref_slice %arg3[%add3A_135, %dma_start3A_1081, %dma_start3A_1082] : memref<256x40x128xi32, #tpu.memory_space<hbm>> -> memref<1x40x128xi32, #tpu.memory_space<hbm>>
      %dma_start3A_1084 = tpu.memref_squeeze %dma_start3A_1083 : memref<1x40x128xi32, #tpu.memory_space<hbm>> -> memref<40x128xi32, #tpu.memory_space<hbm>>
      %dma_start3A_1085 = arith.constant 0 : i32
      %dma_start3A_1086 = arith.constant 0 : i32
      %dma_start3A_1087 = tpu.memref_slice %arg3[%add3A_135, %dma_start3A_1085, %dma_start3A_1086] : memref<256x40x128xi32, #tpu.memory_space<hbm>> -> memref<1x40x128xi32, #tpu.memory_space<hbm>>
      %dma_start3A_1088 = tpu.memref_squeeze %dma_start3A_1087 : memref<1x40x128xi32, #tpu.memory_space<hbm>> -> memref<40x128xi32, #tpu.memory_space<hbm>>
      tpu.enqueue_dma source(%dma_start3A_1088 : memref<40x128xi32, #tpu.memory_space<hbm>>) target(%arg7 : memref<40x128xi32, #tpu.memory_space<vmem>>) target_semaphore(%run_scoped3A : memref<!tpu.dma_semaphore, #tpu.memory_space<semaphore_mem>>)
      %dma_wait3A_1089 = arith.constant 0 : i32
      %dma_wait3A_1090 = arith.constant 0 : i32
      %dma_wait3A_1091 = tpu.memref_slice %arg3[%add3A_135, %dma_wait3A_1089, %dma_wait3A_1090] : memref<256x40x128xi32, #tpu.memory_space<hbm>> -> memref<1x40x128xi32, #tpu.memory_space<hbm>>
      %dma_wait3A_1092 = tpu.memref_squeeze %dma_wait3A_1091 : memref<1x40x128xi32, #tpu.memory_space<hbm>> -> memref<40x128xi32, #tpu.memory_space<hbm>>
      %dma_wait3A_1093 = arith.constant 0 : i32
      %dma_wait3A_1094 = arith.constant 0 : i32
      %dma_wait3A_1095 = tpu.memref_slice %arg3[%add3A_135, %dma_wait3A_1093, %dma_wait3A_1094] : memref<256x40x128xi32, #tpu.memory_space<hbm>> -> memref<1x40x128xi32, #tpu.memory_space<hbm>>
      %dma_wait3A_1096 = tpu.memref_squeeze %dma_wait3A_1095 : memref<1x40x128xi32, #tpu.memory_space<hbm>> -> memref<40x128xi32, #tpu.memory_space<hbm>>
      tpu.wait_dma2 semaphore(%run_scoped3A : memref<!tpu.dma_semaphore, #tpu.memory_space<semaphore_mem>>) src(%dma_wait3A_1096 : memref<40x128xi32, #tpu.memory_space<hbm>>) dst(%arg7 : memref<40x128xi32, #tpu.memory_space<vmem>>)
      tpu.yield
    }) : () -> ()
    %mul3A_136 = arith.constant 2 : i32
    %mul3A_137 = arith.muli %add3A, %mul3A_136 : i32
    %add3A_138 = arith.constant 1 : i32
    %add3A_139 = arith.addi %mul3A_137, %add3A_138 : i32
    "tpu.region"() ({
      %run_scoped3A = tpu.sem_alloc : memref<!tpu.dma_semaphore, #tpu.memory_space<semaphore_mem>>
      %dma_start3A_1081 = arith.constant 0 : i32
      %dma_start3A_1082 = arith.constant 0 : i32
      %dma_start3A_1083 = tpu.memref_slice %arg4[%add3A_139, %dma_start3A_1081, %dma_start3A_1082] : memref<64x40x128xi32, #tpu.memory_space<hbm>> -> memref<1x40x128xi32, #tpu.memory_space<hbm>>
      %dma_start3A_1084 = tpu.memref_squeeze %dma_start3A_1083 : memref<1x40x128xi32, #tpu.memory_space<hbm>> -> memref<40x128xi32, #tpu.memory_space<hbm>>
      %dma_start3A_1085 = arith.constant 0 : i32
      %dma_start3A_1086 = arith.constant 0 : i32
      %dma_start3A_1087 = tpu.memref_slice %arg4[%add3A_139, %dma_start3A_1085, %dma_start3A_1086] : memref<64x40x128xi32, #tpu.memory_space<hbm>> -> memref<1x40x128xi32, #tpu.memory_space<hbm>>
      %dma_start3A_1088 = tpu.memref_squeeze %dma_start3A_1087 : memref<1x40x128xi32, #tpu.memory_space<hbm>> -> memref<40x128xi32, #tpu.memory_space<hbm>>
      tpu.enqueue_dma source(%dma_start3A_1088 : memref<40x128xi32, #tpu.memory_space<hbm>>) target(%arg8 : memref<40x128xi32, #tpu.memory_space<vmem>>) target_semaphore(%run_scoped3A : memref<!tpu.dma_semaphore, #tpu.memory_space<semaphore_mem>>)
      %dma_wait3A_1089 = arith.constant 0 : i32
      %dma_wait3A_1090 = arith.constant 0 : i32
      %dma_wait3A_1091 = tpu.memref_slice %arg4[%add3A_139, %dma_wait3A_1089, %dma_wait3A_1090] : memref<64x40x128xi32, #tpu.memory_space<hbm>> -> memref<1x40x128xi32, #tpu.memory_space<hbm>>
      %dma_wait3A_1092 = tpu.memref_squeeze %dma_wait3A_1091 : memref<1x40x128xi32, #tpu.memory_space<hbm>> -> memref<40x128xi32, #tpu.memory_space<hbm>>
      %dma_wait3A_1093 = arith.constant 0 : i32
      %dma_wait3A_1094 = arith.constant 0 : i32
      %dma_wait3A_1095 = tpu.memref_slice %arg4[%add3A_139, %dma_wait3A_1093, %dma_wait3A_1094] : memref<64x40x128xi32, #tpu.memory_space<hbm>> -> memref<1x40x128xi32, #tpu.memory_space<hbm>>
      %dma_wait3A_1096 = tpu.memref_squeeze %dma_wait3A_1095 : memref<1x40x128xi32, #tpu.memory_space<hbm>> -> memref<40x128xi32, #tpu.memory_space<hbm>>
      tpu.wait_dma2 semaphore(%run_scoped3A : memref<!tpu.dma_semaphore, #tpu.memory_space<semaphore_mem>>) src(%dma_wait3A_1096 : memref<40x128xi32, #tpu.memory_space<hbm>>) dst(%arg8 : memref<40x128xi32, #tpu.memory_space<vmem>>)
      tpu.yield
    }) : () -> ()
    %dma_start3A_140 = arith.constant 0 : i32
    %dma_start3A_141 = arith.constant 0 : i32
    %dma_start3A_142 = tpu.memref_slice %arg7[%dma_start3A_140, %dma_start3A_141] : memref<40x128xi32, #tpu.memory_space<vmem>> -> memref<1x128xi32, #tpu.memory_space<vmem>>
    %dma_start3A_143 = tpu.memref_squeeze %dma_start3A_142 : memref<1x128xi32, #tpu.memory_space<vmem>> -> memref<128xi32, #tpu.memory_space<vmem>>
    %dma_start3A_144 = arith.constant 0 : i32
    %dma_start3A_145 = arith.constant 0 : i32
    %dma_start3A_146 = tpu.memref_slice %arg2[%dma_start3A_144, %dma_start3A_145] : memref<40960x128xf32, #tpu.memory_space<hbm>> -> memref<40960x128xf32, #tpu.memory_space<hbm>>
    tpu.enqueue_indirect_dma source(%dma_start3A_146 : memref<40960x128xf32, #tpu.memory_space<hbm>>) target(%arg9 : memref<128x128xf32, #tpu.memory_space<vmem>>) offsets(%dma_start3A_143 : memref<128xi32, #tpu.memory_space<vmem>>) semaphore(%arg12 : memref<!tpu.dma_semaphore, #tpu.memory_space<semaphore_mem>>)
    %dma_wait3A_147 = arith.constant 0 : i32
    %dma_wait3A_148 = arith.constant 0 : i32
    %dma_wait3A_149 = tpu.memref_slice %arg7[%dma_wait3A_147, %dma_wait3A_148] : memref<40x128xi32, #tpu.memory_space<vmem>> -> memref<1x128xi32, #tpu.memory_space<vmem>>
    %dma_wait3A_150 = tpu.memref_squeeze %dma_wait3A_149 : memref<1x128xi32, #tpu.memory_space<vmem>> -> memref<128xi32, #tpu.memory_space<vmem>>
    %dma_wait3A_151 = arith.constant 0 : i32
    %dma_wait3A_152 = arith.constant 0 : i32
    %dma_wait3A_153 = tpu.memref_slice %arg2[%dma_wait3A_151, %dma_wait3A_152] : memref<40960x128xf32, #tpu.memory_space<hbm>> -> memref<40960x128xf32, #tpu.memory_space<hbm>>
    tpu.wait_indirect_dma semaphore(%arg12 : memref<!tpu.dma_semaphore, #tpu.memory_space<semaphore_mem>>) src(%dma_wait3A_153 : memref<40960x128xf32, #tpu.memory_space<hbm>>) dst(%arg9 : memref<128x128xf32, #tpu.memory_space<vmem>>)
    %dma_start3A_154 = arith.constant 1 : i32
    %dma_start3A_155 = arith.constant 0 : i32
    %dma_start3A_156 = tpu.memref_slice %arg7[%dma_start3A_154, %dma_start3A_155] : memref<40x128xi32, #tpu.memory_space<vmem>> -> memref<1x128xi32, #tpu.memory_space<vmem>>
    %dma_start3A_157 = tpu.memref_squeeze %dma_start3A_156 : memref<1x128xi32, #tpu.memory_space<vmem>> -> memref<128xi32, #tpu.memory_space<vmem>>
    %dma_start3A_158 = arith.constant 0 : i32
    %dma_start3A_159 = arith.constant 0 : i32
    %dma_start3A_160 = tpu.memref_slice %arg2[%dma_start3A_158, %dma_start3A_159] : memref<40960x128xf32, #tpu.memory_space<hbm>> -> memref<40960x128xf32, #tpu.memory_space<hbm>>
    tpu.enqueue_indirect_dma source(%dma_start3A_160 : memref<40960x128xf32, #tpu.memory_space<hbm>>) target(%arg10 : memref<128x128xf32, #tpu.memory_space<vmem>>) offsets(%dma_start3A_157 : memref<128xi32, #tpu.memory_space<vmem>>) semaphore(%arg12 : memref<!tpu.dma_semaphore, #tpu.memory_space<semaphore_mem>>)
    %dma_start3A_161 = arith.constant 0 : i32
    %dma_start3A_162 = arith.constant 0 : i32
    %dma_start3A_163 = tpu.memref_slice %arg8[%dma_start3A_161, %dma_start3A_162] : memref<40x128xi32, #tpu.memory_space<vmem>> -> memref<1x128xi32, #tpu.memory_space<vmem>>
    %dma_start3A_164 = tpu.memref_squeeze %dma_start3A_163 : memref<1x128xi32, #tpu.memory_space<vmem>> -> memref<128xi32, #tpu.memory_space<vmem>>
    %dma_start3A_165 = arith.constant 0 : i32
    %dma_start3A_166 = arith.constant 0 : i32
    %dma_start3A_167 = tpu.memref_slice %arg11[%dma_start3A_165, %dma_start3A_166] : memref<10240x128xf32, #tpu.memory_space<vmem_shared>> -> memref<10240x128xf32, #tpu.memory_space<vmem_shared>>
    tpu.enqueue_indirect_dma source(%arg9 : memref<128x128xf32, #tpu.memory_space<vmem>>) target(%dma_start3A_167 : memref<10240x128xf32, #tpu.memory_space<vmem_shared>>) offsets(%dma_start3A_164 : memref<128xi32, #tpu.memory_space<vmem>>) semaphore(%arg13 : memref<!tpu.dma_semaphore, #tpu.memory_space<semaphore_mem>>) {add = true}
    %dma_wait3A_168 = arith.constant 1 : i32
    %dma_wait3A_169 = arith.constant 0 : i32
    %dma_wait3A_170 = tpu.memref_slice %arg7[%dma_wait3A_168, %dma_wait3A_169] : memref<40x128xi32, #tpu.memory_space<vmem>> -> memref<1x128xi32, #tpu.memory_space<vmem>>
    %dma_wait3A_171 = tpu.memref_squeeze %dma_wait3A_170 : memref<1x128xi32, #tpu.memory_space<vmem>> -> memref<128xi32, #tpu.memory_space<vmem>>
    %dma_wait3A_172 = arith.constant 0 : i32
    %dma_wait3A_173 = arith.constant 0 : i32
    %dma_wait3A_174 = tpu.memref_slice %arg2[%dma_wait3A_172, %dma_wait3A_173] : memref<40960x128xf32, #tpu.memory_space<hbm>> -> memref<40960x128xf32, #tpu.memory_space<hbm>>
    tpu.wait_indirect_dma semaphore(%arg12 : memref<!tpu.dma_semaphore, #tpu.memory_space<semaphore_mem>>) src(%dma_wait3A_174 : memref<40960x128xf32, #tpu.memory_space<hbm>>) dst(%arg10 : memref<128x128xf32, #tpu.memory_space<vmem>>)
    %dma_wait3A_175 = arith.constant 0 : i32
    %dma_wait3A_176 = arith.constant 0 : i32
    %dma_wait3A_177 = tpu.memref_slice %arg8[%dma_wait3A_175, %dma_wait3A_176] : memref<40x128xi32, #tpu.memory_space<vmem>> -> memref<1x128xi32, #tpu.memory_space<vmem>>
    %dma_wait3A_178 = tpu.memref_squeeze %dma_wait3A_177 : memref<1x128xi32, #tpu.memory_space<vmem>> -> memref<128xi32, #tpu.memory_space<vmem>>
    %dma_wait3A_179 = arith.constant 0 : i32
    %dma_wait3A_180 = arith.constant 0 : i32
    %dma_wait3A_181 = tpu.memref_slice %arg11[%dma_wait3A_179, %dma_wait3A_180] : memref<10240x128xf32, #tpu.memory_space<vmem_shared>> -> memref<10240x128xf32, #tpu.memory_space<vmem_shared>>
    tpu.wait_indirect_dma semaphore(%arg13 : memref<!tpu.dma_semaphore, #tpu.memory_space<semaphore_mem>>) src(%arg9 : memref<128x128xf32, #tpu.memory_space<vmem>>) dst(%dma_wait3A_181 : memref<10240x128xf32, #tpu.memory_space<vmem_shared>>)
    %dma_start3A_182 = arith.constant 2 : i32
    %dma_start3A_183 = arith.constant 0 : i32
    %dma_start3A_184 = tpu.memref_slice %arg7[%dma_start3A_182, %dma_start3A_183] : memref<40x128xi32, #tpu.memory_space<vmem>> -> memref<1x128xi32, #tpu.memory_space<vmem>>
    %dma_start3A_185 = tpu.memref_squeeze %dma_start3A_184 : memref<1x128xi32, #tpu.memory_space<vmem>> -> memref<128xi32, #tpu.memory_space<vmem>>
    %dma_start3A_186 = arith.constant 0 : i32
    %dma_start3A_187 = arith.constant 0 : i32
    %dma_start3A_188 = tpu.memref_slice %arg2[%dma_start3A_186, %dma_start3A_187] : memref<40960x128xf32, #tpu.memory_space<hbm>> -> memref<40960x128xf32, #tpu.memory_space<hbm>>
    tpu.enqueue_indirect_dma source(%dma_start3A_188 : memref<40960x128xf32, #tpu.memory_space<hbm>>) target(%arg9 : memref<128x128xf32, #tpu.memory_space<vmem>>) offsets(%dma_start3A_185 : memref<128xi32, #tpu.memory_space<vmem>>) semaphore(%arg12 : memref<!tpu.dma_semaphore, #tpu.memory_space<semaphore_mem>>)
    %dma_start3A_189 = arith.constant 1 : i32
    %dma_start3A_190 = arith.constant 0 : i32
    %dma_start3A_191 = tpu.memref_slice %arg8[%dma_start3A_189, %dma_start3A_190] : memref<40x128xi32, #tpu.memory_space<vmem>> -> memref<1x128xi32, #tpu.memory_space<vmem>>
    %dma_start3A_192 = tpu.memref_squeeze %dma_start3A_191 : memref<1x128xi32, #tpu.memory_space<vmem>> -> memref<128xi32, #tpu.memory_space<vmem>>
    %dma_start3A_193 = arith.constant 0 : i32
    %dma_start3A_194 = arith.constant 0 : i32
    %dma_start3A_195 = tpu.memref_slice %arg11[%dma_start3A_193, %dma_start3A_194] : memref<10240x128xf32, #tpu.memory_space<vmem_shared>> -> memref<10240x128xf32, #tpu.memory_space<vmem_shared>>
    tpu.enqueue_indirect_dma source(%arg10 : memref<128x128xf32, #tpu.memory_space<vmem>>) target(%dma_start3A_195 : memref<10240x128xf32, #tpu.memory_space<vmem_shared>>) offsets(%dma_start3A_192 : memref<128xi32, #tpu.memory_space<vmem>>) semaphore(%arg14 : memref<!tpu.dma_semaphore, #tpu.memory_space<semaphore_mem>>) {add = true}
    %scan3A_196 = arith.constant 0 : i32
    %scan3A_197 = arith.constant 1 : i32
    %scan3A_198 = arith.constant 18 : i32
    %scan3A_199 = arith.addi %scan3A_197, %scan3A_198 : i32
    %scan3A_200 = arith.constant 1 : i32
    scf.for %scan3A_1081 = %scan3A_197 to %scan3A_199 step %scan3A_200  : i32 {
      %mul3A_1082 = arith.constant 2 : i32
      %mul3A_1083 = arith.muli %mul3A_1082, %scan3A_1081 : i32
      %add3A_1084 = arith.constant 0 : i32
      %add3A_1085 = arith.addi %mul3A_1083, %add3A_1084 : i32
      %dma_wait3A_1086 = arith.constant 0 : i32
      %dma_wait3A_1087 = tpu.memref_slice %arg7[%add3A_1085, %dma_wait3A_1086] : memref<40x128xi32, #tpu.memory_space<vmem>> -> memref<1x128xi32, #tpu.memory_space<vmem>>
      %dma_wait3A_1088 = tpu.memref_squeeze %dma_wait3A_1087 : memref<1x128xi32, #tpu.memory_space<vmem>> -> memref<128xi32, #tpu.memory_space<vmem>>
      %dma_wait3A_1089 = arith.constant 0 : i32
      %dma_wait3A_1090 = arith.constant 0 : i32
      %dma_wait3A_1091 = tpu.memref_slice %arg2[%dma_wait3A_1089, %dma_wait3A_1090] : memref<40960x128xf32, #tpu.memory_space<hbm>> -> memref<40960x128xf32, #tpu.memory_space<hbm>>
      tpu.wait_indirect_dma semaphore(%arg12 : memref<!tpu.dma_semaphore, #tpu.memory_space<semaphore_mem>>) src(%dma_wait3A_1091 : memref<40960x128xf32, #tpu.memory_space<hbm>>) dst(%arg9 : memref<128x128xf32, #tpu.memory_space<vmem>>)
      %sub3A = arith.constant 1 : i32
      %sub3A_1092 = arith.subi %add3A_1085, %sub3A : i32
      %dma_wait3A_1093 = arith.constant 0 : i32
      %dma_wait3A_1094 = tpu.memref_slice %arg8[%sub3A_1092, %dma_wait3A_1093] : memref<40x128xi32, #tpu.memory_space<vmem>> -> memref<1x128xi32, #tpu.memory_space<vmem>>
      %dma_wait3A_1095 = tpu.memref_squeeze %dma_wait3A_1094 : memref<1x128xi32, #tpu.memory_space<vmem>> -> memref<128xi32, #tpu.memory_space<vmem>>
      %dma_wait3A_1096 = arith.constant 0 : i32
      %dma_wait3A_1097 = arith.constant 0 : i32
      %dma_wait3A_1098 = tpu.memref_slice %arg11[%dma_wait3A_1096, %dma_wait3A_1097] : memref<10240x128xf32, #tpu.memory_space<vmem_shared>> -> memref<10240x128xf32, #tpu.memory_space<vmem_shared>>
      tpu.wait_indirect_dma semaphore(%arg14 : memref<!tpu.dma_semaphore, #tpu.memory_space<semaphore_mem>>) src(%arg10 : memref<128x128xf32, #tpu.memory_space<vmem>>) dst(%dma_wait3A_1098 : memref<10240x128xf32, #tpu.memory_space<vmem_shared>>)
      %add3A_1099 = arith.constant 1 : i32
      %add3A_1100 = arith.addi %add3A_1085, %add3A_1099 : i32
      %dma_start3A_1101 = arith.constant 0 : i32
      %dma_start3A_1102 = tpu.memref_slice %arg7[%add3A_1100, %dma_start3A_1101] : memref<40x128xi32, #tpu.memory_space<vmem>> -> memref<1x128xi32, #tpu.memory_space<vmem>>
      %dma_start3A_1103 = tpu.memref_squeeze %dma_start3A_1102 : memref<1x128xi32, #tpu.memory_space<vmem>> -> memref<128xi32, #tpu.memory_space<vmem>>
      %dma_start3A_1104 = arith.constant 0 : i32
      %dma_start3A_1105 = arith.constant 0 : i32
      %dma_start3A_1106 = tpu.memref_slice %arg2[%dma_start3A_1104, %dma_start3A_1105] : memref<40960x128xf32, #tpu.memory_space<hbm>> -> memref<40960x128xf32, #tpu.memory_space<hbm>>
      tpu.enqueue_indirect_dma source(%dma_start3A_1106 : memref<40960x128xf32, #tpu.memory_space<hbm>>) target(%arg10 : memref<128x128xf32, #tpu.memory_space<vmem>>) offsets(%dma_start3A_1103 : memref<128xi32, #tpu.memory_space<vmem>>) semaphore(%arg12 : memref<!tpu.dma_semaphore, #tpu.memory_space<semaphore_mem>>)
      %dma_start3A_1107 = arith.constant 0 : i32
      %dma_start3A_1108 = tpu.memref_slice %arg8[%add3A_1085, %dma_start3A_1107] : memref<40x128xi32, #tpu.memory_space<vmem>> -> memref<1x128xi32, #tpu.memory_space<vmem>>
      %dma_start3A_1109 = tpu.memref_squeeze %dma_start3A_1108 : memref<1x128xi32, #tpu.memory_space<vmem>> -> memref<128xi32, #tpu.memory_space<vmem>>
      %dma_start3A_1110 = arith.constant 0 : i32
      %dma_start3A_1111 = arith.constant 0 : i32
      %dma_start3A_1112 = tpu.memref_slice %arg11[%dma_start3A_1110, %dma_start3A_1111] : memref<10240x128xf32, #tpu.memory_space<vmem_shared>> -> memref<10240x128xf32, #tpu.memory_space<vmem_shared>>
      tpu.enqueue_indirect_dma source(%arg9 : memref<128x128xf32, #tpu.memory_space<vmem>>) target(%dma_start3A_1112 : memref<10240x128xf32, #tpu.memory_space<vmem_shared>>) offsets(%dma_start3A_1109 : memref<128xi32, #tpu.memory_space<vmem>>) semaphore(%arg13 : memref<!tpu.dma_semaphore, #tpu.memory_space<semaphore_mem>>) {add = true}
      %mul3A_1113 = arith.constant 2 : i32
      %mul3A_1114 = arith.muli %mul3A_1113, %scan3A_1081 : i32
      %add3A_1115 = arith.constant 1 : i32
      %add3A_1116 = arith.addi %mul3A_1114, %add3A_1115 : i32
      %dma_wait3A_1117 = arith.constant 0 : i32
      %dma_wait3A_1118 = tpu.memref_slice %arg7[%add3A_1116, %dma_wait3A_1117] : memref<40x128xi32, #tpu.memory_space<vmem>> -> memref<1x128xi32, #tpu.memory_space<vmem>>
      %dma_wait3A_1119 = tpu.memref_squeeze %dma_wait3A_1118 : memref<1x128xi32, #tpu.memory_space<vmem>> -> memref<128xi32, #tpu.memory_space<vmem>>
      %dma_wait3A_1120 = arith.constant 0 : i32
      %dma_wait3A_1121 = arith.constant 0 : i32
      %dma_wait3A_1122 = tpu.memref_slice %arg2[%dma_wait3A_1120, %dma_wait3A_1121] : memref<40960x128xf32, #tpu.memory_space<hbm>> -> memref<40960x128xf32, #tpu.memory_space<hbm>>
      tpu.wait_indirect_dma semaphore(%arg12 : memref<!tpu.dma_semaphore, #tpu.memory_space<semaphore_mem>>) src(%dma_wait3A_1122 : memref<40960x128xf32, #tpu.memory_space<hbm>>) dst(%arg10 : memref<128x128xf32, #tpu.memory_space<vmem>>)
      %sub3A_1123 = arith.constant 1 : i32
      %sub3A_1124 = arith.subi %add3A_1116, %sub3A_1123 : i32
      %dma_wait3A_1125 = arith.constant 0 : i32
      %dma_wait3A_1126 = tpu.memref_slice %arg8[%sub3A_1124, %dma_wait3A_1125] : memref<40x128xi32, #tpu.memory_space<vmem>> -> memref<1x128xi32, #tpu.memory_space<vmem>>
      %dma_wait3A_1127 = tpu.memref_squeeze %dma_wait3A_1126 : memref<1x128xi32, #tpu.memory_space<vmem>> -> memref<128xi32, #tpu.memory_space<vmem>>
      %dma_wait3A_1128 = arith.constant 0 : i32
      %dma_wait3A_1129 = arith.constant 0 : i32
      %dma_wait3A_1130 = tpu.memref_slice %arg11[%dma_wait3A_1128, %dma_wait3A_1129] : memref<10240x128xf32, #tpu.memory_space<vmem_shared>> -> memref<10240x128xf32, #tpu.memory_space<vmem_shared>>
      tpu.wait_indirect_dma semaphore(%arg13 : memref<!tpu.dma_semaphore, #tpu.memory_space<semaphore_mem>>) src(%arg9 : memref<128x128xf32, #tpu.memory_space<vmem>>) dst(%dma_wait3A_1130 : memref<10240x128xf32, #tpu.memory_space<vmem_shared>>)
      %add3A_1131 = arith.constant 1 : i32
      %add3A_1132 = arith.addi %add3A_1116, %add3A_1131 : i32
      %dma_start3A_1133 = arith.constant 0 : i32
      %dma_start3A_1134 = tpu.memref_slice %arg7[%add3A_1132, %dma_start3A_1133] : memref<40x128xi32, #tpu.memory_space<vmem>> -> memref<1x128xi32, #tpu.memory_space<vmem>>
      %dma_start3A_1135 = tpu.memref_squeeze %dma_start3A_1134 : memref<1x128xi32, #tpu.memory_space<vmem>> -> memref<128xi32, #tpu.memory_space<vmem>>
      %dma_start3A_1136 = arith.constant 0 : i32
      %dma_start3A_1137 = arith.constant 0 : i32
      %dma_start3A_1138 = tpu.memref_slice %arg2[%dma_start3A_1136, %dma_start3A_1137] : memref<40960x128xf32, #tpu.memory_space<hbm>> -> memref<40960x128xf32, #tpu.memory_space<hbm>>
      tpu.enqueue_indirect_dma source(%dma_start3A_1138 : memref<40960x128xf32, #tpu.memory_space<hbm>>) target(%arg9 : memref<128x128xf32, #tpu.memory_space<vmem>>) offsets(%dma_start3A_1135 : memref<128xi32, #tpu.memory_space<vmem>>) semaphore(%arg12 : memref<!tpu.dma_semaphore, #tpu.memory_space<semaphore_mem>>)
      %dma_start3A_1139 = arith.constant 0 : i32
      %dma_start3A_1140 = tpu.memref_slice %arg8[%add3A_1116, %dma_start3A_1139] : memref<40x128xi32, #tpu.memory_space<vmem>> -> memref<1x128xi32, #tpu.memory_space<vmem>>
      %dma_start3A_1141 = tpu.memref_squeeze %dma_start3A_1140 : memref<1x128xi32, #tpu.memory_space<vmem>> -> memref<128xi32, #tpu.memory_space<vmem>>
      %dma_start3A_1142 = arith.constant 0 : i32
      %dma_start3A_1143 = arith.constant 0 : i32
      %dma_start3A_1144 = tpu.memref_slice %arg11[%dma_start3A_1142, %dma_start3A_1143] : memref<10240x128xf32, #tpu.memory_space<vmem_shared>> -> memref<10240x128xf32, #tpu.memory_space<vmem_shared>>
      tpu.enqueue_indirect_dma source(%arg10 : memref<128x128xf32, #tpu.memory_space<vmem>>) target(%dma_start3A_1144 : memref<10240x128xf32, #tpu.memory_space<vmem_shared>>) offsets(%dma_start3A_1141 : memref<128xi32, #tpu.memory_space<vmem>>) semaphore(%arg14 : memref<!tpu.dma_semaphore, #tpu.memory_space<semaphore_mem>>) {add = true}
    }
    %scan3A_201 = arith.constant 18 : i32
    %dma_wait3A_202 = arith.constant 38 : i32
    %dma_wait3A_203 = arith.constant 0 : i32
    %dma_wait3A_204 = tpu.memref_slice %arg7[%dma_wait3A_202, %dma_wait3A_203] : memref<40x128xi32, #tpu.memory_space<vmem>> -> memref<1x128xi32, #tpu.memory_space<vmem>>
    %dma_wait3A_205 = tpu.memref_squeeze %dma_wait3A_204 : memref<1x128xi32, #tpu.memory_space<vmem>> -> memref<128xi32, #tpu.memory_space<vmem>>
    %dma_wait3A_206 = arith.constant 0 : i32
    %dma_wait3A_207 = arith.constant 0 : i32
    %dma_wait3A_208 = tpu.memref_slice %arg2[%dma_wait3A_206, %dma_wait3A_207] : memref<40960x128xf32, #tpu.memory_space<hbm>> -> memref<40960x128xf32, #tpu.memory_space<hbm>>
    tpu.wait_indirect_dma semaphore(%arg12 : memref<!tpu.dma_semaphore, #tpu.memory_space<semaphore_mem>>) src(%dma_wait3A_208 : memref<40960x128xf32, #tpu.memory_space<hbm>>) dst(%arg9 : memref<128x128xf32, #tpu.memory_space<vmem>>)
    %dma_wait3A_209 = arith.constant 37 : i32
    %dma_wait3A_210 = arith.constant 0 : i32
    %dma_wait3A_211 = tpu.memref_slice %arg8[%dma_wait3A_209, %dma_wait3A_210] : memref<40x128xi32, #tpu.memory_space<vmem>> -> memref<1x128xi32, #tpu.memory_space<vmem>>
    %dma_wait3A_212 = tpu.memref_squeeze %dma_wait3A_211 : memref<1x128xi32, #tpu.memory_space<vmem>> -> memref<128xi32, #tpu.memory_space<vmem>>
    %dma_wait3A_213 = arith.constant 0 : i32
    %dma_wait3A_214 = arith.constant 0 : i32
    %dma_wait3A_215 = tpu.memref_slice %arg11[%dma_wait3A_213, %dma_wait3A_214] : memref<10240x128xf32, #tpu.memory_space<vmem_shared>> -> memref<10240x128xf32, #tpu.memory_space<vmem_shared>>
    tpu.wait_indirect_dma semaphore(%arg14 : memref<!tpu.dma_semaphore, #tpu.memory_space<semaphore_mem>>) src(%arg10 : memref<128x128xf32, #tpu.memory_space<vmem>>) dst(%dma_wait3A_215 : memref<10240x128xf32, #tpu.memory_space<vmem_shared>>)
    %dma_start3A_216 = arith.constant 39 : i32
    %dma_start3A_217 = arith.constant 0 : i32
    %dma_start3A_218 = tpu.memref_slice %arg7[%dma_start3A_216, %dma_start3A_217] : memref<40x128xi32, #tpu.memory_space<vmem>> -> memref<1x128xi32, #tpu.memory_space<vmem>>
    %dma_start3A_219 = tpu.memref_squeeze %dma_start3A_218 : memref<1x128xi32, #tpu.memory_space<vmem>> -> memref<128xi32, #tpu.memory_space<vmem>>
    %dma_start3A_220 = arith.constant 0 : i32
    %dma_start3A_221 = arith.constant 0 : i32
    %dma_start3A_222 = tpu.memref_slice %arg2[%dma_start3A_220, %dma_start3A_221] : memref<40960x128xf32, #tpu.memory_space<hbm>> -> memref<40960x128xf32, #tpu.memory_space<hbm>>
    tpu.enqueue_indirect_dma source(%dma_start3A_222 : memref<40960x128xf32, #tpu.memory_space<hbm>>) target(%arg10 : memref<128x128xf32, #tpu.memory_space<vmem>>) offsets(%dma_start3A_219 : memref<128xi32, #tpu.memory_space<vmem>>) semaphore(%arg12 : memref<!tpu.dma_semaphore, #tpu.memory_space<semaphore_mem>>)
    %dma_start3A_223 = arith.constant 38 : i32
    %dma_start3A_224 = arith.constant 0 : i32
    %dma_start3A_225 = tpu.memref_slice %arg8[%dma_start3A_223, %dma_start3A_224] : memref<40x128xi32, #tpu.memory_space<vmem>> -> memref<1x128xi32, #tpu.memory_space<vmem>>
    %dma_start3A_226 = tpu.memref_squeeze %dma_start3A_225 : memref<1x128xi32, #tpu.memory_space<vmem>> -> memref<128xi32, #tpu.memory_space<vmem>>
    %dma_start3A_227 = arith.constant 0 : i32
    %dma_start3A_228 = arith.constant 0 : i32
    %dma_start3A_229 = tpu.memref_slice %arg11[%dma_start3A_227, %dma_start3A_228] : memref<10240x128xf32, #tpu.memory_space<vmem_shared>> -> memref<10240x128xf32, #tpu.memory_space<vmem_shared>>
    tpu.enqueue_indirect_dma source(%arg9 : memref<128x128xf32, #tpu.memory_space<vmem>>) target(%dma_start3A_229 : memref<10240x128xf32, #tpu.memory_space<vmem_shared>>) offsets(%dma_start3A_226 : memref<128xi32, #tpu.memory_space<vmem>>) semaphore(%arg13 : memref<!tpu.dma_semaphore, #tpu.memory_space<semaphore_mem>>) {add = true}
    %dma_wait3A_230 = arith.constant 39 : i32
    %dma_wait3A_231 = arith.constant 0 : i32
    %dma_wait3A_232 = tpu.memref_slice %arg7[%dma_wait3A_230, %dma_wait3A_231] : memref<40x128xi32, #tpu.memory_space<vmem>> -> memref<1x128xi32, #tpu.memory_space<vmem>>
    %dma_wait3A_233 = tpu.memref_squeeze %dma_wait3A_232 : memref<1x128xi32, #tpu.memory_space<vmem>> -> memref<128xi32, #tpu.memory_space<vmem>>
    %dma_wait3A_234 = arith.constant 0 : i32
    %dma_wait3A_235 = arith.constant 0 : i32
    %dma_wait3A_236 = tpu.memref_slice %arg2[%dma_wait3A_234, %dma_wait3A_235] : memref<40960x128xf32, #tpu.memory_space<hbm>> -> memref<40960x128xf32, #tpu.memory_space<hbm>>
    tpu.wait_indirect_dma semaphore(%arg12 : memref<!tpu.dma_semaphore, #tpu.memory_space<semaphore_mem>>) src(%dma_wait3A_236 : memref<40960x128xf32, #tpu.memory_space<hbm>>) dst(%arg10 : memref<128x128xf32, #tpu.memory_space<vmem>>)
    %dma_wait3A_237 = arith.constant 38 : i32
    %dma_wait3A_238 = arith.constant 0 : i32
    %dma_wait3A_239 = tpu.memref_slice %arg8[%dma_wait3A_237, %dma_wait3A_238] : memref<40x128xi32, #tpu.memory_space<vmem>> -> memref<1x128xi32, #tpu.memory_space<vmem>>
    %dma_wait3A_240 = tpu.memref_squeeze %dma_wait3A_239 : memref<1x128xi32, #tpu.memory_space<vmem>> -> memref<128xi32, #tpu.memory_space<vmem>>
    %dma_wait3A_241 = arith.constant 0 : i32
    %dma_wait3A_242 = arith.constant 0 : i32
    %dma_wait3A_243 = tpu.memref_slice %arg11[%dma_wait3A_241, %dma_wait3A_242] : memref<10240x128xf32, #tpu.memory_space<vmem_shared>> -> memref<10240x128xf32, #tpu.memory_space<vmem_shared>>
    tpu.wait_indirect_dma semaphore(%arg13 : memref<!tpu.dma_semaphore, #tpu.memory_space<semaphore_mem>>) src(%arg9 : memref<128x128xf32, #tpu.memory_space<vmem>>) dst(%dma_wait3A_243 : memref<10240x128xf32, #tpu.memory_space<vmem_shared>>)
    %dma_start3A_244 = arith.constant 39 : i32
    %dma_start3A_245 = arith.constant 0 : i32
    %dma_start3A_246 = tpu.memref_slice %arg8[%dma_start3A_244, %dma_start3A_245] : memref<40x128xi32, #tpu.memory_space<vmem>> -> memref<1x128xi32, #tpu.memory_space<vmem>>
    %dma_start3A_247 = tpu.memref_squeeze %dma_start3A_246 : memref<1x128xi32, #tpu.memory_space<vmem>> -> memref<128xi32, #tpu.memory_space<vmem>>
    %dma_start3A_248 = arith.constant 0 : i32
    %dma_start3A_249 = arith.constant 0 : i32
    %dma_start3A_250 = tpu.memref_slice %arg11[%dma_start3A_248, %dma_start3A_249] : memref<10240x128xf32, #tpu.memory_space<vmem_shared>> -> memref<10240x128xf32, #tpu.memory_space<vmem_shared>>
    tpu.enqueue_indirect_dma source(%arg10 : memref<128x128xf32, #tpu.memory_space<vmem>>) target(%dma_start3A_250 : memref<10240x128xf32, #tpu.memory_space<vmem_shared>>) offsets(%dma_start3A_247 : memref<128xi32, #tpu.memory_space<vmem>>) semaphore(%arg14 : memref<!tpu.dma_semaphore, #tpu.memory_space<semaphore_mem>>) {add = true}
    %dma_wait3A_251 = arith.constant 39 : i32
    %dma_wait3A_252 = arith.constant 0 : i32
    %dma_wait3A_253 = tpu.memref_slice %arg8[%dma_wait3A_251, %dma_wait3A_252] : memref<40x128xi32, #tpu.memory_space<vmem>> -> memref<1x128xi32, #tpu.memory_space<vmem>>
    %dma_wait3A_254 = tpu.memref_squeeze %dma_wait3A_253 : memref<1x128xi32, #tpu.memory_space<vmem>> -> memref<128xi32, #tpu.memory_space<vmem>>
    %dma_wait3A_255 = arith.constant 0 : i32
    %dma_wait3A_256 = arith.constant 0 : i32
    %dma_wait3A_257 = tpu.memref_slice %arg11[%dma_wait3A_255, %dma_wait3A_256] : memref<10240x128xf32, #tpu.memory_space<vmem_shared>> -> memref<10240x128xf32, #tpu.memory_space<vmem_shared>>
    tpu.wait_indirect_dma semaphore(%arg14 : memref<!tpu.dma_semaphore, #tpu.memory_space<semaphore_mem>>) src(%arg10 : memref<128x128xf32, #tpu.memory_space<vmem>>) dst(%dma_wait3A_257 : memref<10240x128xf32, #tpu.memory_space<vmem_shared>>)
    %barrier3A_258 = arith.constant 0 : index
    tpu.barrier barrier_id(%barrier3A_258)
    %mul3A_259 = arith.constant 640 : i32
    %mul3A_260 = arith.muli %arg1, %mul3A_259 : i32
    %add3A_261 = arith.constant 0 : i32
    %add3A_262 = arith.addi %add3A_261, %arg0 : i32
    %mul3A_263 = arith.constant 10240 : i32
    %mul3A_264 = arith.muli %add3A_262, %mul3A_263 : i32
    %mul3A_265 = arith.constant 640 : i32
    %mul3A_266 = arith.muli %arg1, %mul3A_265 : i32
    %add3A_267 = arith.addi %mul3A_264, %mul3A_266 : i32
    "tpu.region"() ({
      %run_scoped3A = tpu.sem_alloc : memref<!tpu.dma_semaphore, #tpu.memory_space<semaphore_mem>>
      %dma_start3A_1081 = arith.constant 0 : i32
      %dma_start3A_1082 = tpu.memref_slice %arg6[%add3A_267, %dma_start3A_1081] : memref<81920x128xf32, #tpu.memory_space<hbm>> -> memref<640x128xf32, #tpu.memory_space<hbm>>
      %dma_start3A_1083 = arith.constant 0 : i32
      %dma_start3A_1084 = tpu.memref_slice %arg11[%mul3A_260, %dma_start3A_1083] : memref<10240x128xf32, #tpu.memory_space<vmem_shared>> -> memref<640x128xf32, #tpu.memory_space<vmem_shared>>
      tpu.enqueue_dma source(%dma_start3A_1084 : memref<640x128xf32, #tpu.memory_space<vmem_shared>>) target(%dma_start3A_1082 : memref<640x128xf32, #tpu.memory_space<hbm>>) target_semaphore(%run_scoped3A : memref<!tpu.dma_semaphore, #tpu.memory_space<semaphore_mem>>)
      %dma_wait3A_1085 = arith.constant 0 : i32
      %dma_wait3A_1086 = tpu.memref_slice %arg6[%add3A_267, %dma_wait3A_1085] : memref<81920x128xf32, #tpu.memory_space<hbm>> -> memref<640x128xf32, #tpu.memory_space<hbm>>
      %dma_wait3A_1087 = arith.constant 0 : i32
      %dma_wait3A_1088 = tpu.memref_slice %arg11[%mul3A_260, %dma_wait3A_1087] : memref<10240x128xf32, #tpu.memory_space<vmem_shared>> -> memref<640x128xf32, #tpu.memory_space<vmem_shared>>
      tpu.wait_dma2 semaphore(%run_scoped3A : memref<!tpu.dma_semaphore, #tpu.memory_space<semaphore_mem>>) src(%dma_wait3A_1088 : memref<640x128xf32, #tpu.memory_space<vmem_shared>>) dst(%dma_wait3A_1086 : memref<640x128xf32, #tpu.memory_space<hbm>>)
      tpu.yield
    }) : () -> ()
    %mul3A_268 = arith.constant 640 : i32
    %mul3A_269 = arith.muli %arg1, %mul3A_268 : i32
    %mul3A_270 = arith.constant 640 : i32
    %mul3A_271 = arith.muli %arg1, %mul3A_270 : i32
    "tpu.region"() ({
      %run_scoped3A = tpu.sem_alloc : memref<!tpu.dma_semaphore, #tpu.memory_space<semaphore_mem>>
      %dma_start3A_1081 = arith.constant 0 : i32
      %dma_start3A_1082 = tpu.memref_slice %arg11[%mul3A_271, %dma_start3A_1081] : memref<10240x128xf32, #tpu.memory_space<vmem_shared>> -> memref<640x128xf32, #tpu.memory_space<vmem_shared>>
      %dma_start3A_1083 = arith.constant 0 : i32
      %dma_start3A_1084 = tpu.memref_slice %arg5[%mul3A_269, %dma_start3A_1083] : memref<10240x128xf32, #tpu.memory_space<hbm>> -> memref<640x128xf32, #tpu.memory_space<hbm>>
      tpu.enqueue_dma source(%dma_start3A_1084 : memref<640x128xf32, #tpu.memory_space<hbm>>) target(%dma_start3A_1082 : memref<640x128xf32, #tpu.memory_space<vmem_shared>>) target_semaphore(%run_scoped3A : memref<!tpu.dma_semaphore, #tpu.memory_space<semaphore_mem>>)
      %dma_wait3A_1085 = arith.constant 0 : i32
      %dma_wait3A_1086 = tpu.memref_slice %arg11[%mul3A_271, %dma_wait3A_1085] : memref<10240x128xf32, #tpu.memory_space<vmem_shared>> -> memref<640x128xf32, #tpu.memory_space<vmem_shared>>
      %dma_wait3A_1087 = arith.constant 0 : i32
      %dma_wait3A_1088 = tpu.memref_slice %arg5[%mul3A_269, %dma_wait3A_1087] : memref<10240x128xf32, #tpu.memory_space<hbm>> -> memref<640x128xf32, #tpu.memory_space<hbm>>
      tpu.wait_dma2 semaphore(%run_scoped3A : memref<!tpu.dma_semaphore, #tpu.memory_space<semaphore_mem>>) src(%dma_wait3A_1088 : memref<640x128xf32, #tpu.memory_space<hbm>>) dst(%dma_wait3A_1086 : memref<640x128xf32, #tpu.memory_space<vmem_shared>>)
      tpu.yield
    }) : () -> ()
    %barrier3A_272 = arith.constant 0 : index
    tpu.barrier barrier_id(%barrier3A_272)
    %add3A_273 = arith.constant 32 : i32
    %add3A_274 = arith.addi %add3A_273, %add3A : i32
    %mul3A_275 = arith.constant 2 : i32
    %mul3A_276 = arith.muli %add3A_274, %mul3A_275 : i32
    %add3A_277 = arith.constant 0 : i32
    %add3A_278 = arith.addi %mul3A_276, %add3A_277 : i32
    "tpu.region"() ({
      %run_scoped3A = tpu.sem_alloc : memref<!tpu.dma_semaphore, #tpu.memory_space<semaphore_mem>>
      %dma_start3A_1081 = arith.constant 0 : i32
      %dma_start3A_1082 = arith.constant 0 : i32
      %dma_start3A_1083 = tpu.memref_slice %arg3[%add3A_278, %dma_start3A_1081, %dma_start3A_1082] : memref<256x40x128xi32, #tpu.memory_space<hbm>> -> memref<1x40x128xi32, #tpu.memory_space<hbm>>
      %dma_start3A_1084 = tpu.memref_squeeze %dma_start3A_1083 : memref<1x40x128xi32, #tpu.memory_space<hbm>> -> memref<40x128xi32, #tpu.memory_space<hbm>>
      %dma_start3A_1085 = arith.constant 0 : i32
      %dma_start3A_1086 = arith.constant 0 : i32
      %dma_start3A_1087 = tpu.memref_slice %arg3[%add3A_278, %dma_start3A_1085, %dma_start3A_1086] : memref<256x40x128xi32, #tpu.memory_space<hbm>> -> memref<1x40x128xi32, #tpu.memory_space<hbm>>
      %dma_start3A_1088 = tpu.memref_squeeze %dma_start3A_1087 : memref<1x40x128xi32, #tpu.memory_space<hbm>> -> memref<40x128xi32, #tpu.memory_space<hbm>>
      tpu.enqueue_dma source(%dma_start3A_1088 : memref<40x128xi32, #tpu.memory_space<hbm>>) target(%arg7 : memref<40x128xi32, #tpu.memory_space<vmem>>) target_semaphore(%run_scoped3A : memref<!tpu.dma_semaphore, #tpu.memory_space<semaphore_mem>>)
      %dma_wait3A_1089 = arith.constant 0 : i32
      %dma_wait3A_1090 = arith.constant 0 : i32
      %dma_wait3A_1091 = tpu.memref_slice %arg3[%add3A_278, %dma_wait3A_1089, %dma_wait3A_1090] : memref<256x40x128xi32, #tpu.memory_space<hbm>> -> memref<1x40x128xi32, #tpu.memory_space<hbm>>
      %dma_wait3A_1092 = tpu.memref_squeeze %dma_wait3A_1091 : memref<1x40x128xi32, #tpu.memory_space<hbm>> -> memref<40x128xi32, #tpu.memory_space<hbm>>
      %dma_wait3A_1093 = arith.constant 0 : i32
      %dma_wait3A_1094 = arith.constant 0 : i32
      %dma_wait3A_1095 = tpu.memref_slice %arg3[%add3A_278, %dma_wait3A_1093, %dma_wait3A_1094] : memref<256x40x128xi32, #tpu.memory_space<hbm>> -> memref<1x40x128xi32, #tpu.memory_space<hbm>>
      %dma_wait3A_1096 = tpu.memref_squeeze %dma_wait3A_1095 : memref<1x40x128xi32, #tpu.memory_space<hbm>> -> memref<40x128xi32, #tpu.memory_space<hbm>>
      tpu.wait_dma2 semaphore(%run_scoped3A : memref<!tpu.dma_semaphore, #tpu.memory_space<semaphore_mem>>) src(%dma_wait3A_1096 : memref<40x128xi32, #tpu.memory_space<hbm>>) dst(%arg7 : memref<40x128xi32, #tpu.memory_space<vmem>>)
      tpu.yield
    }) : () -> ()
    %mul3A_279 = arith.constant 2 : i32
    %mul3A_280 = arith.muli %add3A, %mul3A_279 : i32
    %add3A_281 = arith.constant 0 : i32
    %add3A_282 = arith.addi %mul3A_280, %add3A_281 : i32
    "tpu.region"() ({
      %run_scoped3A = tpu.sem_alloc : memref<!tpu.dma_semaphore, #tpu.memory_space<semaphore_mem>>
      %dma_start3A_1081 = arith.constant 0 : i32
      %dma_start3A_1082 = arith.constant 0 : i32
      %dma_start3A_1083 = tpu.memref_slice %arg4[%add3A_282, %dma_start3A_1081, %dma_start3A_1082] : memref<64x40x128xi32, #tpu.memory_space<hbm>> -> memref<1x40x128xi32, #tpu.memory_space<hbm>>
      %dma_start3A_1084 = tpu.memref_squeeze %dma_start3A_1083 : memref<1x40x128xi32, #tpu.memory_space<hbm>> -> memref<40x128xi32, #tpu.memory_space<hbm>>
      %dma_start3A_1085 = arith.constant 0 : i32
      %dma_start3A_1086 = arith.constant 0 : i32
      %dma_start3A_1087 = tpu.memref_slice %arg4[%add3A_282, %dma_start3A_1085, %dma_start3A_1086] : memref<64x40x128xi32, #tpu.memory_space<hbm>> -> memref<1x40x128xi32, #tpu.memory_space<hbm>>
      %dma_start3A_1088 = tpu.memref_squeeze %dma_start3A_1087 : memref<1x40x128xi32, #tpu.memory_space<hbm>> -> memref<40x128xi32, #tpu.memory_space<hbm>>
      tpu.enqueue_dma source(%dma_start3A_1088 : memref<40x128xi32, #tpu.memory_space<hbm>>) target(%arg8 : memref<40x128xi32, #tpu.memory_space<vmem>>) target_semaphore(%run_scoped3A : memref<!tpu.dma_semaphore, #tpu.memory_space<semaphore_mem>>)
      %dma_wait3A_1089 = arith.constant 0 : i32
      %dma_wait3A_1090 = arith.constant 0 : i32
      %dma_wait3A_1091 = tpu.memref_slice %arg4[%add3A_282, %dma_wait3A_1089, %dma_wait3A_1090] : memref<64x40x128xi32, #tpu.memory_space<hbm>> -> memref<1x40x128xi32, #tpu.memory_space<hbm>>
      %dma_wait3A_1092 = tpu.memref_squeeze %dma_wait3A_1091 : memref<1x40x128xi32, #tpu.memory_space<hbm>> -> memref<40x128xi32, #tpu.memory_space<hbm>>
      %dma_wait3A_1093 = arith.constant 0 : i32
      %dma_wait3A_1094 = arith.constant 0 : i32
      %dma_wait3A_1095 = tpu.memref_slice %arg4[%add3A_282, %dma_wait3A_1093, %dma_wait3A_1094] : memref<64x40x128xi32, #tpu.memory_space<hbm>> -> memref<1x40x128xi32, #tpu.memory_space<hbm>>
      %dma_wait3A_1096 = tpu.memref_squeeze %dma_wait3A_1095 : memref<1x40x128xi32, #tpu.memory_space<hbm>> -> memref<40x128xi32, #tpu.memory_space<hbm>>
      tpu.wait_dma2 semaphore(%run_scoped3A : memref<!tpu.dma_semaphore, #tpu.memory_space<semaphore_mem>>) src(%dma_wait3A_1096 : memref<40x128xi32, #tpu.memory_space<hbm>>) dst(%arg8 : memref<40x128xi32, #tpu.memory_space<vmem>>)
      tpu.yield
    }) : () -> ()
    %dma_start3A_283 = arith.constant 0 : i32
    %dma_start3A_284 = arith.constant 0 : i32
    %dma_start3A_285 = tpu.memref_slice %arg7[%dma_start3A_283, %dma_start3A_284] : memref<40x128xi32, #tpu.memory_space<vmem>> -> memref<1x128xi32, #tpu.memory_space<vmem>>
    %dma_start3A_286 = tpu.memref_squeeze %dma_start3A_285 : memref<1x128xi32, #tpu.memory_space<vmem>> -> memref<128xi32, #tpu.memory_space<vmem>>
    %dma_start3A_287 = arith.constant 0 : i32
    %dma_start3A_288 = arith.constant 0 : i32
    %dma_start3A_289 = tpu.memref_slice %arg2[%dma_start3A_287, %dma_start3A_288] : memref<40960x128xf32, #tpu.memory_space<hbm>> -> memref<40960x128xf32, #tpu.memory_space<hbm>>
    tpu.enqueue_indirect_dma source(%dma_start3A_289 : memref<40960x128xf32, #tpu.memory_space<hbm>>) target(%arg9 : memref<128x128xf32, #tpu.memory_space<vmem>>) offsets(%dma_start3A_286 : memref<128xi32, #tpu.memory_space<vmem>>) semaphore(%arg12 : memref<!tpu.dma_semaphore, #tpu.memory_space<semaphore_mem>>)
    %dma_wait3A_290 = arith.constant 0 : i32
    %dma_wait3A_291 = arith.constant 0 : i32
    %dma_wait3A_292 = tpu.memref_slice %arg7[%dma_wait3A_290, %dma_wait3A_291] : memref<40x128xi32, #tpu.memory_space<vmem>> -> memref<1x128xi32, #tpu.memory_space<vmem>>
    %dma_wait3A_293 = tpu.memref_squeeze %dma_wait3A_292 : memref<1x128xi32, #tpu.memory_space<vmem>> -> memref<128xi32, #tpu.memory_space<vmem>>
    %dma_wait3A_294 = arith.constant 0 : i32
    %dma_wait3A_295 = arith.constant 0 : i32
    %dma_wait3A_296 = tpu.memref_slice %arg2[%dma_wait3A_294, %dma_wait3A_295] : memref<40960x128xf32, #tpu.memory_space<hbm>> -> memref<40960x128xf32, #tpu.memory_space<hbm>>
    tpu.wait_indirect_dma semaphore(%arg12 : memref<!tpu.dma_semaphore, #tpu.memory_space<semaphore_mem>>) src(%dma_wait3A_296 : memref<40960x128xf32, #tpu.memory_space<hbm>>) dst(%arg9 : memref<128x128xf32, #tpu.memory_space<vmem>>)
    %dma_start3A_297 = arith.constant 1 : i32
    %dma_start3A_298 = arith.constant 0 : i32
    %dma_start3A_299 = tpu.memref_slice %arg7[%dma_start3A_297, %dma_start3A_298] : memref<40x128xi32, #tpu.memory_space<vmem>> -> memref<1x128xi32, #tpu.memory_space<vmem>>
    %dma_start3A_300 = tpu.memref_squeeze %dma_start3A_299 : memref<1x128xi32, #tpu.memory_space<vmem>> -> memref<128xi32, #tpu.memory_space<vmem>>
    %dma_start3A_301 = arith.constant 0 : i32
    %dma_start3A_302 = arith.constant 0 : i32
    %dma_start3A_303 = tpu.memref_slice %arg2[%dma_start3A_301, %dma_start3A_302] : memref<40960x128xf32, #tpu.memory_space<hbm>> -> memref<40960x128xf32, #tpu.memory_space<hbm>>
    tpu.enqueue_indirect_dma source(%dma_start3A_303 : memref<40960x128xf32, #tpu.memory_space<hbm>>) target(%arg10 : memref<128x128xf32, #tpu.memory_space<vmem>>) offsets(%dma_start3A_300 : memref<128xi32, #tpu.memory_space<vmem>>) semaphore(%arg12 : memref<!tpu.dma_semaphore, #tpu.memory_space<semaphore_mem>>)
    %dma_start3A_304 = arith.constant 0 : i32
    %dma_start3A_305 = arith.constant 0 : i32
    %dma_start3A_306 = tpu.memref_slice %arg8[%dma_start3A_304, %dma_start3A_305] : memref<40x128xi32, #tpu.memory_space<vmem>> -> memref<1x128xi32, #tpu.memory_space<vmem>>
    %dma_start3A_307 = tpu.memref_squeeze %dma_start3A_306 : memref<1x128xi32, #tpu.memory_space<vmem>> -> memref<128xi32, #tpu.memory_space<vmem>>
    %dma_start3A_308 = arith.constant 0 : i32
    %dma_start3A_309 = arith.constant 0 : i32
    %dma_start3A_310 = tpu.memref_slice %arg11[%dma_start3A_308, %dma_start3A_309] : memref<10240x128xf32, #tpu.memory_space<vmem_shared>> -> memref<10240x128xf32, #tpu.memory_space<vmem_shared>>
    tpu.enqueue_indirect_dma source(%arg9 : memref<128x128xf32, #tpu.memory_space<vmem>>) target(%dma_start3A_310 : memref<10240x128xf32, #tpu.memory_space<vmem_shared>>) offsets(%dma_start3A_307 : memref<128xi32, #tpu.memory_space<vmem>>) semaphore(%arg13 : memref<!tpu.dma_semaphore, #tpu.memory_space<semaphore_mem>>) {add = true}
    %dma_wait3A_311 = arith.constant 1 : i32
    %dma_wait3A_312 = arith.constant 0 : i32
    %dma_wait3A_313 = tpu.memref_slice %arg7[%dma_wait3A_311, %dma_wait3A_312] : memref<40x128xi32, #tpu.memory_space<vmem>> -> memref<1x128xi32, #tpu.memory_space<vmem>>
    %dma_wait3A_314 = tpu.memref_squeeze %dma_wait3A_313 : memref<1x128xi32, #tpu.memory_space<vmem>> -> memref<128xi32, #tpu.memory_space<vmem>>
    %dma_wait3A_315 = arith.constant 0 : i32
    %dma_wait3A_316 = arith.constant 0 : i32
    %dma_wait3A_317 = tpu.memref_slice %arg2[%dma_wait3A_315, %dma_wait3A_316] : memref<40960x128xf32, #tpu.memory_space<hbm>> -> memref<40960x128xf32, #tpu.memory_space<hbm>>
    tpu.wait_indirect_dma semaphore(%arg12 : memref<!tpu.dma_semaphore, #tpu.memory_space<semaphore_mem>>) src(%dma_wait3A_317 : memref<40960x128xf32, #tpu.memory_space<hbm>>) dst(%arg10 : memref<128x128xf32, #tpu.memory_space<vmem>>)
    %dma_wait3A_318 = arith.constant 0 : i32
    %dma_wait3A_319 = arith.constant 0 : i32
    %dma_wait3A_320 = tpu.memref_slice %arg8[%dma_wait3A_318, %dma_wait3A_319] : memref<40x128xi32, #tpu.memory_space<vmem>> -> memref<1x128xi32, #tpu.memory_space<vmem>>
    %dma_wait3A_321 = tpu.memref_squeeze %dma_wait3A_320 : memref<1x128xi32, #tpu.memory_space<vmem>> -> memref<128xi32, #tpu.memory_space<vmem>>
    %dma_wait3A_322 = arith.constant 0 : i32
    %dma_wait3A_323 = arith.constant 0 : i32
    %dma_wait3A_324 = tpu.memref_slice %arg11[%dma_wait3A_322, %dma_wait3A_323] : memref<10240x128xf32, #tpu.memory_space<vmem_shared>> -> memref<10240x128xf32, #tpu.memory_space<vmem_shared>>
    tpu.wait_indirect_dma semaphore(%arg13 : memref<!tpu.dma_semaphore, #tpu.memory_space<semaphore_mem>>) src(%arg9 : memref<128x128xf32, #tpu.memory_space<vmem>>) dst(%dma_wait3A_324 : memref<10240x128xf32, #tpu.memory_space<vmem_shared>>)
    %dma_start3A_325 = arith.constant 2 : i32
    %dma_start3A_326 = arith.constant 0 : i32
    %dma_start3A_327 = tpu.memref_slice %arg7[%dma_start3A_325, %dma_start3A_326] : memref<40x128xi32, #tpu.memory_space<vmem>> -> memref<1x128xi32, #tpu.memory_space<vmem>>
    %dma_start3A_328 = tpu.memref_squeeze %dma_start3A_327 : memref<1x128xi32, #tpu.memory_space<vmem>> -> memref<128xi32, #tpu.memory_space<vmem>>
    %dma_start3A_329 = arith.constant 0 : i32
    %dma_start3A_330 = arith.constant 0 : i32
    %dma_start3A_331 = tpu.memref_slice %arg2[%dma_start3A_329, %dma_start3A_330] : memref<40960x128xf32, #tpu.memory_space<hbm>> -> memref<40960x128xf32, #tpu.memory_space<hbm>>
    tpu.enqueue_indirect_dma source(%dma_start3A_331 : memref<40960x128xf32, #tpu.memory_space<hbm>>) target(%arg9 : memref<128x128xf32, #tpu.memory_space<vmem>>) offsets(%dma_start3A_328 : memref<128xi32, #tpu.memory_space<vmem>>) semaphore(%arg12 : memref<!tpu.dma_semaphore, #tpu.memory_space<semaphore_mem>>)
    %dma_start3A_332 = arith.constant 1 : i32
    %dma_start3A_333 = arith.constant 0 : i32
    %dma_start3A_334 = tpu.memref_slice %arg8[%dma_start3A_332, %dma_start3A_333] : memref<40x128xi32, #tpu.memory_space<vmem>> -> memref<1x128xi32, #tpu.memory_space<vmem>>
    %dma_start3A_335 = tpu.memref_squeeze %dma_start3A_334 : memref<1x128xi32, #tpu.memory_space<vmem>> -> memref<128xi32, #tpu.memory_space<vmem>>
    %dma_start3A_336 = arith.constant 0 : i32
    %dma_start3A_337 = arith.constant 0 : i32
    %dma_start3A_338 = tpu.memref_slice %arg11[%dma_start3A_336, %dma_start3A_337] : memref<10240x128xf32, #tpu.memory_space<vmem_shared>> -> memref<10240x128xf32, #tpu.memory_space<vmem_shared>>
    tpu.enqueue_indirect_dma source(%arg10 : memref<128x128xf32, #tpu.memory_space<vmem>>) target(%dma_start3A_338 : memref<10240x128xf32, #tpu.memory_space<vmem_shared>>) offsets(%dma_start3A_335 : memref<128xi32, #tpu.memory_space<vmem>>) semaphore(%arg14 : memref<!tpu.dma_semaphore, #tpu.memory_space<semaphore_mem>>) {add = true}
    %scan3A_339 = arith.constant 0 : i32
    %scan3A_340 = arith.constant 1 : i32
    %scan3A_341 = arith.constant 18 : i32
    %scan3A_342 = arith.addi %scan3A_340, %scan3A_341 : i32
    %scan3A_343 = arith.constant 1 : i32
    scf.for %scan3A_1081 = %scan3A_340 to %scan3A_342 step %scan3A_343  : i32 {
      %mul3A_1082 = arith.constant 2 : i32
      %mul3A_1083 = arith.muli %mul3A_1082, %scan3A_1081 : i32
      %add3A_1084 = arith.constant 0 : i32
      %add3A_1085 = arith.addi %mul3A_1083, %add3A_1084 : i32
      %dma_wait3A_1086 = arith.constant 0 : i32
      %dma_wait3A_1087 = tpu.memref_slice %arg7[%add3A_1085, %dma_wait3A_1086] : memref<40x128xi32, #tpu.memory_space<vmem>> -> memref<1x128xi32, #tpu.memory_space<vmem>>
      %dma_wait3A_1088 = tpu.memref_squeeze %dma_wait3A_1087 : memref<1x128xi32, #tpu.memory_space<vmem>> -> memref<128xi32, #tpu.memory_space<vmem>>
      %dma_wait3A_1089 = arith.constant 0 : i32
      %dma_wait3A_1090 = arith.constant 0 : i32
      %dma_wait3A_1091 = tpu.memref_slice %arg2[%dma_wait3A_1089, %dma_wait3A_1090] : memref<40960x128xf32, #tpu.memory_space<hbm>> -> memref<40960x128xf32, #tpu.memory_space<hbm>>
      tpu.wait_indirect_dma semaphore(%arg12 : memref<!tpu.dma_semaphore, #tpu.memory_space<semaphore_mem>>) src(%dma_wait3A_1091 : memref<40960x128xf32, #tpu.memory_space<hbm>>) dst(%arg9 : memref<128x128xf32, #tpu.memory_space<vmem>>)
      %sub3A = arith.constant 1 : i32
      %sub3A_1092 = arith.subi %add3A_1085, %sub3A : i32
      %dma_wait3A_1093 = arith.constant 0 : i32
      %dma_wait3A_1094 = tpu.memref_slice %arg8[%sub3A_1092, %dma_wait3A_1093] : memref<40x128xi32, #tpu.memory_space<vmem>> -> memref<1x128xi32, #tpu.memory_space<vmem>>
      %dma_wait3A_1095 = tpu.memref_squeeze %dma_wait3A_1094 : memref<1x128xi32, #tpu.memory_space<vmem>> -> memref<128xi32, #tpu.memory_space<vmem>>
      %dma_wait3A_1096 = arith.constant 0 : i32
      %dma_wait3A_1097 = arith.constant 0 : i32
      %dma_wait3A_1098 = tpu.memref_slice %arg11[%dma_wait3A_1096, %dma_wait3A_1097] : memref<10240x128xf32, #tpu.memory_space<vmem_shared>> -> memref<10240x128xf32, #tpu.memory_space<vmem_shared>>
      tpu.wait_indirect_dma semaphore(%arg14 : memref<!tpu.dma_semaphore, #tpu.memory_space<semaphore_mem>>) src(%arg10 : memref<128x128xf32, #tpu.memory_space<vmem>>) dst(%dma_wait3A_1098 : memref<10240x128xf32, #tpu.memory_space<vmem_shared>>)
      %add3A_1099 = arith.constant 1 : i32
      %add3A_1100 = arith.addi %add3A_1085, %add3A_1099 : i32
      %dma_start3A_1101 = arith.constant 0 : i32
      %dma_start3A_1102 = tpu.memref_slice %arg7[%add3A_1100, %dma_start3A_1101] : memref<40x128xi32, #tpu.memory_space<vmem>> -> memref<1x128xi32, #tpu.memory_space<vmem>>
      %dma_start3A_1103 = tpu.memref_squeeze %dma_start3A_1102 : memref<1x128xi32, #tpu.memory_space<vmem>> -> memref<128xi32, #tpu.memory_space<vmem>>
      %dma_start3A_1104 = arith.constant 0 : i32
      %dma_start3A_1105 = arith.constant 0 : i32
      %dma_start3A_1106 = tpu.memref_slice %arg2[%dma_start3A_1104, %dma_start3A_1105] : memref<40960x128xf32, #tpu.memory_space<hbm>> -> memref<40960x128xf32, #tpu.memory_space<hbm>>
      tpu.enqueue_indirect_dma source(%dma_start3A_1106 : memref<40960x128xf32, #tpu.memory_space<hbm>>) target(%arg10 : memref<128x128xf32, #tpu.memory_space<vmem>>) offsets(%dma_start3A_1103 : memref<128xi32, #tpu.memory_space<vmem>>) semaphore(%arg12 : memref<!tpu.dma_semaphore, #tpu.memory_space<semaphore_mem>>)
      %dma_start3A_1107 = arith.constant 0 : i32
      %dma_start3A_1108 = tpu.memref_slice %arg8[%add3A_1085, %dma_start3A_1107] : memref<40x128xi32, #tpu.memory_space<vmem>> -> memref<1x128xi32, #tpu.memory_space<vmem>>
      %dma_start3A_1109 = tpu.memref_squeeze %dma_start3A_1108 : memref<1x128xi32, #tpu.memory_space<vmem>> -> memref<128xi32, #tpu.memory_space<vmem>>
      %dma_start3A_1110 = arith.constant 0 : i32
      %dma_start3A_1111 = arith.constant 0 : i32
      %dma_start3A_1112 = tpu.memref_slice %arg11[%dma_start3A_1110, %dma_start3A_1111] : memref<10240x128xf32, #tpu.memory_space<vmem_shared>> -> memref<10240x128xf32, #tpu.memory_space<vmem_shared>>
      tpu.enqueue_indirect_dma source(%arg9 : memref<128x128xf32, #tpu.memory_space<vmem>>) target(%dma_start3A_1112 : memref<10240x128xf32, #tpu.memory_space<vmem_shared>>) offsets(%dma_start3A_1109 : memref<128xi32, #tpu.memory_space<vmem>>) semaphore(%arg13 : memref<!tpu.dma_semaphore, #tpu.memory_space<semaphore_mem>>) {add = true}
      %mul3A_1113 = arith.constant 2 : i32
      %mul3A_1114 = arith.muli %mul3A_1113, %scan3A_1081 : i32
      %add3A_1115 = arith.constant 1 : i32
      %add3A_1116 = arith.addi %mul3A_1114, %add3A_1115 : i32
      %dma_wait3A_1117 = arith.constant 0 : i32
      %dma_wait3A_1118 = tpu.memref_slice %arg7[%add3A_1116, %dma_wait3A_1117] : memref<40x128xi32, #tpu.memory_space<vmem>> -> memref<1x128xi32, #tpu.memory_space<vmem>>
      %dma_wait3A_1119 = tpu.memref_squeeze %dma_wait3A_1118 : memref<1x128xi32, #tpu.memory_space<vmem>> -> memref<128xi32, #tpu.memory_space<vmem>>
      %dma_wait3A_1120 = arith.constant 0 : i32
      %dma_wait3A_1121 = arith.constant 0 : i32
      %dma_wait3A_1122 = tpu.memref_slice %arg2[%dma_wait3A_1120, %dma_wait3A_1121] : memref<40960x128xf32, #tpu.memory_space<hbm>> -> memref<40960x128xf32, #tpu.memory_space<hbm>>
      tpu.wait_indirect_dma semaphore(%arg12 : memref<!tpu.dma_semaphore, #tpu.memory_space<semaphore_mem>>) src(%dma_wait3A_1122 : memref<40960x128xf32, #tpu.memory_space<hbm>>) dst(%arg10 : memref<128x128xf32, #tpu.memory_space<vmem>>)
      %sub3A_1123 = arith.constant 1 : i32
      %sub3A_1124 = arith.subi %add3A_1116, %sub3A_1123 : i32
      %dma_wait3A_1125 = arith.constant 0 : i32
      %dma_wait3A_1126 = tpu.memref_slice %arg8[%sub3A_1124, %dma_wait3A_1125] : memref<40x128xi32, #tpu.memory_space<vmem>> -> memref<1x128xi32, #tpu.memory_space<vmem>>
      %dma_wait3A_1127 = tpu.memref_squeeze %dma_wait3A_1126 : memref<1x128xi32, #tpu.memory_space<vmem>> -> memref<128xi32, #tpu.memory_space<vmem>>
      %dma_wait3A_1128 = arith.constant 0 : i32
      %dma_wait3A_1129 = arith.constant 0 : i32
      %dma_wait3A_1130 = tpu.memref_slice %arg11[%dma_wait3A_1128, %dma_wait3A_1129] : memref<10240x128xf32, #tpu.memory_space<vmem_shared>> -> memref<10240x128xf32, #tpu.memory_space<vmem_shared>>
      tpu.wait_indirect_dma semaphore(%arg13 : memref<!tpu.dma_semaphore, #tpu.memory_space<semaphore_mem>>) src(%arg9 : memref<128x128xf32, #tpu.memory_space<vmem>>) dst(%dma_wait3A_1130 : memref<10240x128xf32, #tpu.memory_space<vmem_shared>>)
      %add3A_1131 = arith.constant 1 : i32
      %add3A_1132 = arith.addi %add3A_1116, %add3A_1131 : i32
      %dma_start3A_1133 = arith.constant 0 : i32
      %dma_start3A_1134 = tpu.memref_slice %arg7[%add3A_1132, %dma_start3A_1133] : memref<40x128xi32, #tpu.memory_space<vmem>> -> memref<1x128xi32, #tpu.memory_space<vmem>>
      %dma_start3A_1135 = tpu.memref_squeeze %dma_start3A_1134 : memref<1x128xi32, #tpu.memory_space<vmem>> -> memref<128xi32, #tpu.memory_space<vmem>>
      %dma_start3A_1136 = arith.constant 0 : i32
      %dma_start3A_1137 = arith.constant 0 : i32
      %dma_start3A_1138 = tpu.memref_slice %arg2[%dma_start3A_1136, %dma_start3A_1137] : memref<40960x128xf32, #tpu.memory_space<hbm>> -> memref<40960x128xf32, #tpu.memory_space<hbm>>
      tpu.enqueue_indirect_dma source(%dma_start3A_1138 : memref<40960x128xf32, #tpu.memory_space<hbm>>) target(%arg9 : memref<128x128xf32, #tpu.memory_space<vmem>>) offsets(%dma_start3A_1135 : memref<128xi32, #tpu.memory_space<vmem>>) semaphore(%arg12 : memref<!tpu.dma_semaphore, #tpu.memory_space<semaphore_mem>>)
      %dma_start3A_1139 = arith.constant 0 : i32
      %dma_start3A_1140 = tpu.memref_slice %arg8[%add3A_1116, %dma_start3A_1139] : memref<40x128xi32, #tpu.memory_space<vmem>> -> memref<1x128xi32, #tpu.memory_space<vmem>>
      %dma_start3A_1141 = tpu.memref_squeeze %dma_start3A_1140 : memref<1x128xi32, #tpu.memory_space<vmem>> -> memref<128xi32, #tpu.memory_space<vmem>>
      %dma_start3A_1142 = arith.constant 0 : i32
      %dma_start3A_1143 = arith.constant 0 : i32
      %dma_start3A_1144 = tpu.memref_slice %arg11[%dma_start3A_1142, %dma_start3A_1143] : memref<10240x128xf32, #tpu.memory_space<vmem_shared>> -> memref<10240x128xf32, #tpu.memory_space<vmem_shared>>
      tpu.enqueue_indirect_dma source(%arg10 : memref<128x128xf32, #tpu.memory_space<vmem>>) target(%dma_start3A_1144 : memref<10240x128xf32, #tpu.memory_space<vmem_shared>>) offsets(%dma_start3A_1141 : memref<128xi32, #tpu.memory_space<vmem>>) semaphore(%arg14 : memref<!tpu.dma_semaphore, #tpu.memory_space<semaphore_mem>>) {add = true}
    }
    %scan3A_344 = arith.constant 18 : i32
    %dma_wait3A_345 = arith.constant 38 : i32
    %dma_wait3A_346 = arith.constant 0 : i32
    %dma_wait3A_347 = tpu.memref_slice %arg7[%dma_wait3A_345, %dma_wait3A_346] : memref<40x128xi32, #tpu.memory_space<vmem>> -> memref<1x128xi32, #tpu.memory_space<vmem>>
    %dma_wait3A_348 = tpu.memref_squeeze %dma_wait3A_347 : memref<1x128xi32, #tpu.memory_space<vmem>> -> memref<128xi32, #tpu.memory_space<vmem>>
    %dma_wait3A_349 = arith.constant 0 : i32
    %dma_wait3A_350 = arith.constant 0 : i32
    %dma_wait3A_351 = tpu.memref_slice %arg2[%dma_wait3A_349, %dma_wait3A_350] : memref<40960x128xf32, #tpu.memory_space<hbm>> -> memref<40960x128xf32, #tpu.memory_space<hbm>>
    tpu.wait_indirect_dma semaphore(%arg12 : memref<!tpu.dma_semaphore, #tpu.memory_space<semaphore_mem>>) src(%dma_wait3A_351 : memref<40960x128xf32, #tpu.memory_space<hbm>>) dst(%arg9 : memref<128x128xf32, #tpu.memory_space<vmem>>)
    %dma_wait3A_352 = arith.constant 37 : i32
    %dma_wait3A_353 = arith.constant 0 : i32
    %dma_wait3A_354 = tpu.memref_slice %arg8[%dma_wait3A_352, %dma_wait3A_353] : memref<40x128xi32, #tpu.memory_space<vmem>> -> memref<1x128xi32, #tpu.memory_space<vmem>>
    %dma_wait3A_355 = tpu.memref_squeeze %dma_wait3A_354 : memref<1x128xi32, #tpu.memory_space<vmem>> -> memref<128xi32, #tpu.memory_space<vmem>>
    %dma_wait3A_356 = arith.constant 0 : i32
    %dma_wait3A_357 = arith.constant 0 : i32
    %dma_wait3A_358 = tpu.memref_slice %arg11[%dma_wait3A_356, %dma_wait3A_357] : memref<10240x128xf32, #tpu.memory_space<vmem_shared>> -> memref<10240x128xf32, #tpu.memory_space<vmem_shared>>
    tpu.wait_indirect_dma semaphore(%arg14 : memref<!tpu.dma_semaphore, #tpu.memory_space<semaphore_mem>>) src(%arg10 : memref<128x128xf32, #tpu.memory_space<vmem>>) dst(%dma_wait3A_358 : memref<10240x128xf32, #tpu.memory_space<vmem_shared>>)
    %dma_start3A_359 = arith.constant 39 : i32
    %dma_start3A_360 = arith.constant 0 : i32
    %dma_start3A_361 = tpu.memref_slice %arg7[%dma_start3A_359, %dma_start3A_360] : memref<40x128xi32, #tpu.memory_space<vmem>> -> memref<1x128xi32, #tpu.memory_space<vmem>>
    %dma_start3A_362 = tpu.memref_squeeze %dma_start3A_361 : memref<1x128xi32, #tpu.memory_space<vmem>> -> memref<128xi32, #tpu.memory_space<vmem>>
    %dma_start3A_363 = arith.constant 0 : i32
    %dma_start3A_364 = arith.constant 0 : i32
    %dma_start3A_365 = tpu.memref_slice %arg2[%dma_start3A_363, %dma_start3A_364] : memref<40960x128xf32, #tpu.memory_space<hbm>> -> memref<40960x128xf32, #tpu.memory_space<hbm>>
    tpu.enqueue_indirect_dma source(%dma_start3A_365 : memref<40960x128xf32, #tpu.memory_space<hbm>>) target(%arg10 : memref<128x128xf32, #tpu.memory_space<vmem>>) offsets(%dma_start3A_362 : memref<128xi32, #tpu.memory_space<vmem>>) semaphore(%arg12 : memref<!tpu.dma_semaphore, #tpu.memory_space<semaphore_mem>>)
    %dma_start3A_366 = arith.constant 38 : i32
    %dma_start3A_367 = arith.constant 0 : i32
    %dma_start3A_368 = tpu.memref_slice %arg8[%dma_start3A_366, %dma_start3A_367] : memref<40x128xi32, #tpu.memory_space<vmem>> -> memref<1x128xi32, #tpu.memory_space<vmem>>
    %dma_start3A_369 = tpu.memref_squeeze %dma_start3A_368 : memref<1x128xi32, #tpu.memory_space<vmem>> -> memref<128xi32, #tpu.memory_space<vmem>>
    %dma_start3A_370 = arith.constant 0 : i32
    %dma_start3A_371 = arith.constant 0 : i32
    %dma_start3A_372 = tpu.memref_slice %arg11[%dma_start3A_370, %dma_start3A_371] : memref<10240x128xf32, #tpu.memory_space<vmem_shared>> -> memref<10240x128xf32, #tpu.memory_space<vmem_shared>>
    tpu.enqueue_indirect_dma source(%arg9 : memref<128x128xf32, #tpu.memory_space<vmem>>) target(%dma_start3A_372 : memref<10240x128xf32, #tpu.memory_space<vmem_shared>>) offsets(%dma_start3A_369 : memref<128xi32, #tpu.memory_space<vmem>>) semaphore(%arg13 : memref<!tpu.dma_semaphore, #tpu.memory_space<semaphore_mem>>) {add = true}
    %dma_wait3A_373 = arith.constant 39 : i32
    %dma_wait3A_374 = arith.constant 0 : i32
    %dma_wait3A_375 = tpu.memref_slice %arg7[%dma_wait3A_373, %dma_wait3A_374] : memref<40x128xi32, #tpu.memory_space<vmem>> -> memref<1x128xi32, #tpu.memory_space<vmem>>
    %dma_wait3A_376 = tpu.memref_squeeze %dma_wait3A_375 : memref<1x128xi32, #tpu.memory_space<vmem>> -> memref<128xi32, #tpu.memory_space<vmem>>
    %dma_wait3A_377 = arith.constant 0 : i32
    %dma_wait3A_378 = arith.constant 0 : i32
    %dma_wait3A_379 = tpu.memref_slice %arg2[%dma_wait3A_377, %dma_wait3A_378] : memref<40960x128xf32, #tpu.memory_space<hbm>> -> memref<40960x128xf32, #tpu.memory_space<hbm>>
    tpu.wait_indirect_dma semaphore(%arg12 : memref<!tpu.dma_semaphore, #tpu.memory_space<semaphore_mem>>) src(%dma_wait3A_379 : memref<40960x128xf32, #tpu.memory_space<hbm>>) dst(%arg10 : memref<128x128xf32, #tpu.memory_space<vmem>>)
    %dma_wait3A_380 = arith.constant 38 : i32
    %dma_wait3A_381 = arith.constant 0 : i32
    %dma_wait3A_382 = tpu.memref_slice %arg8[%dma_wait3A_380, %dma_wait3A_381] : memref<40x128xi32, #tpu.memory_space<vmem>> -> memref<1x128xi32, #tpu.memory_space<vmem>>
    %dma_wait3A_383 = tpu.memref_squeeze %dma_wait3A_382 : memref<1x128xi32, #tpu.memory_space<vmem>> -> memref<128xi32, #tpu.memory_space<vmem>>
    %dma_wait3A_384 = arith.constant 0 : i32
    %dma_wait3A_385 = arith.constant 0 : i32
    %dma_wait3A_386 = tpu.memref_slice %arg11[%dma_wait3A_384, %dma_wait3A_385] : memref<10240x128xf32, #tpu.memory_space<vmem_shared>> -> memref<10240x128xf32, #tpu.memory_space<vmem_shared>>
    tpu.wait_indirect_dma semaphore(%arg13 : memref<!tpu.dma_semaphore, #tpu.memory_space<semaphore_mem>>) src(%arg9 : memref<128x128xf32, #tpu.memory_space<vmem>>) dst(%dma_wait3A_386 : memref<10240x128xf32, #tpu.memory_space<vmem_shared>>)
    %dma_start3A_387 = arith.constant 39 : i32
    %dma_start3A_388 = arith.constant 0 : i32
    %dma_start3A_389 = tpu.memref_slice %arg8[%dma_start3A_387, %dma_start3A_388] : memref<40x128xi32, #tpu.memory_space<vmem>> -> memref<1x128xi32, #tpu.memory_space<vmem>>
    %dma_start3A_390 = tpu.memref_squeeze %dma_start3A_389 : memref<1x128xi32, #tpu.memory_space<vmem>> -> memref<128xi32, #tpu.memory_space<vmem>>
    %dma_start3A_391 = arith.constant 0 : i32
    %dma_start3A_392 = arith.constant 0 : i32
    %dma_start3A_393 = tpu.memref_slice %arg11[%dma_start3A_391, %dma_start3A_392] : memref<10240x128xf32, #tpu.memory_space<vmem_shared>> -> memref<10240x128xf32, #tpu.memory_space<vmem_shared>>
    tpu.enqueue_indirect_dma source(%arg10 : memref<128x128xf32, #tpu.memory_space<vmem>>) target(%dma_start3A_393 : memref<10240x128xf32, #tpu.memory_space<vmem_shared>>) offsets(%dma_start3A_390 : memref<128xi32, #tpu.memory_space<vmem>>) semaphore(%arg14 : memref<!tpu.dma_semaphore, #tpu.memory_space<semaphore_mem>>) {add = true}
    %dma_wait3A_394 = arith.constant 39 : i32
    %dma_wait3A_395 = arith.constant 0 : i32
    %dma_wait3A_396 = tpu.memref_slice %arg8[%dma_wait3A_394, %dma_wait3A_395] : memref<40x128xi32, #tpu.memory_space<vmem>> -> memref<1x128xi32, #tpu.memory_space<vmem>>
    %dma_wait3A_397 = tpu.memref_squeeze %dma_wait3A_396 : memref<1x128xi32, #tpu.memory_space<vmem>> -> memref<128xi32, #tpu.memory_space<vmem>>
    %dma_wait3A_398 = arith.constant 0 : i32
    %dma_wait3A_399 = arith.constant 0 : i32
    %dma_wait3A_400 = tpu.memref_slice %arg11[%dma_wait3A_398, %dma_wait3A_399] : memref<10240x128xf32, #tpu.memory_space<vmem_shared>> -> memref<10240x128xf32, #tpu.memory_space<vmem_shared>>
    tpu.wait_indirect_dma semaphore(%arg14 : memref<!tpu.dma_semaphore, #tpu.memory_space<semaphore_mem>>) src(%arg10 : memref<128x128xf32, #tpu.memory_space<vmem>>) dst(%dma_wait3A_400 : memref<10240x128xf32, #tpu.memory_space<vmem_shared>>)
    %add3A_401 = arith.constant 32 : i32
    %add3A_402 = arith.addi %add3A_401, %add3A : i32
    %mul3A_403 = arith.constant 2 : i32
    %mul3A_404 = arith.muli %add3A_402, %mul3A_403 : i32
    %add3A_405 = arith.constant 1 : i32
    %add3A_406 = arith.addi %mul3A_404, %add3A_405 : i32
    "tpu.region"() ({
      %run_scoped3A = tpu.sem_alloc : memref<!tpu.dma_semaphore, #tpu.memory_space<semaphore_mem>>
      %dma_start3A_1081 = arith.constant 0 : i32
      %dma_start3A_1082 = arith.constant 0 : i32
      %dma_start3A_1083 = tpu.memref_slice %arg3[%add3A_406, %dma_start3A_1081, %dma_start3A_1082] : memref<256x40x128xi32, #tpu.memory_space<hbm>> -> memref<1x40x128xi32, #tpu.memory_space<hbm>>
      %dma_start3A_1084 = tpu.memref_squeeze %dma_start3A_1083 : memref<1x40x128xi32, #tpu.memory_space<hbm>> -> memref<40x128xi32, #tpu.memory_space<hbm>>
      %dma_start3A_1085 = arith.constant 0 : i32
      %dma_start3A_1086 = arith.constant 0 : i32
      %dma_start3A_1087 = tpu.memref_slice %arg3[%add3A_406, %dma_start3A_1085, %dma_start3A_1086] : memref<256x40x128xi32, #tpu.memory_space<hbm>> -> memref<1x40x128xi32, #tpu.memory_space<hbm>>
      %dma_start3A_1088 = tpu.memref_squeeze %dma_start3A_1087 : memref<1x40x128xi32, #tpu.memory_space<hbm>> -> memref<40x128xi32, #tpu.memory_space<hbm>>
      tpu.enqueue_dma source(%dma_start3A_1088 : memref<40x128xi32, #tpu.memory_space<hbm>>) target(%arg7 : memref<40x128xi32, #tpu.memory_space<vmem>>) target_semaphore(%run_scoped3A : memref<!tpu.dma_semaphore, #tpu.memory_space<semaphore_mem>>)
      %dma_wait3A_1089 = arith.constant 0 : i32
      %dma_wait3A_1090 = arith.constant 0 : i32
      %dma_wait3A_1091 = tpu.memref_slice %arg3[%add3A_406, %dma_wait3A_1089, %dma_wait3A_1090] : memref<256x40x128xi32, #tpu.memory_space<hbm>> -> memref<1x40x128xi32, #tpu.memory_space<hbm>>
      %dma_wait3A_1092 = tpu.memref_squeeze %dma_wait3A_1091 : memref<1x40x128xi32, #tpu.memory_space<hbm>> -> memref<40x128xi32, #tpu.memory_space<hbm>>
      %dma_wait3A_1093 = arith.constant 0 : i32
      %dma_wait3A_1094 = arith.constant 0 : i32
      %dma_wait3A_1095 = tpu.memref_slice %arg3[%add3A_406, %dma_wait3A_1093, %dma_wait3A_1094] : memref<256x40x128xi32, #tpu.memory_space<hbm>> -> memref<1x40x128xi32, #tpu.memory_space<hbm>>
      %dma_wait3A_1096 = tpu.memref_squeeze %dma_wait3A_1095 : memref<1x40x128xi32, #tpu.memory_space<hbm>> -> memref<40x128xi32, #tpu.memory_space<hbm>>
      tpu.wait_dma2 semaphore(%run_scoped3A : memref<!tpu.dma_semaphore, #tpu.memory_space<semaphore_mem>>) src(%dma_wait3A_1096 : memref<40x128xi32, #tpu.memory_space<hbm>>) dst(%arg7 : memref<40x128xi32, #tpu.memory_space<vmem>>)
      tpu.yield
    }) : () -> ()
    %mul3A_407 = arith.constant 2 : i32
    %mul3A_408 = arith.muli %add3A, %mul3A_407 : i32
    %add3A_409 = arith.constant 1 : i32
    %add3A_410 = arith.addi %mul3A_408, %add3A_409 : i32
    "tpu.region"() ({
      %run_scoped3A = tpu.sem_alloc : memref<!tpu.dma_semaphore, #tpu.memory_space<semaphore_mem>>
      %dma_start3A_1081 = arith.constant 0 : i32
      %dma_start3A_1082 = arith.constant 0 : i32
      %dma_start3A_1083 = tpu.memref_slice %arg4[%add3A_410, %dma_start3A_1081, %dma_start3A_1082] : memref<64x40x128xi32, #tpu.memory_space<hbm>> -> memref<1x40x128xi32, #tpu.memory_space<hbm>>
      %dma_start3A_1084 = tpu.memref_squeeze %dma_start3A_1083 : memref<1x40x128xi32, #tpu.memory_space<hbm>> -> memref<40x128xi32, #tpu.memory_space<hbm>>
      %dma_start3A_1085 = arith.constant 0 : i32
      %dma_start3A_1086 = arith.constant 0 : i32
      %dma_start3A_1087 = tpu.memref_slice %arg4[%add3A_410, %dma_start3A_1085, %dma_start3A_1086] : memref<64x40x128xi32, #tpu.memory_space<hbm>> -> memref<1x40x128xi32, #tpu.memory_space<hbm>>
      %dma_start3A_1088 = tpu.memref_squeeze %dma_start3A_1087 : memref<1x40x128xi32, #tpu.memory_space<hbm>> -> memref<40x128xi32, #tpu.memory_space<hbm>>
      tpu.enqueue_dma source(%dma_start3A_1088 : memref<40x128xi32, #tpu.memory_space<hbm>>) target(%arg8 : memref<40x128xi32, #tpu.memory_space<vmem>>) target_semaphore(%run_scoped3A : memref<!tpu.dma_semaphore, #tpu.memory_space<semaphore_mem>>)
      %dma_wait3A_1089 = arith.constant 0 : i32
      %dma_wait3A_1090 = arith.constant 0 : i32
      %dma_wait3A_1091 = tpu.memref_slice %arg4[%add3A_410, %dma_wait3A_1089, %dma_wait3A_1090] : memref<64x40x128xi32, #tpu.memory_space<hbm>> -> memref<1x40x128xi32, #tpu.memory_space<hbm>>
      %dma_wait3A_1092 = tpu.memref_squeeze %dma_wait3A_1091 : memref<1x40x128xi32, #tpu.memory_space<hbm>> -> memref<40x128xi32, #tpu.memory_space<hbm>>
      %dma_wait3A_1093 = arith.constant 0 : i32
      %dma_wait3A_1094 = arith.constant 0 : i32
      %dma_wait3A_1095 = tpu.memref_slice %arg4[%add3A_410, %dma_wait3A_1093, %dma_wait3A_1094] : memref<64x40x128xi32, #tpu.memory_space<hbm>> -> memref<1x40x128xi32, #tpu.memory_space<hbm>>
      %dma_wait3A_1096 = tpu.memref_squeeze %dma_wait3A_1095 : memref<1x40x128xi32, #tpu.memory_space<hbm>> -> memref<40x128xi32, #tpu.memory_space<hbm>>
      tpu.wait_dma2 semaphore(%run_scoped3A : memref<!tpu.dma_semaphore, #tpu.memory_space<semaphore_mem>>) src(%dma_wait3A_1096 : memref<40x128xi32, #tpu.memory_space<hbm>>) dst(%arg8 : memref<40x128xi32, #tpu.memory_space<vmem>>)
      tpu.yield
    }) : () -> ()
    %dma_start3A_411 = arith.constant 0 : i32
    %dma_start3A_412 = arith.constant 0 : i32
    %dma_start3A_413 = tpu.memref_slice %arg7[%dma_start3A_411, %dma_start3A_412] : memref<40x128xi32, #tpu.memory_space<vmem>> -> memref<1x128xi32, #tpu.memory_space<vmem>>
    %dma_start3A_414 = tpu.memref_squeeze %dma_start3A_413 : memref<1x128xi32, #tpu.memory_space<vmem>> -> memref<128xi32, #tpu.memory_space<vmem>>
    %dma_start3A_415 = arith.constant 0 : i32
    %dma_start3A_416 = arith.constant 0 : i32
    %dma_start3A_417 = tpu.memref_slice %arg2[%dma_start3A_415, %dma_start3A_416] : memref<40960x128xf32, #tpu.memory_space<hbm>> -> memref<40960x128xf32, #tpu.memory_space<hbm>>
    tpu.enqueue_indirect_dma source(%dma_start3A_417 : memref<40960x128xf32, #tpu.memory_space<hbm>>) target(%arg9 : memref<128x128xf32, #tpu.memory_space<vmem>>) offsets(%dma_start3A_414 : memref<128xi32, #tpu.memory_space<vmem>>) semaphore(%arg12 : memref<!tpu.dma_semaphore, #tpu.memory_space<semaphore_mem>>)
    %dma_wait3A_418 = arith.constant 0 : i32
    %dma_wait3A_419 = arith.constant 0 : i32
    %dma_wait3A_420 = tpu.memref_slice %arg7[%dma_wait3A_418, %dma_wait3A_419] : memref<40x128xi32, #tpu.memory_space<vmem>> -> memref<1x128xi32, #tpu.memory_space<vmem>>
    %dma_wait3A_421 = tpu.memref_squeeze %dma_wait3A_420 : memref<1x128xi32, #tpu.memory_space<vmem>> -> memref<128xi32, #tpu.memory_space<vmem>>
    %dma_wait3A_422 = arith.constant 0 : i32
    %dma_wait3A_423 = arith.constant 0 : i32
    %dma_wait3A_424 = tpu.memref_slice %arg2[%dma_wait3A_422, %dma_wait3A_423] : memref<40960x128xf32, #tpu.memory_space<hbm>> -> memref<40960x128xf32, #tpu.memory_space<hbm>>
    tpu.wait_indirect_dma semaphore(%arg12 : memref<!tpu.dma_semaphore, #tpu.memory_space<semaphore_mem>>) src(%dma_wait3A_424 : memref<40960x128xf32, #tpu.memory_space<hbm>>) dst(%arg9 : memref<128x128xf32, #tpu.memory_space<vmem>>)
    %dma_start3A_425 = arith.constant 1 : i32
    %dma_start3A_426 = arith.constant 0 : i32
    %dma_start3A_427 = tpu.memref_slice %arg7[%dma_start3A_425, %dma_start3A_426] : memref<40x128xi32, #tpu.memory_space<vmem>> -> memref<1x128xi32, #tpu.memory_space<vmem>>
    %dma_start3A_428 = tpu.memref_squeeze %dma_start3A_427 : memref<1x128xi32, #tpu.memory_space<vmem>> -> memref<128xi32, #tpu.memory_space<vmem>>
    %dma_start3A_429 = arith.constant 0 : i32
    %dma_start3A_430 = arith.constant 0 : i32
    %dma_start3A_431 = tpu.memref_slice %arg2[%dma_start3A_429, %dma_start3A_430] : memref<40960x128xf32, #tpu.memory_space<hbm>> -> memref<40960x128xf32, #tpu.memory_space<hbm>>
    tpu.enqueue_indirect_dma source(%dma_start3A_431 : memref<40960x128xf32, #tpu.memory_space<hbm>>) target(%arg10 : memref<128x128xf32, #tpu.memory_space<vmem>>) offsets(%dma_start3A_428 : memref<128xi32, #tpu.memory_space<vmem>>) semaphore(%arg12 : memref<!tpu.dma_semaphore, #tpu.memory_space<semaphore_mem>>)
    %dma_start3A_432 = arith.constant 0 : i32
    %dma_start3A_433 = arith.constant 0 : i32
    %dma_start3A_434 = tpu.memref_slice %arg8[%dma_start3A_432, %dma_start3A_433] : memref<40x128xi32, #tpu.memory_space<vmem>> -> memref<1x128xi32, #tpu.memory_space<vmem>>
    %dma_start3A_435 = tpu.memref_squeeze %dma_start3A_434 : memref<1x128xi32, #tpu.memory_space<vmem>> -> memref<128xi32, #tpu.memory_space<vmem>>
    %dma_start3A_436 = arith.constant 0 : i32
    %dma_start3A_437 = arith.constant 0 : i32
    %dma_start3A_438 = tpu.memref_slice %arg11[%dma_start3A_436, %dma_start3A_437] : memref<10240x128xf32, #tpu.memory_space<vmem_shared>> -> memref<10240x128xf32, #tpu.memory_space<vmem_shared>>
    tpu.enqueue_indirect_dma source(%arg9 : memref<128x128xf32, #tpu.memory_space<vmem>>) target(%dma_start3A_438 : memref<10240x128xf32, #tpu.memory_space<vmem_shared>>) offsets(%dma_start3A_435 : memref<128xi32, #tpu.memory_space<vmem>>) semaphore(%arg13 : memref<!tpu.dma_semaphore, #tpu.memory_space<semaphore_mem>>) {add = true}
    %dma_wait3A_439 = arith.constant 1 : i32
    %dma_wait3A_440 = arith.constant 0 : i32
    %dma_wait3A_441 = tpu.memref_slice %arg7[%dma_wait3A_439, %dma_wait3A_440] : memref<40x128xi32, #tpu.memory_space<vmem>> -> memref<1x128xi32, #tpu.memory_space<vmem>>
    %dma_wait3A_442 = tpu.memref_squeeze %dma_wait3A_441 : memref<1x128xi32, #tpu.memory_space<vmem>> -> memref<128xi32, #tpu.memory_space<vmem>>
    %dma_wait3A_443 = arith.constant 0 : i32
    %dma_wait3A_444 = arith.constant 0 : i32
    %dma_wait3A_445 = tpu.memref_slice %arg2[%dma_wait3A_443, %dma_wait3A_444] : memref<40960x128xf32, #tpu.memory_space<hbm>> -> memref<40960x128xf32, #tpu.memory_space<hbm>>
    tpu.wait_indirect_dma semaphore(%arg12 : memref<!tpu.dma_semaphore, #tpu.memory_space<semaphore_mem>>) src(%dma_wait3A_445 : memref<40960x128xf32, #tpu.memory_space<hbm>>) dst(%arg10 : memref<128x128xf32, #tpu.memory_space<vmem>>)
    %dma_wait3A_446 = arith.constant 0 : i32
    %dma_wait3A_447 = arith.constant 0 : i32
    %dma_wait3A_448 = tpu.memref_slice %arg8[%dma_wait3A_446, %dma_wait3A_447] : memref<40x128xi32, #tpu.memory_space<vmem>> -> memref<1x128xi32, #tpu.memory_space<vmem>>
    %dma_wait3A_449 = tpu.memref_squeeze %dma_wait3A_448 : memref<1x128xi32, #tpu.memory_space<vmem>> -> memref<128xi32, #tpu.memory_space<vmem>>
    %dma_wait3A_450 = arith.constant 0 : i32
    %dma_wait3A_451 = arith.constant 0 : i32
    %dma_wait3A_452 = tpu.memref_slice %arg11[%dma_wait3A_450, %dma_wait3A_451] : memref<10240x128xf32, #tpu.memory_space<vmem_shared>> -> memref<10240x128xf32, #tpu.memory_space<vmem_shared>>
    tpu.wait_indirect_dma semaphore(%arg13 : memref<!tpu.dma_semaphore, #tpu.memory_space<semaphore_mem>>) src(%arg9 : memref<128x128xf32, #tpu.memory_space<vmem>>) dst(%dma_wait3A_452 : memref<10240x128xf32, #tpu.memory_space<vmem_shared>>)
    %dma_start3A_453 = arith.constant 2 : i32
    %dma_start3A_454 = arith.constant 0 : i32
    %dma_start3A_455 = tpu.memref_slice %arg7[%dma_start3A_453, %dma_start3A_454] : memref<40x128xi32, #tpu.memory_space<vmem>> -> memref<1x128xi32, #tpu.memory_space<vmem>>
    %dma_start3A_456 = tpu.memref_squeeze %dma_start3A_455 : memref<1x128xi32, #tpu.memory_space<vmem>> -> memref<128xi32, #tpu.memory_space<vmem>>
    %dma_start3A_457 = arith.constant 0 : i32
    %dma_start3A_458 = arith.constant 0 : i32
    %dma_start3A_459 = tpu.memref_slice %arg2[%dma_start3A_457, %dma_start3A_458] : memref<40960x128xf32, #tpu.memory_space<hbm>> -> memref<40960x128xf32, #tpu.memory_space<hbm>>
    tpu.enqueue_indirect_dma source(%dma_start3A_459 : memref<40960x128xf32, #tpu.memory_space<hbm>>) target(%arg9 : memref<128x128xf32, #tpu.memory_space<vmem>>) offsets(%dma_start3A_456 : memref<128xi32, #tpu.memory_space<vmem>>) semaphore(%arg12 : memref<!tpu.dma_semaphore, #tpu.memory_space<semaphore_mem>>)
    %dma_start3A_460 = arith.constant 1 : i32
    %dma_start3A_461 = arith.constant 0 : i32
    %dma_start3A_462 = tpu.memref_slice %arg8[%dma_start3A_460, %dma_start3A_461] : memref<40x128xi32, #tpu.memory_space<vmem>> -> memref<1x128xi32, #tpu.memory_space<vmem>>
    %dma_start3A_463 = tpu.memref_squeeze %dma_start3A_462 : memref<1x128xi32, #tpu.memory_space<vmem>> -> memref<128xi32, #tpu.memory_space<vmem>>
    %dma_start3A_464 = arith.constant 0 : i32
    %dma_start3A_465 = arith.constant 0 : i32
    %dma_start3A_466 = tpu.memref_slice %arg11[%dma_start3A_464, %dma_start3A_465] : memref<10240x128xf32, #tpu.memory_space<vmem_shared>> -> memref<10240x128xf32, #tpu.memory_space<vmem_shared>>
    tpu.enqueue_indirect_dma source(%arg10 : memref<128x128xf32, #tpu.memory_space<vmem>>) target(%dma_start3A_466 : memref<10240x128xf32, #tpu.memory_space<vmem_shared>>) offsets(%dma_start3A_463 : memref<128xi32, #tpu.memory_space<vmem>>) semaphore(%arg14 : memref<!tpu.dma_semaphore, #tpu.memory_space<semaphore_mem>>) {add = true}
    %scan3A_467 = arith.constant 0 : i32
    %scan3A_468 = arith.constant 1 : i32
    %scan3A_469 = arith.constant 18 : i32
    %scan3A_470 = arith.addi %scan3A_468, %scan3A_469 : i32
    %scan3A_471 = arith.constant 1 : i32
    scf.for %scan3A_1081 = %scan3A_468 to %scan3A_470 step %scan3A_471  : i32 {
      %mul3A_1082 = arith.constant 2 : i32
      %mul3A_1083 = arith.muli %mul3A_1082, %scan3A_1081 : i32
      %add3A_1084 = arith.constant 0 : i32
      %add3A_1085 = arith.addi %mul3A_1083, %add3A_1084 : i32
      %dma_wait3A_1086 = arith.constant 0 : i32
      %dma_wait3A_1087 = tpu.memref_slice %arg7[%add3A_1085, %dma_wait3A_1086] : memref<40x128xi32, #tpu.memory_space<vmem>> -> memref<1x128xi32, #tpu.memory_space<vmem>>
      %dma_wait3A_1088 = tpu.memref_squeeze %dma_wait3A_1087 : memref<1x128xi32, #tpu.memory_space<vmem>> -> memref<128xi32, #tpu.memory_space<vmem>>
      %dma_wait3A_1089 = arith.constant 0 : i32
      %dma_wait3A_1090 = arith.constant 0 : i32
      %dma_wait3A_1091 = tpu.memref_slice %arg2[%dma_wait3A_1089, %dma_wait3A_1090] : memref<40960x128xf32, #tpu.memory_space<hbm>> -> memref<40960x128xf32, #tpu.memory_space<hbm>>
      tpu.wait_indirect_dma semaphore(%arg12 : memref<!tpu.dma_semaphore, #tpu.memory_space<semaphore_mem>>) src(%dma_wait3A_1091 : memref<40960x128xf32, #tpu.memory_space<hbm>>) dst(%arg9 : memref<128x128xf32, #tpu.memory_space<vmem>>)
      %sub3A = arith.constant 1 : i32
      %sub3A_1092 = arith.subi %add3A_1085, %sub3A : i32
      %dma_wait3A_1093 = arith.constant 0 : i32
      %dma_wait3A_1094 = tpu.memref_slice %arg8[%sub3A_1092, %dma_wait3A_1093] : memref<40x128xi32, #tpu.memory_space<vmem>> -> memref<1x128xi32, #tpu.memory_space<vmem>>
      %dma_wait3A_1095 = tpu.memref_squeeze %dma_wait3A_1094 : memref<1x128xi32, #tpu.memory_space<vmem>> -> memref<128xi32, #tpu.memory_space<vmem>>
      %dma_wait3A_1096 = arith.constant 0 : i32
      %dma_wait3A_1097 = arith.constant 0 : i32
      %dma_wait3A_1098 = tpu.memref_slice %arg11[%dma_wait3A_1096, %dma_wait3A_1097] : memref<10240x128xf32, #tpu.memory_space<vmem_shared>> -> memref<10240x128xf32, #tpu.memory_space<vmem_shared>>
      tpu.wait_indirect_dma semaphore(%arg14 : memref<!tpu.dma_semaphore, #tpu.memory_space<semaphore_mem>>) src(%arg10 : memref<128x128xf32, #tpu.memory_space<vmem>>) dst(%dma_wait3A_1098 : memref<10240x128xf32, #tpu.memory_space<vmem_shared>>)
      %add3A_1099 = arith.constant 1 : i32
      %add3A_1100 = arith.addi %add3A_1085, %add3A_1099 : i32
      %dma_start3A_1101 = arith.constant 0 : i32
      %dma_start3A_1102 = tpu.memref_slice %arg7[%add3A_1100, %dma_start3A_1101] : memref<40x128xi32, #tpu.memory_space<vmem>> -> memref<1x128xi32, #tpu.memory_space<vmem>>
      %dma_start3A_1103 = tpu.memref_squeeze %dma_start3A_1102 : memref<1x128xi32, #tpu.memory_space<vmem>> -> memref<128xi32, #tpu.memory_space<vmem>>
      %dma_start3A_1104 = arith.constant 0 : i32
      %dma_start3A_1105 = arith.constant 0 : i32
      %dma_start3A_1106 = tpu.memref_slice %arg2[%dma_start3A_1104, %dma_start3A_1105] : memref<40960x128xf32, #tpu.memory_space<hbm>> -> memref<40960x128xf32, #tpu.memory_space<hbm>>
      tpu.enqueue_indirect_dma source(%dma_start3A_1106 : memref<40960x128xf32, #tpu.memory_space<hbm>>) target(%arg10 : memref<128x128xf32, #tpu.memory_space<vmem>>) offsets(%dma_start3A_1103 : memref<128xi32, #tpu.memory_space<vmem>>) semaphore(%arg12 : memref<!tpu.dma_semaphore, #tpu.memory_space<semaphore_mem>>)
      %dma_start3A_1107 = arith.constant 0 : i32
      %dma_start3A_1108 = tpu.memref_slice %arg8[%add3A_1085, %dma_start3A_1107] : memref<40x128xi32, #tpu.memory_space<vmem>> -> memref<1x128xi32, #tpu.memory_space<vmem>>
      %dma_start3A_1109 = tpu.memref_squeeze %dma_start3A_1108 : memref<1x128xi32, #tpu.memory_space<vmem>> -> memref<128xi32, #tpu.memory_space<vmem>>
      %dma_start3A_1110 = arith.constant 0 : i32
      %dma_start3A_1111 = arith.constant 0 : i32
      %dma_start3A_1112 = tpu.memref_slice %arg11[%dma_start3A_1110, %dma_start3A_1111] : memref<10240x128xf32, #tpu.memory_space<vmem_shared>> -> memref<10240x128xf32, #tpu.memory_space<vmem_shared>>
      tpu.enqueue_indirect_dma source(%arg9 : memref<128x128xf32, #tpu.memory_space<vmem>>) target(%dma_start3A_1112 : memref<10240x128xf32, #tpu.memory_space<vmem_shared>>) offsets(%dma_start3A_1109 : memref<128xi32, #tpu.memory_space<vmem>>) semaphore(%arg13 : memref<!tpu.dma_semaphore, #tpu.memory_space<semaphore_mem>>) {add = true}
      %mul3A_1113 = arith.constant 2 : i32
      %mul3A_1114 = arith.muli %mul3A_1113, %scan3A_1081 : i32
      %add3A_1115 = arith.constant 1 : i32
      %add3A_1116 = arith.addi %mul3A_1114, %add3A_1115 : i32
      %dma_wait3A_1117 = arith.constant 0 : i32
      %dma_wait3A_1118 = tpu.memref_slice %arg7[%add3A_1116, %dma_wait3A_1117] : memref<40x128xi32, #tpu.memory_space<vmem>> -> memref<1x128xi32, #tpu.memory_space<vmem>>
      %dma_wait3A_1119 = tpu.memref_squeeze %dma_wait3A_1118 : memref<1x128xi32, #tpu.memory_space<vmem>> -> memref<128xi32, #tpu.memory_space<vmem>>
      %dma_wait3A_1120 = arith.constant 0 : i32
      %dma_wait3A_1121 = arith.constant 0 : i32
      %dma_wait3A_1122 = tpu.memref_slice %arg2[%dma_wait3A_1120, %dma_wait3A_1121] : memref<40960x128xf32, #tpu.memory_space<hbm>> -> memref<40960x128xf32, #tpu.memory_space<hbm>>
      tpu.wait_indirect_dma semaphore(%arg12 : memref<!tpu.dma_semaphore, #tpu.memory_space<semaphore_mem>>) src(%dma_wait3A_1122 : memref<40960x128xf32, #tpu.memory_space<hbm>>) dst(%arg10 : memref<128x128xf32, #tpu.memory_space<vmem>>)
      %sub3A_1123 = arith.constant 1 : i32
      %sub3A_1124 = arith.subi %add3A_1116, %sub3A_1123 : i32
      %dma_wait3A_1125 = arith.constant 0 : i32
      %dma_wait3A_1126 = tpu.memref_slice %arg8[%sub3A_1124, %dma_wait3A_1125] : memref<40x128xi32, #tpu.memory_space<vmem>> -> memref<1x128xi32, #tpu.memory_space<vmem>>
      %dma_wait3A_1127 = tpu.memref_squeeze %dma_wait3A_1126 : memref<1x128xi32, #tpu.memory_space<vmem>> -> memref<128xi32, #tpu.memory_space<vmem>>
      %dma_wait3A_1128 = arith.constant 0 : i32
      %dma_wait3A_1129 = arith.constant 0 : i32
      %dma_wait3A_1130 = tpu.memref_slice %arg11[%dma_wait3A_1128, %dma_wait3A_1129] : memref<10240x128xf32, #tpu.memory_space<vmem_shared>> -> memref<10240x128xf32, #tpu.memory_space<vmem_shared>>
      tpu.wait_indirect_dma semaphore(%arg13 : memref<!tpu.dma_semaphore, #tpu.memory_space<semaphore_mem>>) src(%arg9 : memref<128x128xf32, #tpu.memory_space<vmem>>) dst(%dma_wait3A_1130 : memref<10240x128xf32, #tpu.memory_space<vmem_shared>>)
      %add3A_1131 = arith.constant 1 : i32
      %add3A_1132 = arith.addi %add3A_1116, %add3A_1131 : i32
      %dma_start3A_1133 = arith.constant 0 : i32
      %dma_start3A_1134 = tpu.memref_slice %arg7[%add3A_1132, %dma_start3A_1133] : memref<40x128xi32, #tpu.memory_space<vmem>> -> memref<1x128xi32, #tpu.memory_space<vmem>>
      %dma_start3A_1135 = tpu.memref_squeeze %dma_start3A_1134 : memref<1x128xi32, #tpu.memory_space<vmem>> -> memref<128xi32, #tpu.memory_space<vmem>>
      %dma_start3A_1136 = arith.constant 0 : i32
      %dma_start3A_1137 = arith.constant 0 : i32
      %dma_start3A_1138 = tpu.memref_slice %arg2[%dma_start3A_1136, %dma_start3A_1137] : memref<40960x128xf32, #tpu.memory_space<hbm>> -> memref<40960x128xf32, #tpu.memory_space<hbm>>
      tpu.enqueue_indirect_dma source(%dma_start3A_1138 : memref<40960x128xf32, #tpu.memory_space<hbm>>) target(%arg9 : memref<128x128xf32, #tpu.memory_space<vmem>>) offsets(%dma_start3A_1135 : memref<128xi32, #tpu.memory_space<vmem>>) semaphore(%arg12 : memref<!tpu.dma_semaphore, #tpu.memory_space<semaphore_mem>>)
      %dma_start3A_1139 = arith.constant 0 : i32
      %dma_start3A_1140 = tpu.memref_slice %arg8[%add3A_1116, %dma_start3A_1139] : memref<40x128xi32, #tpu.memory_space<vmem>> -> memref<1x128xi32, #tpu.memory_space<vmem>>
      %dma_start3A_1141 = tpu.memref_squeeze %dma_start3A_1140 : memref<1x128xi32, #tpu.memory_space<vmem>> -> memref<128xi32, #tpu.memory_space<vmem>>
      %dma_start3A_1142 = arith.constant 0 : i32
      %dma_start3A_1143 = arith.constant 0 : i32
      %dma_start3A_1144 = tpu.memref_slice %arg11[%dma_start3A_1142, %dma_start3A_1143] : memref<10240x128xf32, #tpu.memory_space<vmem_shared>> -> memref<10240x128xf32, #tpu.memory_space<vmem_shared>>
      tpu.enqueue_indirect_dma source(%arg10 : memref<128x128xf32, #tpu.memory_space<vmem>>) target(%dma_start3A_1144 : memref<10240x128xf32, #tpu.memory_space<vmem_shared>>) offsets(%dma_start3A_1141 : memref<128xi32, #tpu.memory_space<vmem>>) semaphore(%arg14 : memref<!tpu.dma_semaphore, #tpu.memory_space<semaphore_mem>>) {add = true}
    }
    %scan3A_472 = arith.constant 18 : i32
    %dma_wait3A_473 = arith.constant 38 : i32
    %dma_wait3A_474 = arith.constant 0 : i32
    %dma_wait3A_475 = tpu.memref_slice %arg7[%dma_wait3A_473, %dma_wait3A_474] : memref<40x128xi32, #tpu.memory_space<vmem>> -> memref<1x128xi32, #tpu.memory_space<vmem>>
    %dma_wait3A_476 = tpu.memref_squeeze %dma_wait3A_475 : memref<1x128xi32, #tpu.memory_space<vmem>> -> memref<128xi32, #tpu.memory_space<vmem>>
    %dma_wait3A_477 = arith.constant 0 : i32
    %dma_wait3A_478 = arith.constant 0 : i32
    %dma_wait3A_479 = tpu.memref_slice %arg2[%dma_wait3A_477, %dma_wait3A_478] : memref<40960x128xf32, #tpu.memory_space<hbm>> -> memref<40960x128xf32, #tpu.memory_space<hbm>>
    tpu.wait_indirect_dma semaphore(%arg12 : memref<!tpu.dma_semaphore, #tpu.memory_space<semaphore_mem>>) src(%dma_wait3A_479 : memref<40960x128xf32, #tpu.memory_space<hbm>>) dst(%arg9 : memref<128x128xf32, #tpu.memory_space<vmem>>)
    %dma_wait3A_480 = arith.constant 37 : i32
    %dma_wait3A_481 = arith.constant 0 : i32
    %dma_wait3A_482 = tpu.memref_slice %arg8[%dma_wait3A_480, %dma_wait3A_481] : memref<40x128xi32, #tpu.memory_space<vmem>> -> memref<1x128xi32, #tpu.memory_space<vmem>>
    %dma_wait3A_483 = tpu.memref_squeeze %dma_wait3A_482 : memref<1x128xi32, #tpu.memory_space<vmem>> -> memref<128xi32, #tpu.memory_space<vmem>>
    %dma_wait3A_484 = arith.constant 0 : i32
    %dma_wait3A_485 = arith.constant 0 : i32
    %dma_wait3A_486 = tpu.memref_slice %arg11[%dma_wait3A_484, %dma_wait3A_485] : memref<10240x128xf32, #tpu.memory_space<vmem_shared>> -> memref<10240x128xf32, #tpu.memory_space<vmem_shared>>
    tpu.wait_indirect_dma semaphore(%arg14 : memref<!tpu.dma_semaphore, #tpu.memory_space<semaphore_mem>>) src(%arg10 : memref<128x128xf32, #tpu.memory_space<vmem>>) dst(%dma_wait3A_486 : memref<10240x128xf32, #tpu.memory_space<vmem_shared>>)
    %dma_start3A_487 = arith.constant 39 : i32
    %dma_start3A_488 = arith.constant 0 : i32
    %dma_start3A_489 = tpu.memref_slice %arg7[%dma_start3A_487, %dma_start3A_488] : memref<40x128xi32, #tpu.memory_space<vmem>> -> memref<1x128xi32, #tpu.memory_space<vmem>>
    %dma_start3A_490 = tpu.memref_squeeze %dma_start3A_489 : memref<1x128xi32, #tpu.memory_space<vmem>> -> memref<128xi32, #tpu.memory_space<vmem>>
    %dma_start3A_491 = arith.constant 0 : i32
    %dma_start3A_492 = arith.constant 0 : i32
    %dma_start3A_493 = tpu.memref_slice %arg2[%dma_start3A_491, %dma_start3A_492] : memref<40960x128xf32, #tpu.memory_space<hbm>> -> memref<40960x128xf32, #tpu.memory_space<hbm>>
    tpu.enqueue_indirect_dma source(%dma_start3A_493 : memref<40960x128xf32, #tpu.memory_space<hbm>>) target(%arg10 : memref<128x128xf32, #tpu.memory_space<vmem>>) offsets(%dma_start3A_490 : memref<128xi32, #tpu.memory_space<vmem>>) semaphore(%arg12 : memref<!tpu.dma_semaphore, #tpu.memory_space<semaphore_mem>>)
    %dma_start3A_494 = arith.constant 38 : i32
    %dma_start3A_495 = arith.constant 0 : i32
    %dma_start3A_496 = tpu.memref_slice %arg8[%dma_start3A_494, %dma_start3A_495] : memref<40x128xi32, #tpu.memory_space<vmem>> -> memref<1x128xi32, #tpu.memory_space<vmem>>
    %dma_start3A_497 = tpu.memref_squeeze %dma_start3A_496 : memref<1x128xi32, #tpu.memory_space<vmem>> -> memref<128xi32, #tpu.memory_space<vmem>>
    %dma_start3A_498 = arith.constant 0 : i32
    %dma_start3A_499 = arith.constant 0 : i32
    %dma_start3A_500 = tpu.memref_slice %arg11[%dma_start3A_498, %dma_start3A_499] : memref<10240x128xf32, #tpu.memory_space<vmem_shared>> -> memref<10240x128xf32, #tpu.memory_space<vmem_shared>>
    tpu.enqueue_indirect_dma source(%arg9 : memref<128x128xf32, #tpu.memory_space<vmem>>) target(%dma_start3A_500 : memref<10240x128xf32, #tpu.memory_space<vmem_shared>>) offsets(%dma_start3A_497 : memref<128xi32, #tpu.memory_space<vmem>>) semaphore(%arg13 : memref<!tpu.dma_semaphore, #tpu.memory_space<semaphore_mem>>) {add = true}
    %dma_wait3A_501 = arith.constant 39 : i32
    %dma_wait3A_502 = arith.constant 0 : i32
    %dma_wait3A_503 = tpu.memref_slice %arg7[%dma_wait3A_501, %dma_wait3A_502] : memref<40x128xi32, #tpu.memory_space<vmem>> -> memref<1x128xi32, #tpu.memory_space<vmem>>
    %dma_wait3A_504 = tpu.memref_squeeze %dma_wait3A_503 : memref<1x128xi32, #tpu.memory_space<vmem>> -> memref<128xi32, #tpu.memory_space<vmem>>
    %dma_wait3A_505 = arith.constant 0 : i32
    %dma_wait3A_506 = arith.constant 0 : i32
    %dma_wait3A_507 = tpu.memref_slice %arg2[%dma_wait3A_505, %dma_wait3A_506] : memref<40960x128xf32, #tpu.memory_space<hbm>> -> memref<40960x128xf32, #tpu.memory_space<hbm>>
    tpu.wait_indirect_dma semaphore(%arg12 : memref<!tpu.dma_semaphore, #tpu.memory_space<semaphore_mem>>) src(%dma_wait3A_507 : memref<40960x128xf32, #tpu.memory_space<hbm>>) dst(%arg10 : memref<128x128xf32, #tpu.memory_space<vmem>>)
    %dma_wait3A_508 = arith.constant 38 : i32
    %dma_wait3A_509 = arith.constant 0 : i32
    %dma_wait3A_510 = tpu.memref_slice %arg8[%dma_wait3A_508, %dma_wait3A_509] : memref<40x128xi32, #tpu.memory_space<vmem>> -> memref<1x128xi32, #tpu.memory_space<vmem>>
    %dma_wait3A_511 = tpu.memref_squeeze %dma_wait3A_510 : memref<1x128xi32, #tpu.memory_space<vmem>> -> memref<128xi32, #tpu.memory_space<vmem>>
    %dma_wait3A_512 = arith.constant 0 : i32
    %dma_wait3A_513 = arith.constant 0 : i32
    %dma_wait3A_514 = tpu.memref_slice %arg11[%dma_wait3A_512, %dma_wait3A_513] : memref<10240x128xf32, #tpu.memory_space<vmem_shared>> -> memref<10240x128xf32, #tpu.memory_space<vmem_shared>>
    tpu.wait_indirect_dma semaphore(%arg13 : memref<!tpu.dma_semaphore, #tpu.memory_space<semaphore_mem>>) src(%arg9 : memref<128x128xf32, #tpu.memory_space<vmem>>) dst(%dma_wait3A_514 : memref<10240x128xf32, #tpu.memory_space<vmem_shared>>)
    %dma_start3A_515 = arith.constant 39 : i32
    %dma_start3A_516 = arith.constant 0 : i32
    %dma_start3A_517 = tpu.memref_slice %arg8[%dma_start3A_515, %dma_start3A_516] : memref<40x128xi32, #tpu.memory_space<vmem>> -> memref<1x128xi32, #tpu.memory_space<vmem>>
    %dma_start3A_518 = tpu.memref_squeeze %dma_start3A_517 : memref<1x128xi32, #tpu.memory_space<vmem>> -> memref<128xi32, #tpu.memory_space<vmem>>
    %dma_start3A_519 = arith.constant 0 : i32
    %dma_start3A_520 = arith.constant 0 : i32
    %dma_start3A_521 = tpu.memref_slice %arg11[%dma_start3A_519, %dma_start3A_520] : memref<10240x128xf32, #tpu.memory_space<vmem_shared>> -> memref<10240x128xf32, #tpu.memory_space<vmem_shared>>
    tpu.enqueue_indirect_dma source(%arg10 : memref<128x128xf32, #tpu.memory_space<vmem>>) target(%dma_start3A_521 : memref<10240x128xf32, #tpu.memory_space<vmem_shared>>) offsets(%dma_start3A_518 : memref<128xi32, #tpu.memory_space<vmem>>) semaphore(%arg14 : memref<!tpu.dma_semaphore, #tpu.memory_space<semaphore_mem>>) {add = true}
    %dma_wait3A_522 = arith.constant 39 : i32
    %dma_wait3A_523 = arith.constant 0 : i32
    %dma_wait3A_524 = tpu.memref_slice %arg8[%dma_wait3A_522, %dma_wait3A_523] : memref<40x128xi32, #tpu.memory_space<vmem>> -> memref<1x128xi32, #tpu.memory_space<vmem>>
    %dma_wait3A_525 = tpu.memref_squeeze %dma_wait3A_524 : memref<1x128xi32, #tpu.memory_space<vmem>> -> memref<128xi32, #tpu.memory_space<vmem>>
    %dma_wait3A_526 = arith.constant 0 : i32
    %dma_wait3A_527 = arith.constant 0 : i32
    %dma_wait3A_528 = tpu.memref_slice %arg11[%dma_wait3A_526, %dma_wait3A_527] : memref<10240x128xf32, #tpu.memory_space<vmem_shared>> -> memref<10240x128xf32, #tpu.memory_space<vmem_shared>>
    tpu.wait_indirect_dma semaphore(%arg14 : memref<!tpu.dma_semaphore, #tpu.memory_space<semaphore_mem>>) src(%arg10 : memref<128x128xf32, #tpu.memory_space<vmem>>) dst(%dma_wait3A_528 : memref<10240x128xf32, #tpu.memory_space<vmem_shared>>)
    %barrier3A_529 = arith.constant 0 : index
    tpu.barrier barrier_id(%barrier3A_529)
    %mul3A_530 = arith.constant 640 : i32
    %mul3A_531 = arith.muli %arg1, %mul3A_530 : i32
    %add3A_532 = arith.constant 2 : i32
    %add3A_533 = arith.addi %add3A_532, %arg0 : i32
    %mul3A_534 = arith.constant 10240 : i32
    %mul3A_535 = arith.muli %add3A_533, %mul3A_534 : i32
    %mul3A_536 = arith.constant 640 : i32
    %mul3A_537 = arith.muli %arg1, %mul3A_536 : i32
    %add3A_538 = arith.addi %mul3A_535, %mul3A_537 : i32
    "tpu.region"() ({
      %run_scoped3A = tpu.sem_alloc : memref<!tpu.dma_semaphore, #tpu.memory_space<semaphore_mem>>
      %dma_start3A_1081 = arith.constant 0 : i32
      %dma_start3A_1082 = tpu.memref_slice %arg6[%add3A_538, %dma_start3A_1081] : memref<81920x128xf32, #tpu.memory_space<hbm>> -> memref<640x128xf32, #tpu.memory_space<hbm>>
      %dma_start3A_1083 = arith.constant 0 : i32
      %dma_start3A_1084 = tpu.memref_slice %arg11[%mul3A_531, %dma_start3A_1083] : memref<10240x128xf32, #tpu.memory_space<vmem_shared>> -> memref<640x128xf32, #tpu.memory_space<vmem_shared>>
      tpu.enqueue_dma source(%dma_start3A_1084 : memref<640x128xf32, #tpu.memory_space<vmem_shared>>) target(%dma_start3A_1082 : memref<640x128xf32, #tpu.memory_space<hbm>>) target_semaphore(%run_scoped3A : memref<!tpu.dma_semaphore, #tpu.memory_space<semaphore_mem>>)
      %dma_wait3A_1085 = arith.constant 0 : i32
      %dma_wait3A_1086 = tpu.memref_slice %arg6[%add3A_538, %dma_wait3A_1085] : memref<81920x128xf32, #tpu.memory_space<hbm>> -> memref<640x128xf32, #tpu.memory_space<hbm>>
      %dma_wait3A_1087 = arith.constant 0 : i32
      %dma_wait3A_1088 = tpu.memref_slice %arg11[%mul3A_531, %dma_wait3A_1087] : memref<10240x128xf32, #tpu.memory_space<vmem_shared>> -> memref<640x128xf32, #tpu.memory_space<vmem_shared>>
      tpu.wait_dma2 semaphore(%run_scoped3A : memref<!tpu.dma_semaphore, #tpu.memory_space<semaphore_mem>>) src(%dma_wait3A_1088 : memref<640x128xf32, #tpu.memory_space<vmem_shared>>) dst(%dma_wait3A_1086 : memref<640x128xf32, #tpu.memory_space<hbm>>)
      tpu.yield
    }) : () -> ()
    %mul3A_539 = arith.constant 640 : i32
    %mul3A_540 = arith.muli %arg1, %mul3A_539 : i32
    %mul3A_541 = arith.constant 640 : i32
    %mul3A_542 = arith.muli %arg1, %mul3A_541 : i32
    "tpu.region"() ({
      %run_scoped3A = tpu.sem_alloc : memref<!tpu.dma_semaphore, #tpu.memory_space<semaphore_mem>>
      %dma_start3A_1081 = arith.constant 0 : i32
      %dma_start3A_1082 = tpu.memref_slice %arg11[%mul3A_542, %dma_start3A_1081] : memref<10240x128xf32, #tpu.memory_space<vmem_shared>> -> memref<640x128xf32, #tpu.memory_space<vmem_shared>>
      %dma_start3A_1083 = arith.constant 0 : i32
      %dma_start3A_1084 = tpu.memref_slice %arg5[%mul3A_540, %dma_start3A_1083] : memref<10240x128xf32, #tpu.memory_space<hbm>> -> memref<640x128xf32, #tpu.memory_space<hbm>>
      tpu.enqueue_dma source(%dma_start3A_1084 : memref<640x128xf32, #tpu.memory_space<hbm>>) target(%dma_start3A_1082 : memref<640x128xf32, #tpu.memory_space<vmem_shared>>) target_semaphore(%run_scoped3A : memref<!tpu.dma_semaphore, #tpu.memory_space<semaphore_mem>>)
      %dma_wait3A_1085 = arith.constant 0 : i32
      %dma_wait3A_1086 = tpu.memref_slice %arg11[%mul3A_542, %dma_wait3A_1085] : memref<10240x128xf32, #tpu.memory_space<vmem_shared>> -> memref<640x128xf32, #tpu.memory_space<vmem_shared>>
      %dma_wait3A_1087 = arith.constant 0 : i32
      %dma_wait3A_1088 = tpu.memref_slice %arg5[%mul3A_540, %dma_wait3A_1087] : memref<10240x128xf32, #tpu.memory_space<hbm>> -> memref<640x128xf32, #tpu.memory_space<hbm>>
      tpu.wait_dma2 semaphore(%run_scoped3A : memref<!tpu.dma_semaphore, #tpu.memory_space<semaphore_mem>>) src(%dma_wait3A_1088 : memref<640x128xf32, #tpu.memory_space<hbm>>) dst(%dma_wait3A_1086 : memref<640x128xf32, #tpu.memory_space<vmem_shared>>)
      tpu.yield
    }) : () -> ()
    %barrier3A_543 = arith.constant 0 : index
    tpu.barrier barrier_id(%barrier3A_543)
    %add3A_544 = arith.constant 64 : i32
    %add3A_545 = arith.addi %add3A_544, %add3A : i32
    %mul3A_546 = arith.constant 2 : i32
    %mul3A_547 = arith.muli %add3A_545, %mul3A_546 : i32
    %add3A_548 = arith.constant 0 : i32
    %add3A_549 = arith.addi %mul3A_547, %add3A_548 : i32
    "tpu.region"() ({
      %run_scoped3A = tpu.sem_alloc : memref<!tpu.dma_semaphore, #tpu.memory_space<semaphore_mem>>
      %dma_start3A_1081 = arith.constant 0 : i32
      %dma_start3A_1082 = arith.constant 0 : i32
      %dma_start3A_1083 = tpu.memref_slice %arg3[%add3A_549, %dma_start3A_1081, %dma_start3A_1082] : memref<256x40x128xi32, #tpu.memory_space<hbm>> -> memref<1x40x128xi32, #tpu.memory_space<hbm>>
      %dma_start3A_1084 = tpu.memref_squeeze %dma_start3A_1083 : memref<1x40x128xi32, #tpu.memory_space<hbm>> -> memref<40x128xi32, #tpu.memory_space<hbm>>
      %dma_start3A_1085 = arith.constant 0 : i32
      %dma_start3A_1086 = arith.constant 0 : i32
      %dma_start3A_1087 = tpu.memref_slice %arg3[%add3A_549, %dma_start3A_1085, %dma_start3A_1086] : memref<256x40x128xi32, #tpu.memory_space<hbm>> -> memref<1x40x128xi32, #tpu.memory_space<hbm>>
      %dma_start3A_1088 = tpu.memref_squeeze %dma_start3A_1087 : memref<1x40x128xi32, #tpu.memory_space<hbm>> -> memref<40x128xi32, #tpu.memory_space<hbm>>
      tpu.enqueue_dma source(%dma_start3A_1088 : memref<40x128xi32, #tpu.memory_space<hbm>>) target(%arg7 : memref<40x128xi32, #tpu.memory_space<vmem>>) target_semaphore(%run_scoped3A : memref<!tpu.dma_semaphore, #tpu.memory_space<semaphore_mem>>)
      %dma_wait3A_1089 = arith.constant 0 : i32
      %dma_wait3A_1090 = arith.constant 0 : i32
      %dma_wait3A_1091 = tpu.memref_slice %arg3[%add3A_549, %dma_wait3A_1089, %dma_wait3A_1090] : memref<256x40x128xi32, #tpu.memory_space<hbm>> -> memref<1x40x128xi32, #tpu.memory_space<hbm>>
      %dma_wait3A_1092 = tpu.memref_squeeze %dma_wait3A_1091 : memref<1x40x128xi32, #tpu.memory_space<hbm>> -> memref<40x128xi32, #tpu.memory_space<hbm>>
      %dma_wait3A_1093 = arith.constant 0 : i32
      %dma_wait3A_1094 = arith.constant 0 : i32
      %dma_wait3A_1095 = tpu.memref_slice %arg3[%add3A_549, %dma_wait3A_1093, %dma_wait3A_1094] : memref<256x40x128xi32, #tpu.memory_space<hbm>> -> memref<1x40x128xi32, #tpu.memory_space<hbm>>
      %dma_wait3A_1096 = tpu.memref_squeeze %dma_wait3A_1095 : memref<1x40x128xi32, #tpu.memory_space<hbm>> -> memref<40x128xi32, #tpu.memory_space<hbm>>
      tpu.wait_dma2 semaphore(%run_scoped3A : memref<!tpu.dma_semaphore, #tpu.memory_space<semaphore_mem>>) src(%dma_wait3A_1096 : memref<40x128xi32, #tpu.memory_space<hbm>>) dst(%arg7 : memref<40x128xi32, #tpu.memory_space<vmem>>)
      tpu.yield
    }) : () -> ()
    %mul3A_550 = arith.constant 2 : i32
    %mul3A_551 = arith.muli %add3A, %mul3A_550 : i32
    %add3A_552 = arith.constant 0 : i32
    %add3A_553 = arith.addi %mul3A_551, %add3A_552 : i32
    "tpu.region"() ({
      %run_scoped3A = tpu.sem_alloc : memref<!tpu.dma_semaphore, #tpu.memory_space<semaphore_mem>>
      %dma_start3A_1081 = arith.constant 0 : i32
      %dma_start3A_1082 = arith.constant 0 : i32
      %dma_start3A_1083 = tpu.memref_slice %arg4[%add3A_553, %dma_start3A_1081, %dma_start3A_1082] : memref<64x40x128xi32, #tpu.memory_space<hbm>> -> memref<1x40x128xi32, #tpu.memory_space<hbm>>
      %dma_start3A_1084 = tpu.memref_squeeze %dma_start3A_1083 : memref<1x40x128xi32, #tpu.memory_space<hbm>> -> memref<40x128xi32, #tpu.memory_space<hbm>>
      %dma_start3A_1085 = arith.constant 0 : i32
      %dma_start3A_1086 = arith.constant 0 : i32
      %dma_start3A_1087 = tpu.memref_slice %arg4[%add3A_553, %dma_start3A_1085, %dma_start3A_1086] : memref<64x40x128xi32, #tpu.memory_space<hbm>> -> memref<1x40x128xi32, #tpu.memory_space<hbm>>
      %dma_start3A_1088 = tpu.memref_squeeze %dma_start3A_1087 : memref<1x40x128xi32, #tpu.memory_space<hbm>> -> memref<40x128xi32, #tpu.memory_space<hbm>>
      tpu.enqueue_dma source(%dma_start3A_1088 : memref<40x128xi32, #tpu.memory_space<hbm>>) target(%arg8 : memref<40x128xi32, #tpu.memory_space<vmem>>) target_semaphore(%run_scoped3A : memref<!tpu.dma_semaphore, #tpu.memory_space<semaphore_mem>>)
      %dma_wait3A_1089 = arith.constant 0 : i32
      %dma_wait3A_1090 = arith.constant 0 : i32
      %dma_wait3A_1091 = tpu.memref_slice %arg4[%add3A_553, %dma_wait3A_1089, %dma_wait3A_1090] : memref<64x40x128xi32, #tpu.memory_space<hbm>> -> memref<1x40x128xi32, #tpu.memory_space<hbm>>
      %dma_wait3A_1092 = tpu.memref_squeeze %dma_wait3A_1091 : memref<1x40x128xi32, #tpu.memory_space<hbm>> -> memref<40x128xi32, #tpu.memory_space<hbm>>
      %dma_wait3A_1093 = arith.constant 0 : i32
      %dma_wait3A_1094 = arith.constant 0 : i32
      %dma_wait3A_1095 = tpu.memref_slice %arg4[%add3A_553, %dma_wait3A_1093, %dma_wait3A_1094] : memref<64x40x128xi32, #tpu.memory_space<hbm>> -> memref<1x40x128xi32, #tpu.memory_space<hbm>>
      %dma_wait3A_1096 = tpu.memref_squeeze %dma_wait3A_1095 : memref<1x40x128xi32, #tpu.memory_space<hbm>> -> memref<40x128xi32, #tpu.memory_space<hbm>>
      tpu.wait_dma2 semaphore(%run_scoped3A : memref<!tpu.dma_semaphore, #tpu.memory_space<semaphore_mem>>) src(%dma_wait3A_1096 : memref<40x128xi32, #tpu.memory_space<hbm>>) dst(%arg8 : memref<40x128xi32, #tpu.memory_space<vmem>>)
      tpu.yield
    }) : () -> ()
    %dma_start3A_554 = arith.constant 0 : i32
    %dma_start3A_555 = arith.constant 0 : i32
    %dma_start3A_556 = tpu.memref_slice %arg7[%dma_start3A_554, %dma_start3A_555] : memref<40x128xi32, #tpu.memory_space<vmem>> -> memref<1x128xi32, #tpu.memory_space<vmem>>
    %dma_start3A_557 = tpu.memref_squeeze %dma_start3A_556 : memref<1x128xi32, #tpu.memory_space<vmem>> -> memref<128xi32, #tpu.memory_space<vmem>>
    %dma_start3A_558 = arith.constant 0 : i32
    %dma_start3A_559 = arith.constant 0 : i32
    %dma_start3A_560 = tpu.memref_slice %arg2[%dma_start3A_558, %dma_start3A_559] : memref<40960x128xf32, #tpu.memory_space<hbm>> -> memref<40960x128xf32, #tpu.memory_space<hbm>>
    tpu.enqueue_indirect_dma source(%dma_start3A_560 : memref<40960x128xf32, #tpu.memory_space<hbm>>) target(%arg9 : memref<128x128xf32, #tpu.memory_space<vmem>>) offsets(%dma_start3A_557 : memref<128xi32, #tpu.memory_space<vmem>>) semaphore(%arg12 : memref<!tpu.dma_semaphore, #tpu.memory_space<semaphore_mem>>)
    %dma_wait3A_561 = arith.constant 0 : i32
    %dma_wait3A_562 = arith.constant 0 : i32
    %dma_wait3A_563 = tpu.memref_slice %arg7[%dma_wait3A_561, %dma_wait3A_562] : memref<40x128xi32, #tpu.memory_space<vmem>> -> memref<1x128xi32, #tpu.memory_space<vmem>>
    %dma_wait3A_564 = tpu.memref_squeeze %dma_wait3A_563 : memref<1x128xi32, #tpu.memory_space<vmem>> -> memref<128xi32, #tpu.memory_space<vmem>>
    %dma_wait3A_565 = arith.constant 0 : i32
    %dma_wait3A_566 = arith.constant 0 : i32
    %dma_wait3A_567 = tpu.memref_slice %arg2[%dma_wait3A_565, %dma_wait3A_566] : memref<40960x128xf32, #tpu.memory_space<hbm>> -> memref<40960x128xf32, #tpu.memory_space<hbm>>
    tpu.wait_indirect_dma semaphore(%arg12 : memref<!tpu.dma_semaphore, #tpu.memory_space<semaphore_mem>>) src(%dma_wait3A_567 : memref<40960x128xf32, #tpu.memory_space<hbm>>) dst(%arg9 : memref<128x128xf32, #tpu.memory_space<vmem>>)
    %dma_start3A_568 = arith.constant 1 : i32
    %dma_start3A_569 = arith.constant 0 : i32
    %dma_start3A_570 = tpu.memref_slice %arg7[%dma_start3A_568, %dma_start3A_569] : memref<40x128xi32, #tpu.memory_space<vmem>> -> memref<1x128xi32, #tpu.memory_space<vmem>>
    %dma_start3A_571 = tpu.memref_squeeze %dma_start3A_570 : memref<1x128xi32, #tpu.memory_space<vmem>> -> memref<128xi32, #tpu.memory_space<vmem>>
    %dma_start3A_572 = arith.constant 0 : i32
    %dma_start3A_573 = arith.constant 0 : i32
    %dma_start3A_574 = tpu.memref_slice %arg2[%dma_start3A_572, %dma_start3A_573] : memref<40960x128xf32, #tpu.memory_space<hbm>> -> memref<40960x128xf32, #tpu.memory_space<hbm>>
    tpu.enqueue_indirect_dma source(%dma_start3A_574 : memref<40960x128xf32, #tpu.memory_space<hbm>>) target(%arg10 : memref<128x128xf32, #tpu.memory_space<vmem>>) offsets(%dma_start3A_571 : memref<128xi32, #tpu.memory_space<vmem>>) semaphore(%arg12 : memref<!tpu.dma_semaphore, #tpu.memory_space<semaphore_mem>>)
    %dma_start3A_575 = arith.constant 0 : i32
    %dma_start3A_576 = arith.constant 0 : i32
    %dma_start3A_577 = tpu.memref_slice %arg8[%dma_start3A_575, %dma_start3A_576] : memref<40x128xi32, #tpu.memory_space<vmem>> -> memref<1x128xi32, #tpu.memory_space<vmem>>
    %dma_start3A_578 = tpu.memref_squeeze %dma_start3A_577 : memref<1x128xi32, #tpu.memory_space<vmem>> -> memref<128xi32, #tpu.memory_space<vmem>>
    %dma_start3A_579 = arith.constant 0 : i32
    %dma_start3A_580 = arith.constant 0 : i32
    %dma_start3A_581 = tpu.memref_slice %arg11[%dma_start3A_579, %dma_start3A_580] : memref<10240x128xf32, #tpu.memory_space<vmem_shared>> -> memref<10240x128xf32, #tpu.memory_space<vmem_shared>>
    tpu.enqueue_indirect_dma source(%arg9 : memref<128x128xf32, #tpu.memory_space<vmem>>) target(%dma_start3A_581 : memref<10240x128xf32, #tpu.memory_space<vmem_shared>>) offsets(%dma_start3A_578 : memref<128xi32, #tpu.memory_space<vmem>>) semaphore(%arg13 : memref<!tpu.dma_semaphore, #tpu.memory_space<semaphore_mem>>) {add = true}
    %dma_wait3A_582 = arith.constant 1 : i32
    %dma_wait3A_583 = arith.constant 0 : i32
    %dma_wait3A_584 = tpu.memref_slice %arg7[%dma_wait3A_582, %dma_wait3A_583] : memref<40x128xi32, #tpu.memory_space<vmem>> -> memref<1x128xi32, #tpu.memory_space<vmem>>
    %dma_wait3A_585 = tpu.memref_squeeze %dma_wait3A_584 : memref<1x128xi32, #tpu.memory_space<vmem>> -> memref<128xi32, #tpu.memory_space<vmem>>
    %dma_wait3A_586 = arith.constant 0 : i32
    %dma_wait3A_587 = arith.constant 0 : i32
    %dma_wait3A_588 = tpu.memref_slice %arg2[%dma_wait3A_586, %dma_wait3A_587] : memref<40960x128xf32, #tpu.memory_space<hbm>> -> memref<40960x128xf32, #tpu.memory_space<hbm>>
    tpu.wait_indirect_dma semaphore(%arg12 : memref<!tpu.dma_semaphore, #tpu.memory_space<semaphore_mem>>) src(%dma_wait3A_588 : memref<40960x128xf32, #tpu.memory_space<hbm>>) dst(%arg10 : memref<128x128xf32, #tpu.memory_space<vmem>>)
    %dma_wait3A_589 = arith.constant 0 : i32
    %dma_wait3A_590 = arith.constant 0 : i32
    %dma_wait3A_591 = tpu.memref_slice %arg8[%dma_wait3A_589, %dma_wait3A_590] : memref<40x128xi32, #tpu.memory_space<vmem>> -> memref<1x128xi32, #tpu.memory_space<vmem>>
    %dma_wait3A_592 = tpu.memref_squeeze %dma_wait3A_591 : memref<1x128xi32, #tpu.memory_space<vmem>> -> memref<128xi32, #tpu.memory_space<vmem>>
    %dma_wait3A_593 = arith.constant 0 : i32
    %dma_wait3A_594 = arith.constant 0 : i32
    %dma_wait3A_595 = tpu.memref_slice %arg11[%dma_wait3A_593, %dma_wait3A_594] : memref<10240x128xf32, #tpu.memory_space<vmem_shared>> -> memref<10240x128xf32, #tpu.memory_space<vmem_shared>>
    tpu.wait_indirect_dma semaphore(%arg13 : memref<!tpu.dma_semaphore, #tpu.memory_space<semaphore_mem>>) src(%arg9 : memref<128x128xf32, #tpu.memory_space<vmem>>) dst(%dma_wait3A_595 : memref<10240x128xf32, #tpu.memory_space<vmem_shared>>)
    %dma_start3A_596 = arith.constant 2 : i32
    %dma_start3A_597 = arith.constant 0 : i32
    %dma_start3A_598 = tpu.memref_slice %arg7[%dma_start3A_596, %dma_start3A_597] : memref<40x128xi32, #tpu.memory_space<vmem>> -> memref<1x128xi32, #tpu.memory_space<vmem>>
    %dma_start3A_599 = tpu.memref_squeeze %dma_start3A_598 : memref<1x128xi32, #tpu.memory_space<vmem>> -> memref<128xi32, #tpu.memory_space<vmem>>
    %dma_start3A_600 = arith.constant 0 : i32
    %dma_start3A_601 = arith.constant 0 : i32
    %dma_start3A_602 = tpu.memref_slice %arg2[%dma_start3A_600, %dma_start3A_601] : memref<40960x128xf32, #tpu.memory_space<hbm>> -> memref<40960x128xf32, #tpu.memory_space<hbm>>
    tpu.enqueue_indirect_dma source(%dma_start3A_602 : memref<40960x128xf32, #tpu.memory_space<hbm>>) target(%arg9 : memref<128x128xf32, #tpu.memory_space<vmem>>) offsets(%dma_start3A_599 : memref<128xi32, #tpu.memory_space<vmem>>) semaphore(%arg12 : memref<!tpu.dma_semaphore, #tpu.memory_space<semaphore_mem>>)
    %dma_start3A_603 = arith.constant 1 : i32
    %dma_start3A_604 = arith.constant 0 : i32
    %dma_start3A_605 = tpu.memref_slice %arg8[%dma_start3A_603, %dma_start3A_604] : memref<40x128xi32, #tpu.memory_space<vmem>> -> memref<1x128xi32, #tpu.memory_space<vmem>>
    %dma_start3A_606 = tpu.memref_squeeze %dma_start3A_605 : memref<1x128xi32, #tpu.memory_space<vmem>> -> memref<128xi32, #tpu.memory_space<vmem>>
    %dma_start3A_607 = arith.constant 0 : i32
    %dma_start3A_608 = arith.constant 0 : i32
    %dma_start3A_609 = tpu.memref_slice %arg11[%dma_start3A_607, %dma_start3A_608] : memref<10240x128xf32, #tpu.memory_space<vmem_shared>> -> memref<10240x128xf32, #tpu.memory_space<vmem_shared>>
    tpu.enqueue_indirect_dma source(%arg10 : memref<128x128xf32, #tpu.memory_space<vmem>>) target(%dma_start3A_609 : memref<10240x128xf32, #tpu.memory_space<vmem_shared>>) offsets(%dma_start3A_606 : memref<128xi32, #tpu.memory_space<vmem>>) semaphore(%arg14 : memref<!tpu.dma_semaphore, #tpu.memory_space<semaphore_mem>>) {add = true}
    %scan3A_610 = arith.constant 0 : i32
    %scan3A_611 = arith.constant 1 : i32
    %scan3A_612 = arith.constant 18 : i32
    %scan3A_613 = arith.addi %scan3A_611, %scan3A_612 : i32
    %scan3A_614 = arith.constant 1 : i32
    scf.for %scan3A_1081 = %scan3A_611 to %scan3A_613 step %scan3A_614  : i32 {
      %mul3A_1082 = arith.constant 2 : i32
      %mul3A_1083 = arith.muli %mul3A_1082, %scan3A_1081 : i32
      %add3A_1084 = arith.constant 0 : i32
      %add3A_1085 = arith.addi %mul3A_1083, %add3A_1084 : i32
      %dma_wait3A_1086 = arith.constant 0 : i32
      %dma_wait3A_1087 = tpu.memref_slice %arg7[%add3A_1085, %dma_wait3A_1086] : memref<40x128xi32, #tpu.memory_space<vmem>> -> memref<1x128xi32, #tpu.memory_space<vmem>>
      %dma_wait3A_1088 = tpu.memref_squeeze %dma_wait3A_1087 : memref<1x128xi32, #tpu.memory_space<vmem>> -> memref<128xi32, #tpu.memory_space<vmem>>
      %dma_wait3A_1089 = arith.constant 0 : i32
      %dma_wait3A_1090 = arith.constant 0 : i32
      %dma_wait3A_1091 = tpu.memref_slice %arg2[%dma_wait3A_1089, %dma_wait3A_1090] : memref<40960x128xf32, #tpu.memory_space<hbm>> -> memref<40960x128xf32, #tpu.memory_space<hbm>>
      tpu.wait_indirect_dma semaphore(%arg12 : memref<!tpu.dma_semaphore, #tpu.memory_space<semaphore_mem>>) src(%dma_wait3A_1091 : memref<40960x128xf32, #tpu.memory_space<hbm>>) dst(%arg9 : memref<128x128xf32, #tpu.memory_space<vmem>>)
      %sub3A = arith.constant 1 : i32
      %sub3A_1092 = arith.subi %add3A_1085, %sub3A : i32
      %dma_wait3A_1093 = arith.constant 0 : i32
      %dma_wait3A_1094 = tpu.memref_slice %arg8[%sub3A_1092, %dma_wait3A_1093] : memref<40x128xi32, #tpu.memory_space<vmem>> -> memref<1x128xi32, #tpu.memory_space<vmem>>
      %dma_wait3A_1095 = tpu.memref_squeeze %dma_wait3A_1094 : memref<1x128xi32, #tpu.memory_space<vmem>> -> memref<128xi32, #tpu.memory_space<vmem>>
      %dma_wait3A_1096 = arith.constant 0 : i32
      %dma_wait3A_1097 = arith.constant 0 : i32
      %dma_wait3A_1098 = tpu.memref_slice %arg11[%dma_wait3A_1096, %dma_wait3A_1097] : memref<10240x128xf32, #tpu.memory_space<vmem_shared>> -> memref<10240x128xf32, #tpu.memory_space<vmem_shared>>
      tpu.wait_indirect_dma semaphore(%arg14 : memref<!tpu.dma_semaphore, #tpu.memory_space<semaphore_mem>>) src(%arg10 : memref<128x128xf32, #tpu.memory_space<vmem>>) dst(%dma_wait3A_1098 : memref<10240x128xf32, #tpu.memory_space<vmem_shared>>)
      %add3A_1099 = arith.constant 1 : i32
      %add3A_1100 = arith.addi %add3A_1085, %add3A_1099 : i32
      %dma_start3A_1101 = arith.constant 0 : i32
      %dma_start3A_1102 = tpu.memref_slice %arg7[%add3A_1100, %dma_start3A_1101] : memref<40x128xi32, #tpu.memory_space<vmem>> -> memref<1x128xi32, #tpu.memory_space<vmem>>
      %dma_start3A_1103 = tpu.memref_squeeze %dma_start3A_1102 : memref<1x128xi32, #tpu.memory_space<vmem>> -> memref<128xi32, #tpu.memory_space<vmem>>
      %dma_start3A_1104 = arith.constant 0 : i32
      %dma_start3A_1105 = arith.constant 0 : i32
      %dma_start3A_1106 = tpu.memref_slice %arg2[%dma_start3A_1104, %dma_start3A_1105] : memref<40960x128xf32, #tpu.memory_space<hbm>> -> memref<40960x128xf32, #tpu.memory_space<hbm>>
      tpu.enqueue_indirect_dma source(%dma_start3A_1106 : memref<40960x128xf32, #tpu.memory_space<hbm>>) target(%arg10 : memref<128x128xf32, #tpu.memory_space<vmem>>) offsets(%dma_start3A_1103 : memref<128xi32, #tpu.memory_space<vmem>>) semaphore(%arg12 : memref<!tpu.dma_semaphore, #tpu.memory_space<semaphore_mem>>)
      %dma_start3A_1107 = arith.constant 0 : i32
      %dma_start3A_1108 = tpu.memref_slice %arg8[%add3A_1085, %dma_start3A_1107] : memref<40x128xi32, #tpu.memory_space<vmem>> -> memref<1x128xi32, #tpu.memory_space<vmem>>
      %dma_start3A_1109 = tpu.memref_squeeze %dma_start3A_1108 : memref<1x128xi32, #tpu.memory_space<vmem>> -> memref<128xi32, #tpu.memory_space<vmem>>
      %dma_start3A_1110 = arith.constant 0 : i32
      %dma_start3A_1111 = arith.constant 0 : i32
      %dma_start3A_1112 = tpu.memref_slice %arg11[%dma_start3A_1110, %dma_start3A_1111] : memref<10240x128xf32, #tpu.memory_space<vmem_shared>> -> memref<10240x128xf32, #tpu.memory_space<vmem_shared>>
      tpu.enqueue_indirect_dma source(%arg9 : memref<128x128xf32, #tpu.memory_space<vmem>>) target(%dma_start3A_1112 : memref<10240x128xf32, #tpu.memory_space<vmem_shared>>) offsets(%dma_start3A_1109 : memref<128xi32, #tpu.memory_space<vmem>>) semaphore(%arg13 : memref<!tpu.dma_semaphore, #tpu.memory_space<semaphore_mem>>) {add = true}
      %mul3A_1113 = arith.constant 2 : i32
      %mul3A_1114 = arith.muli %mul3A_1113, %scan3A_1081 : i32
      %add3A_1115 = arith.constant 1 : i32
      %add3A_1116 = arith.addi %mul3A_1114, %add3A_1115 : i32
      %dma_wait3A_1117 = arith.constant 0 : i32
      %dma_wait3A_1118 = tpu.memref_slice %arg7[%add3A_1116, %dma_wait3A_1117] : memref<40x128xi32, #tpu.memory_space<vmem>> -> memref<1x128xi32, #tpu.memory_space<vmem>>
      %dma_wait3A_1119 = tpu.memref_squeeze %dma_wait3A_1118 : memref<1x128xi32, #tpu.memory_space<vmem>> -> memref<128xi32, #tpu.memory_space<vmem>>
      %dma_wait3A_1120 = arith.constant 0 : i32
      %dma_wait3A_1121 = arith.constant 0 : i32
      %dma_wait3A_1122 = tpu.memref_slice %arg2[%dma_wait3A_1120, %dma_wait3A_1121] : memref<40960x128xf32, #tpu.memory_space<hbm>> -> memref<40960x128xf32, #tpu.memory_space<hbm>>
      tpu.wait_indirect_dma semaphore(%arg12 : memref<!tpu.dma_semaphore, #tpu.memory_space<semaphore_mem>>) src(%dma_wait3A_1122 : memref<40960x128xf32, #tpu.memory_space<hbm>>) dst(%arg10 : memref<128x128xf32, #tpu.memory_space<vmem>>)
      %sub3A_1123 = arith.constant 1 : i32
      %sub3A_1124 = arith.subi %add3A_1116, %sub3A_1123 : i32
      %dma_wait3A_1125 = arith.constant 0 : i32
      %dma_wait3A_1126 = tpu.memref_slice %arg8[%sub3A_1124, %dma_wait3A_1125] : memref<40x128xi32, #tpu.memory_space<vmem>> -> memref<1x128xi32, #tpu.memory_space<vmem>>
      %dma_wait3A_1127 = tpu.memref_squeeze %dma_wait3A_1126 : memref<1x128xi32, #tpu.memory_space<vmem>> -> memref<128xi32, #tpu.memory_space<vmem>>
      %dma_wait3A_1128 = arith.constant 0 : i32
      %dma_wait3A_1129 = arith.constant 0 : i32
      %dma_wait3A_1130 = tpu.memref_slice %arg11[%dma_wait3A_1128, %dma_wait3A_1129] : memref<10240x128xf32, #tpu.memory_space<vmem_shared>> -> memref<10240x128xf32, #tpu.memory_space<vmem_shared>>
      tpu.wait_indirect_dma semaphore(%arg13 : memref<!tpu.dma_semaphore, #tpu.memory_space<semaphore_mem>>) src(%arg9 : memref<128x128xf32, #tpu.memory_space<vmem>>) dst(%dma_wait3A_1130 : memref<10240x128xf32, #tpu.memory_space<vmem_shared>>)
      %add3A_1131 = arith.constant 1 : i32
      %add3A_1132 = arith.addi %add3A_1116, %add3A_1131 : i32
      %dma_start3A_1133 = arith.constant 0 : i32
      %dma_start3A_1134 = tpu.memref_slice %arg7[%add3A_1132, %dma_start3A_1133] : memref<40x128xi32, #tpu.memory_space<vmem>> -> memref<1x128xi32, #tpu.memory_space<vmem>>
      %dma_start3A_1135 = tpu.memref_squeeze %dma_start3A_1134 : memref<1x128xi32, #tpu.memory_space<vmem>> -> memref<128xi32, #tpu.memory_space<vmem>>
      %dma_start3A_1136 = arith.constant 0 : i32
      %dma_start3A_1137 = arith.constant 0 : i32
      %dma_start3A_1138 = tpu.memref_slice %arg2[%dma_start3A_1136, %dma_start3A_1137] : memref<40960x128xf32, #tpu.memory_space<hbm>> -> memref<40960x128xf32, #tpu.memory_space<hbm>>
      tpu.enqueue_indirect_dma source(%dma_start3A_1138 : memref<40960x128xf32, #tpu.memory_space<hbm>>) target(%arg9 : memref<128x128xf32, #tpu.memory_space<vmem>>) offsets(%dma_start3A_1135 : memref<128xi32, #tpu.memory_space<vmem>>) semaphore(%arg12 : memref<!tpu.dma_semaphore, #tpu.memory_space<semaphore_mem>>)
      %dma_start3A_1139 = arith.constant 0 : i32
      %dma_start3A_1140 = tpu.memref_slice %arg8[%add3A_1116, %dma_start3A_1139] : memref<40x128xi32, #tpu.memory_space<vmem>> -> memref<1x128xi32, #tpu.memory_space<vmem>>
      %dma_start3A_1141 = tpu.memref_squeeze %dma_start3A_1140 : memref<1x128xi32, #tpu.memory_space<vmem>> -> memref<128xi32, #tpu.memory_space<vmem>>
      %dma_start3A_1142 = arith.constant 0 : i32
      %dma_start3A_1143 = arith.constant 0 : i32
      %dma_start3A_1144 = tpu.memref_slice %arg11[%dma_start3A_1142, %dma_start3A_1143] : memref<10240x128xf32, #tpu.memory_space<vmem_shared>> -> memref<10240x128xf32, #tpu.memory_space<vmem_shared>>
      tpu.enqueue_indirect_dma source(%arg10 : memref<128x128xf32, #tpu.memory_space<vmem>>) target(%dma_start3A_1144 : memref<10240x128xf32, #tpu.memory_space<vmem_shared>>) offsets(%dma_start3A_1141 : memref<128xi32, #tpu.memory_space<vmem>>) semaphore(%arg14 : memref<!tpu.dma_semaphore, #tpu.memory_space<semaphore_mem>>) {add = true}
    }
    %scan3A_615 = arith.constant 18 : i32
    %dma_wait3A_616 = arith.constant 38 : i32
    %dma_wait3A_617 = arith.constant 0 : i32
    %dma_wait3A_618 = tpu.memref_slice %arg7[%dma_wait3A_616, %dma_wait3A_617] : memref<40x128xi32, #tpu.memory_space<vmem>> -> memref<1x128xi32, #tpu.memory_space<vmem>>
    %dma_wait3A_619 = tpu.memref_squeeze %dma_wait3A_618 : memref<1x128xi32, #tpu.memory_space<vmem>> -> memref<128xi32, #tpu.memory_space<vmem>>
    %dma_wait3A_620 = arith.constant 0 : i32
    %dma_wait3A_621 = arith.constant 0 : i32
    %dma_wait3A_622 = tpu.memref_slice %arg2[%dma_wait3A_620, %dma_wait3A_621] : memref<40960x128xf32, #tpu.memory_space<hbm>> -> memref<40960x128xf32, #tpu.memory_space<hbm>>
    tpu.wait_indirect_dma semaphore(%arg12 : memref<!tpu.dma_semaphore, #tpu.memory_space<semaphore_mem>>) src(%dma_wait3A_622 : memref<40960x128xf32, #tpu.memory_space<hbm>>) dst(%arg9 : memref<128x128xf32, #tpu.memory_space<vmem>>)
    %dma_wait3A_623 = arith.constant 37 : i32
    %dma_wait3A_624 = arith.constant 0 : i32
    %dma_wait3A_625 = tpu.memref_slice %arg8[%dma_wait3A_623, %dma_wait3A_624] : memref<40x128xi32, #tpu.memory_space<vmem>> -> memref<1x128xi32, #tpu.memory_space<vmem>>
    %dma_wait3A_626 = tpu.memref_squeeze %dma_wait3A_625 : memref<1x128xi32, #tpu.memory_space<vmem>> -> memref<128xi32, #tpu.memory_space<vmem>>
    %dma_wait3A_627 = arith.constant 0 : i32
    %dma_wait3A_628 = arith.constant 0 : i32
    %dma_wait3A_629 = tpu.memref_slice %arg11[%dma_wait3A_627, %dma_wait3A_628] : memref<10240x128xf32, #tpu.memory_space<vmem_shared>> -> memref<10240x128xf32, #tpu.memory_space<vmem_shared>>
    tpu.wait_indirect_dma semaphore(%arg14 : memref<!tpu.dma_semaphore, #tpu.memory_space<semaphore_mem>>) src(%arg10 : memref<128x128xf32, #tpu.memory_space<vmem>>) dst(%dma_wait3A_629 : memref<10240x128xf32, #tpu.memory_space<vmem_shared>>)
    %dma_start3A_630 = arith.constant 39 : i32
    %dma_start3A_631 = arith.constant 0 : i32
    %dma_start3A_632 = tpu.memref_slice %arg7[%dma_start3A_630, %dma_start3A_631] : memref<40x128xi32, #tpu.memory_space<vmem>> -> memref<1x128xi32, #tpu.memory_space<vmem>>
    %dma_start3A_633 = tpu.memref_squeeze %dma_start3A_632 : memref<1x128xi32, #tpu.memory_space<vmem>> -> memref<128xi32, #tpu.memory_space<vmem>>
    %dma_start3A_634 = arith.constant 0 : i32
    %dma_start3A_635 = arith.constant 0 : i32
    %dma_start3A_636 = tpu.memref_slice %arg2[%dma_start3A_634, %dma_start3A_635] : memref<40960x128xf32, #tpu.memory_space<hbm>> -> memref<40960x128xf32, #tpu.memory_space<hbm>>
    tpu.enqueue_indirect_dma source(%dma_start3A_636 : memref<40960x128xf32, #tpu.memory_space<hbm>>) target(%arg10 : memref<128x128xf32, #tpu.memory_space<vmem>>) offsets(%dma_start3A_633 : memref<128xi32, #tpu.memory_space<vmem>>) semaphore(%arg12 : memref<!tpu.dma_semaphore, #tpu.memory_space<semaphore_mem>>)
    %dma_start3A_637 = arith.constant 38 : i32
    %dma_start3A_638 = arith.constant 0 : i32
    %dma_start3A_639 = tpu.memref_slice %arg8[%dma_start3A_637, %dma_start3A_638] : memref<40x128xi32, #tpu.memory_space<vmem>> -> memref<1x128xi32, #tpu.memory_space<vmem>>
    %dma_start3A_640 = tpu.memref_squeeze %dma_start3A_639 : memref<1x128xi32, #tpu.memory_space<vmem>> -> memref<128xi32, #tpu.memory_space<vmem>>
    %dma_start3A_641 = arith.constant 0 : i32
    %dma_start3A_642 = arith.constant 0 : i32
    %dma_start3A_643 = tpu.memref_slice %arg11[%dma_start3A_641, %dma_start3A_642] : memref<10240x128xf32, #tpu.memory_space<vmem_shared>> -> memref<10240x128xf32, #tpu.memory_space<vmem_shared>>
    tpu.enqueue_indirect_dma source(%arg9 : memref<128x128xf32, #tpu.memory_space<vmem>>) target(%dma_start3A_643 : memref<10240x128xf32, #tpu.memory_space<vmem_shared>>) offsets(%dma_start3A_640 : memref<128xi32, #tpu.memory_space<vmem>>) semaphore(%arg13 : memref<!tpu.dma_semaphore, #tpu.memory_space<semaphore_mem>>) {add = true}
    %dma_wait3A_644 = arith.constant 39 : i32
    %dma_wait3A_645 = arith.constant 0 : i32
    %dma_wait3A_646 = tpu.memref_slice %arg7[%dma_wait3A_644, %dma_wait3A_645] : memref<40x128xi32, #tpu.memory_space<vmem>> -> memref<1x128xi32, #tpu.memory_space<vmem>>
    %dma_wait3A_647 = tpu.memref_squeeze %dma_wait3A_646 : memref<1x128xi32, #tpu.memory_space<vmem>> -> memref<128xi32, #tpu.memory_space<vmem>>
    %dma_wait3A_648 = arith.constant 0 : i32
    %dma_wait3A_649 = arith.constant 0 : i32
    %dma_wait3A_650 = tpu.memref_slice %arg2[%dma_wait3A_648, %dma_wait3A_649] : memref<40960x128xf32, #tpu.memory_space<hbm>> -> memref<40960x128xf32, #tpu.memory_space<hbm>>
    tpu.wait_indirect_dma semaphore(%arg12 : memref<!tpu.dma_semaphore, #tpu.memory_space<semaphore_mem>>) src(%dma_wait3A_650 : memref<40960x128xf32, #tpu.memory_space<hbm>>) dst(%arg10 : memref<128x128xf32, #tpu.memory_space<vmem>>)
    %dma_wait3A_651 = arith.constant 38 : i32
    %dma_wait3A_652 = arith.constant 0 : i32
    %dma_wait3A_653 = tpu.memref_slice %arg8[%dma_wait3A_651, %dma_wait3A_652] : memref<40x128xi32, #tpu.memory_space<vmem>> -> memref<1x128xi32, #tpu.memory_space<vmem>>
    %dma_wait3A_654 = tpu.memref_squeeze %dma_wait3A_653 : memref<1x128xi32, #tpu.memory_space<vmem>> -> memref<128xi32, #tpu.memory_space<vmem>>
    %dma_wait3A_655 = arith.constant 0 : i32
    %dma_wait3A_656 = arith.constant 0 : i32
    %dma_wait3A_657 = tpu.memref_slice %arg11[%dma_wait3A_655, %dma_wait3A_656] : memref<10240x128xf32, #tpu.memory_space<vmem_shared>> -> memref<10240x128xf32, #tpu.memory_space<vmem_shared>>
    tpu.wait_indirect_dma semaphore(%arg13 : memref<!tpu.dma_semaphore, #tpu.memory_space<semaphore_mem>>) src(%arg9 : memref<128x128xf32, #tpu.memory_space<vmem>>) dst(%dma_wait3A_657 : memref<10240x128xf32, #tpu.memory_space<vmem_shared>>)
    %dma_start3A_658 = arith.constant 39 : i32
    %dma_start3A_659 = arith.constant 0 : i32
    %dma_start3A_660 = tpu.memref_slice %arg8[%dma_start3A_658, %dma_start3A_659] : memref<40x128xi32, #tpu.memory_space<vmem>> -> memref<1x128xi32, #tpu.memory_space<vmem>>
    %dma_start3A_661 = tpu.memref_squeeze %dma_start3A_660 : memref<1x128xi32, #tpu.memory_space<vmem>> -> memref<128xi32, #tpu.memory_space<vmem>>
    %dma_start3A_662 = arith.constant 0 : i32
    %dma_start3A_663 = arith.constant 0 : i32
    %dma_start3A_664 = tpu.memref_slice %arg11[%dma_start3A_662, %dma_start3A_663] : memref<10240x128xf32, #tpu.memory_space<vmem_shared>> -> memref<10240x128xf32, #tpu.memory_space<vmem_shared>>
    tpu.enqueue_indirect_dma source(%arg10 : memref<128x128xf32, #tpu.memory_space<vmem>>) target(%dma_start3A_664 : memref<10240x128xf32, #tpu.memory_space<vmem_shared>>) offsets(%dma_start3A_661 : memref<128xi32, #tpu.memory_space<vmem>>) semaphore(%arg14 : memref<!tpu.dma_semaphore, #tpu.memory_space<semaphore_mem>>) {add = true}
    %dma_wait3A_665 = arith.constant 39 : i32
    %dma_wait3A_666 = arith.constant 0 : i32
    %dma_wait3A_667 = tpu.memref_slice %arg8[%dma_wait3A_665, %dma_wait3A_666] : memref<40x128xi32, #tpu.memory_space<vmem>> -> memref<1x128xi32, #tpu.memory_space<vmem>>
    %dma_wait3A_668 = tpu.memref_squeeze %dma_wait3A_667 : memref<1x128xi32, #tpu.memory_space<vmem>> -> memref<128xi32, #tpu.memory_space<vmem>>
    %dma_wait3A_669 = arith.constant 0 : i32
    %dma_wait3A_670 = arith.constant 0 : i32
    %dma_wait3A_671 = tpu.memref_slice %arg11[%dma_wait3A_669, %dma_wait3A_670] : memref<10240x128xf32, #tpu.memory_space<vmem_shared>> -> memref<10240x128xf32, #tpu.memory_space<vmem_shared>>
    tpu.wait_indirect_dma semaphore(%arg14 : memref<!tpu.dma_semaphore, #tpu.memory_space<semaphore_mem>>) src(%arg10 : memref<128x128xf32, #tpu.memory_space<vmem>>) dst(%dma_wait3A_671 : memref<10240x128xf32, #tpu.memory_space<vmem_shared>>)
    %add3A_672 = arith.constant 64 : i32
    %add3A_673 = arith.addi %add3A_672, %add3A : i32
    %mul3A_674 = arith.constant 2 : i32
    %mul3A_675 = arith.muli %add3A_673, %mul3A_674 : i32
    %add3A_676 = arith.constant 1 : i32
    %add3A_677 = arith.addi %mul3A_675, %add3A_676 : i32
    "tpu.region"() ({
      %run_scoped3A = tpu.sem_alloc : memref<!tpu.dma_semaphore, #tpu.memory_space<semaphore_mem>>
      %dma_start3A_1081 = arith.constant 0 : i32
      %dma_start3A_1082 = arith.constant 0 : i32
      %dma_start3A_1083 = tpu.memref_slice %arg3[%add3A_677, %dma_start3A_1081, %dma_start3A_1082] : memref<256x40x128xi32, #tpu.memory_space<hbm>> -> memref<1x40x128xi32, #tpu.memory_space<hbm>>
      %dma_start3A_1084 = tpu.memref_squeeze %dma_start3A_1083 : memref<1x40x128xi32, #tpu.memory_space<hbm>> -> memref<40x128xi32, #tpu.memory_space<hbm>>
      %dma_start3A_1085 = arith.constant 0 : i32
      %dma_start3A_1086 = arith.constant 0 : i32
      %dma_start3A_1087 = tpu.memref_slice %arg3[%add3A_677, %dma_start3A_1085, %dma_start3A_1086] : memref<256x40x128xi32, #tpu.memory_space<hbm>> -> memref<1x40x128xi32, #tpu.memory_space<hbm>>
      %dma_start3A_1088 = tpu.memref_squeeze %dma_start3A_1087 : memref<1x40x128xi32, #tpu.memory_space<hbm>> -> memref<40x128xi32, #tpu.memory_space<hbm>>
      tpu.enqueue_dma source(%dma_start3A_1088 : memref<40x128xi32, #tpu.memory_space<hbm>>) target(%arg7 : memref<40x128xi32, #tpu.memory_space<vmem>>) target_semaphore(%run_scoped3A : memref<!tpu.dma_semaphore, #tpu.memory_space<semaphore_mem>>)
      %dma_wait3A_1089 = arith.constant 0 : i32
      %dma_wait3A_1090 = arith.constant 0 : i32
      %dma_wait3A_1091 = tpu.memref_slice %arg3[%add3A_677, %dma_wait3A_1089, %dma_wait3A_1090] : memref<256x40x128xi32, #tpu.memory_space<hbm>> -> memref<1x40x128xi32, #tpu.memory_space<hbm>>
      %dma_wait3A_1092 = tpu.memref_squeeze %dma_wait3A_1091 : memref<1x40x128xi32, #tpu.memory_space<hbm>> -> memref<40x128xi32, #tpu.memory_space<hbm>>
      %dma_wait3A_1093 = arith.constant 0 : i32
      %dma_wait3A_1094 = arith.constant 0 : i32
      %dma_wait3A_1095 = tpu.memref_slice %arg3[%add3A_677, %dma_wait3A_1093, %dma_wait3A_1094] : memref<256x40x128xi32, #tpu.memory_space<hbm>> -> memref<1x40x128xi32, #tpu.memory_space<hbm>>
      %dma_wait3A_1096 = tpu.memref_squeeze %dma_wait3A_1095 : memref<1x40x128xi32, #tpu.memory_space<hbm>> -> memref<40x128xi32, #tpu.memory_space<hbm>>
      tpu.wait_dma2 semaphore(%run_scoped3A : memref<!tpu.dma_semaphore, #tpu.memory_space<semaphore_mem>>) src(%dma_wait3A_1096 : memref<40x128xi32, #tpu.memory_space<hbm>>) dst(%arg7 : memref<40x128xi32, #tpu.memory_space<vmem>>)
      tpu.yield
    }) : () -> ()
    %mul3A_678 = arith.constant 2 : i32
    %mul3A_679 = arith.muli %add3A, %mul3A_678 : i32
    %add3A_680 = arith.constant 1 : i32
    %add3A_681 = arith.addi %mul3A_679, %add3A_680 : i32
    "tpu.region"() ({
      %run_scoped3A = tpu.sem_alloc : memref<!tpu.dma_semaphore, #tpu.memory_space<semaphore_mem>>
      %dma_start3A_1081 = arith.constant 0 : i32
      %dma_start3A_1082 = arith.constant 0 : i32
      %dma_start3A_1083 = tpu.memref_slice %arg4[%add3A_681, %dma_start3A_1081, %dma_start3A_1082] : memref<64x40x128xi32, #tpu.memory_space<hbm>> -> memref<1x40x128xi32, #tpu.memory_space<hbm>>
      %dma_start3A_1084 = tpu.memref_squeeze %dma_start3A_1083 : memref<1x40x128xi32, #tpu.memory_space<hbm>> -> memref<40x128xi32, #tpu.memory_space<hbm>>
      %dma_start3A_1085 = arith.constant 0 : i32
      %dma_start3A_1086 = arith.constant 0 : i32
      %dma_start3A_1087 = tpu.memref_slice %arg4[%add3A_681, %dma_start3A_1085, %dma_start3A_1086] : memref<64x40x128xi32, #tpu.memory_space<hbm>> -> memref<1x40x128xi32, #tpu.memory_space<hbm>>
      %dma_start3A_1088 = tpu.memref_squeeze %dma_start3A_1087 : memref<1x40x128xi32, #tpu.memory_space<hbm>> -> memref<40x128xi32, #tpu.memory_space<hbm>>
      tpu.enqueue_dma source(%dma_start3A_1088 : memref<40x128xi32, #tpu.memory_space<hbm>>) target(%arg8 : memref<40x128xi32, #tpu.memory_space<vmem>>) target_semaphore(%run_scoped3A : memref<!tpu.dma_semaphore, #tpu.memory_space<semaphore_mem>>)
      %dma_wait3A_1089 = arith.constant 0 : i32
      %dma_wait3A_1090 = arith.constant 0 : i32
      %dma_wait3A_1091 = tpu.memref_slice %arg4[%add3A_681, %dma_wait3A_1089, %dma_wait3A_1090] : memref<64x40x128xi32, #tpu.memory_space<hbm>> -> memref<1x40x128xi32, #tpu.memory_space<hbm>>
      %dma_wait3A_1092 = tpu.memref_squeeze %dma_wait3A_1091 : memref<1x40x128xi32, #tpu.memory_space<hbm>> -> memref<40x128xi32, #tpu.memory_space<hbm>>
      %dma_wait3A_1093 = arith.constant 0 : i32
      %dma_wait3A_1094 = arith.constant 0 : i32
      %dma_wait3A_1095 = tpu.memref_slice %arg4[%add3A_681, %dma_wait3A_1093, %dma_wait3A_1094] : memref<64x40x128xi32, #tpu.memory_space<hbm>> -> memref<1x40x128xi32, #tpu.memory_space<hbm>>
      %dma_wait3A_1096 = tpu.memref_squeeze %dma_wait3A_1095 : memref<1x40x128xi32, #tpu.memory_space<hbm>> -> memref<40x128xi32, #tpu.memory_space<hbm>>
      tpu.wait_dma2 semaphore(%run_scoped3A : memref<!tpu.dma_semaphore, #tpu.memory_space<semaphore_mem>>) src(%dma_wait3A_1096 : memref<40x128xi32, #tpu.memory_space<hbm>>) dst(%arg8 : memref<40x128xi32, #tpu.memory_space<vmem>>)
      tpu.yield
    }) : () -> ()
    %dma_start3A_682 = arith.constant 0 : i32
    %dma_start3A_683 = arith.constant 0 : i32
    %dma_start3A_684 = tpu.memref_slice %arg7[%dma_start3A_682, %dma_start3A_683] : memref<40x128xi32, #tpu.memory_space<vmem>> -> memref<1x128xi32, #tpu.memory_space<vmem>>
    %dma_start3A_685 = tpu.memref_squeeze %dma_start3A_684 : memref<1x128xi32, #tpu.memory_space<vmem>> -> memref<128xi32, #tpu.memory_space<vmem>>
    %dma_start3A_686 = arith.constant 0 : i32
    %dma_start3A_687 = arith.constant 0 : i32
    %dma_start3A_688 = tpu.memref_slice %arg2[%dma_start3A_686, %dma_start3A_687] : memref<40960x128xf32, #tpu.memory_space<hbm>> -> memref<40960x128xf32, #tpu.memory_space<hbm>>
    tpu.enqueue_indirect_dma source(%dma_start3A_688 : memref<40960x128xf32, #tpu.memory_space<hbm>>) target(%arg9 : memref<128x128xf32, #tpu.memory_space<vmem>>) offsets(%dma_start3A_685 : memref<128xi32, #tpu.memory_space<vmem>>) semaphore(%arg12 : memref<!tpu.dma_semaphore, #tpu.memory_space<semaphore_mem>>)
    %dma_wait3A_689 = arith.constant 0 : i32
    %dma_wait3A_690 = arith.constant 0 : i32
    %dma_wait3A_691 = tpu.memref_slice %arg7[%dma_wait3A_689, %dma_wait3A_690] : memref<40x128xi32, #tpu.memory_space<vmem>> -> memref<1x128xi32, #tpu.memory_space<vmem>>
    %dma_wait3A_692 = tpu.memref_squeeze %dma_wait3A_691 : memref<1x128xi32, #tpu.memory_space<vmem>> -> memref<128xi32, #tpu.memory_space<vmem>>
    %dma_wait3A_693 = arith.constant 0 : i32
    %dma_wait3A_694 = arith.constant 0 : i32
    %dma_wait3A_695 = tpu.memref_slice %arg2[%dma_wait3A_693, %dma_wait3A_694] : memref<40960x128xf32, #tpu.memory_space<hbm>> -> memref<40960x128xf32, #tpu.memory_space<hbm>>
    tpu.wait_indirect_dma semaphore(%arg12 : memref<!tpu.dma_semaphore, #tpu.memory_space<semaphore_mem>>) src(%dma_wait3A_695 : memref<40960x128xf32, #tpu.memory_space<hbm>>) dst(%arg9 : memref<128x128xf32, #tpu.memory_space<vmem>>)
    %dma_start3A_696 = arith.constant 1 : i32
    %dma_start3A_697 = arith.constant 0 : i32
    %dma_start3A_698 = tpu.memref_slice %arg7[%dma_start3A_696, %dma_start3A_697] : memref<40x128xi32, #tpu.memory_space<vmem>> -> memref<1x128xi32, #tpu.memory_space<vmem>>
    %dma_start3A_699 = tpu.memref_squeeze %dma_start3A_698 : memref<1x128xi32, #tpu.memory_space<vmem>> -> memref<128xi32, #tpu.memory_space<vmem>>
    %dma_start3A_700 = arith.constant 0 : i32
    %dma_start3A_701 = arith.constant 0 : i32
    %dma_start3A_702 = tpu.memref_slice %arg2[%dma_start3A_700, %dma_start3A_701] : memref<40960x128xf32, #tpu.memory_space<hbm>> -> memref<40960x128xf32, #tpu.memory_space<hbm>>
    tpu.enqueue_indirect_dma source(%dma_start3A_702 : memref<40960x128xf32, #tpu.memory_space<hbm>>) target(%arg10 : memref<128x128xf32, #tpu.memory_space<vmem>>) offsets(%dma_start3A_699 : memref<128xi32, #tpu.memory_space<vmem>>) semaphore(%arg12 : memref<!tpu.dma_semaphore, #tpu.memory_space<semaphore_mem>>)
    %dma_start3A_703 = arith.constant 0 : i32
    %dma_start3A_704 = arith.constant 0 : i32
    %dma_start3A_705 = tpu.memref_slice %arg8[%dma_start3A_703, %dma_start3A_704] : memref<40x128xi32, #tpu.memory_space<vmem>> -> memref<1x128xi32, #tpu.memory_space<vmem>>
    %dma_start3A_706 = tpu.memref_squeeze %dma_start3A_705 : memref<1x128xi32, #tpu.memory_space<vmem>> -> memref<128xi32, #tpu.memory_space<vmem>>
    %dma_start3A_707 = arith.constant 0 : i32
    %dma_start3A_708 = arith.constant 0 : i32
    %dma_start3A_709 = tpu.memref_slice %arg11[%dma_start3A_707, %dma_start3A_708] : memref<10240x128xf32, #tpu.memory_space<vmem_shared>> -> memref<10240x128xf32, #tpu.memory_space<vmem_shared>>
    tpu.enqueue_indirect_dma source(%arg9 : memref<128x128xf32, #tpu.memory_space<vmem>>) target(%dma_start3A_709 : memref<10240x128xf32, #tpu.memory_space<vmem_shared>>) offsets(%dma_start3A_706 : memref<128xi32, #tpu.memory_space<vmem>>) semaphore(%arg13 : memref<!tpu.dma_semaphore, #tpu.memory_space<semaphore_mem>>) {add = true}
    %dma_wait3A_710 = arith.constant 1 : i32
    %dma_wait3A_711 = arith.constant 0 : i32
    %dma_wait3A_712 = tpu.memref_slice %arg7[%dma_wait3A_710, %dma_wait3A_711] : memref<40x128xi32, #tpu.memory_space<vmem>> -> memref<1x128xi32, #tpu.memory_space<vmem>>
    %dma_wait3A_713 = tpu.memref_squeeze %dma_wait3A_712 : memref<1x128xi32, #tpu.memory_space<vmem>> -> memref<128xi32, #tpu.memory_space<vmem>>
    %dma_wait3A_714 = arith.constant 0 : i32
    %dma_wait3A_715 = arith.constant 0 : i32
    %dma_wait3A_716 = tpu.memref_slice %arg2[%dma_wait3A_714, %dma_wait3A_715] : memref<40960x128xf32, #tpu.memory_space<hbm>> -> memref<40960x128xf32, #tpu.memory_space<hbm>>
    tpu.wait_indirect_dma semaphore(%arg12 : memref<!tpu.dma_semaphore, #tpu.memory_space<semaphore_mem>>) src(%dma_wait3A_716 : memref<40960x128xf32, #tpu.memory_space<hbm>>) dst(%arg10 : memref<128x128xf32, #tpu.memory_space<vmem>>)
    %dma_wait3A_717 = arith.constant 0 : i32
    %dma_wait3A_718 = arith.constant 0 : i32
    %dma_wait3A_719 = tpu.memref_slice %arg8[%dma_wait3A_717, %dma_wait3A_718] : memref<40x128xi32, #tpu.memory_space<vmem>> -> memref<1x128xi32, #tpu.memory_space<vmem>>
    %dma_wait3A_720 = tpu.memref_squeeze %dma_wait3A_719 : memref<1x128xi32, #tpu.memory_space<vmem>> -> memref<128xi32, #tpu.memory_space<vmem>>
    %dma_wait3A_721 = arith.constant 0 : i32
    %dma_wait3A_722 = arith.constant 0 : i32
    %dma_wait3A_723 = tpu.memref_slice %arg11[%dma_wait3A_721, %dma_wait3A_722] : memref<10240x128xf32, #tpu.memory_space<vmem_shared>> -> memref<10240x128xf32, #tpu.memory_space<vmem_shared>>
    tpu.wait_indirect_dma semaphore(%arg13 : memref<!tpu.dma_semaphore, #tpu.memory_space<semaphore_mem>>) src(%arg9 : memref<128x128xf32, #tpu.memory_space<vmem>>) dst(%dma_wait3A_723 : memref<10240x128xf32, #tpu.memory_space<vmem_shared>>)
    %dma_start3A_724 = arith.constant 2 : i32
    %dma_start3A_725 = arith.constant 0 : i32
    %dma_start3A_726 = tpu.memref_slice %arg7[%dma_start3A_724, %dma_start3A_725] : memref<40x128xi32, #tpu.memory_space<vmem>> -> memref<1x128xi32, #tpu.memory_space<vmem>>
    %dma_start3A_727 = tpu.memref_squeeze %dma_start3A_726 : memref<1x128xi32, #tpu.memory_space<vmem>> -> memref<128xi32, #tpu.memory_space<vmem>>
    %dma_start3A_728 = arith.constant 0 : i32
    %dma_start3A_729 = arith.constant 0 : i32
    %dma_start3A_730 = tpu.memref_slice %arg2[%dma_start3A_728, %dma_start3A_729] : memref<40960x128xf32, #tpu.memory_space<hbm>> -> memref<40960x128xf32, #tpu.memory_space<hbm>>
    tpu.enqueue_indirect_dma source(%dma_start3A_730 : memref<40960x128xf32, #tpu.memory_space<hbm>>) target(%arg9 : memref<128x128xf32, #tpu.memory_space<vmem>>) offsets(%dma_start3A_727 : memref<128xi32, #tpu.memory_space<vmem>>) semaphore(%arg12 : memref<!tpu.dma_semaphore, #tpu.memory_space<semaphore_mem>>)
    %dma_start3A_731 = arith.constant 1 : i32
    %dma_start3A_732 = arith.constant 0 : i32
    %dma_start3A_733 = tpu.memref_slice %arg8[%dma_start3A_731, %dma_start3A_732] : memref<40x128xi32, #tpu.memory_space<vmem>> -> memref<1x128xi32, #tpu.memory_space<vmem>>
    %dma_start3A_734 = tpu.memref_squeeze %dma_start3A_733 : memref<1x128xi32, #tpu.memory_space<vmem>> -> memref<128xi32, #tpu.memory_space<vmem>>
    %dma_start3A_735 = arith.constant 0 : i32
    %dma_start3A_736 = arith.constant 0 : i32
    %dma_start3A_737 = tpu.memref_slice %arg11[%dma_start3A_735, %dma_start3A_736] : memref<10240x128xf32, #tpu.memory_space<vmem_shared>> -> memref<10240x128xf32, #tpu.memory_space<vmem_shared>>
    tpu.enqueue_indirect_dma source(%arg10 : memref<128x128xf32, #tpu.memory_space<vmem>>) target(%dma_start3A_737 : memref<10240x128xf32, #tpu.memory_space<vmem_shared>>) offsets(%dma_start3A_734 : memref<128xi32, #tpu.memory_space<vmem>>) semaphore(%arg14 : memref<!tpu.dma_semaphore, #tpu.memory_space<semaphore_mem>>) {add = true}
    %scan3A_738 = arith.constant 0 : i32
    %scan3A_739 = arith.constant 1 : i32
    %scan3A_740 = arith.constant 18 : i32
    %scan3A_741 = arith.addi %scan3A_739, %scan3A_740 : i32
    %scan3A_742 = arith.constant 1 : i32
    scf.for %scan3A_1081 = %scan3A_739 to %scan3A_741 step %scan3A_742  : i32 {
      %mul3A_1082 = arith.constant 2 : i32
      %mul3A_1083 = arith.muli %mul3A_1082, %scan3A_1081 : i32
      %add3A_1084 = arith.constant 0 : i32
      %add3A_1085 = arith.addi %mul3A_1083, %add3A_1084 : i32
      %dma_wait3A_1086 = arith.constant 0 : i32
      %dma_wait3A_1087 = tpu.memref_slice %arg7[%add3A_1085, %dma_wait3A_1086] : memref<40x128xi32, #tpu.memory_space<vmem>> -> memref<1x128xi32, #tpu.memory_space<vmem>>
      %dma_wait3A_1088 = tpu.memref_squeeze %dma_wait3A_1087 : memref<1x128xi32, #tpu.memory_space<vmem>> -> memref<128xi32, #tpu.memory_space<vmem>>
      %dma_wait3A_1089 = arith.constant 0 : i32
      %dma_wait3A_1090 = arith.constant 0 : i32
      %dma_wait3A_1091 = tpu.memref_slice %arg2[%dma_wait3A_1089, %dma_wait3A_1090] : memref<40960x128xf32, #tpu.memory_space<hbm>> -> memref<40960x128xf32, #tpu.memory_space<hbm>>
      tpu.wait_indirect_dma semaphore(%arg12 : memref<!tpu.dma_semaphore, #tpu.memory_space<semaphore_mem>>) src(%dma_wait3A_1091 : memref<40960x128xf32, #tpu.memory_space<hbm>>) dst(%arg9 : memref<128x128xf32, #tpu.memory_space<vmem>>)
      %sub3A = arith.constant 1 : i32
      %sub3A_1092 = arith.subi %add3A_1085, %sub3A : i32
      %dma_wait3A_1093 = arith.constant 0 : i32
      %dma_wait3A_1094 = tpu.memref_slice %arg8[%sub3A_1092, %dma_wait3A_1093] : memref<40x128xi32, #tpu.memory_space<vmem>> -> memref<1x128xi32, #tpu.memory_space<vmem>>
      %dma_wait3A_1095 = tpu.memref_squeeze %dma_wait3A_1094 : memref<1x128xi32, #tpu.memory_space<vmem>> -> memref<128xi32, #tpu.memory_space<vmem>>
      %dma_wait3A_1096 = arith.constant 0 : i32
      %dma_wait3A_1097 = arith.constant 0 : i32
      %dma_wait3A_1098 = tpu.memref_slice %arg11[%dma_wait3A_1096, %dma_wait3A_1097] : memref<10240x128xf32, #tpu.memory_space<vmem_shared>> -> memref<10240x128xf32, #tpu.memory_space<vmem_shared>>
      tpu.wait_indirect_dma semaphore(%arg14 : memref<!tpu.dma_semaphore, #tpu.memory_space<semaphore_mem>>) src(%arg10 : memref<128x128xf32, #tpu.memory_space<vmem>>) dst(%dma_wait3A_1098 : memref<10240x128xf32, #tpu.memory_space<vmem_shared>>)
      %add3A_1099 = arith.constant 1 : i32
      %add3A_1100 = arith.addi %add3A_1085, %add3A_1099 : i32
      %dma_start3A_1101 = arith.constant 0 : i32
      %dma_start3A_1102 = tpu.memref_slice %arg7[%add3A_1100, %dma_start3A_1101] : memref<40x128xi32, #tpu.memory_space<vmem>> -> memref<1x128xi32, #tpu.memory_space<vmem>>
      %dma_start3A_1103 = tpu.memref_squeeze %dma_start3A_1102 : memref<1x128xi32, #tpu.memory_space<vmem>> -> memref<128xi32, #tpu.memory_space<vmem>>
      %dma_start3A_1104 = arith.constant 0 : i32
      %dma_start3A_1105 = arith.constant 0 : i32
      %dma_start3A_1106 = tpu.memref_slice %arg2[%dma_start3A_1104, %dma_start3A_1105] : memref<40960x128xf32, #tpu.memory_space<hbm>> -> memref<40960x128xf32, #tpu.memory_space<hbm>>
      tpu.enqueue_indirect_dma source(%dma_start3A_1106 : memref<40960x128xf32, #tpu.memory_space<hbm>>) target(%arg10 : memref<128x128xf32, #tpu.memory_space<vmem>>) offsets(%dma_start3A_1103 : memref<128xi32, #tpu.memory_space<vmem>>) semaphore(%arg12 : memref<!tpu.dma_semaphore, #tpu.memory_space<semaphore_mem>>)
      %dma_start3A_1107 = arith.constant 0 : i32
      %dma_start3A_1108 = tpu.memref_slice %arg8[%add3A_1085, %dma_start3A_1107] : memref<40x128xi32, #tpu.memory_space<vmem>> -> memref<1x128xi32, #tpu.memory_space<vmem>>
      %dma_start3A_1109 = tpu.memref_squeeze %dma_start3A_1108 : memref<1x128xi32, #tpu.memory_space<vmem>> -> memref<128xi32, #tpu.memory_space<vmem>>
      %dma_start3A_1110 = arith.constant 0 : i32
      %dma_start3A_1111 = arith.constant 0 : i32
      %dma_start3A_1112 = tpu.memref_slice %arg11[%dma_start3A_1110, %dma_start3A_1111] : memref<10240x128xf32, #tpu.memory_space<vmem_shared>> -> memref<10240x128xf32, #tpu.memory_space<vmem_shared>>
      tpu.enqueue_indirect_dma source(%arg9 : memref<128x128xf32, #tpu.memory_space<vmem>>) target(%dma_start3A_1112 : memref<10240x128xf32, #tpu.memory_space<vmem_shared>>) offsets(%dma_start3A_1109 : memref<128xi32, #tpu.memory_space<vmem>>) semaphore(%arg13 : memref<!tpu.dma_semaphore, #tpu.memory_space<semaphore_mem>>) {add = true}
      %mul3A_1113 = arith.constant 2 : i32
      %mul3A_1114 = arith.muli %mul3A_1113, %scan3A_1081 : i32
      %add3A_1115 = arith.constant 1 : i32
      %add3A_1116 = arith.addi %mul3A_1114, %add3A_1115 : i32
      %dma_wait3A_1117 = arith.constant 0 : i32
      %dma_wait3A_1118 = tpu.memref_slice %arg7[%add3A_1116, %dma_wait3A_1117] : memref<40x128xi32, #tpu.memory_space<vmem>> -> memref<1x128xi32, #tpu.memory_space<vmem>>
      %dma_wait3A_1119 = tpu.memref_squeeze %dma_wait3A_1118 : memref<1x128xi32, #tpu.memory_space<vmem>> -> memref<128xi32, #tpu.memory_space<vmem>>
      %dma_wait3A_1120 = arith.constant 0 : i32
      %dma_wait3A_1121 = arith.constant 0 : i32
      %dma_wait3A_1122 = tpu.memref_slice %arg2[%dma_wait3A_1120, %dma_wait3A_1121] : memref<40960x128xf32, #tpu.memory_space<hbm>> -> memref<40960x128xf32, #tpu.memory_space<hbm>>
      tpu.wait_indirect_dma semaphore(%arg12 : memref<!tpu.dma_semaphore, #tpu.memory_space<semaphore_mem>>) src(%dma_wait3A_1122 : memref<40960x128xf32, #tpu.memory_space<hbm>>) dst(%arg10 : memref<128x128xf32, #tpu.memory_space<vmem>>)
      %sub3A_1123 = arith.constant 1 : i32
      %sub3A_1124 = arith.subi %add3A_1116, %sub3A_1123 : i32
      %dma_wait3A_1125 = arith.constant 0 : i32
      %dma_wait3A_1126 = tpu.memref_slice %arg8[%sub3A_1124, %dma_wait3A_1125] : memref<40x128xi32, #tpu.memory_space<vmem>> -> memref<1x128xi32, #tpu.memory_space<vmem>>
      %dma_wait3A_1127 = tpu.memref_squeeze %dma_wait3A_1126 : memref<1x128xi32, #tpu.memory_space<vmem>> -> memref<128xi32, #tpu.memory_space<vmem>>
      %dma_wait3A_1128 = arith.constant 0 : i32
      %dma_wait3A_1129 = arith.constant 0 : i32
      %dma_wait3A_1130 = tpu.memref_slice %arg11[%dma_wait3A_1128, %dma_wait3A_1129] : memref<10240x128xf32, #tpu.memory_space<vmem_shared>> -> memref<10240x128xf32, #tpu.memory_space<vmem_shared>>
      tpu.wait_indirect_dma semaphore(%arg13 : memref<!tpu.dma_semaphore, #tpu.memory_space<semaphore_mem>>) src(%arg9 : memref<128x128xf32, #tpu.memory_space<vmem>>) dst(%dma_wait3A_1130 : memref<10240x128xf32, #tpu.memory_space<vmem_shared>>)
      %add3A_1131 = arith.constant 1 : i32
      %add3A_1132 = arith.addi %add3A_1116, %add3A_1131 : i32
      %dma_start3A_1133 = arith.constant 0 : i32
      %dma_start3A_1134 = tpu.memref_slice %arg7[%add3A_1132, %dma_start3A_1133] : memref<40x128xi32, #tpu.memory_space<vmem>> -> memref<1x128xi32, #tpu.memory_space<vmem>>
      %dma_start3A_1135 = tpu.memref_squeeze %dma_start3A_1134 : memref<1x128xi32, #tpu.memory_space<vmem>> -> memref<128xi32, #tpu.memory_space<vmem>>
      %dma_start3A_1136 = arith.constant 0 : i32
      %dma_start3A_1137 = arith.constant 0 : i32
      %dma_start3A_1138 = tpu.memref_slice %arg2[%dma_start3A_1136, %dma_start3A_1137] : memref<40960x128xf32, #tpu.memory_space<hbm>> -> memref<40960x128xf32, #tpu.memory_space<hbm>>
      tpu.enqueue_indirect_dma source(%dma_start3A_1138 : memref<40960x128xf32, #tpu.memory_space<hbm>>) target(%arg9 : memref<128x128xf32, #tpu.memory_space<vmem>>) offsets(%dma_start3A_1135 : memref<128xi32, #tpu.memory_space<vmem>>) semaphore(%arg12 : memref<!tpu.dma_semaphore, #tpu.memory_space<semaphore_mem>>)
      %dma_start3A_1139 = arith.constant 0 : i32
      %dma_start3A_1140 = tpu.memref_slice %arg8[%add3A_1116, %dma_start3A_1139] : memref<40x128xi32, #tpu.memory_space<vmem>> -> memref<1x128xi32, #tpu.memory_space<vmem>>
      %dma_start3A_1141 = tpu.memref_squeeze %dma_start3A_1140 : memref<1x128xi32, #tpu.memory_space<vmem>> -> memref<128xi32, #tpu.memory_space<vmem>>
      %dma_start3A_1142 = arith.constant 0 : i32
      %dma_start3A_1143 = arith.constant 0 : i32
      %dma_start3A_1144 = tpu.memref_slice %arg11[%dma_start3A_1142, %dma_start3A_1143] : memref<10240x128xf32, #tpu.memory_space<vmem_shared>> -> memref<10240x128xf32, #tpu.memory_space<vmem_shared>>
      tpu.enqueue_indirect_dma source(%arg10 : memref<128x128xf32, #tpu.memory_space<vmem>>) target(%dma_start3A_1144 : memref<10240x128xf32, #tpu.memory_space<vmem_shared>>) offsets(%dma_start3A_1141 : memref<128xi32, #tpu.memory_space<vmem>>) semaphore(%arg14 : memref<!tpu.dma_semaphore, #tpu.memory_space<semaphore_mem>>) {add = true}
    }
    %scan3A_743 = arith.constant 18 : i32
    %dma_wait3A_744 = arith.constant 38 : i32
    %dma_wait3A_745 = arith.constant 0 : i32
    %dma_wait3A_746 = tpu.memref_slice %arg7[%dma_wait3A_744, %dma_wait3A_745] : memref<40x128xi32, #tpu.memory_space<vmem>> -> memref<1x128xi32, #tpu.memory_space<vmem>>
    %dma_wait3A_747 = tpu.memref_squeeze %dma_wait3A_746 : memref<1x128xi32, #tpu.memory_space<vmem>> -> memref<128xi32, #tpu.memory_space<vmem>>
    %dma_wait3A_748 = arith.constant 0 : i32
    %dma_wait3A_749 = arith.constant 0 : i32
    %dma_wait3A_750 = tpu.memref_slice %arg2[%dma_wait3A_748, %dma_wait3A_749] : memref<40960x128xf32, #tpu.memory_space<hbm>> -> memref<40960x128xf32, #tpu.memory_space<hbm>>
    tpu.wait_indirect_dma semaphore(%arg12 : memref<!tpu.dma_semaphore, #tpu.memory_space<semaphore_mem>>) src(%dma_wait3A_750 : memref<40960x128xf32, #tpu.memory_space<hbm>>) dst(%arg9 : memref<128x128xf32, #tpu.memory_space<vmem>>)
    %dma_wait3A_751 = arith.constant 37 : i32
    %dma_wait3A_752 = arith.constant 0 : i32
    %dma_wait3A_753 = tpu.memref_slice %arg8[%dma_wait3A_751, %dma_wait3A_752] : memref<40x128xi32, #tpu.memory_space<vmem>> -> memref<1x128xi32, #tpu.memory_space<vmem>>
    %dma_wait3A_754 = tpu.memref_squeeze %dma_wait3A_753 : memref<1x128xi32, #tpu.memory_space<vmem>> -> memref<128xi32, #tpu.memory_space<vmem>>
    %dma_wait3A_755 = arith.constant 0 : i32
    %dma_wait3A_756 = arith.constant 0 : i32
    %dma_wait3A_757 = tpu.memref_slice %arg11[%dma_wait3A_755, %dma_wait3A_756] : memref<10240x128xf32, #tpu.memory_space<vmem_shared>> -> memref<10240x128xf32, #tpu.memory_space<vmem_shared>>
    tpu.wait_indirect_dma semaphore(%arg14 : memref<!tpu.dma_semaphore, #tpu.memory_space<semaphore_mem>>) src(%arg10 : memref<128x128xf32, #tpu.memory_space<vmem>>) dst(%dma_wait3A_757 : memref<10240x128xf32, #tpu.memory_space<vmem_shared>>)
    %dma_start3A_758 = arith.constant 39 : i32
    %dma_start3A_759 = arith.constant 0 : i32
    %dma_start3A_760 = tpu.memref_slice %arg7[%dma_start3A_758, %dma_start3A_759] : memref<40x128xi32, #tpu.memory_space<vmem>> -> memref<1x128xi32, #tpu.memory_space<vmem>>
    %dma_start3A_761 = tpu.memref_squeeze %dma_start3A_760 : memref<1x128xi32, #tpu.memory_space<vmem>> -> memref<128xi32, #tpu.memory_space<vmem>>
    %dma_start3A_762 = arith.constant 0 : i32
    %dma_start3A_763 = arith.constant 0 : i32
    %dma_start3A_764 = tpu.memref_slice %arg2[%dma_start3A_762, %dma_start3A_763] : memref<40960x128xf32, #tpu.memory_space<hbm>> -> memref<40960x128xf32, #tpu.memory_space<hbm>>
    tpu.enqueue_indirect_dma source(%dma_start3A_764 : memref<40960x128xf32, #tpu.memory_space<hbm>>) target(%arg10 : memref<128x128xf32, #tpu.memory_space<vmem>>) offsets(%dma_start3A_761 : memref<128xi32, #tpu.memory_space<vmem>>) semaphore(%arg12 : memref<!tpu.dma_semaphore, #tpu.memory_space<semaphore_mem>>)
    %dma_start3A_765 = arith.constant 38 : i32
    %dma_start3A_766 = arith.constant 0 : i32
    %dma_start3A_767 = tpu.memref_slice %arg8[%dma_start3A_765, %dma_start3A_766] : memref<40x128xi32, #tpu.memory_space<vmem>> -> memref<1x128xi32, #tpu.memory_space<vmem>>
    %dma_start3A_768 = tpu.memref_squeeze %dma_start3A_767 : memref<1x128xi32, #tpu.memory_space<vmem>> -> memref<128xi32, #tpu.memory_space<vmem>>
    %dma_start3A_769 = arith.constant 0 : i32
    %dma_start3A_770 = arith.constant 0 : i32
    %dma_start3A_771 = tpu.memref_slice %arg11[%dma_start3A_769, %dma_start3A_770] : memref<10240x128xf32, #tpu.memory_space<vmem_shared>> -> memref<10240x128xf32, #tpu.memory_space<vmem_shared>>
    tpu.enqueue_indirect_dma source(%arg9 : memref<128x128xf32, #tpu.memory_space<vmem>>) target(%dma_start3A_771 : memref<10240x128xf32, #tpu.memory_space<vmem_shared>>) offsets(%dma_start3A_768 : memref<128xi32, #tpu.memory_space<vmem>>) semaphore(%arg13 : memref<!tpu.dma_semaphore, #tpu.memory_space<semaphore_mem>>) {add = true}
    %dma_wait3A_772 = arith.constant 39 : i32
    %dma_wait3A_773 = arith.constant 0 : i32
    %dma_wait3A_774 = tpu.memref_slice %arg7[%dma_wait3A_772, %dma_wait3A_773] : memref<40x128xi32, #tpu.memory_space<vmem>> -> memref<1x128xi32, #tpu.memory_space<vmem>>
    %dma_wait3A_775 = tpu.memref_squeeze %dma_wait3A_774 : memref<1x128xi32, #tpu.memory_space<vmem>> -> memref<128xi32, #tpu.memory_space<vmem>>
    %dma_wait3A_776 = arith.constant 0 : i32
    %dma_wait3A_777 = arith.constant 0 : i32
    %dma_wait3A_778 = tpu.memref_slice %arg2[%dma_wait3A_776, %dma_wait3A_777] : memref<40960x128xf32, #tpu.memory_space<hbm>> -> memref<40960x128xf32, #tpu.memory_space<hbm>>
    tpu.wait_indirect_dma semaphore(%arg12 : memref<!tpu.dma_semaphore, #tpu.memory_space<semaphore_mem>>) src(%dma_wait3A_778 : memref<40960x128xf32, #tpu.memory_space<hbm>>) dst(%arg10 : memref<128x128xf32, #tpu.memory_space<vmem>>)
    %dma_wait3A_779 = arith.constant 38 : i32
    %dma_wait3A_780 = arith.constant 0 : i32
    %dma_wait3A_781 = tpu.memref_slice %arg8[%dma_wait3A_779, %dma_wait3A_780] : memref<40x128xi32, #tpu.memory_space<vmem>> -> memref<1x128xi32, #tpu.memory_space<vmem>>
    %dma_wait3A_782 = tpu.memref_squeeze %dma_wait3A_781 : memref<1x128xi32, #tpu.memory_space<vmem>> -> memref<128xi32, #tpu.memory_space<vmem>>
    %dma_wait3A_783 = arith.constant 0 : i32
    %dma_wait3A_784 = arith.constant 0 : i32
    %dma_wait3A_785 = tpu.memref_slice %arg11[%dma_wait3A_783, %dma_wait3A_784] : memref<10240x128xf32, #tpu.memory_space<vmem_shared>> -> memref<10240x128xf32, #tpu.memory_space<vmem_shared>>
    tpu.wait_indirect_dma semaphore(%arg13 : memref<!tpu.dma_semaphore, #tpu.memory_space<semaphore_mem>>) src(%arg9 : memref<128x128xf32, #tpu.memory_space<vmem>>) dst(%dma_wait3A_785 : memref<10240x128xf32, #tpu.memory_space<vmem_shared>>)
    %dma_start3A_786 = arith.constant 39 : i32
    %dma_start3A_787 = arith.constant 0 : i32
    %dma_start3A_788 = tpu.memref_slice %arg8[%dma_start3A_786, %dma_start3A_787] : memref<40x128xi32, #tpu.memory_space<vmem>> -> memref<1x128xi32, #tpu.memory_space<vmem>>
    %dma_start3A_789 = tpu.memref_squeeze %dma_start3A_788 : memref<1x128xi32, #tpu.memory_space<vmem>> -> memref<128xi32, #tpu.memory_space<vmem>>
    %dma_start3A_790 = arith.constant 0 : i32
    %dma_start3A_791 = arith.constant 0 : i32
    %dma_start3A_792 = tpu.memref_slice %arg11[%dma_start3A_790, %dma_start3A_791] : memref<10240x128xf32, #tpu.memory_space<vmem_shared>> -> memref<10240x128xf32, #tpu.memory_space<vmem_shared>>
    tpu.enqueue_indirect_dma source(%arg10 : memref<128x128xf32, #tpu.memory_space<vmem>>) target(%dma_start3A_792 : memref<10240x128xf32, #tpu.memory_space<vmem_shared>>) offsets(%dma_start3A_789 : memref<128xi32, #tpu.memory_space<vmem>>) semaphore(%arg14 : memref<!tpu.dma_semaphore, #tpu.memory_space<semaphore_mem>>) {add = true}
    %dma_wait3A_793 = arith.constant 39 : i32
    %dma_wait3A_794 = arith.constant 0 : i32
    %dma_wait3A_795 = tpu.memref_slice %arg8[%dma_wait3A_793, %dma_wait3A_794] : memref<40x128xi32, #tpu.memory_space<vmem>> -> memref<1x128xi32, #tpu.memory_space<vmem>>
    %dma_wait3A_796 = tpu.memref_squeeze %dma_wait3A_795 : memref<1x128xi32, #tpu.memory_space<vmem>> -> memref<128xi32, #tpu.memory_space<vmem>>
    %dma_wait3A_797 = arith.constant 0 : i32
    %dma_wait3A_798 = arith.constant 0 : i32
    %dma_wait3A_799 = tpu.memref_slice %arg11[%dma_wait3A_797, %dma_wait3A_798] : memref<10240x128xf32, #tpu.memory_space<vmem_shared>> -> memref<10240x128xf32, #tpu.memory_space<vmem_shared>>
    tpu.wait_indirect_dma semaphore(%arg14 : memref<!tpu.dma_semaphore, #tpu.memory_space<semaphore_mem>>) src(%arg10 : memref<128x128xf32, #tpu.memory_space<vmem>>) dst(%dma_wait3A_799 : memref<10240x128xf32, #tpu.memory_space<vmem_shared>>)
    %barrier3A_800 = arith.constant 0 : index
    tpu.barrier barrier_id(%barrier3A_800)
    %mul3A_801 = arith.constant 640 : i32
    %mul3A_802 = arith.muli %arg1, %mul3A_801 : i32
    %add3A_803 = arith.constant 4 : i32
    %add3A_804 = arith.addi %add3A_803, %arg0 : i32
    %mul3A_805 = arith.constant 10240 : i32
    %mul3A_806 = arith.muli %add3A_804, %mul3A_805 : i32
    %mul3A_807 = arith.constant 640 : i32
    %mul3A_808 = arith.muli %arg1, %mul3A_807 : i32
    %add3A_809 = arith.addi %mul3A_806, %mul3A_808 : i32
    "tpu.region"() ({
      %run_scoped3A = tpu.sem_alloc : memref<!tpu.dma_semaphore, #tpu.memory_space<semaphore_mem>>
      %dma_start3A_1081 = arith.constant 0 : i32
      %dma_start3A_1082 = tpu.memref_slice %arg6[%add3A_809, %dma_start3A_1081] : memref<81920x128xf32, #tpu.memory_space<hbm>> -> memref<640x128xf32, #tpu.memory_space<hbm>>
      %dma_start3A_1083 = arith.constant 0 : i32
      %dma_start3A_1084 = tpu.memref_slice %arg11[%mul3A_802, %dma_start3A_1083] : memref<10240x128xf32, #tpu.memory_space<vmem_shared>> -> memref<640x128xf32, #tpu.memory_space<vmem_shared>>
      tpu.enqueue_dma source(%dma_start3A_1084 : memref<640x128xf32, #tpu.memory_space<vmem_shared>>) target(%dma_start3A_1082 : memref<640x128xf32, #tpu.memory_space<hbm>>) target_semaphore(%run_scoped3A : memref<!tpu.dma_semaphore, #tpu.memory_space<semaphore_mem>>)
      %dma_wait3A_1085 = arith.constant 0 : i32
      %dma_wait3A_1086 = tpu.memref_slice %arg6[%add3A_809, %dma_wait3A_1085] : memref<81920x128xf32, #tpu.memory_space<hbm>> -> memref<640x128xf32, #tpu.memory_space<hbm>>
      %dma_wait3A_1087 = arith.constant 0 : i32
      %dma_wait3A_1088 = tpu.memref_slice %arg11[%mul3A_802, %dma_wait3A_1087] : memref<10240x128xf32, #tpu.memory_space<vmem_shared>> -> memref<640x128xf32, #tpu.memory_space<vmem_shared>>
      tpu.wait_dma2 semaphore(%run_scoped3A : memref<!tpu.dma_semaphore, #tpu.memory_space<semaphore_mem>>) src(%dma_wait3A_1088 : memref<640x128xf32, #tpu.memory_space<vmem_shared>>) dst(%dma_wait3A_1086 : memref<640x128xf32, #tpu.memory_space<hbm>>)
      tpu.yield
    }) : () -> ()
    %mul3A_810 = arith.constant 640 : i32
    %mul3A_811 = arith.muli %arg1, %mul3A_810 : i32
    %mul3A_812 = arith.constant 640 : i32
    %mul3A_813 = arith.muli %arg1, %mul3A_812 : i32
    "tpu.region"() ({
      %run_scoped3A = tpu.sem_alloc : memref<!tpu.dma_semaphore, #tpu.memory_space<semaphore_mem>>
      %dma_start3A_1081 = arith.constant 0 : i32
      %dma_start3A_1082 = tpu.memref_slice %arg11[%mul3A_813, %dma_start3A_1081] : memref<10240x128xf32, #tpu.memory_space<vmem_shared>> -> memref<640x128xf32, #tpu.memory_space<vmem_shared>>
      %dma_start3A_1083 = arith.constant 0 : i32
      %dma_start3A_1084 = tpu.memref_slice %arg5[%mul3A_811, %dma_start3A_1083] : memref<10240x128xf32, #tpu.memory_space<hbm>> -> memref<640x128xf32, #tpu.memory_space<hbm>>
      tpu.enqueue_dma source(%dma_start3A_1084 : memref<640x128xf32, #tpu.memory_space<hbm>>) target(%dma_start3A_1082 : memref<640x128xf32, #tpu.memory_space<vmem_shared>>) target_semaphore(%run_scoped3A : memref<!tpu.dma_semaphore, #tpu.memory_space<semaphore_mem>>)
      %dma_wait3A_1085 = arith.constant 0 : i32
      %dma_wait3A_1086 = tpu.memref_slice %arg11[%mul3A_813, %dma_wait3A_1085] : memref<10240x128xf32, #tpu.memory_space<vmem_shared>> -> memref<640x128xf32, #tpu.memory_space<vmem_shared>>
      %dma_wait3A_1087 = arith.constant 0 : i32
      %dma_wait3A_1088 = tpu.memref_slice %arg5[%mul3A_811, %dma_wait3A_1087] : memref<10240x128xf32, #tpu.memory_space<hbm>> -> memref<640x128xf32, #tpu.memory_space<hbm>>
      tpu.wait_dma2 semaphore(%run_scoped3A : memref<!tpu.dma_semaphore, #tpu.memory_space<semaphore_mem>>) src(%dma_wait3A_1088 : memref<640x128xf32, #tpu.memory_space<hbm>>) dst(%dma_wait3A_1086 : memref<640x128xf32, #tpu.memory_space<vmem_shared>>)
      tpu.yield
    }) : () -> ()
    %barrier3A_814 = arith.constant 0 : index
    tpu.barrier barrier_id(%barrier3A_814)
    %add3A_815 = arith.constant 96 : i32
    %add3A_816 = arith.addi %add3A_815, %add3A : i32
    %mul3A_817 = arith.constant 2 : i32
    %mul3A_818 = arith.muli %add3A_816, %mul3A_817 : i32
    %add3A_819 = arith.constant 0 : i32
    %add3A_820 = arith.addi %mul3A_818, %add3A_819 : i32
    "tpu.region"() ({
      %run_scoped3A = tpu.sem_alloc : memref<!tpu.dma_semaphore, #tpu.memory_space<semaphore_mem>>
      %dma_start3A_1081 = arith.constant 0 : i32
      %dma_start3A_1082 = arith.constant 0 : i32
      %dma_start3A_1083 = tpu.memref_slice %arg3[%add3A_820, %dma_start3A_1081, %dma_start3A_1082] : memref<256x40x128xi32, #tpu.memory_space<hbm>> -> memref<1x40x128xi32, #tpu.memory_space<hbm>>
      %dma_start3A_1084 = tpu.memref_squeeze %dma_start3A_1083 : memref<1x40x128xi32, #tpu.memory_space<hbm>> -> memref<40x128xi32, #tpu.memory_space<hbm>>
      %dma_start3A_1085 = arith.constant 0 : i32
      %dma_start3A_1086 = arith.constant 0 : i32
      %dma_start3A_1087 = tpu.memref_slice %arg3[%add3A_820, %dma_start3A_1085, %dma_start3A_1086] : memref<256x40x128xi32, #tpu.memory_space<hbm>> -> memref<1x40x128xi32, #tpu.memory_space<hbm>>
      %dma_start3A_1088 = tpu.memref_squeeze %dma_start3A_1087 : memref<1x40x128xi32, #tpu.memory_space<hbm>> -> memref<40x128xi32, #tpu.memory_space<hbm>>
      tpu.enqueue_dma source(%dma_start3A_1088 : memref<40x128xi32, #tpu.memory_space<hbm>>) target(%arg7 : memref<40x128xi32, #tpu.memory_space<vmem>>) target_semaphore(%run_scoped3A : memref<!tpu.dma_semaphore, #tpu.memory_space<semaphore_mem>>)
      %dma_wait3A_1089 = arith.constant 0 : i32
      %dma_wait3A_1090 = arith.constant 0 : i32
      %dma_wait3A_1091 = tpu.memref_slice %arg3[%add3A_820, %dma_wait3A_1089, %dma_wait3A_1090] : memref<256x40x128xi32, #tpu.memory_space<hbm>> -> memref<1x40x128xi32, #tpu.memory_space<hbm>>
      %dma_wait3A_1092 = tpu.memref_squeeze %dma_wait3A_1091 : memref<1x40x128xi32, #tpu.memory_space<hbm>> -> memref<40x128xi32, #tpu.memory_space<hbm>>
      %dma_wait3A_1093 = arith.constant 0 : i32
      %dma_wait3A_1094 = arith.constant 0 : i32
      %dma_wait3A_1095 = tpu.memref_slice %arg3[%add3A_820, %dma_wait3A_1093, %dma_wait3A_1094] : memref<256x40x128xi32, #tpu.memory_space<hbm>> -> memref<1x40x128xi32, #tpu.memory_space<hbm>>
      %dma_wait3A_1096 = tpu.memref_squeeze %dma_wait3A_1095 : memref<1x40x128xi32, #tpu.memory_space<hbm>> -> memref<40x128xi32, #tpu.memory_space<hbm>>
      tpu.wait_dma2 semaphore(%run_scoped3A : memref<!tpu.dma_semaphore, #tpu.memory_space<semaphore_mem>>) src(%dma_wait3A_1096 : memref<40x128xi32, #tpu.memory_space<hbm>>) dst(%arg7 : memref<40x128xi32, #tpu.memory_space<vmem>>)
      tpu.yield
    }) : () -> ()
    %mul3A_821 = arith.constant 2 : i32
    %mul3A_822 = arith.muli %add3A, %mul3A_821 : i32
    %add3A_823 = arith.constant 0 : i32
    %add3A_824 = arith.addi %mul3A_822, %add3A_823 : i32
    "tpu.region"() ({
      %run_scoped3A = tpu.sem_alloc : memref<!tpu.dma_semaphore, #tpu.memory_space<semaphore_mem>>
      %dma_start3A_1081 = arith.constant 0 : i32
      %dma_start3A_1082 = arith.constant 0 : i32
      %dma_start3A_1083 = tpu.memref_slice %arg4[%add3A_824, %dma_start3A_1081, %dma_start3A_1082] : memref<64x40x128xi32, #tpu.memory_space<hbm>> -> memref<1x40x128xi32, #tpu.memory_space<hbm>>
      %dma_start3A_1084 = tpu.memref_squeeze %dma_start3A_1083 : memref<1x40x128xi32, #tpu.memory_space<hbm>> -> memref<40x128xi32, #tpu.memory_space<hbm>>
      %dma_start3A_1085 = arith.constant 0 : i32
      %dma_start3A_1086 = arith.constant 0 : i32
      %dma_start3A_1087 = tpu.memref_slice %arg4[%add3A_824, %dma_start3A_1085, %dma_start3A_1086] : memref<64x40x128xi32, #tpu.memory_space<hbm>> -> memref<1x40x128xi32, #tpu.memory_space<hbm>>
      %dma_start3A_1088 = tpu.memref_squeeze %dma_start3A_1087 : memref<1x40x128xi32, #tpu.memory_space<hbm>> -> memref<40x128xi32, #tpu.memory_space<hbm>>
      tpu.enqueue_dma source(%dma_start3A_1088 : memref<40x128xi32, #tpu.memory_space<hbm>>) target(%arg8 : memref<40x128xi32, #tpu.memory_space<vmem>>) target_semaphore(%run_scoped3A : memref<!tpu.dma_semaphore, #tpu.memory_space<semaphore_mem>>)
      %dma_wait3A_1089 = arith.constant 0 : i32
      %dma_wait3A_1090 = arith.constant 0 : i32
      %dma_wait3A_1091 = tpu.memref_slice %arg4[%add3A_824, %dma_wait3A_1089, %dma_wait3A_1090] : memref<64x40x128xi32, #tpu.memory_space<hbm>> -> memref<1x40x128xi32, #tpu.memory_space<hbm>>
      %dma_wait3A_1092 = tpu.memref_squeeze %dma_wait3A_1091 : memref<1x40x128xi32, #tpu.memory_space<hbm>> -> memref<40x128xi32, #tpu.memory_space<hbm>>
      %dma_wait3A_1093 = arith.constant 0 : i32
      %dma_wait3A_1094 = arith.constant 0 : i32
      %dma_wait3A_1095 = tpu.memref_slice %arg4[%add3A_824, %dma_wait3A_1093, %dma_wait3A_1094] : memref<64x40x128xi32, #tpu.memory_space<hbm>> -> memref<1x40x128xi32, #tpu.memory_space<hbm>>
      %dma_wait3A_1096 = tpu.memref_squeeze %dma_wait3A_1095 : memref<1x40x128xi32, #tpu.memory_space<hbm>> -> memref<40x128xi32, #tpu.memory_space<hbm>>
      tpu.wait_dma2 semaphore(%run_scoped3A : memref<!tpu.dma_semaphore, #tpu.memory_space<semaphore_mem>>) src(%dma_wait3A_1096 : memref<40x128xi32, #tpu.memory_space<hbm>>) dst(%arg8 : memref<40x128xi32, #tpu.memory_space<vmem>>)
      tpu.yield
    }) : () -> ()
    %dma_start3A_825 = arith.constant 0 : i32
    %dma_start3A_826 = arith.constant 0 : i32
    %dma_start3A_827 = tpu.memref_slice %arg7[%dma_start3A_825, %dma_start3A_826] : memref<40x128xi32, #tpu.memory_space<vmem>> -> memref<1x128xi32, #tpu.memory_space<vmem>>
    %dma_start3A_828 = tpu.memref_squeeze %dma_start3A_827 : memref<1x128xi32, #tpu.memory_space<vmem>> -> memref<128xi32, #tpu.memory_space<vmem>>
    %dma_start3A_829 = arith.constant 0 : i32
    %dma_start3A_830 = arith.constant 0 : i32
    %dma_start3A_831 = tpu.memref_slice %arg2[%dma_start3A_829, %dma_start3A_830] : memref<40960x128xf32, #tpu.memory_space<hbm>> -> memref<40960x128xf32, #tpu.memory_space<hbm>>
    tpu.enqueue_indirect_dma source(%dma_start3A_831 : memref<40960x128xf32, #tpu.memory_space<hbm>>) target(%arg9 : memref<128x128xf32, #tpu.memory_space<vmem>>) offsets(%dma_start3A_828 : memref<128xi32, #tpu.memory_space<vmem>>) semaphore(%arg12 : memref<!tpu.dma_semaphore, #tpu.memory_space<semaphore_mem>>)
    %dma_wait3A_832 = arith.constant 0 : i32
    %dma_wait3A_833 = arith.constant 0 : i32
    %dma_wait3A_834 = tpu.memref_slice %arg7[%dma_wait3A_832, %dma_wait3A_833] : memref<40x128xi32, #tpu.memory_space<vmem>> -> memref<1x128xi32, #tpu.memory_space<vmem>>
    %dma_wait3A_835 = tpu.memref_squeeze %dma_wait3A_834 : memref<1x128xi32, #tpu.memory_space<vmem>> -> memref<128xi32, #tpu.memory_space<vmem>>
    %dma_wait3A_836 = arith.constant 0 : i32
    %dma_wait3A_837 = arith.constant 0 : i32
    %dma_wait3A_838 = tpu.memref_slice %arg2[%dma_wait3A_836, %dma_wait3A_837] : memref<40960x128xf32, #tpu.memory_space<hbm>> -> memref<40960x128xf32, #tpu.memory_space<hbm>>
    tpu.wait_indirect_dma semaphore(%arg12 : memref<!tpu.dma_semaphore, #tpu.memory_space<semaphore_mem>>) src(%dma_wait3A_838 : memref<40960x128xf32, #tpu.memory_space<hbm>>) dst(%arg9 : memref<128x128xf32, #tpu.memory_space<vmem>>)
    %dma_start3A_839 = arith.constant 1 : i32
    %dma_start3A_840 = arith.constant 0 : i32
    %dma_start3A_841 = tpu.memref_slice %arg7[%dma_start3A_839, %dma_start3A_840] : memref<40x128xi32, #tpu.memory_space<vmem>> -> memref<1x128xi32, #tpu.memory_space<vmem>>
    %dma_start3A_842 = tpu.memref_squeeze %dma_start3A_841 : memref<1x128xi32, #tpu.memory_space<vmem>> -> memref<128xi32, #tpu.memory_space<vmem>>
    %dma_start3A_843 = arith.constant 0 : i32
    %dma_start3A_844 = arith.constant 0 : i32
    %dma_start3A_845 = tpu.memref_slice %arg2[%dma_start3A_843, %dma_start3A_844] : memref<40960x128xf32, #tpu.memory_space<hbm>> -> memref<40960x128xf32, #tpu.memory_space<hbm>>
    tpu.enqueue_indirect_dma source(%dma_start3A_845 : memref<40960x128xf32, #tpu.memory_space<hbm>>) target(%arg10 : memref<128x128xf32, #tpu.memory_space<vmem>>) offsets(%dma_start3A_842 : memref<128xi32, #tpu.memory_space<vmem>>) semaphore(%arg12 : memref<!tpu.dma_semaphore, #tpu.memory_space<semaphore_mem>>)
    %dma_start3A_846 = arith.constant 0 : i32
    %dma_start3A_847 = arith.constant 0 : i32
    %dma_start3A_848 = tpu.memref_slice %arg8[%dma_start3A_846, %dma_start3A_847] : memref<40x128xi32, #tpu.memory_space<vmem>> -> memref<1x128xi32, #tpu.memory_space<vmem>>
    %dma_start3A_849 = tpu.memref_squeeze %dma_start3A_848 : memref<1x128xi32, #tpu.memory_space<vmem>> -> memref<128xi32, #tpu.memory_space<vmem>>
    %dma_start3A_850 = arith.constant 0 : i32
    %dma_start3A_851 = arith.constant 0 : i32
    %dma_start3A_852 = tpu.memref_slice %arg11[%dma_start3A_850, %dma_start3A_851] : memref<10240x128xf32, #tpu.memory_space<vmem_shared>> -> memref<10240x128xf32, #tpu.memory_space<vmem_shared>>
    tpu.enqueue_indirect_dma source(%arg9 : memref<128x128xf32, #tpu.memory_space<vmem>>) target(%dma_start3A_852 : memref<10240x128xf32, #tpu.memory_space<vmem_shared>>) offsets(%dma_start3A_849 : memref<128xi32, #tpu.memory_space<vmem>>) semaphore(%arg13 : memref<!tpu.dma_semaphore, #tpu.memory_space<semaphore_mem>>) {add = true}
    %dma_wait3A_853 = arith.constant 1 : i32
    %dma_wait3A_854 = arith.constant 0 : i32
    %dma_wait3A_855 = tpu.memref_slice %arg7[%dma_wait3A_853, %dma_wait3A_854] : memref<40x128xi32, #tpu.memory_space<vmem>> -> memref<1x128xi32, #tpu.memory_space<vmem>>
    %dma_wait3A_856 = tpu.memref_squeeze %dma_wait3A_855 : memref<1x128xi32, #tpu.memory_space<vmem>> -> memref<128xi32, #tpu.memory_space<vmem>>
    %dma_wait3A_857 = arith.constant 0 : i32
    %dma_wait3A_858 = arith.constant 0 : i32
    %dma_wait3A_859 = tpu.memref_slice %arg2[%dma_wait3A_857, %dma_wait3A_858] : memref<40960x128xf32, #tpu.memory_space<hbm>> -> memref<40960x128xf32, #tpu.memory_space<hbm>>
    tpu.wait_indirect_dma semaphore(%arg12 : memref<!tpu.dma_semaphore, #tpu.memory_space<semaphore_mem>>) src(%dma_wait3A_859 : memref<40960x128xf32, #tpu.memory_space<hbm>>) dst(%arg10 : memref<128x128xf32, #tpu.memory_space<vmem>>)
    %dma_wait3A_860 = arith.constant 0 : i32
    %dma_wait3A_861 = arith.constant 0 : i32
    %dma_wait3A_862 = tpu.memref_slice %arg8[%dma_wait3A_860, %dma_wait3A_861] : memref<40x128xi32, #tpu.memory_space<vmem>> -> memref<1x128xi32, #tpu.memory_space<vmem>>
    %dma_wait3A_863 = tpu.memref_squeeze %dma_wait3A_862 : memref<1x128xi32, #tpu.memory_space<vmem>> -> memref<128xi32, #tpu.memory_space<vmem>>
    %dma_wait3A_864 = arith.constant 0 : i32
    %dma_wait3A_865 = arith.constant 0 : i32
    %dma_wait3A_866 = tpu.memref_slice %arg11[%dma_wait3A_864, %dma_wait3A_865] : memref<10240x128xf32, #tpu.memory_space<vmem_shared>> -> memref<10240x128xf32, #tpu.memory_space<vmem_shared>>
    tpu.wait_indirect_dma semaphore(%arg13 : memref<!tpu.dma_semaphore, #tpu.memory_space<semaphore_mem>>) src(%arg9 : memref<128x128xf32, #tpu.memory_space<vmem>>) dst(%dma_wait3A_866 : memref<10240x128xf32, #tpu.memory_space<vmem_shared>>)
    %dma_start3A_867 = arith.constant 2 : i32
    %dma_start3A_868 = arith.constant 0 : i32
    %dma_start3A_869 = tpu.memref_slice %arg7[%dma_start3A_867, %dma_start3A_868] : memref<40x128xi32, #tpu.memory_space<vmem>> -> memref<1x128xi32, #tpu.memory_space<vmem>>
    %dma_start3A_870 = tpu.memref_squeeze %dma_start3A_869 : memref<1x128xi32, #tpu.memory_space<vmem>> -> memref<128xi32, #tpu.memory_space<vmem>>
    %dma_start3A_871 = arith.constant 0 : i32
    %dma_start3A_872 = arith.constant 0 : i32
    %dma_start3A_873 = tpu.memref_slice %arg2[%dma_start3A_871, %dma_start3A_872] : memref<40960x128xf32, #tpu.memory_space<hbm>> -> memref<40960x128xf32, #tpu.memory_space<hbm>>
    tpu.enqueue_indirect_dma source(%dma_start3A_873 : memref<40960x128xf32, #tpu.memory_space<hbm>>) target(%arg9 : memref<128x128xf32, #tpu.memory_space<vmem>>) offsets(%dma_start3A_870 : memref<128xi32, #tpu.memory_space<vmem>>) semaphore(%arg12 : memref<!tpu.dma_semaphore, #tpu.memory_space<semaphore_mem>>)
    %dma_start3A_874 = arith.constant 1 : i32
    %dma_start3A_875 = arith.constant 0 : i32
    %dma_start3A_876 = tpu.memref_slice %arg8[%dma_start3A_874, %dma_start3A_875] : memref<40x128xi32, #tpu.memory_space<vmem>> -> memref<1x128xi32, #tpu.memory_space<vmem>>
    %dma_start3A_877 = tpu.memref_squeeze %dma_start3A_876 : memref<1x128xi32, #tpu.memory_space<vmem>> -> memref<128xi32, #tpu.memory_space<vmem>>
    %dma_start3A_878 = arith.constant 0 : i32
    %dma_start3A_879 = arith.constant 0 : i32
    %dma_start3A_880 = tpu.memref_slice %arg11[%dma_start3A_878, %dma_start3A_879] : memref<10240x128xf32, #tpu.memory_space<vmem_shared>> -> memref<10240x128xf32, #tpu.memory_space<vmem_shared>>
    tpu.enqueue_indirect_dma source(%arg10 : memref<128x128xf32, #tpu.memory_space<vmem>>) target(%dma_start3A_880 : memref<10240x128xf32, #tpu.memory_space<vmem_shared>>) offsets(%dma_start3A_877 : memref<128xi32, #tpu.memory_space<vmem>>) semaphore(%arg14 : memref<!tpu.dma_semaphore, #tpu.memory_space<semaphore_mem>>) {add = true}
    %scan3A_881 = arith.constant 0 : i32
    %scan3A_882 = arith.constant 1 : i32
    %scan3A_883 = arith.constant 18 : i32
    %scan3A_884 = arith.addi %scan3A_882, %scan3A_883 : i32
    %scan3A_885 = arith.constant 1 : i32
    scf.for %scan3A_1081 = %scan3A_882 to %scan3A_884 step %scan3A_885  : i32 {
      %mul3A_1082 = arith.constant 2 : i32
      %mul3A_1083 = arith.muli %mul3A_1082, %scan3A_1081 : i32
      %add3A_1084 = arith.constant 0 : i32
      %add3A_1085 = arith.addi %mul3A_1083, %add3A_1084 : i32
      %dma_wait3A_1086 = arith.constant 0 : i32
      %dma_wait3A_1087 = tpu.memref_slice %arg7[%add3A_1085, %dma_wait3A_1086] : memref<40x128xi32, #tpu.memory_space<vmem>> -> memref<1x128xi32, #tpu.memory_space<vmem>>
      %dma_wait3A_1088 = tpu.memref_squeeze %dma_wait3A_1087 : memref<1x128xi32, #tpu.memory_space<vmem>> -> memref<128xi32, #tpu.memory_space<vmem>>
      %dma_wait3A_1089 = arith.constant 0 : i32
      %dma_wait3A_1090 = arith.constant 0 : i32
      %dma_wait3A_1091 = tpu.memref_slice %arg2[%dma_wait3A_1089, %dma_wait3A_1090] : memref<40960x128xf32, #tpu.memory_space<hbm>> -> memref<40960x128xf32, #tpu.memory_space<hbm>>
      tpu.wait_indirect_dma semaphore(%arg12 : memref<!tpu.dma_semaphore, #tpu.memory_space<semaphore_mem>>) src(%dma_wait3A_1091 : memref<40960x128xf32, #tpu.memory_space<hbm>>) dst(%arg9 : memref<128x128xf32, #tpu.memory_space<vmem>>)
      %sub3A = arith.constant 1 : i32
      %sub3A_1092 = arith.subi %add3A_1085, %sub3A : i32
      %dma_wait3A_1093 = arith.constant 0 : i32
      %dma_wait3A_1094 = tpu.memref_slice %arg8[%sub3A_1092, %dma_wait3A_1093] : memref<40x128xi32, #tpu.memory_space<vmem>> -> memref<1x128xi32, #tpu.memory_space<vmem>>
      %dma_wait3A_1095 = tpu.memref_squeeze %dma_wait3A_1094 : memref<1x128xi32, #tpu.memory_space<vmem>> -> memref<128xi32, #tpu.memory_space<vmem>>
      %dma_wait3A_1096 = arith.constant 0 : i32
      %dma_wait3A_1097 = arith.constant 0 : i32
      %dma_wait3A_1098 = tpu.memref_slice %arg11[%dma_wait3A_1096, %dma_wait3A_1097] : memref<10240x128xf32, #tpu.memory_space<vmem_shared>> -> memref<10240x128xf32, #tpu.memory_space<vmem_shared>>
      tpu.wait_indirect_dma semaphore(%arg14 : memref<!tpu.dma_semaphore, #tpu.memory_space<semaphore_mem>>) src(%arg10 : memref<128x128xf32, #tpu.memory_space<vmem>>) dst(%dma_wait3A_1098 : memref<10240x128xf32, #tpu.memory_space<vmem_shared>>)
      %add3A_1099 = arith.constant 1 : i32
      %add3A_1100 = arith.addi %add3A_1085, %add3A_1099 : i32
      %dma_start3A_1101 = arith.constant 0 : i32
      %dma_start3A_1102 = tpu.memref_slice %arg7[%add3A_1100, %dma_start3A_1101] : memref<40x128xi32, #tpu.memory_space<vmem>> -> memref<1x128xi32, #tpu.memory_space<vmem>>
      %dma_start3A_1103 = tpu.memref_squeeze %dma_start3A_1102 : memref<1x128xi32, #tpu.memory_space<vmem>> -> memref<128xi32, #tpu.memory_space<vmem>>
      %dma_start3A_1104 = arith.constant 0 : i32
      %dma_start3A_1105 = arith.constant 0 : i32
      %dma_start3A_1106 = tpu.memref_slice %arg2[%dma_start3A_1104, %dma_start3A_1105] : memref<40960x128xf32, #tpu.memory_space<hbm>> -> memref<40960x128xf32, #tpu.memory_space<hbm>>
      tpu.enqueue_indirect_dma source(%dma_start3A_1106 : memref<40960x128xf32, #tpu.memory_space<hbm>>) target(%arg10 : memref<128x128xf32, #tpu.memory_space<vmem>>) offsets(%dma_start3A_1103 : memref<128xi32, #tpu.memory_space<vmem>>) semaphore(%arg12 : memref<!tpu.dma_semaphore, #tpu.memory_space<semaphore_mem>>)
      %dma_start3A_1107 = arith.constant 0 : i32
      %dma_start3A_1108 = tpu.memref_slice %arg8[%add3A_1085, %dma_start3A_1107] : memref<40x128xi32, #tpu.memory_space<vmem>> -> memref<1x128xi32, #tpu.memory_space<vmem>>
      %dma_start3A_1109 = tpu.memref_squeeze %dma_start3A_1108 : memref<1x128xi32, #tpu.memory_space<vmem>> -> memref<128xi32, #tpu.memory_space<vmem>>
      %dma_start3A_1110 = arith.constant 0 : i32
      %dma_start3A_1111 = arith.constant 0 : i32
      %dma_start3A_1112 = tpu.memref_slice %arg11[%dma_start3A_1110, %dma_start3A_1111] : memref<10240x128xf32, #tpu.memory_space<vmem_shared>> -> memref<10240x128xf32, #tpu.memory_space<vmem_shared>>
      tpu.enqueue_indirect_dma source(%arg9 : memref<128x128xf32, #tpu.memory_space<vmem>>) target(%dma_start3A_1112 : memref<10240x128xf32, #tpu.memory_space<vmem_shared>>) offsets(%dma_start3A_1109 : memref<128xi32, #tpu.memory_space<vmem>>) semaphore(%arg13 : memref<!tpu.dma_semaphore, #tpu.memory_space<semaphore_mem>>) {add = true}
      %mul3A_1113 = arith.constant 2 : i32
      %mul3A_1114 = arith.muli %mul3A_1113, %scan3A_1081 : i32
      %add3A_1115 = arith.constant 1 : i32
      %add3A_1116 = arith.addi %mul3A_1114, %add3A_1115 : i32
      %dma_wait3A_1117 = arith.constant 0 : i32
      %dma_wait3A_1118 = tpu.memref_slice %arg7[%add3A_1116, %dma_wait3A_1117] : memref<40x128xi32, #tpu.memory_space<vmem>> -> memref<1x128xi32, #tpu.memory_space<vmem>>
      %dma_wait3A_1119 = tpu.memref_squeeze %dma_wait3A_1118 : memref<1x128xi32, #tpu.memory_space<vmem>> -> memref<128xi32, #tpu.memory_space<vmem>>
      %dma_wait3A_1120 = arith.constant 0 : i32
      %dma_wait3A_1121 = arith.constant 0 : i32
      %dma_wait3A_1122 = tpu.memref_slice %arg2[%dma_wait3A_1120, %dma_wait3A_1121] : memref<40960x128xf32, #tpu.memory_space<hbm>> -> memref<40960x128xf32, #tpu.memory_space<hbm>>
      tpu.wait_indirect_dma semaphore(%arg12 : memref<!tpu.dma_semaphore, #tpu.memory_space<semaphore_mem>>) src(%dma_wait3A_1122 : memref<40960x128xf32, #tpu.memory_space<hbm>>) dst(%arg10 : memref<128x128xf32, #tpu.memory_space<vmem>>)
      %sub3A_1123 = arith.constant 1 : i32
      %sub3A_1124 = arith.subi %add3A_1116, %sub3A_1123 : i32
      %dma_wait3A_1125 = arith.constant 0 : i32
      %dma_wait3A_1126 = tpu.memref_slice %arg8[%sub3A_1124, %dma_wait3A_1125] : memref<40x128xi32, #tpu.memory_space<vmem>> -> memref<1x128xi32, #tpu.memory_space<vmem>>
      %dma_wait3A_1127 = tpu.memref_squeeze %dma_wait3A_1126 : memref<1x128xi32, #tpu.memory_space<vmem>> -> memref<128xi32, #tpu.memory_space<vmem>>
      %dma_wait3A_1128 = arith.constant 0 : i32
      %dma_wait3A_1129 = arith.constant 0 : i32
      %dma_wait3A_1130 = tpu.memref_slice %arg11[%dma_wait3A_1128, %dma_wait3A_1129] : memref<10240x128xf32, #tpu.memory_space<vmem_shared>> -> memref<10240x128xf32, #tpu.memory_space<vmem_shared>>
      tpu.wait_indirect_dma semaphore(%arg13 : memref<!tpu.dma_semaphore, #tpu.memory_space<semaphore_mem>>) src(%arg9 : memref<128x128xf32, #tpu.memory_space<vmem>>) dst(%dma_wait3A_1130 : memref<10240x128xf32, #tpu.memory_space<vmem_shared>>)
      %add3A_1131 = arith.constant 1 : i32
      %add3A_1132 = arith.addi %add3A_1116, %add3A_1131 : i32
      %dma_start3A_1133 = arith.constant 0 : i32
      %dma_start3A_1134 = tpu.memref_slice %arg7[%add3A_1132, %dma_start3A_1133] : memref<40x128xi32, #tpu.memory_space<vmem>> -> memref<1x128xi32, #tpu.memory_space<vmem>>
      %dma_start3A_1135 = tpu.memref_squeeze %dma_start3A_1134 : memref<1x128xi32, #tpu.memory_space<vmem>> -> memref<128xi32, #tpu.memory_space<vmem>>
      %dma_start3A_1136 = arith.constant 0 : i32
      %dma_start3A_1137 = arith.constant 0 : i32
      %dma_start3A_1138 = tpu.memref_slice %arg2[%dma_start3A_1136, %dma_start3A_1137] : memref<40960x128xf32, #tpu.memory_space<hbm>> -> memref<40960x128xf32, #tpu.memory_space<hbm>>
      tpu.enqueue_indirect_dma source(%dma_start3A_1138 : memref<40960x128xf32, #tpu.memory_space<hbm>>) target(%arg9 : memref<128x128xf32, #tpu.memory_space<vmem>>) offsets(%dma_start3A_1135 : memref<128xi32, #tpu.memory_space<vmem>>) semaphore(%arg12 : memref<!tpu.dma_semaphore, #tpu.memory_space<semaphore_mem>>)
      %dma_start3A_1139 = arith.constant 0 : i32
      %dma_start3A_1140 = tpu.memref_slice %arg8[%add3A_1116, %dma_start3A_1139] : memref<40x128xi32, #tpu.memory_space<vmem>> -> memref<1x128xi32, #tpu.memory_space<vmem>>
      %dma_start3A_1141 = tpu.memref_squeeze %dma_start3A_1140 : memref<1x128xi32, #tpu.memory_space<vmem>> -> memref<128xi32, #tpu.memory_space<vmem>>
      %dma_start3A_1142 = arith.constant 0 : i32
      %dma_start3A_1143 = arith.constant 0 : i32
      %dma_start3A_1144 = tpu.memref_slice %arg11[%dma_start3A_1142, %dma_start3A_1143] : memref<10240x128xf32, #tpu.memory_space<vmem_shared>> -> memref<10240x128xf32, #tpu.memory_space<vmem_shared>>
      tpu.enqueue_indirect_dma source(%arg10 : memref<128x128xf32, #tpu.memory_space<vmem>>) target(%dma_start3A_1144 : memref<10240x128xf32, #tpu.memory_space<vmem_shared>>) offsets(%dma_start3A_1141 : memref<128xi32, #tpu.memory_space<vmem>>) semaphore(%arg14 : memref<!tpu.dma_semaphore, #tpu.memory_space<semaphore_mem>>) {add = true}
    }
    %scan3A_886 = arith.constant 18 : i32
    %dma_wait3A_887 = arith.constant 38 : i32
    %dma_wait3A_888 = arith.constant 0 : i32
    %dma_wait3A_889 = tpu.memref_slice %arg7[%dma_wait3A_887, %dma_wait3A_888] : memref<40x128xi32, #tpu.memory_space<vmem>> -> memref<1x128xi32, #tpu.memory_space<vmem>>
    %dma_wait3A_890 = tpu.memref_squeeze %dma_wait3A_889 : memref<1x128xi32, #tpu.memory_space<vmem>> -> memref<128xi32, #tpu.memory_space<vmem>>
    %dma_wait3A_891 = arith.constant 0 : i32
    %dma_wait3A_892 = arith.constant 0 : i32
    %dma_wait3A_893 = tpu.memref_slice %arg2[%dma_wait3A_891, %dma_wait3A_892] : memref<40960x128xf32, #tpu.memory_space<hbm>> -> memref<40960x128xf32, #tpu.memory_space<hbm>>
    tpu.wait_indirect_dma semaphore(%arg12 : memref<!tpu.dma_semaphore, #tpu.memory_space<semaphore_mem>>) src(%dma_wait3A_893 : memref<40960x128xf32, #tpu.memory_space<hbm>>) dst(%arg9 : memref<128x128xf32, #tpu.memory_space<vmem>>)
    %dma_wait3A_894 = arith.constant 37 : i32
    %dma_wait3A_895 = arith.constant 0 : i32
    %dma_wait3A_896 = tpu.memref_slice %arg8[%dma_wait3A_894, %dma_wait3A_895] : memref<40x128xi32, #tpu.memory_space<vmem>> -> memref<1x128xi32, #tpu.memory_space<vmem>>
    %dma_wait3A_897 = tpu.memref_squeeze %dma_wait3A_896 : memref<1x128xi32, #tpu.memory_space<vmem>> -> memref<128xi32, #tpu.memory_space<vmem>>
    %dma_wait3A_898 = arith.constant 0 : i32
    %dma_wait3A_899 = arith.constant 0 : i32
    %dma_wait3A_900 = tpu.memref_slice %arg11[%dma_wait3A_898, %dma_wait3A_899] : memref<10240x128xf32, #tpu.memory_space<vmem_shared>> -> memref<10240x128xf32, #tpu.memory_space<vmem_shared>>
    tpu.wait_indirect_dma semaphore(%arg14 : memref<!tpu.dma_semaphore, #tpu.memory_space<semaphore_mem>>) src(%arg10 : memref<128x128xf32, #tpu.memory_space<vmem>>) dst(%dma_wait3A_900 : memref<10240x128xf32, #tpu.memory_space<vmem_shared>>)
    %dma_start3A_901 = arith.constant 39 : i32
    %dma_start3A_902 = arith.constant 0 : i32
    %dma_start3A_903 = tpu.memref_slice %arg7[%dma_start3A_901, %dma_start3A_902] : memref<40x128xi32, #tpu.memory_space<vmem>> -> memref<1x128xi32, #tpu.memory_space<vmem>>
    %dma_start3A_904 = tpu.memref_squeeze %dma_start3A_903 : memref<1x128xi32, #tpu.memory_space<vmem>> -> memref<128xi32, #tpu.memory_space<vmem>>
    %dma_start3A_905 = arith.constant 0 : i32
    %dma_start3A_906 = arith.constant 0 : i32
    %dma_start3A_907 = tpu.memref_slice %arg2[%dma_start3A_905, %dma_start3A_906] : memref<40960x128xf32, #tpu.memory_space<hbm>> -> memref<40960x128xf32, #tpu.memory_space<hbm>>
    tpu.enqueue_indirect_dma source(%dma_start3A_907 : memref<40960x128xf32, #tpu.memory_space<hbm>>) target(%arg10 : memref<128x128xf32, #tpu.memory_space<vmem>>) offsets(%dma_start3A_904 : memref<128xi32, #tpu.memory_space<vmem>>) semaphore(%arg12 : memref<!tpu.dma_semaphore, #tpu.memory_space<semaphore_mem>>)
    %dma_start3A_908 = arith.constant 38 : i32
    %dma_start3A_909 = arith.constant 0 : i32
    %dma_start3A_910 = tpu.memref_slice %arg8[%dma_start3A_908, %dma_start3A_909] : memref<40x128xi32, #tpu.memory_space<vmem>> -> memref<1x128xi32, #tpu.memory_space<vmem>>
    %dma_start3A_911 = tpu.memref_squeeze %dma_start3A_910 : memref<1x128xi32, #tpu.memory_space<vmem>> -> memref<128xi32, #tpu.memory_space<vmem>>
    %dma_start3A_912 = arith.constant 0 : i32
    %dma_start3A_913 = arith.constant 0 : i32
    %dma_start3A_914 = tpu.memref_slice %arg11[%dma_start3A_912, %dma_start3A_913] : memref<10240x128xf32, #tpu.memory_space<vmem_shared>> -> memref<10240x128xf32, #tpu.memory_space<vmem_shared>>
    tpu.enqueue_indirect_dma source(%arg9 : memref<128x128xf32, #tpu.memory_space<vmem>>) target(%dma_start3A_914 : memref<10240x128xf32, #tpu.memory_space<vmem_shared>>) offsets(%dma_start3A_911 : memref<128xi32, #tpu.memory_space<vmem>>) semaphore(%arg13 : memref<!tpu.dma_semaphore, #tpu.memory_space<semaphore_mem>>) {add = true}
    %dma_wait3A_915 = arith.constant 39 : i32
    %dma_wait3A_916 = arith.constant 0 : i32
    %dma_wait3A_917 = tpu.memref_slice %arg7[%dma_wait3A_915, %dma_wait3A_916] : memref<40x128xi32, #tpu.memory_space<vmem>> -> memref<1x128xi32, #tpu.memory_space<vmem>>
    %dma_wait3A_918 = tpu.memref_squeeze %dma_wait3A_917 : memref<1x128xi32, #tpu.memory_space<vmem>> -> memref<128xi32, #tpu.memory_space<vmem>>
    %dma_wait3A_919 = arith.constant 0 : i32
    %dma_wait3A_920 = arith.constant 0 : i32
    %dma_wait3A_921 = tpu.memref_slice %arg2[%dma_wait3A_919, %dma_wait3A_920] : memref<40960x128xf32, #tpu.memory_space<hbm>> -> memref<40960x128xf32, #tpu.memory_space<hbm>>
    tpu.wait_indirect_dma semaphore(%arg12 : memref<!tpu.dma_semaphore, #tpu.memory_space<semaphore_mem>>) src(%dma_wait3A_921 : memref<40960x128xf32, #tpu.memory_space<hbm>>) dst(%arg10 : memref<128x128xf32, #tpu.memory_space<vmem>>)
    %dma_wait3A_922 = arith.constant 38 : i32
    %dma_wait3A_923 = arith.constant 0 : i32
    %dma_wait3A_924 = tpu.memref_slice %arg8[%dma_wait3A_922, %dma_wait3A_923] : memref<40x128xi32, #tpu.memory_space<vmem>> -> memref<1x128xi32, #tpu.memory_space<vmem>>
    %dma_wait3A_925 = tpu.memref_squeeze %dma_wait3A_924 : memref<1x128xi32, #tpu.memory_space<vmem>> -> memref<128xi32, #tpu.memory_space<vmem>>
    %dma_wait3A_926 = arith.constant 0 : i32
    %dma_wait3A_927 = arith.constant 0 : i32
    %dma_wait3A_928 = tpu.memref_slice %arg11[%dma_wait3A_926, %dma_wait3A_927] : memref<10240x128xf32, #tpu.memory_space<vmem_shared>> -> memref<10240x128xf32, #tpu.memory_space<vmem_shared>>
    tpu.wait_indirect_dma semaphore(%arg13 : memref<!tpu.dma_semaphore, #tpu.memory_space<semaphore_mem>>) src(%arg9 : memref<128x128xf32, #tpu.memory_space<vmem>>) dst(%dma_wait3A_928 : memref<10240x128xf32, #tpu.memory_space<vmem_shared>>)
    %dma_start3A_929 = arith.constant 39 : i32
    %dma_start3A_930 = arith.constant 0 : i32
    %dma_start3A_931 = tpu.memref_slice %arg8[%dma_start3A_929, %dma_start3A_930] : memref<40x128xi32, #tpu.memory_space<vmem>> -> memref<1x128xi32, #tpu.memory_space<vmem>>
    %dma_start3A_932 = tpu.memref_squeeze %dma_start3A_931 : memref<1x128xi32, #tpu.memory_space<vmem>> -> memref<128xi32, #tpu.memory_space<vmem>>
    %dma_start3A_933 = arith.constant 0 : i32
    %dma_start3A_934 = arith.constant 0 : i32
    %dma_start3A_935 = tpu.memref_slice %arg11[%dma_start3A_933, %dma_start3A_934] : memref<10240x128xf32, #tpu.memory_space<vmem_shared>> -> memref<10240x128xf32, #tpu.memory_space<vmem_shared>>
    tpu.enqueue_indirect_dma source(%arg10 : memref<128x128xf32, #tpu.memory_space<vmem>>) target(%dma_start3A_935 : memref<10240x128xf32, #tpu.memory_space<vmem_shared>>) offsets(%dma_start3A_932 : memref<128xi32, #tpu.memory_space<vmem>>) semaphore(%arg14 : memref<!tpu.dma_semaphore, #tpu.memory_space<semaphore_mem>>) {add = true}
    %dma_wait3A_936 = arith.constant 39 : i32
    %dma_wait3A_937 = arith.constant 0 : i32
    %dma_wait3A_938 = tpu.memref_slice %arg8[%dma_wait3A_936, %dma_wait3A_937] : memref<40x128xi32, #tpu.memory_space<vmem>> -> memref<1x128xi32, #tpu.memory_space<vmem>>
    %dma_wait3A_939 = tpu.memref_squeeze %dma_wait3A_938 : memref<1x128xi32, #tpu.memory_space<vmem>> -> memref<128xi32, #tpu.memory_space<vmem>>
    %dma_wait3A_940 = arith.constant 0 : i32
    %dma_wait3A_941 = arith.constant 0 : i32
    %dma_wait3A_942 = tpu.memref_slice %arg11[%dma_wait3A_940, %dma_wait3A_941] : memref<10240x128xf32, #tpu.memory_space<vmem_shared>> -> memref<10240x128xf32, #tpu.memory_space<vmem_shared>>
    tpu.wait_indirect_dma semaphore(%arg14 : memref<!tpu.dma_semaphore, #tpu.memory_space<semaphore_mem>>) src(%arg10 : memref<128x128xf32, #tpu.memory_space<vmem>>) dst(%dma_wait3A_942 : memref<10240x128xf32, #tpu.memory_space<vmem_shared>>)
    %add3A_943 = arith.constant 96 : i32
    %add3A_944 = arith.addi %add3A_943, %add3A : i32
    %mul3A_945 = arith.constant 2 : i32
    %mul3A_946 = arith.muli %add3A_944, %mul3A_945 : i32
    %add3A_947 = arith.constant 1 : i32
    %add3A_948 = arith.addi %mul3A_946, %add3A_947 : i32
    "tpu.region"() ({
      %run_scoped3A = tpu.sem_alloc : memref<!tpu.dma_semaphore, #tpu.memory_space<semaphore_mem>>
      %dma_start3A_1081 = arith.constant 0 : i32
      %dma_start3A_1082 = arith.constant 0 : i32
      %dma_start3A_1083 = tpu.memref_slice %arg3[%add3A_948, %dma_start3A_1081, %dma_start3A_1082] : memref<256x40x128xi32, #tpu.memory_space<hbm>> -> memref<1x40x128xi32, #tpu.memory_space<hbm>>
      %dma_start3A_1084 = tpu.memref_squeeze %dma_start3A_1083 : memref<1x40x128xi32, #tpu.memory_space<hbm>> -> memref<40x128xi32, #tpu.memory_space<hbm>>
      %dma_start3A_1085 = arith.constant 0 : i32
      %dma_start3A_1086 = arith.constant 0 : i32
      %dma_start3A_1087 = tpu.memref_slice %arg3[%add3A_948, %dma_start3A_1085, %dma_start3A_1086] : memref<256x40x128xi32, #tpu.memory_space<hbm>> -> memref<1x40x128xi32, #tpu.memory_space<hbm>>
      %dma_start3A_1088 = tpu.memref_squeeze %dma_start3A_1087 : memref<1x40x128xi32, #tpu.memory_space<hbm>> -> memref<40x128xi32, #tpu.memory_space<hbm>>
      tpu.enqueue_dma source(%dma_start3A_1088 : memref<40x128xi32, #tpu.memory_space<hbm>>) target(%arg7 : memref<40x128xi32, #tpu.memory_space<vmem>>) target_semaphore(%run_scoped3A : memref<!tpu.dma_semaphore, #tpu.memory_space<semaphore_mem>>)
      %dma_wait3A_1089 = arith.constant 0 : i32
      %dma_wait3A_1090 = arith.constant 0 : i32
      %dma_wait3A_1091 = tpu.memref_slice %arg3[%add3A_948, %dma_wait3A_1089, %dma_wait3A_1090] : memref<256x40x128xi32, #tpu.memory_space<hbm>> -> memref<1x40x128xi32, #tpu.memory_space<hbm>>
      %dma_wait3A_1092 = tpu.memref_squeeze %dma_wait3A_1091 : memref<1x40x128xi32, #tpu.memory_space<hbm>> -> memref<40x128xi32, #tpu.memory_space<hbm>>
      %dma_wait3A_1093 = arith.constant 0 : i32
      %dma_wait3A_1094 = arith.constant 0 : i32
      %dma_wait3A_1095 = tpu.memref_slice %arg3[%add3A_948, %dma_wait3A_1093, %dma_wait3A_1094] : memref<256x40x128xi32, #tpu.memory_space<hbm>> -> memref<1x40x128xi32, #tpu.memory_space<hbm>>
      %dma_wait3A_1096 = tpu.memref_squeeze %dma_wait3A_1095 : memref<1x40x128xi32, #tpu.memory_space<hbm>> -> memref<40x128xi32, #tpu.memory_space<hbm>>
      tpu.wait_dma2 semaphore(%run_scoped3A : memref<!tpu.dma_semaphore, #tpu.memory_space<semaphore_mem>>) src(%dma_wait3A_1096 : memref<40x128xi32, #tpu.memory_space<hbm>>) dst(%arg7 : memref<40x128xi32, #tpu.memory_space<vmem>>)
      tpu.yield
    }) : () -> ()
    %mul3A_949 = arith.constant 2 : i32
    %mul3A_950 = arith.muli %add3A, %mul3A_949 : i32
    %add3A_951 = arith.constant 1 : i32
    %add3A_952 = arith.addi %mul3A_950, %add3A_951 : i32
    "tpu.region"() ({
      %run_scoped3A = tpu.sem_alloc : memref<!tpu.dma_semaphore, #tpu.memory_space<semaphore_mem>>
      %dma_start3A_1081 = arith.constant 0 : i32
      %dma_start3A_1082 = arith.constant 0 : i32
      %dma_start3A_1083 = tpu.memref_slice %arg4[%add3A_952, %dma_start3A_1081, %dma_start3A_1082] : memref<64x40x128xi32, #tpu.memory_space<hbm>> -> memref<1x40x128xi32, #tpu.memory_space<hbm>>
      %dma_start3A_1084 = tpu.memref_squeeze %dma_start3A_1083 : memref<1x40x128xi32, #tpu.memory_space<hbm>> -> memref<40x128xi32, #tpu.memory_space<hbm>>
      %dma_start3A_1085 = arith.constant 0 : i32
      %dma_start3A_1086 = arith.constant 0 : i32
      %dma_start3A_1087 = tpu.memref_slice %arg4[%add3A_952, %dma_start3A_1085, %dma_start3A_1086] : memref<64x40x128xi32, #tpu.memory_space<hbm>> -> memref<1x40x128xi32, #tpu.memory_space<hbm>>
      %dma_start3A_1088 = tpu.memref_squeeze %dma_start3A_1087 : memref<1x40x128xi32, #tpu.memory_space<hbm>> -> memref<40x128xi32, #tpu.memory_space<hbm>>
      tpu.enqueue_dma source(%dma_start3A_1088 : memref<40x128xi32, #tpu.memory_space<hbm>>) target(%arg8 : memref<40x128xi32, #tpu.memory_space<vmem>>) target_semaphore(%run_scoped3A : memref<!tpu.dma_semaphore, #tpu.memory_space<semaphore_mem>>)
      %dma_wait3A_1089 = arith.constant 0 : i32
      %dma_wait3A_1090 = arith.constant 0 : i32
      %dma_wait3A_1091 = tpu.memref_slice %arg4[%add3A_952, %dma_wait3A_1089, %dma_wait3A_1090] : memref<64x40x128xi32, #tpu.memory_space<hbm>> -> memref<1x40x128xi32, #tpu.memory_space<hbm>>
      %dma_wait3A_1092 = tpu.memref_squeeze %dma_wait3A_1091 : memref<1x40x128xi32, #tpu.memory_space<hbm>> -> memref<40x128xi32, #tpu.memory_space<hbm>>
      %dma_wait3A_1093 = arith.constant 0 : i32
      %dma_wait3A_1094 = arith.constant 0 : i32
      %dma_wait3A_1095 = tpu.memref_slice %arg4[%add3A_952, %dma_wait3A_1093, %dma_wait3A_1094] : memref<64x40x128xi32, #tpu.memory_space<hbm>> -> memref<1x40x128xi32, #tpu.memory_space<hbm>>
      %dma_wait3A_1096 = tpu.memref_squeeze %dma_wait3A_1095 : memref<1x40x128xi32, #tpu.memory_space<hbm>> -> memref<40x128xi32, #tpu.memory_space<hbm>>
      tpu.wait_dma2 semaphore(%run_scoped3A : memref<!tpu.dma_semaphore, #tpu.memory_space<semaphore_mem>>) src(%dma_wait3A_1096 : memref<40x128xi32, #tpu.memory_space<hbm>>) dst(%arg8 : memref<40x128xi32, #tpu.memory_space<vmem>>)
      tpu.yield
    }) : () -> ()
    %dma_start3A_953 = arith.constant 0 : i32
    %dma_start3A_954 = arith.constant 0 : i32
    %dma_start3A_955 = tpu.memref_slice %arg7[%dma_start3A_953, %dma_start3A_954] : memref<40x128xi32, #tpu.memory_space<vmem>> -> memref<1x128xi32, #tpu.memory_space<vmem>>
    %dma_start3A_956 = tpu.memref_squeeze %dma_start3A_955 : memref<1x128xi32, #tpu.memory_space<vmem>> -> memref<128xi32, #tpu.memory_space<vmem>>
    %dma_start3A_957 = arith.constant 0 : i32
    %dma_start3A_958 = arith.constant 0 : i32
    %dma_start3A_959 = tpu.memref_slice %arg2[%dma_start3A_957, %dma_start3A_958] : memref<40960x128xf32, #tpu.memory_space<hbm>> -> memref<40960x128xf32, #tpu.memory_space<hbm>>
    tpu.enqueue_indirect_dma source(%dma_start3A_959 : memref<40960x128xf32, #tpu.memory_space<hbm>>) target(%arg9 : memref<128x128xf32, #tpu.memory_space<vmem>>) offsets(%dma_start3A_956 : memref<128xi32, #tpu.memory_space<vmem>>) semaphore(%arg12 : memref<!tpu.dma_semaphore, #tpu.memory_space<semaphore_mem>>)
    %dma_wait3A_960 = arith.constant 0 : i32
    %dma_wait3A_961 = arith.constant 0 : i32
    %dma_wait3A_962 = tpu.memref_slice %arg7[%dma_wait3A_960, %dma_wait3A_961] : memref<40x128xi32, #tpu.memory_space<vmem>> -> memref<1x128xi32, #tpu.memory_space<vmem>>
    %dma_wait3A_963 = tpu.memref_squeeze %dma_wait3A_962 : memref<1x128xi32, #tpu.memory_space<vmem>> -> memref<128xi32, #tpu.memory_space<vmem>>
    %dma_wait3A_964 = arith.constant 0 : i32
    %dma_wait3A_965 = arith.constant 0 : i32
    %dma_wait3A_966 = tpu.memref_slice %arg2[%dma_wait3A_964, %dma_wait3A_965] : memref<40960x128xf32, #tpu.memory_space<hbm>> -> memref<40960x128xf32, #tpu.memory_space<hbm>>
    tpu.wait_indirect_dma semaphore(%arg12 : memref<!tpu.dma_semaphore, #tpu.memory_space<semaphore_mem>>) src(%dma_wait3A_966 : memref<40960x128xf32, #tpu.memory_space<hbm>>) dst(%arg9 : memref<128x128xf32, #tpu.memory_space<vmem>>)
    %dma_start3A_967 = arith.constant 1 : i32
    %dma_start3A_968 = arith.constant 0 : i32
    %dma_start3A_969 = tpu.memref_slice %arg7[%dma_start3A_967, %dma_start3A_968] : memref<40x128xi32, #tpu.memory_space<vmem>> -> memref<1x128xi32, #tpu.memory_space<vmem>>
    %dma_start3A_970 = tpu.memref_squeeze %dma_start3A_969 : memref<1x128xi32, #tpu.memory_space<vmem>> -> memref<128xi32, #tpu.memory_space<vmem>>
    %dma_start3A_971 = arith.constant 0 : i32
    %dma_start3A_972 = arith.constant 0 : i32
    %dma_start3A_973 = tpu.memref_slice %arg2[%dma_start3A_971, %dma_start3A_972] : memref<40960x128xf32, #tpu.memory_space<hbm>> -> memref<40960x128xf32, #tpu.memory_space<hbm>>
    tpu.enqueue_indirect_dma source(%dma_start3A_973 : memref<40960x128xf32, #tpu.memory_space<hbm>>) target(%arg10 : memref<128x128xf32, #tpu.memory_space<vmem>>) offsets(%dma_start3A_970 : memref<128xi32, #tpu.memory_space<vmem>>) semaphore(%arg12 : memref<!tpu.dma_semaphore, #tpu.memory_space<semaphore_mem>>)
    %dma_start3A_974 = arith.constant 0 : i32
    %dma_start3A_975 = arith.constant 0 : i32
    %dma_start3A_976 = tpu.memref_slice %arg8[%dma_start3A_974, %dma_start3A_975] : memref<40x128xi32, #tpu.memory_space<vmem>> -> memref<1x128xi32, #tpu.memory_space<vmem>>
    %dma_start3A_977 = tpu.memref_squeeze %dma_start3A_976 : memref<1x128xi32, #tpu.memory_space<vmem>> -> memref<128xi32, #tpu.memory_space<vmem>>
    %dma_start3A_978 = arith.constant 0 : i32
    %dma_start3A_979 = arith.constant 0 : i32
    %dma_start3A_980 = tpu.memref_slice %arg11[%dma_start3A_978, %dma_start3A_979] : memref<10240x128xf32, #tpu.memory_space<vmem_shared>> -> memref<10240x128xf32, #tpu.memory_space<vmem_shared>>
    tpu.enqueue_indirect_dma source(%arg9 : memref<128x128xf32, #tpu.memory_space<vmem>>) target(%dma_start3A_980 : memref<10240x128xf32, #tpu.memory_space<vmem_shared>>) offsets(%dma_start3A_977 : memref<128xi32, #tpu.memory_space<vmem>>) semaphore(%arg13 : memref<!tpu.dma_semaphore, #tpu.memory_space<semaphore_mem>>) {add = true}
    %dma_wait3A_981 = arith.constant 1 : i32
    %dma_wait3A_982 = arith.constant 0 : i32
    %dma_wait3A_983 = tpu.memref_slice %arg7[%dma_wait3A_981, %dma_wait3A_982] : memref<40x128xi32, #tpu.memory_space<vmem>> -> memref<1x128xi32, #tpu.memory_space<vmem>>
    %dma_wait3A_984 = tpu.memref_squeeze %dma_wait3A_983 : memref<1x128xi32, #tpu.memory_space<vmem>> -> memref<128xi32, #tpu.memory_space<vmem>>
    %dma_wait3A_985 = arith.constant 0 : i32
    %dma_wait3A_986 = arith.constant 0 : i32
    %dma_wait3A_987 = tpu.memref_slice %arg2[%dma_wait3A_985, %dma_wait3A_986] : memref<40960x128xf32, #tpu.memory_space<hbm>> -> memref<40960x128xf32, #tpu.memory_space<hbm>>
    tpu.wait_indirect_dma semaphore(%arg12 : memref<!tpu.dma_semaphore, #tpu.memory_space<semaphore_mem>>) src(%dma_wait3A_987 : memref<40960x128xf32, #tpu.memory_space<hbm>>) dst(%arg10 : memref<128x128xf32, #tpu.memory_space<vmem>>)
    %dma_wait3A_988 = arith.constant 0 : i32
    %dma_wait3A_989 = arith.constant 0 : i32
    %dma_wait3A_990 = tpu.memref_slice %arg8[%dma_wait3A_988, %dma_wait3A_989] : memref<40x128xi32, #tpu.memory_space<vmem>> -> memref<1x128xi32, #tpu.memory_space<vmem>>
    %dma_wait3A_991 = tpu.memref_squeeze %dma_wait3A_990 : memref<1x128xi32, #tpu.memory_space<vmem>> -> memref<128xi32, #tpu.memory_space<vmem>>
    %dma_wait3A_992 = arith.constant 0 : i32
    %dma_wait3A_993 = arith.constant 0 : i32
    %dma_wait3A_994 = tpu.memref_slice %arg11[%dma_wait3A_992, %dma_wait3A_993] : memref<10240x128xf32, #tpu.memory_space<vmem_shared>> -> memref<10240x128xf32, #tpu.memory_space<vmem_shared>>
    tpu.wait_indirect_dma semaphore(%arg13 : memref<!tpu.dma_semaphore, #tpu.memory_space<semaphore_mem>>) src(%arg9 : memref<128x128xf32, #tpu.memory_space<vmem>>) dst(%dma_wait3A_994 : memref<10240x128xf32, #tpu.memory_space<vmem_shared>>)
    %dma_start3A_995 = arith.constant 2 : i32
    %dma_start3A_996 = arith.constant 0 : i32
    %dma_start3A_997 = tpu.memref_slice %arg7[%dma_start3A_995, %dma_start3A_996] : memref<40x128xi32, #tpu.memory_space<vmem>> -> memref<1x128xi32, #tpu.memory_space<vmem>>
    %dma_start3A_998 = tpu.memref_squeeze %dma_start3A_997 : memref<1x128xi32, #tpu.memory_space<vmem>> -> memref<128xi32, #tpu.memory_space<vmem>>
    %dma_start3A_999 = arith.constant 0 : i32
    %dma_start3A_1000 = arith.constant 0 : i32
    %dma_start3A_1001 = tpu.memref_slice %arg2[%dma_start3A_999, %dma_start3A_1000] : memref<40960x128xf32, #tpu.memory_space<hbm>> -> memref<40960x128xf32, #tpu.memory_space<hbm>>
    tpu.enqueue_indirect_dma source(%dma_start3A_1001 : memref<40960x128xf32, #tpu.memory_space<hbm>>) target(%arg9 : memref<128x128xf32, #tpu.memory_space<vmem>>) offsets(%dma_start3A_998 : memref<128xi32, #tpu.memory_space<vmem>>) semaphore(%arg12 : memref<!tpu.dma_semaphore, #tpu.memory_space<semaphore_mem>>)
    %dma_start3A_1002 = arith.constant 1 : i32
    %dma_start3A_1003 = arith.constant 0 : i32
    %dma_start3A_1004 = tpu.memref_slice %arg8[%dma_start3A_1002, %dma_start3A_1003] : memref<40x128xi32, #tpu.memory_space<vmem>> -> memref<1x128xi32, #tpu.memory_space<vmem>>
    %dma_start3A_1005 = tpu.memref_squeeze %dma_start3A_1004 : memref<1x128xi32, #tpu.memory_space<vmem>> -> memref<128xi32, #tpu.memory_space<vmem>>
    %dma_start3A_1006 = arith.constant 0 : i32
    %dma_start3A_1007 = arith.constant 0 : i32
    %dma_start3A_1008 = tpu.memref_slice %arg11[%dma_start3A_1006, %dma_start3A_1007] : memref<10240x128xf32, #tpu.memory_space<vmem_shared>> -> memref<10240x128xf32, #tpu.memory_space<vmem_shared>>
    tpu.enqueue_indirect_dma source(%arg10 : memref<128x128xf32, #tpu.memory_space<vmem>>) target(%dma_start3A_1008 : memref<10240x128xf32, #tpu.memory_space<vmem_shared>>) offsets(%dma_start3A_1005 : memref<128xi32, #tpu.memory_space<vmem>>) semaphore(%arg14 : memref<!tpu.dma_semaphore, #tpu.memory_space<semaphore_mem>>) {add = true}
    %scan3A_1009 = arith.constant 0 : i32
    %scan3A_1010 = arith.constant 1 : i32
    %scan3A_1011 = arith.constant 18 : i32
    %scan3A_1012 = arith.addi %scan3A_1010, %scan3A_1011 : i32
    %scan3A_1013 = arith.constant 1 : i32
    scf.for %scan3A_1081 = %scan3A_1010 to %scan3A_1012 step %scan3A_1013  : i32 {
      %mul3A_1082 = arith.constant 2 : i32
      %mul3A_1083 = arith.muli %mul3A_1082, %scan3A_1081 : i32
      %add3A_1084 = arith.constant 0 : i32
      %add3A_1085 = arith.addi %mul3A_1083, %add3A_1084 : i32
      %dma_wait3A_1086 = arith.constant 0 : i32
      %dma_wait3A_1087 = tpu.memref_slice %arg7[%add3A_1085, %dma_wait3A_1086] : memref<40x128xi32, #tpu.memory_space<vmem>> -> memref<1x128xi32, #tpu.memory_space<vmem>>
      %dma_wait3A_1088 = tpu.memref_squeeze %dma_wait3A_1087 : memref<1x128xi32, #tpu.memory_space<vmem>> -> memref<128xi32, #tpu.memory_space<vmem>>
      %dma_wait3A_1089 = arith.constant 0 : i32
      %dma_wait3A_1090 = arith.constant 0 : i32
      %dma_wait3A_1091 = tpu.memref_slice %arg2[%dma_wait3A_1089, %dma_wait3A_1090] : memref<40960x128xf32, #tpu.memory_space<hbm>> -> memref<40960x128xf32, #tpu.memory_space<hbm>>
      tpu.wait_indirect_dma semaphore(%arg12 : memref<!tpu.dma_semaphore, #tpu.memory_space<semaphore_mem>>) src(%dma_wait3A_1091 : memref<40960x128xf32, #tpu.memory_space<hbm>>) dst(%arg9 : memref<128x128xf32, #tpu.memory_space<vmem>>)
      %sub3A = arith.constant 1 : i32
      %sub3A_1092 = arith.subi %add3A_1085, %sub3A : i32
      %dma_wait3A_1093 = arith.constant 0 : i32
      %dma_wait3A_1094 = tpu.memref_slice %arg8[%sub3A_1092, %dma_wait3A_1093] : memref<40x128xi32, #tpu.memory_space<vmem>> -> memref<1x128xi32, #tpu.memory_space<vmem>>
      %dma_wait3A_1095 = tpu.memref_squeeze %dma_wait3A_1094 : memref<1x128xi32, #tpu.memory_space<vmem>> -> memref<128xi32, #tpu.memory_space<vmem>>
      %dma_wait3A_1096 = arith.constant 0 : i32
      %dma_wait3A_1097 = arith.constant 0 : i32
      %dma_wait3A_1098 = tpu.memref_slice %arg11[%dma_wait3A_1096, %dma_wait3A_1097] : memref<10240x128xf32, #tpu.memory_space<vmem_shared>> -> memref<10240x128xf32, #tpu.memory_space<vmem_shared>>
      tpu.wait_indirect_dma semaphore(%arg14 : memref<!tpu.dma_semaphore, #tpu.memory_space<semaphore_mem>>) src(%arg10 : memref<128x128xf32, #tpu.memory_space<vmem>>) dst(%dma_wait3A_1098 : memref<10240x128xf32, #tpu.memory_space<vmem_shared>>)
      %add3A_1099 = arith.constant 1 : i32
      %add3A_1100 = arith.addi %add3A_1085, %add3A_1099 : i32
      %dma_start3A_1101 = arith.constant 0 : i32
      %dma_start3A_1102 = tpu.memref_slice %arg7[%add3A_1100, %dma_start3A_1101] : memref<40x128xi32, #tpu.memory_space<vmem>> -> memref<1x128xi32, #tpu.memory_space<vmem>>
      %dma_start3A_1103 = tpu.memref_squeeze %dma_start3A_1102 : memref<1x128xi32, #tpu.memory_space<vmem>> -> memref<128xi32, #tpu.memory_space<vmem>>
      %dma_start3A_1104 = arith.constant 0 : i32
      %dma_start3A_1105 = arith.constant 0 : i32
      %dma_start3A_1106 = tpu.memref_slice %arg2[%dma_start3A_1104, %dma_start3A_1105] : memref<40960x128xf32, #tpu.memory_space<hbm>> -> memref<40960x128xf32, #tpu.memory_space<hbm>>
      tpu.enqueue_indirect_dma source(%dma_start3A_1106 : memref<40960x128xf32, #tpu.memory_space<hbm>>) target(%arg10 : memref<128x128xf32, #tpu.memory_space<vmem>>) offsets(%dma_start3A_1103 : memref<128xi32, #tpu.memory_space<vmem>>) semaphore(%arg12 : memref<!tpu.dma_semaphore, #tpu.memory_space<semaphore_mem>>)
      %dma_start3A_1107 = arith.constant 0 : i32
      %dma_start3A_1108 = tpu.memref_slice %arg8[%add3A_1085, %dma_start3A_1107] : memref<40x128xi32, #tpu.memory_space<vmem>> -> memref<1x128xi32, #tpu.memory_space<vmem>>
      %dma_start3A_1109 = tpu.memref_squeeze %dma_start3A_1108 : memref<1x128xi32, #tpu.memory_space<vmem>> -> memref<128xi32, #tpu.memory_space<vmem>>
      %dma_start3A_1110 = arith.constant 0 : i32
      %dma_start3A_1111 = arith.constant 0 : i32
      %dma_start3A_1112 = tpu.memref_slice %arg11[%dma_start3A_1110, %dma_start3A_1111] : memref<10240x128xf32, #tpu.memory_space<vmem_shared>> -> memref<10240x128xf32, #tpu.memory_space<vmem_shared>>
      tpu.enqueue_indirect_dma source(%arg9 : memref<128x128xf32, #tpu.memory_space<vmem>>) target(%dma_start3A_1112 : memref<10240x128xf32, #tpu.memory_space<vmem_shared>>) offsets(%dma_start3A_1109 : memref<128xi32, #tpu.memory_space<vmem>>) semaphore(%arg13 : memref<!tpu.dma_semaphore, #tpu.memory_space<semaphore_mem>>) {add = true}
      %mul3A_1113 = arith.constant 2 : i32
      %mul3A_1114 = arith.muli %mul3A_1113, %scan3A_1081 : i32
      %add3A_1115 = arith.constant 1 : i32
      %add3A_1116 = arith.addi %mul3A_1114, %add3A_1115 : i32
      %dma_wait3A_1117 = arith.constant 0 : i32
      %dma_wait3A_1118 = tpu.memref_slice %arg7[%add3A_1116, %dma_wait3A_1117] : memref<40x128xi32, #tpu.memory_space<vmem>> -> memref<1x128xi32, #tpu.memory_space<vmem>>
      %dma_wait3A_1119 = tpu.memref_squeeze %dma_wait3A_1118 : memref<1x128xi32, #tpu.memory_space<vmem>> -> memref<128xi32, #tpu.memory_space<vmem>>
      %dma_wait3A_1120 = arith.constant 0 : i32
      %dma_wait3A_1121 = arith.constant 0 : i32
      %dma_wait3A_1122 = tpu.memref_slice %arg2[%dma_wait3A_1120, %dma_wait3A_1121] : memref<40960x128xf32, #tpu.memory_space<hbm>> -> memref<40960x128xf32, #tpu.memory_space<hbm>>
      tpu.wait_indirect_dma semaphore(%arg12 : memref<!tpu.dma_semaphore, #tpu.memory_space<semaphore_mem>>) src(%dma_wait3A_1122 : memref<40960x128xf32, #tpu.memory_space<hbm>>) dst(%arg10 : memref<128x128xf32, #tpu.memory_space<vmem>>)
      %sub3A_1123 = arith.constant 1 : i32
      %sub3A_1124 = arith.subi %add3A_1116, %sub3A_1123 : i32
      %dma_wait3A_1125 = arith.constant 0 : i32
      %dma_wait3A_1126 = tpu.memref_slice %arg8[%sub3A_1124, %dma_wait3A_1125] : memref<40x128xi32, #tpu.memory_space<vmem>> -> memref<1x128xi32, #tpu.memory_space<vmem>>
      %dma_wait3A_1127 = tpu.memref_squeeze %dma_wait3A_1126 : memref<1x128xi32, #tpu.memory_space<vmem>> -> memref<128xi32, #tpu.memory_space<vmem>>
      %dma_wait3A_1128 = arith.constant 0 : i32
      %dma_wait3A_1129 = arith.constant 0 : i32
      %dma_wait3A_1130 = tpu.memref_slice %arg11[%dma_wait3A_1128, %dma_wait3A_1129] : memref<10240x128xf32, #tpu.memory_space<vmem_shared>> -> memref<10240x128xf32, #tpu.memory_space<vmem_shared>>
      tpu.wait_indirect_dma semaphore(%arg13 : memref<!tpu.dma_semaphore, #tpu.memory_space<semaphore_mem>>) src(%arg9 : memref<128x128xf32, #tpu.memory_space<vmem>>) dst(%dma_wait3A_1130 : memref<10240x128xf32, #tpu.memory_space<vmem_shared>>)
      %add3A_1131 = arith.constant 1 : i32
      %add3A_1132 = arith.addi %add3A_1116, %add3A_1131 : i32
      %dma_start3A_1133 = arith.constant 0 : i32
      %dma_start3A_1134 = tpu.memref_slice %arg7[%add3A_1132, %dma_start3A_1133] : memref<40x128xi32, #tpu.memory_space<vmem>> -> memref<1x128xi32, #tpu.memory_space<vmem>>
      %dma_start3A_1135 = tpu.memref_squeeze %dma_start3A_1134 : memref<1x128xi32, #tpu.memory_space<vmem>> -> memref<128xi32, #tpu.memory_space<vmem>>
      %dma_start3A_1136 = arith.constant 0 : i32
      %dma_start3A_1137 = arith.constant 0 : i32
      %dma_start3A_1138 = tpu.memref_slice %arg2[%dma_start3A_1136, %dma_start3A_1137] : memref<40960x128xf32, #tpu.memory_space<hbm>> -> memref<40960x128xf32, #tpu.memory_space<hbm>>
      tpu.enqueue_indirect_dma source(%dma_start3A_1138 : memref<40960x128xf32, #tpu.memory_space<hbm>>) target(%arg9 : memref<128x128xf32, #tpu.memory_space<vmem>>) offsets(%dma_start3A_1135 : memref<128xi32, #tpu.memory_space<vmem>>) semaphore(%arg12 : memref<!tpu.dma_semaphore, #tpu.memory_space<semaphore_mem>>)
      %dma_start3A_1139 = arith.constant 0 : i32
      %dma_start3A_1140 = tpu.memref_slice %arg8[%add3A_1116, %dma_start3A_1139] : memref<40x128xi32, #tpu.memory_space<vmem>> -> memref<1x128xi32, #tpu.memory_space<vmem>>
      %dma_start3A_1141 = tpu.memref_squeeze %dma_start3A_1140 : memref<1x128xi32, #tpu.memory_space<vmem>> -> memref<128xi32, #tpu.memory_space<vmem>>
      %dma_start3A_1142 = arith.constant 0 : i32
      %dma_start3A_1143 = arith.constant 0 : i32
      %dma_start3A_1144 = tpu.memref_slice %arg11[%dma_start3A_1142, %dma_start3A_1143] : memref<10240x128xf32, #tpu.memory_space<vmem_shared>> -> memref<10240x128xf32, #tpu.memory_space<vmem_shared>>
      tpu.enqueue_indirect_dma source(%arg10 : memref<128x128xf32, #tpu.memory_space<vmem>>) target(%dma_start3A_1144 : memref<10240x128xf32, #tpu.memory_space<vmem_shared>>) offsets(%dma_start3A_1141 : memref<128xi32, #tpu.memory_space<vmem>>) semaphore(%arg14 : memref<!tpu.dma_semaphore, #tpu.memory_space<semaphore_mem>>) {add = true}
    }
    %scan3A_1014 = arith.constant 18 : i32
    %dma_wait3A_1015 = arith.constant 38 : i32
    %dma_wait3A_1016 = arith.constant 0 : i32
    %dma_wait3A_1017 = tpu.memref_slice %arg7[%dma_wait3A_1015, %dma_wait3A_1016] : memref<40x128xi32, #tpu.memory_space<vmem>> -> memref<1x128xi32, #tpu.memory_space<vmem>>
    %dma_wait3A_1018 = tpu.memref_squeeze %dma_wait3A_1017 : memref<1x128xi32, #tpu.memory_space<vmem>> -> memref<128xi32, #tpu.memory_space<vmem>>
    %dma_wait3A_1019 = arith.constant 0 : i32
    %dma_wait3A_1020 = arith.constant 0 : i32
    %dma_wait3A_1021 = tpu.memref_slice %arg2[%dma_wait3A_1019, %dma_wait3A_1020] : memref<40960x128xf32, #tpu.memory_space<hbm>> -> memref<40960x128xf32, #tpu.memory_space<hbm>>
    tpu.wait_indirect_dma semaphore(%arg12 : memref<!tpu.dma_semaphore, #tpu.memory_space<semaphore_mem>>) src(%dma_wait3A_1021 : memref<40960x128xf32, #tpu.memory_space<hbm>>) dst(%arg9 : memref<128x128xf32, #tpu.memory_space<vmem>>)
    %dma_wait3A_1022 = arith.constant 37 : i32
    %dma_wait3A_1023 = arith.constant 0 : i32
    %dma_wait3A_1024 = tpu.memref_slice %arg8[%dma_wait3A_1022, %dma_wait3A_1023] : memref<40x128xi32, #tpu.memory_space<vmem>> -> memref<1x128xi32, #tpu.memory_space<vmem>>
    %dma_wait3A_1025 = tpu.memref_squeeze %dma_wait3A_1024 : memref<1x128xi32, #tpu.memory_space<vmem>> -> memref<128xi32, #tpu.memory_space<vmem>>
    %dma_wait3A_1026 = arith.constant 0 : i32
    %dma_wait3A_1027 = arith.constant 0 : i32
    %dma_wait3A_1028 = tpu.memref_slice %arg11[%dma_wait3A_1026, %dma_wait3A_1027] : memref<10240x128xf32, #tpu.memory_space<vmem_shared>> -> memref<10240x128xf32, #tpu.memory_space<vmem_shared>>
    tpu.wait_indirect_dma semaphore(%arg14 : memref<!tpu.dma_semaphore, #tpu.memory_space<semaphore_mem>>) src(%arg10 : memref<128x128xf32, #tpu.memory_space<vmem>>) dst(%dma_wait3A_1028 : memref<10240x128xf32, #tpu.memory_space<vmem_shared>>)
    %dma_start3A_1029 = arith.constant 39 : i32
    %dma_start3A_1030 = arith.constant 0 : i32
    %dma_start3A_1031 = tpu.memref_slice %arg7[%dma_start3A_1029, %dma_start3A_1030] : memref<40x128xi32, #tpu.memory_space<vmem>> -> memref<1x128xi32, #tpu.memory_space<vmem>>
    %dma_start3A_1032 = tpu.memref_squeeze %dma_start3A_1031 : memref<1x128xi32, #tpu.memory_space<vmem>> -> memref<128xi32, #tpu.memory_space<vmem>>
    %dma_start3A_1033 = arith.constant 0 : i32
    %dma_start3A_1034 = arith.constant 0 : i32
    %dma_start3A_1035 = tpu.memref_slice %arg2[%dma_start3A_1033, %dma_start3A_1034] : memref<40960x128xf32, #tpu.memory_space<hbm>> -> memref<40960x128xf32, #tpu.memory_space<hbm>>
    tpu.enqueue_indirect_dma source(%dma_start3A_1035 : memref<40960x128xf32, #tpu.memory_space<hbm>>) target(%arg10 : memref<128x128xf32, #tpu.memory_space<vmem>>) offsets(%dma_start3A_1032 : memref<128xi32, #tpu.memory_space<vmem>>) semaphore(%arg12 : memref<!tpu.dma_semaphore, #tpu.memory_space<semaphore_mem>>)
    %dma_start3A_1036 = arith.constant 38 : i32
    %dma_start3A_1037 = arith.constant 0 : i32
    %dma_start3A_1038 = tpu.memref_slice %arg8[%dma_start3A_1036, %dma_start3A_1037] : memref<40x128xi32, #tpu.memory_space<vmem>> -> memref<1x128xi32, #tpu.memory_space<vmem>>
    %dma_start3A_1039 = tpu.memref_squeeze %dma_start3A_1038 : memref<1x128xi32, #tpu.memory_space<vmem>> -> memref<128xi32, #tpu.memory_space<vmem>>
    %dma_start3A_1040 = arith.constant 0 : i32
    %dma_start3A_1041 = arith.constant 0 : i32
    %dma_start3A_1042 = tpu.memref_slice %arg11[%dma_start3A_1040, %dma_start3A_1041] : memref<10240x128xf32, #tpu.memory_space<vmem_shared>> -> memref<10240x128xf32, #tpu.memory_space<vmem_shared>>
    tpu.enqueue_indirect_dma source(%arg9 : memref<128x128xf32, #tpu.memory_space<vmem>>) target(%dma_start3A_1042 : memref<10240x128xf32, #tpu.memory_space<vmem_shared>>) offsets(%dma_start3A_1039 : memref<128xi32, #tpu.memory_space<vmem>>) semaphore(%arg13 : memref<!tpu.dma_semaphore, #tpu.memory_space<semaphore_mem>>) {add = true}
    %dma_wait3A_1043 = arith.constant 39 : i32
    %dma_wait3A_1044 = arith.constant 0 : i32
    %dma_wait3A_1045 = tpu.memref_slice %arg7[%dma_wait3A_1043, %dma_wait3A_1044] : memref<40x128xi32, #tpu.memory_space<vmem>> -> memref<1x128xi32, #tpu.memory_space<vmem>>
    %dma_wait3A_1046 = tpu.memref_squeeze %dma_wait3A_1045 : memref<1x128xi32, #tpu.memory_space<vmem>> -> memref<128xi32, #tpu.memory_space<vmem>>
    %dma_wait3A_1047 = arith.constant 0 : i32
    %dma_wait3A_1048 = arith.constant 0 : i32
    %dma_wait3A_1049 = tpu.memref_slice %arg2[%dma_wait3A_1047, %dma_wait3A_1048] : memref<40960x128xf32, #tpu.memory_space<hbm>> -> memref<40960x128xf32, #tpu.memory_space<hbm>>
    tpu.wait_indirect_dma semaphore(%arg12 : memref<!tpu.dma_semaphore, #tpu.memory_space<semaphore_mem>>) src(%dma_wait3A_1049 : memref<40960x128xf32, #tpu.memory_space<hbm>>) dst(%arg10 : memref<128x128xf32, #tpu.memory_space<vmem>>)
    %dma_wait3A_1050 = arith.constant 38 : i32
    %dma_wait3A_1051 = arith.constant 0 : i32
    %dma_wait3A_1052 = tpu.memref_slice %arg8[%dma_wait3A_1050, %dma_wait3A_1051] : memref<40x128xi32, #tpu.memory_space<vmem>> -> memref<1x128xi32, #tpu.memory_space<vmem>>
    %dma_wait3A_1053 = tpu.memref_squeeze %dma_wait3A_1052 : memref<1x128xi32, #tpu.memory_space<vmem>> -> memref<128xi32, #tpu.memory_space<vmem>>
    %dma_wait3A_1054 = arith.constant 0 : i32
    %dma_wait3A_1055 = arith.constant 0 : i32
    %dma_wait3A_1056 = tpu.memref_slice %arg11[%dma_wait3A_1054, %dma_wait3A_1055] : memref<10240x128xf32, #tpu.memory_space<vmem_shared>> -> memref<10240x128xf32, #tpu.memory_space<vmem_shared>>
    tpu.wait_indirect_dma semaphore(%arg13 : memref<!tpu.dma_semaphore, #tpu.memory_space<semaphore_mem>>) src(%arg9 : memref<128x128xf32, #tpu.memory_space<vmem>>) dst(%dma_wait3A_1056 : memref<10240x128xf32, #tpu.memory_space<vmem_shared>>)
    %dma_start3A_1057 = arith.constant 39 : i32
    %dma_start3A_1058 = arith.constant 0 : i32
    %dma_start3A_1059 = tpu.memref_slice %arg8[%dma_start3A_1057, %dma_start3A_1058] : memref<40x128xi32, #tpu.memory_space<vmem>> -> memref<1x128xi32, #tpu.memory_space<vmem>>
    %dma_start3A_1060 = tpu.memref_squeeze %dma_start3A_1059 : memref<1x128xi32, #tpu.memory_space<vmem>> -> memref<128xi32, #tpu.memory_space<vmem>>
    %dma_start3A_1061 = arith.constant 0 : i32
    %dma_start3A_1062 = arith.constant 0 : i32
    %dma_start3A_1063 = tpu.memref_slice %arg11[%dma_start3A_1061, %dma_start3A_1062] : memref<10240x128xf32, #tpu.memory_space<vmem_shared>> -> memref<10240x128xf32, #tpu.memory_space<vmem_shared>>
    tpu.enqueue_indirect_dma source(%arg10 : memref<128x128xf32, #tpu.memory_space<vmem>>) target(%dma_start3A_1063 : memref<10240x128xf32, #tpu.memory_space<vmem_shared>>) offsets(%dma_start3A_1060 : memref<128xi32, #tpu.memory_space<vmem>>) semaphore(%arg14 : memref<!tpu.dma_semaphore, #tpu.memory_space<semaphore_mem>>) {add = true}
    %dma_wait3A_1064 = arith.constant 39 : i32
    %dma_wait3A_1065 = arith.constant 0 : i32
    %dma_wait3A_1066 = tpu.memref_slice %arg8[%dma_wait3A_1064, %dma_wait3A_1065] : memref<40x128xi32, #tpu.memory_space<vmem>> -> memref<1x128xi32, #tpu.memory_space<vmem>>
    %dma_wait3A_1067 = tpu.memref_squeeze %dma_wait3A_1066 : memref<1x128xi32, #tpu.memory_space<vmem>> -> memref<128xi32, #tpu.memory_space<vmem>>
    %dma_wait3A_1068 = arith.constant 0 : i32
    %dma_wait3A_1069 = arith.constant 0 : i32
    %dma_wait3A_1070 = tpu.memref_slice %arg11[%dma_wait3A_1068, %dma_wait3A_1069] : memref<10240x128xf32, #tpu.memory_space<vmem_shared>> -> memref<10240x128xf32, #tpu.memory_space<vmem_shared>>
    tpu.wait_indirect_dma semaphore(%arg14 : memref<!tpu.dma_semaphore, #tpu.memory_space<semaphore_mem>>) src(%arg10 : memref<128x128xf32, #tpu.memory_space<vmem>>) dst(%dma_wait3A_1070 : memref<10240x128xf32, #tpu.memory_space<vmem_shared>>)
    %barrier3A_1071 = arith.constant 0 : index
    tpu.barrier barrier_id(%barrier3A_1071)
    %mul3A_1072 = arith.constant 640 : i32
    %mul3A_1073 = arith.muli %arg1, %mul3A_1072 : i32
    %add3A_1074 = arith.constant 6 : i32
    %add3A_1075 = arith.addi %add3A_1074, %arg0 : i32
    %mul3A_1076 = arith.constant 10240 : i32
    %mul3A_1077 = arith.muli %add3A_1075, %mul3A_1076 : i32
    %mul3A_1078 = arith.constant 640 : i32
    %mul3A_1079 = arith.muli %arg1, %mul3A_1078 : i32
    %add3A_1080 = arith.addi %mul3A_1077, %mul3A_1079 : i32
    "tpu.region"() ({
      %run_scoped3A = tpu.sem_alloc : memref<!tpu.dma_semaphore, #tpu.memory_space<semaphore_mem>>
      %dma_start3A_1081 = arith.constant 0 : i32
      %dma_start3A_1082 = tpu.memref_slice %arg6[%add3A_1080, %dma_start3A_1081] : memref<81920x128xf32, #tpu.memory_space<hbm>> -> memref<640x128xf32, #tpu.memory_space<hbm>>
      %dma_start3A_1083 = arith.constant 0 : i32
      %dma_start3A_1084 = tpu.memref_slice %arg11[%mul3A_1073, %dma_start3A_1083] : memref<10240x128xf32, #tpu.memory_space<vmem_shared>> -> memref<640x128xf32, #tpu.memory_space<vmem_shared>>
      tpu.enqueue_dma source(%dma_start3A_1084 : memref<640x128xf32, #tpu.memory_space<vmem_shared>>) target(%dma_start3A_1082 : memref<640x128xf32, #tpu.memory_space<hbm>>) target_semaphore(%run_scoped3A : memref<!tpu.dma_semaphore, #tpu.memory_space<semaphore_mem>>)
      %dma_wait3A_1085 = arith.constant 0 : i32
      %dma_wait3A_1086 = tpu.memref_slice %arg6[%add3A_1080, %dma_wait3A_1085] : memref<81920x128xf32, #tpu.memory_space<hbm>> -> memref<640x128xf32, #tpu.memory_space<hbm>>
      %dma_wait3A_1087 = arith.constant 0 : i32
      %dma_wait3A_1088 = tpu.memref_slice %arg11[%mul3A_1073, %dma_wait3A_1087] : memref<10240x128xf32, #tpu.memory_space<vmem_shared>> -> memref<640x128xf32, #tpu.memory_space<vmem_shared>>
      tpu.wait_dma2 semaphore(%run_scoped3A : memref<!tpu.dma_semaphore, #tpu.memory_space<semaphore_mem>>) src(%dma_wait3A_1088 : memref<640x128xf32, #tpu.memory_space<vmem_shared>>) dst(%dma_wait3A_1086 : memref<640x128xf32, #tpu.memory_space<hbm>>)
      tpu.yield
    }) : () -> ()
    return
  }
}

module attributes {stable_mosaic.version = 14 : i64} {
  func.func @_prep_body(%arg0: i32, %arg1: memref<256x128xf32, #tpu.memory_space<vmem>>, %arg2: memref<256x128xf32, #tpu.memory_space<vmem>>, %arg3: memref<256x128xf32, #tpu.memory_space<vmem>>, %arg4: memref<256x128xf32, #tpu.memory_space<vmem>>, %arg5: memref<256x128xf32, #tpu.memory_space<vmem>>) attributes {dimension_semantics = [#tpu.dimension_semantics<arbitrary>], iteration_bounds = array<i64: 40>, scalar_prefetch = 0 : i64, scratch_operands = 0 : i64, tpu.core_type = #tpu.core_type<tc>, window_params = [{transform_indices = @transform_0, window_bounds = array<i64: 256, 128>}, {transform_indices = @transform_1, window_bounds = array<i64: 256, 128>}, {transform_indices = @transform_2, window_bounds = array<i64: 256, 128>}, {transform_indices = @transform_3, window_bounds = array<i64: 256, 128>}, {transform_indices = @transform_4, window_bounds = array<i64: 256, 128>}]} {
    %get3A = arith.constant 0 : index
    %get3A_0 = arith.constant 0 : index
    %get3A_1 = vector.load %arg2[%get3A, %get3A_0] : memref<256x128xf32, #tpu.memory_space<vmem>>, vector<256x1xf32>
    %get3A_2 = arith.constant 0 : index
    %get3A_3 = arith.constant 0 : index
    %get3A_4 = vector.load %arg3[%get3A_2, %get3A_3] : memref<256x128xf32, #tpu.memory_space<vmem>>, vector<256x1xf32>
    %add3A = arith.addf %get3A_1, %get3A_4 : vector<256x1xf32>
    %max3A = arith.constant 1.000000e+00 : f32
    %max3A_5 = vector.broadcast %max3A : f32 to vector<256x1xf32>
    %max3A_6 = arith.maximumf %add3A, %max3A_5 : vector<256x1xf32>
    %rsqrt3A = math.rsqrt %max3A_6 : vector<256x1xf32>
    %broadcast_in_dim3A = vector.shape_cast %rsqrt3A : vector<256x1xf32> to vector<256x1xf32>
    %broadcast_in_dim3A_7 = vector.broadcast %broadcast_in_dim3A : vector<256x1xf32> to vector<256x128xf32>
    %swap3A = arith.constant 0 : index
    %swap3A_8 = arith.constant 0 : index
    %swap3A_9 = vector.load %arg5[%swap3A, %swap3A_8] : memref<256x128xf32, #tpu.memory_space<vmem>>, vector<256x128xf32>
    tpu.vector_store %arg5[%swap3A, %swap3A_8], %broadcast_in_dim3A_7 {strides = array<i32>} : memref<256x128xf32, #tpu.memory_space<vmem>>, vector<256x128xf32>,
    %get3A_10 = arith.constant 0 : index
    %get3A_11 = arith.constant 0 : index
    %get3A_12 = vector.load %arg1[%get3A_10, %get3A_11] : memref<256x128xf32, #tpu.memory_space<vmem>>, vector<256x128xf32>
    %mul3A = arith.mulf %get3A_12, %broadcast_in_dim3A_7 : vector<256x128xf32>
    %swap3A_13 = arith.constant 0 : index
    %swap3A_14 = arith.constant 0 : index
    %swap3A_15 = vector.load %arg4[%swap3A_13, %swap3A_14] : memref<256x128xf32, #tpu.memory_space<vmem>>, vector<256x128xf32>
    tpu.vector_store %arg4[%swap3A_13, %swap3A_14], %mul3A {strides = array<i32>} : memref<256x128xf32, #tpu.memory_space<vmem>>, vector<256x128xf32>,
    return
  }
  func.func @transform_0(%arg0: i32) -> (i32, i32) {
    %c0_i32 = arith.constant 0 : i32
    %c0_i32_0 = arith.constant 0 : i32
    return %arg0, %c0_i32 : i32, i32
  }
  func.func @transform_1(%arg0: i32) -> (i32, i32) {
    %c0_i32 = arith.constant 0 : i32
    %c0_i32_0 = arith.constant 0 : i32
    return %arg0, %c0_i32 : i32, i32
  }
  func.func @transform_2(%arg0: i32) -> (i32, i32) {
    %c0_i32 = arith.constant 0 : i32
    %c0_i32_0 = arith.constant 0 : i32
    return %arg0, %c0_i32 : i32, i32
  }
  func.func @transform_3(%arg0: i32) -> (i32, i32) {
    %c0_i32 = arith.constant 0 : i32
    %c0_i32_0 = arith.constant 0 : i32
    return %arg0, %c0_i32 : i32, i32
  }
  func.func @transform_4(%arg0: i32) -> (i32, i32) {
    %c0_i32 = arith.constant 0 : i32
    %c0_i32_0 = arith.constant 0 : i32
    return %arg0, %c0_i32 : i32, i32
  }
}

module attributes {stable_mosaic.version = 14 : i64} {
  func.func @_experts_body(%arg0: i32, %arg1: memref<256x128xf32, #tpu.memory_space<vmem>>, %arg2: memref<256x128xf32, #tpu.memory_space<vmem>>, %arg3: memref<256x128xf32, #tpu.memory_space<vmem>>, %arg4: memref<4x128x256xf32, #tpu.memory_space<vmem>>, %arg5: memref<4x256xf32, #tpu.memory_space<vmem>>, %arg6: memref<4x256x128xf32, #tpu.memory_space<vmem>>, %arg7: memref<4x256x128xf32, #tpu.memory_space<vmem>>) attributes {dimension_semantics = [#tpu.dimension_semantics<arbitrary>], iteration_bounds = array<i64: 40>, scalar_prefetch = 0 : i64, scratch_operands = 0 : i64, tpu.core_type = #tpu.core_type<tc>, window_params = [{transform_indices = @transform_0, window_bounds = array<i64: 256, 128>}, {transform_indices = @transform_1, window_bounds = array<i64: 256, 128>}, {transform_indices = @transform_2, window_bounds = array<i64: 256, 128>}, {pipeline_mode = #tpu.pipeline_mode<synchronous>, transform_indices = @transform_3, window_bounds = array<i64: 4, 128, 256>}, {pipeline_mode = #tpu.pipeline_mode<synchronous>, transform_indices = @transform_4, window_bounds = array<i64: 4, 256>}, {pipeline_mode = #tpu.pipeline_mode<synchronous>, transform_indices = @transform_5, window_bounds = array<i64: 4, 256, 128>}, {transform_indices = @transform_6, window_bounds = array<i64: 4, 256, 128>}]} {
    %get3A = arith.constant 0 : index
    %get3A_0 = arith.constant 0 : index
    %get3A_1 = vector.load %arg3[%get3A, %get3A_0] : memref<256x128xf32, #tpu.memory_space<vmem>>, vector<256x128xf32>
    %get3A_2 = arith.constant 0 : index
    %get3A_3 = arith.constant 0 : index
    %get3A_4 = vector.load %arg1[%get3A_2, %get3A_3] : memref<256x128xf32, #tpu.memory_space<vmem>>, vector<256x128xf32>
    %get3A_5 = arith.constant 0 : index
    %get3A_6 = arith.constant 0 : index
    %get3A_7 = vector.load %arg2[%get3A_5, %get3A_6] : memref<256x128xf32, #tpu.memory_space<vmem>>, vector<256x128xf32>
    %add3A = arith.addf %get3A_4, %get3A_7 : vector<256x128xf32>
    %mul3A = arith.mulf %add3A, %get3A_1 : vector<256x128xf32>
    %get3A_8 = arith.constant 0 : index
    %get3A_9 = arith.constant 0 : index
    %get3A_10 = arith.constant 0 : index
    %get3A_11 = vector.load %arg4[%get3A_8, %get3A_9, %get3A_10] : memref<4x128x256xf32, #tpu.memory_space<vmem>>, vector<1x128x256xf32>
    %get3A_12 = vector.shape_cast %get3A_11 : vector<1x128x256xf32> to vector<128x256xf32>
    %dot_general3A = arith.constant dense<0.000000e+00> : vector<256x256xf32>
    %dot_general3A_13 = tpu.matmul %mul3A, %get3A_12, %dot_general3A {dimension_numbers = #tpu.dot_dimension_numbers<[1], [0], [0], [1], [0, 0, 1, 1], [], []>, transpose_lhs_hint = false} : vector<256x128xf32>, vector<128x256xf32>, vector<256x256xf32> -> vector<256x256xf32>
    %get3A_14 = arith.constant 0 : index
    %get3A_15 = arith.constant 0 : index
    %get3A_16 = vector.load %arg5[%get3A_14, %get3A_15] : memref<4x256xf32, #tpu.memory_space<vmem>>, vector<1x256xf32>
    %add3A_17 = vector.broadcast %get3A_16 : vector<1x256xf32> to vector<256x256xf32>
    %add3A_18 = arith.addf %dot_general3A_13, %add3A_17 : vector<256x256xf32>
    %max3A = arith.constant 0.000000e+00 : f32
    %max3A_19 = vector.broadcast %max3A : f32 to vector<256x256xf32>
    %max3A_20 = arith.maximumf %add3A_18, %max3A_19 : vector<256x256xf32>
    %get3A_21 = arith.constant 0 : index
    %get3A_22 = arith.constant 0 : index
    %get3A_23 = arith.constant 0 : index
    %get3A_24 = vector.load %arg6[%get3A_21, %get3A_22, %get3A_23] : memref<4x256x128xf32, #tpu.memory_space<vmem>>, vector<1x256x128xf32>
    %get3A_25 = vector.shape_cast %get3A_24 : vector<1x256x128xf32> to vector<256x128xf32>
    %dot_general3A_26 = arith.constant dense<0.000000e+00> : vector<256x128xf32>
    %dot_general3A_27 = tpu.matmul %max3A_20, %get3A_25, %dot_general3A_26 {dimension_numbers = #tpu.dot_dimension_numbers<[1], [0], [0], [1], [0, 0, 1, 1], [], []>, transpose_lhs_hint = false} : vector<256x256xf32>, vector<256x128xf32>, vector<256x128xf32> -> vector<256x128xf32>
    %mul3A_28 = arith.mulf %dot_general3A_27, %get3A_1 : vector<256x128xf32>
    %swap3A = arith.constant 0 : index
    %swap3A_29 = arith.constant 0 : index
    %swap3A_30 = arith.constant 0 : index
    %swap3A_31 = vector.load %arg7[%swap3A, %swap3A_29, %swap3A_30] : memref<4x256x128xf32, #tpu.memory_space<vmem>>, vector<1x256x128xf32>
    %swap3A_32 = vector.shape_cast %swap3A_31 : vector<1x256x128xf32> to vector<256x128xf32>
    %swap3A_33 = vector.shape_cast %mul3A_28 : vector<256x128xf32> to vector<1x256x128xf32>
    tpu.vector_store %arg7[%swap3A, %swap3A_29, %swap3A_30], %swap3A_33 {strides = array<i32>} : memref<4x256x128xf32, #tpu.memory_space<vmem>>, vector<1x256x128xf32>,
    %get3A_34 = arith.constant 1 : index
    %get3A_35 = arith.constant 0 : index
    %get3A_36 = arith.constant 0 : index
    %get3A_37 = vector.load %arg4[%get3A_34, %get3A_35, %get3A_36] : memref<4x128x256xf32, #tpu.memory_space<vmem>>, vector<1x128x256xf32>
    %get3A_38 = vector.shape_cast %get3A_37 : vector<1x128x256xf32> to vector<128x256xf32>
    %dot_general3A_39 = arith.constant dense<0.000000e+00> : vector<256x256xf32>
    %dot_general3A_40 = tpu.matmul %mul3A, %get3A_38, %dot_general3A_39 {dimension_numbers = #tpu.dot_dimension_numbers<[1], [0], [0], [1], [0, 0, 1, 1], [], []>, transpose_lhs_hint = false} : vector<256x128xf32>, vector<128x256xf32>, vector<256x256xf32> -> vector<256x256xf32>
    %get3A_41 = arith.constant 1 : index
    %get3A_42 = arith.constant 0 : index
    %get3A_43 = vector.load %arg5[%get3A_41, %get3A_42] : memref<4x256xf32, #tpu.memory_space<vmem>>, vector<1x256xf32>
    %add3A_44 = vector.broadcast %get3A_43 : vector<1x256xf32> to vector<256x256xf32>
    %add3A_45 = arith.addf %dot_general3A_40, %add3A_44 : vector<256x256xf32>
    %max3A_46 = arith.constant 0.000000e+00 : f32
    %max3A_47 = vector.broadcast %max3A_46 : f32 to vector<256x256xf32>
    %max3A_48 = arith.maximumf %add3A_45, %max3A_47 : vector<256x256xf32>
    %get3A_49 = arith.constant 1 : index
    %get3A_50 = arith.constant 0 : index
    %get3A_51 = arith.constant 0 : index
    %get3A_52 = vector.load %arg6[%get3A_49, %get3A_50, %get3A_51] : memref<4x256x128xf32, #tpu.memory_space<vmem>>, vector<1x256x128xf32>
    %get3A_53 = vector.shape_cast %get3A_52 : vector<1x256x128xf32> to vector<256x128xf32>
    %dot_general3A_54 = arith.constant dense<0.000000e+00> : vector<256x128xf32>
    %dot_general3A_55 = tpu.matmul %max3A_48, %get3A_53, %dot_general3A_54 {dimension_numbers = #tpu.dot_dimension_numbers<[1], [0], [0], [1], [0, 0, 1, 1], [], []>, transpose_lhs_hint = false} : vector<256x256xf32>, vector<256x128xf32>, vector<256x128xf32> -> vector<256x128xf32>
    %mul3A_56 = arith.mulf %dot_general3A_55, %get3A_1 : vector<256x128xf32>
    %swap3A_57 = arith.constant 1 : index
    %swap3A_58 = arith.constant 0 : index
    %swap3A_59 = arith.constant 0 : index
    %swap3A_60 = vector.load %arg7[%swap3A_57, %swap3A_58, %swap3A_59] : memref<4x256x128xf32, #tpu.memory_space<vmem>>, vector<1x256x128xf32>
    %swap3A_61 = vector.shape_cast %swap3A_60 : vector<1x256x128xf32> to vector<256x128xf32>
    %swap3A_62 = vector.shape_cast %mul3A_56 : vector<256x128xf32> to vector<1x256x128xf32>
    tpu.vector_store %arg7[%swap3A_57, %swap3A_58, %swap3A_59], %swap3A_62 {strides = array<i32>} : memref<4x256x128xf32, #tpu.memory_space<vmem>>, vector<1x256x128xf32>,
    %get3A_63 = arith.constant 2 : index
    %get3A_64 = arith.constant 0 : index
    %get3A_65 = arith.constant 0 : index
    %get3A_66 = vector.load %arg4[%get3A_63, %get3A_64, %get3A_65] : memref<4x128x256xf32, #tpu.memory_space<vmem>>, vector<1x128x256xf32>
    %get3A_67 = vector.shape_cast %get3A_66 : vector<1x128x256xf32> to vector<128x256xf32>
    %dot_general3A_68 = arith.constant dense<0.000000e+00> : vector<256x256xf32>
    %dot_general3A_69 = tpu.matmul %mul3A, %get3A_67, %dot_general3A_68 {dimension_numbers = #tpu.dot_dimension_numbers<[1], [0], [0], [1], [0, 0, 1, 1], [], []>, transpose_lhs_hint = false} : vector<256x128xf32>, vector<128x256xf32>, vector<256x256xf32> -> vector<256x256xf32>
    %get3A_70 = arith.constant 2 : index
    %get3A_71 = arith.constant 0 : index
    %get3A_72 = vector.load %arg5[%get3A_70, %get3A_71] : memref<4x256xf32, #tpu.memory_space<vmem>>, vector<1x256xf32>
    %add3A_73 = vector.broadcast %get3A_72 : vector<1x256xf32> to vector<256x256xf32>
    %add3A_74 = arith.addf %dot_general3A_69, %add3A_73 : vector<256x256xf32>
    %max3A_75 = arith.constant 0.000000e+00 : f32
    %max3A_76 = vector.broadcast %max3A_75 : f32 to vector<256x256xf32>
    %max3A_77 = arith.maximumf %add3A_74, %max3A_76 : vector<256x256xf32>
    %get3A_78 = arith.constant 2 : index
    %get3A_79 = arith.constant 0 : index
    %get3A_80 = arith.constant 0 : index
    %get3A_81 = vector.load %arg6[%get3A_78, %get3A_79, %get3A_80] : memref<4x256x128xf32, #tpu.memory_space<vmem>>, vector<1x256x128xf32>
    %get3A_82 = vector.shape_cast %get3A_81 : vector<1x256x128xf32> to vector<256x128xf32>
    %dot_general3A_83 = arith.constant dense<0.000000e+00> : vector<256x128xf32>
    %dot_general3A_84 = tpu.matmul %max3A_77, %get3A_82, %dot_general3A_83 {dimension_numbers = #tpu.dot_dimension_numbers<[1], [0], [0], [1], [0, 0, 1, 1], [], []>, transpose_lhs_hint = false} : vector<256x256xf32>, vector<256x128xf32>, vector<256x128xf32> -> vector<256x128xf32>
    %mul3A_85 = arith.mulf %dot_general3A_84, %get3A_1 : vector<256x128xf32>
    %swap3A_86 = arith.constant 2 : index
    %swap3A_87 = arith.constant 0 : index
    %swap3A_88 = arith.constant 0 : index
    %swap3A_89 = vector.load %arg7[%swap3A_86, %swap3A_87, %swap3A_88] : memref<4x256x128xf32, #tpu.memory_space<vmem>>, vector<1x256x128xf32>
    %swap3A_90 = vector.shape_cast %swap3A_89 : vector<1x256x128xf32> to vector<256x128xf32>
    %swap3A_91 = vector.shape_cast %mul3A_85 : vector<256x128xf32> to vector<1x256x128xf32>
    tpu.vector_store %arg7[%swap3A_86, %swap3A_87, %swap3A_88], %swap3A_91 {strides = array<i32>} : memref<4x256x128xf32, #tpu.memory_space<vmem>>, vector<1x256x128xf32>,
    %get3A_92 = arith.constant 3 : index
    %get3A_93 = arith.constant 0 : index
    %get3A_94 = arith.constant 0 : index
    %get3A_95 = vector.load %arg4[%get3A_92, %get3A_93, %get3A_94] : memref<4x128x256xf32, #tpu.memory_space<vmem>>, vector<1x128x256xf32>
    %get3A_96 = vector.shape_cast %get3A_95 : vector<1x128x256xf32> to vector<128x256xf32>
    %dot_general3A_97 = arith.constant dense<0.000000e+00> : vector<256x256xf32>
    %dot_general3A_98 = tpu.matmul %mul3A, %get3A_96, %dot_general3A_97 {dimension_numbers = #tpu.dot_dimension_numbers<[1], [0], [0], [1], [0, 0, 1, 1], [], []>, transpose_lhs_hint = false} : vector<256x128xf32>, vector<128x256xf32>, vector<256x256xf32> -> vector<256x256xf32>
    %get3A_99 = arith.constant 3 : index
    %get3A_100 = arith.constant 0 : index
    %get3A_101 = vector.load %arg5[%get3A_99, %get3A_100] : memref<4x256xf32, #tpu.memory_space<vmem>>, vector<1x256xf32>
    %add3A_102 = vector.broadcast %get3A_101 : vector<1x256xf32> to vector<256x256xf32>
    %add3A_103 = arith.addf %dot_general3A_98, %add3A_102 : vector<256x256xf32>
    %max3A_104 = arith.constant 0.000000e+00 : f32
    %max3A_105 = vector.broadcast %max3A_104 : f32 to vector<256x256xf32>
    %max3A_106 = arith.maximumf %add3A_103, %max3A_105 : vector<256x256xf32>
    %get3A_107 = arith.constant 3 : index
    %get3A_108 = arith.constant 0 : index
    %get3A_109 = arith.constant 0 : index
    %get3A_110 = vector.load %arg6[%get3A_107, %get3A_108, %get3A_109] : memref<4x256x128xf32, #tpu.memory_space<vmem>>, vector<1x256x128xf32>
    %get3A_111 = vector.shape_cast %get3A_110 : vector<1x256x128xf32> to vector<256x128xf32>
    %dot_general3A_112 = arith.constant dense<0.000000e+00> : vector<256x128xf32>
    %dot_general3A_113 = tpu.matmul %max3A_106, %get3A_111, %dot_general3A_112 {dimension_numbers = #tpu.dot_dimension_numbers<[1], [0], [0], [1], [0, 0, 1, 1], [], []>, transpose_lhs_hint = false} : vector<256x256xf32>, vector<256x128xf32>, vector<256x128xf32> -> vector<256x128xf32>
    %mul3A_114 = arith.mulf %dot_general3A_113, %get3A_1 : vector<256x128xf32>
    %swap3A_115 = arith.constant 3 : index
    %swap3A_116 = arith.constant 0 : index
    %swap3A_117 = arith.constant 0 : index
    %swap3A_118 = vector.load %arg7[%swap3A_115, %swap3A_116, %swap3A_117] : memref<4x256x128xf32, #tpu.memory_space<vmem>>, vector<1x256x128xf32>
    %swap3A_119 = vector.shape_cast %swap3A_118 : vector<1x256x128xf32> to vector<256x128xf32>
    %swap3A_120 = vector.shape_cast %mul3A_114 : vector<256x128xf32> to vector<1x256x128xf32>
    tpu.vector_store %arg7[%swap3A_115, %swap3A_116, %swap3A_117], %swap3A_120 {strides = array<i32>} : memref<4x256x128xf32, #tpu.memory_space<vmem>>, vector<1x256x128xf32>,
    return
  }
  func.func @transform_0(%arg0: i32) -> (i32, i32) {
    %c0_i32 = arith.constant 0 : i32
    %c0_i32_0 = arith.constant 0 : i32
    return %arg0, %c0_i32 : i32, i32
  }
  func.func @transform_1(%arg0: i32) -> (i32, i32) {
    %c0_i32 = arith.constant 0 : i32
    %c0_i32_0 = arith.constant 0 : i32
    return %arg0, %c0_i32 : i32, i32
  }
  func.func @transform_2(%arg0: i32) -> (i32, i32) {
    %c0_i32 = arith.constant 0 : i32
    %c0_i32_0 = arith.constant 0 : i32
    return %arg0, %c0_i32 : i32, i32
  }
  func.func @transform_3(%arg0: i32) -> (i32, i32, i32) {
    %c0_i32 = arith.constant 0 : i32
    %c0_i32_0 = arith.constant 0 : i32
    %c0_i32_1 = arith.constant 0 : i32
    %c0_i32_2 = arith.constant 0 : i32
    return %c0_i32, %c0_i32_0, %c0_i32_1 : i32, i32, i32
  }
  func.func @transform_4(%arg0: i32) -> (i32, i32) {
    %c0_i32 = arith.constant 0 : i32
    %c0_i32_0 = arith.constant 0 : i32
    %c0_i32_1 = arith.constant 0 : i32
    return %c0_i32, %c0_i32_0 : i32, i32
  }
  func.func @transform_5(%arg0: i32) -> (i32, i32, i32) {
    %c0_i32 = arith.constant 0 : i32
    %c0_i32_0 = arith.constant 0 : i32
    %c0_i32_1 = arith.constant 0 : i32
    %c0_i32_2 = arith.constant 0 : i32
    return %c0_i32, %c0_i32_0, %c0_i32_1 : i32, i32, i32
  }
  func.func @transform_6(%arg0: i32) -> (i32, i32, i32) {
    %c0_i32 = arith.constant 0 : i32
    %c0_i32_0 = arith.constant 0 : i32
    %c0_i32_1 = arith.constant 0 : i32
    return %c0_i32, %arg0, %c0_i32_0 : i32, i32, i32
  }
}

module attributes {stable_mosaic.version = 14 : i64} {
  func.func @_combine_body(%arg0: i32, %arg1: memref<256x128xf32, #tpu.memory_space<vmem>>, %arg2: memref<128x128xf32, #tpu.memory_space<vmem>>, %arg3: memref<8x128xf32, #tpu.memory_space<vmem>>, %arg4: memref<8x128xf32, #tpu.memory_space<vmem>>, %arg5: memref<128x128xf32, #tpu.memory_space<vmem>>, %arg6: memref<256x128xf32, #tpu.memory_space<vmem>>, %arg7: memref<8x256x128xf32, #tpu.memory_space<vmem>>, %arg8: memref<256x128xf32, #tpu.memory_space<vmem>>) attributes {dimension_semantics = [#tpu.dimension_semantics<arbitrary>], iteration_bounds = array<i64: 40>, scalar_prefetch = 0 : i64, scratch_operands = 0 : i64, tpu.core_type = #tpu.core_type<tc>, window_params = [{transform_indices = @transform_0, window_bounds = array<i64: 256, 128>}, {pipeline_mode = #tpu.pipeline_mode<synchronous>, transform_indices = @transform_1, window_bounds = array<i64: 128, 128>}, {pipeline_mode = #tpu.pipeline_mode<synchronous>, transform_indices = @transform_2, window_bounds = array<i64: 8, 128>}, {pipeline_mode = #tpu.pipeline_mode<synchronous>, transform_indices = @transform_3, window_bounds = array<i64: 8, 128>}, {pipeline_mode = #tpu.pipeline_mode<synchronous>, transform_indices = @transform_4, window_bounds = array<i64: 128, 128>}, {transform_indices = @transform_5, window_bounds = array<i64: 256, 128>}, {transform_indices = @transform_6, window_bounds = array<i64: 8, 256, 128>}, {transform_indices = @transform_7, window_bounds = array<i64: 256, 128>}]} {
    %get3A = arith.constant 0 : index
    %get3A_0 = arith.constant 0 : index
    %get3A_1 = vector.load %arg1[%get3A, %get3A_0] : memref<256x128xf32, #tpu.memory_space<vmem>>, vector<256x128xf32>
    %get3A_2 = arith.constant 0 : index
    %get3A_3 = arith.constant 0 : index
    %get3A_4 = vector.load %arg2[%get3A_2, %get3A_3] : memref<128x128xf32, #tpu.memory_space<vmem>>, vector<128x128xf32>
    %dot_general3A = arith.constant dense<0.000000e+00> : vector<256x128xf32>
    %dot_general3A_5 = tpu.matmul %get3A_1, %get3A_4, %dot_general3A {dimension_numbers = #tpu.dot_dimension_numbers<[1], [0], [0], [1], [0, 0, 1, 1], [], []>, transpose_lhs_hint = false} : vector<256x128xf32>, vector<128x128xf32>, vector<256x128xf32> -> vector<256x128xf32>
    %iota3A = tpu.iota {dimensions = array<i32: 1>} : vector<256x128xi32>
    %lt3A = arith.constant 4 : i32
    %lt3A_6 = vector.broadcast %lt3A : i32 to vector<256x128xi32>
    %lt3A_7 = arith.cmpi slt, %iota3A, %lt3A_6 : vector<256x128xi32>
    %jit3A = arith.constant -1.000000e+30 : f32
    %broadcast_in_dim3A = vector.broadcast %jit3A : f32 to vector<256x128xf32>
    %select_n3A = arith.select %lt3A_7, %dot_general3A_5, %broadcast_in_dim3A : vector<256x128xi1>, vector<256x128xf32>
    %reduce_max3A = arith.constant dense<0xFF800000> : vector<256xf32>
    %reduce_max3A_8 = vector.multi_reduction <maximumf>, %select_n3A, %reduce_max3A [1] : vector<256x128xf32> to vector<256xf32>
    %broadcast_in_dim3A_9 = vector.shape_cast %reduce_max3A_8 : vector<256xf32> to vector<256x1xf32>
    %sub3A = vector.broadcast %broadcast_in_dim3A_9 : vector<256x1xf32> to vector<256x128xf32>
    %sub3A_10 = arith.subf %dot_general3A_5, %sub3A : vector<256x128xf32>
    %exp3A = math.exp %sub3A_10 : vector<256x128xf32>
    %jit3A_11 = arith.constant 0.000000e+00 : f32
    %broadcast_in_dim3A_12 = vector.broadcast %jit3A_11 : f32 to vector<256x128xf32>
    %select_n3A_13 = arith.select %lt3A_7, %exp3A, %broadcast_in_dim3A_12 : vector<256x128xi1>, vector<256x128xf32>
    %reduce_sum3A = arith.constant dense<0.000000e+00> : vector<256xf32>
    %reduce_sum3A_14 = vector.multi_reduction <add>, %select_n3A_13, %reduce_sum3A [1] : vector<256x128xf32> to vector<256xf32>
    %broadcast_in_dim3A_15 = vector.shape_cast %reduce_sum3A_14 : vector<256xf32> to vector<256x1xf32>
    %div3A = vector.broadcast %broadcast_in_dim3A_15 : vector<256x1xf32> to vector<256x128xf32>
    %div3A_16 = arith.divf %select_n3A_13, %div3A : vector<256x128xf32>
    %get3A_17 = arith.constant 0 : index
    %get3A_18 = arith.constant 0 : index
    %get3A_19 = vector.load %arg3[%get3A_17, %get3A_18] : memref<8x128xf32, #tpu.memory_space<vmem>>, vector<1x128xf32>
    %sub3A_20 = vector.broadcast %get3A_19 : vector<1x128xf32> to vector<256x128xf32>
    %sub3A_21 = arith.subf %dot_general3A_5, %sub3A_20 : vector<256x128xf32>
    %sign3A = tpu.bitcast %sub3A_21 : vector<256x128xf32> -> vector<256x128xi32>
    %sign3A_22 = arith.constant -2147483648 : i32
    %sign3A_23 = vector.broadcast %sign3A_22 : i32 to vector<256x128xi32>
    %sign3A_24 = arith.andi %sign3A, %sign3A_23 : vector<256x128xi32>
    %sign3A_25 = arith.constant 1065353216 : i32
    %sign3A_26 = vector.broadcast %sign3A_25 : i32 to vector<256x128xi32>
    %sign3A_27 = arith.ori %sign3A_26, %sign3A_24 : vector<256x128xi32>
    %sign3A_28 = tpu.bitcast %sign3A_27 : vector<256x128xi32> -> vector<256x128xf32>
    %sign3A_29 = math.absf %sub3A_21 : vector<256x128xf32>
    %sign3A_30 = arith.constant 0.000000e+00 : f32
    %sign3A_31 = vector.broadcast %sign3A_30 : f32 to vector<256x128xf32>
    %sign3A_32 = arith.cmpf ogt, %sign3A_29, %sign3A_31 : vector<256x128xf32>
    %sign3A_33 = arith.select %sign3A_32, %sign3A_28, %sub3A_21 : vector<256x128xi1>, vector<256x128xf32>
    %add3A = arith.constant 1.000000e+00 : f32
    %add3A_34 = vector.broadcast %add3A : f32 to vector<256x128xf32>
    %add3A_35 = arith.addf %sign3A_33, %add3A_34 : vector<256x128xf32>
    %mul3A = arith.constant 5.000000e-01 : f32
    %mul3A_36 = vector.broadcast %mul3A : f32 to vector<256x128xf32>
    %mul3A_37 = arith.mulf %mul3A_36, %add3A_35 : vector<256x128xf32>
    %mul3A_38 = arith.mulf %div3A_16, %mul3A_37 : vector<256x128xf32>
    %get3A_39 = arith.constant 0 : index
    %get3A_40 = arith.constant 0 : index
    %get3A_41 = vector.load %arg4[%get3A_39, %get3A_40] : memref<8x128xf32, #tpu.memory_space<vmem>>, vector<1x128xf32>
    %mul3A_42 = vector.broadcast %get3A_41 : vector<1x128xf32> to vector<256x128xf32>
    %mul3A_43 = arith.mulf %mul3A_38, %mul3A_42 : vector<256x128xf32>
    %reduce_sum3A_44 = arith.constant dense<0.000000e+00> : vector<256xf32>
    %reduce_sum3A_45 = vector.multi_reduction <add>, %mul3A_43, %reduce_sum3A_44 [1] : vector<256x128xf32> to vector<256xf32>
    %broadcast_in_dim3A_46 = vector.shape_cast %reduce_sum3A_45 : vector<256xf32> to vector<256x1xf32>
    %add3A_47 = arith.constant 1.000000e-10 : f32
    %add3A_48 = vector.broadcast %add3A_47 : f32 to vector<256x1xf32>
    %add3A_49 = arith.addf %broadcast_in_dim3A_46, %add3A_48 : vector<256x1xf32>
    %div3A_50 = vector.broadcast %add3A_49 : vector<256x1xf32> to vector<256x128xf32>
    %div3A_51 = arith.divf %mul3A_43, %div3A_50 : vector<256x128xf32>
    %get3A_52 = arith.constant 0 : index
    %get3A_53 = arith.constant 0 : index
    %get3A_54 = vector.load %arg5[%get3A_52, %get3A_53] : memref<128x128xf32, #tpu.memory_space<vmem>>, vector<128x128xf32>
    %dot_general3A_55 = arith.constant dense<0.000000e+00> : vector<256x128xf32>
    %dot_general3A_56 = tpu.matmul %div3A_51, %get3A_54, %dot_general3A_55 {dimension_numbers = #tpu.dot_dimension_numbers<[1], [0], [0], [1], [0, 0, 1, 1], [], []>, transpose_lhs_hint = false} : vector<256x128xf32>, vector<128x128xf32>, vector<256x128xf32> -> vector<256x128xf32>
    %get3A_57 = arith.constant 0 : index
    %get3A_58 = arith.constant 0 : index
    %get3A_59 = vector.load %arg6[%get3A_57, %get3A_58] : memref<256x128xf32, #tpu.memory_space<vmem>>, vector<256x128xf32>
    %get3A_60 = arith.constant 0 : index
    %get3A_61 = arith.constant 0 : index
    %get3A_62 = arith.constant 0 : index
    %get3A_63 = vector.load %arg7[%get3A_60, %get3A_61, %get3A_62] : memref<8x256x128xf32, #tpu.memory_space<vmem>>, vector<1x256x128xf32>
    %get3A_64 = vector.shape_cast %get3A_63 : vector<1x256x128xf32> to vector<256x128xf32>
    %get3A_65 = arith.constant 1 : index
    %get3A_66 = arith.constant 0 : index
    %get3A_67 = arith.constant 0 : index
    %get3A_68 = vector.load %arg7[%get3A_65, %get3A_66, %get3A_67] : memref<8x256x128xf32, #tpu.memory_space<vmem>>, vector<1x256x128xf32>
    %get3A_69 = vector.shape_cast %get3A_68 : vector<1x256x128xf32> to vector<256x128xf32>
    %add3A_70 = arith.addf %get3A_64, %get3A_69 : vector<256x128xf32>
    %mul3A_71 = arith.mulf %add3A_70, %get3A_59 : vector<256x128xf32>
    %slice3A = vector.extract_strided_slice %div3A_51 {offsets = [0, 0], sizes = [256, 1], strides = [1, 1]} : vector<256x128xf32> to vector<256x1xf32>
    %mul3A_72 = vector.broadcast %slice3A : vector<256x1xf32> to vector<256x128xf32>
    %mul3A_73 = arith.mulf %mul3A_72, %mul3A_71 : vector<256x128xf32>
    %add3A_74 = arith.addf %dot_general3A_56, %mul3A_73 : vector<256x128xf32>
    %get3A_75 = arith.constant 2 : index
    %get3A_76 = arith.constant 0 : index
    %get3A_77 = arith.constant 0 : index
    %get3A_78 = vector.load %arg7[%get3A_75, %get3A_76, %get3A_77] : memref<8x256x128xf32, #tpu.memory_space<vmem>>, vector<1x256x128xf32>
    %get3A_79 = vector.shape_cast %get3A_78 : vector<1x256x128xf32> to vector<256x128xf32>
    %get3A_80 = arith.constant 3 : index
    %get3A_81 = arith.constant 0 : index
    %get3A_82 = arith.constant 0 : index
    %get3A_83 = vector.load %arg7[%get3A_80, %get3A_81, %get3A_82] : memref<8x256x128xf32, #tpu.memory_space<vmem>>, vector<1x256x128xf32>
    %get3A_84 = vector.shape_cast %get3A_83 : vector<1x256x128xf32> to vector<256x128xf32>
    %add3A_85 = arith.addf %get3A_79, %get3A_84 : vector<256x128xf32>
    %mul3A_86 = arith.mulf %add3A_85, %get3A_59 : vector<256x128xf32>
    %slice3A_87 = vector.extract_strided_slice %div3A_51 {offsets = [0, 1], sizes = [256, 1], strides = [1, 1]} : vector<256x128xf32> to vector<256x1xf32>
    %mul3A_88 = vector.broadcast %slice3A_87 : vector<256x1xf32> to vector<256x128xf32>
    %mul3A_89 = arith.mulf %mul3A_88, %mul3A_86 : vector<256x128xf32>
    %add3A_90 = arith.addf %add3A_74, %mul3A_89 : vector<256x128xf32>
    %get3A_91 = arith.constant 4 : index
    %get3A_92 = arith.constant 0 : index
    %get3A_93 = arith.constant 0 : index
    %get3A_94 = vector.load %arg7[%get3A_91, %get3A_92, %get3A_93] : memref<8x256x128xf32, #tpu.memory_space<vmem>>, vector<1x256x128xf32>
    %get3A_95 = vector.shape_cast %get3A_94 : vector<1x256x128xf32> to vector<256x128xf32>
    %get3A_96 = arith.constant 5 : index
    %get3A_97 = arith.constant 0 : index
    %get3A_98 = arith.constant 0 : index
    %get3A_99 = vector.load %arg7[%get3A_96, %get3A_97, %get3A_98] : memref<8x256x128xf32, #tpu.memory_space<vmem>>, vector<1x256x128xf32>
    %get3A_100 = vector.shape_cast %get3A_99 : vector<1x256x128xf32> to vector<256x128xf32>
    %add3A_101 = arith.addf %get3A_95, %get3A_100 : vector<256x128xf32>
    %mul3A_102 = arith.mulf %add3A_101, %get3A_59 : vector<256x128xf32>
    %slice3A_103 = vector.extract_strided_slice %div3A_51 {offsets = [0, 2], sizes = [256, 1], strides = [1, 1]} : vector<256x128xf32> to vector<256x1xf32>
    %mul3A_104 = vector.broadcast %slice3A_103 : vector<256x1xf32> to vector<256x128xf32>
    %mul3A_105 = arith.mulf %mul3A_104, %mul3A_102 : vector<256x128xf32>
    %add3A_106 = arith.addf %add3A_90, %mul3A_105 : vector<256x128xf32>
    %get3A_107 = arith.constant 6 : index
    %get3A_108 = arith.constant 0 : index
    %get3A_109 = arith.constant 0 : index
    %get3A_110 = vector.load %arg7[%get3A_107, %get3A_108, %get3A_109] : memref<8x256x128xf32, #tpu.memory_space<vmem>>, vector<1x256x128xf32>
    %get3A_111 = vector.shape_cast %get3A_110 : vector<1x256x128xf32> to vector<256x128xf32>
    %get3A_112 = arith.constant 7 : index
    %get3A_113 = arith.constant 0 : index
    %get3A_114 = arith.constant 0 : index
    %get3A_115 = vector.load %arg7[%get3A_112, %get3A_113, %get3A_114] : memref<8x256x128xf32, #tpu.memory_space<vmem>>, vector<1x256x128xf32>
    %get3A_116 = vector.shape_cast %get3A_115 : vector<1x256x128xf32> to vector<256x128xf32>
    %add3A_117 = arith.addf %get3A_111, %get3A_116 : vector<256x128xf32>
    %mul3A_118 = arith.mulf %add3A_117, %get3A_59 : vector<256x128xf32>
    %slice3A_119 = vector.extract_strided_slice %div3A_51 {offsets = [0, 3], sizes = [256, 1], strides = [1, 1]} : vector<256x128xf32> to vector<256x1xf32>
    %mul3A_120 = vector.broadcast %slice3A_119 : vector<256x1xf32> to vector<256x128xf32>
    %mul3A_121 = arith.mulf %mul3A_120, %mul3A_118 : vector<256x128xf32>
    %add3A_122 = arith.addf %add3A_106, %mul3A_121 : vector<256x128xf32>
    %swap3A = arith.constant 0 : index
    %swap3A_123 = arith.constant 0 : index
    %swap3A_124 = vector.load %arg8[%swap3A, %swap3A_123] : memref<256x128xf32, #tpu.memory_space<vmem>>, vector<256x128xf32>
    tpu.vector_store %arg8[%swap3A, %swap3A_123], %add3A_122 {strides = array<i32>} : memref<256x128xf32, #tpu.memory_space<vmem>>, vector<256x128xf32>,
    return
  }
  func.func @transform_0(%arg0: i32) -> (i32, i32) {
    %c0_i32 = arith.constant 0 : i32
    %c0_i32_0 = arith.constant 0 : i32
    return %arg0, %c0_i32 : i32, i32
  }
  func.func @transform_1(%arg0: i32) -> (i32, i32) {
    %c0_i32 = arith.constant 0 : i32
    %c0_i32_0 = arith.constant 0 : i32
    %c0_i32_1 = arith.constant 0 : i32
    return %c0_i32, %c0_i32_0 : i32, i32
  }
  func.func @transform_2(%arg0: i32) -> (i32, i32) {
    %c0_i32 = arith.constant 0 : i32
    %c0_i32_0 = arith.constant 0 : i32
    %c0_i32_1 = arith.constant 0 : i32
    return %c0_i32, %c0_i32_0 : i32, i32
  }
  func.func @transform_3(%arg0: i32) -> (i32, i32) {
    %c0_i32 = arith.constant 0 : i32
    %c0_i32_0 = arith.constant 0 : i32
    %c0_i32_1 = arith.constant 0 : i32
    return %c0_i32, %c0_i32_0 : i32, i32
  }
  func.func @transform_4(%arg0: i32) -> (i32, i32) {
    %c0_i32 = arith.constant 0 : i32
    %c0_i32_0 = arith.constant 0 : i32
    %c0_i32_1 = arith.constant 0 : i32
    return %c0_i32, %c0_i32_0 : i32, i32
  }
  func.func @transform_5(%arg0: i32) -> (i32, i32) {
    %c0_i32 = arith.constant 0 : i32
    %c0_i32_0 = arith.constant 0 : i32
    return %arg0, %c0_i32 : i32, i32
  }
  func.func @transform_6(%arg0: i32) -> (i32, i32, i32) {
    %c0_i32 = arith.constant 0 : i32
    %c0_i32_0 = arith.constant 0 : i32
    %c0_i32_1 = arith.constant 0 : i32
    return %c0_i32, %arg0, %c0_i32_0 : i32, i32, i32
  }
  func.func @transform_7(%arg0: i32) -> (i32, i32) {
    %c0_i32 = arith.constant 0 : i32
    %c0_i32_0 = arith.constant 0 : i32
    return %arg0, %c0_i32 : i32, i32
  }
}

</mosaic_0001>

<sc_bundles>
// kernel: kernel.11.cloned.1.call-start
scs
__scs_entry_jumppad:
0x0: {  	(pc) =	sbr.rel $0x88, $3  }
0x1: {  	(tag) =	ssettag $0x0;
	lr =	simm.s32 $0x1  }
0x2: {  	[smem:$0x3F98] =	sst lr;
	_ =	strace $0xD0000000  }
0x3: {  	_ = 	snop  }
0x4: {  	_ = 	snop  }
0x5: {  	_ = 	snop  }
0x6: {  	_ = 	snop  }
0x7: {  	_ = 	snop  }
__scs_overlays_trampoline_lowered:
0x8: {  	[smem:$0x3FA7] =	sst s0  }
0x9: {  	[smem:$0x3FA8] =	sst s1  }
0xa: {  	[smem:$0x3FA9] =	sst s2  }
0xb: {  	[smem:$0x3FAA] =	sst s3  }
0xc: {  	[smem:$0x3FAB] =	sst s4  }
0xd: {  	[smem:$0x3FAC] =	sst s5  }
0xe: {  	[smem:$0x3FAD] =	sst s6  }
0xf: {  	[smem:$0x3FAE] =	sst s7  }
0x10: {  	[smem:$0x3FAF] =	sst s8  }
0x11: {  	[smem:$0x3FB0] =	sst s9;
	s0 =	simm.s32 @!p0 $0x0  }
0x12: {  	s1 =	sld [smem:$0x3F96];
	s0 =	simm.s32 @p0 $0x1  }
0x13: {  	[smem:$0x3FB1] =	sst s0;
	s0 =	simm.s32 @!p1 $0x0  }
0x14: {  	s2 =	sld [smem:$0x3F95];
	s0 =	simm.s32 @p1 $0x1  }
0x15: {  	[smem:$0x3FB2] =	sst s0;
	s0 =	simm.s32 @!p2 $0x0  }
0x16: {  	s3 =	sld [smem:$0x3FDB];
	s0 =	simm.s32 @p2 $0x1  }
0x17: {  	s4 =	simm.s32 $0x1BF5;
	[smem:$0x3FB4] =	sst s0  }
0x18: {  	s0 =	sld [smem:$0x3F97];
	_ =	swait.ge [sflag:s4], $0x0  }
0x19: {  	s7 =	sld [smem:$0x3F98]  }
0x1a: {  	s8 =	sadd.s32 $0xFFFFE003, lr  }
0x1b: {  	s9 =	sadd.s32 $0xFFFFFEF7, lr;
	s5 =	simm.s32 $0xFFFFFFFF;
	p2 =	slt.u32 s8, $0xFFFFF086  }
0x1c: {  	p1 =	slt.u32 s9, $0xF7A;
	s5 =	simm.s32 @!p2 $0x0  }
0x1d: {  	s5 =	simm.s32 @p1 $0x1;
	p0 =	seq.s32 s7, s2  }
0x1e: {  	s7 =	smul.u32 @!p0 $0xF7A, s2;
	p2 =	seq.s32 @!p0 s5, $0x0  }
0x1f: {  	s9 =	smul.u32 $0xF7A, s1;
	s8 =	simm.s32 @!p0 $0x1BF5;
	p2 =	por !p2, p0  }
0x20: {  	[sflag:s8] =	ssyncset.s32 @!p0 $0xFFFFF086;
	s6 =	sadd.s32 @!p0 s3, s7;
	s7 =	simm.s32 @!p0 $0x108  }
0x21: {  	s3 =	sadd.s32 s3, s9;
	s6 =	sadd.s32 @!p0 $0x88, s6;
	s7 =	simm.s32 @p2 $0x1082  }
0x22: {  	[simem:s7], [sflag:s8] =	dma.local @!p0 [hbm:s6], $0xF7A  }
0x23: {  	s9 =	sor.u32 $0xD0000000, s2;
	s6 =	simm.s32 $0x108;
	_ =	swait.ge @!p0 [sflag:s8], $0x0  }
0x24: {  	s3 =	sadd.s32 $0x88, s3;
	s6 =	simm.s32 @!p1 $0x1082;
	[sflag:s4] =	ssyncset.s32 $0xFFFFF086  }
0x25: {  	[simem:s6], [sflag:s4] =	dma.local [hbm:s3], $0xF7A  }
0x26: {  	[smem:$0x3F98] =	sst s1;
	(tag) =	ssettag s2;
	_ =	strace s9  }
0x27: {  	s1 =	sld [smem:$0x3FA8]  }
0x28: {  	s2 =	sld [smem:$0x3FA9]  }
0x29: {  	s4 =	sld [smem:$0x3FAB]  }
0x2a: {  	p0 =	seq.s32 s5, $0x0;
	s5 =	sld [smem:$0x3FAC]  }
0x2b: {  	s6 =	sld [smem:$0x3FAD]  }
0x2c: {  	s7 =	sld [smem:$0x3FAE]  }
0x2d: {  	s3 =	simm.s32 $0x108;
	s8 =	sld [smem:$0x3FAF]  }
0x2e: {  	s3 =	simm.s32 @!p0 $0x1082;
	s9 =	sld [smem:$0x3FB0]  }
0x2f: {  	lr =	sadd.s32 s0, s3;
	s0 =	sld [smem:$0x3FA7]  }
0x30: {  	s3 =	sld [smem:$0x3FAA]  }
0x31: {  	[smem:$0x3FB3] =	sst s10  }
0x32: {  	s10 =	sld [smem:$0x3FB1];
	_ =	sdelay $0x3  }
0x33: {  	p0 =	seq.s32 s10, $0x1;
	s10 =	sld [smem:$0x3FB3];
	_ =	sdelay $0x3  }
0x34: {  	[smem:$0x3FB3] =	sst s10  }
0x35: {  	s10 =	sld [smem:$0x3FB2];
	_ =	sdelay $0x3  }
0x36: {  	p1 =	seq.s32 s10, $0x1;
	s10 =	sld [smem:$0x3FB3];
	_ =	sdelay $0x3  }
0x37: {  	[smem:$0x3FB3] =	sst s10  }
0x38: {  	s10 =	sld [smem:$0x3FB4]  }
0x39: {  	_ = 	snop;
	(pc) =	sbr.ind lr, $3  }
0x3a: {  	_ = 	snop  }
0x3b: {  	_ = 	snop  }
0x3c: {  	p2 =	seq.s32 s10, $0x1;
	s10 =	sld [smem:$0x3FB3]  }
0x3d: {  	_ =	shalt  }
0x3e: {  	_ =	shalt  }
0x3f: {  	_ =	shalt  }
0x40: {  	_ =	shalt  }
0x41: {  	_ =	shalt  }
0x42: {  	_ =	shalt  }
0x43: {  	_ =	shalt  }
0x44: {  	_ =	shalt  }
0x45: {  	_ =	shalt  }
0x46: {  	_ =	shalt  }
0x47: {  	_ =	shalt  }
0x48: {  	_ =	shalt  }
0x49: {  	_ =	shalt  }
0x4a: {  	_ =	shalt  }
0x4b: {  	_ =	shalt  }
0x4c: {  	_ =	shalt  }
0x4d: {  	_ =	shalt  }
0x4e: {  	_ =	shalt  }
0x4f: {  	_ =	shalt  }
0x50: {  	_ =	shalt  }
0x51: {  	_ =	shalt  }
0x52: {  	_ =	shalt  }
0x53: {  	_ =	shalt  }
0x54: {  	_ =	shalt  }
0x55: {  	_ =	shalt  }
0x56: {  	_ =	shalt  }
0x57: {  	_ =	shalt  }
0x58: {  	_ =	shalt  }
0x59: {  	_ =	shalt  }
0x5a: {  	_ =	shalt  }
0x5b: {  	_ =	shalt  }
0x5c: {  	_ =	shalt  }
0x5d: {  	_ =	shalt  }
0x5e: {  	_ =	shalt  }
0x5f: {  	_ =	shalt  }
0x60: {  	_ =	shalt  }
0x61: {  	_ =	shalt  }
0x62: {  	_ =	shalt  }
0x63: {  	_ =	shalt  }
0x64: {  	_ =	shalt  }
0x65: {  	_ =	shalt  }
0x66: {  	_ =	shalt  }
0x67: {  	_ =	shalt  }
0x68: {  	_ =	shalt  }
0x69: {  	_ =	shalt  }
0x6a: {  	_ =	shalt  }
0x6b: {  	_ =	shalt  }
0x6c: {  	_ =	shalt  }
0x6d: {  	_ =	shalt  }
0x6e: {  	_ =	shalt  }
0x6f: {  	_ =	shalt  }
0x70: {  	_ =	shalt  }
0x71: {  	_ =	shalt  }
0x72: {  	_ =	shalt  }
0x73: {  	_ =	shalt  }
0x74: {  	_ =	shalt  }
0x75: {  	_ =	shalt  }
0x76: {  	_ =	shalt  }
0x77: {  	_ =	shalt  }
0x78: {  	_ =	shalt  }
0x79: {  	_ =	shalt  }
0x7a: {  	_ =	shalt  }
0x7b: {  	_ =	shalt  }
0x7c: {  	_ =	shalt  }
0x7d: {  	_ =	shalt  }
0x7e: {  	_ =	shalt  }
0x7f: {  	_ =	shalt  }
0x80: {  	_ =	shalt  }
0x81: {  	_ =	shalt  }
0x82: {  	_ =	shalt  }
0x83: {  	_ =	shalt  }
0x84: {  	_ =	shalt  }
0x85: {  	_ =	shalt  }
0x86: {  	_ =	shalt  }
0x87: {  	_ =	shalt  }
.Lfunc_end0:
.L_simem_size_0:
called_computation.1_lowered:
.L_overlay_start_0:
0x88: {  	s2 =	sld [smem:$0x3FD9]  }
0x89: {  	s3 =	sld [smem:$0x3FFE];
	_ =	sdelay $0x1  }
0x8a: {  	s1 =	srdreg.scid  }
0x8b: {  	s0 =	sand.u32 $0x1, s1  }
0x8c: {  	s17 =	sshll.u32 s0, $0xA;
	s2 =	sadd.s32 s3, s2  }
0x8d: {  	s2 =	sadd.s32 s2, s17  }
0x8e: {  	[smem:$0x3FBF] =	sst s2  }
0x8f: {  	_ = 	snop  }
0x90: {  	s2 =	sld [smem:$0x3FD0];
	(tm) =	ssettm $0x1  }
0x91: {  	s18 =	sld [smem:$0x3FFB];
	_ =	sdelay $0x3  }
0x92: {  	_ =	strace s18  }
0x93: {  	s3 =	sld [smem:$0x3FFC];
	_ =	sdelay $0x3  }
0x94: {  	_ =	strace s3  }
0x95: {  	s3 =	sld [smem:$0x3FFD];
	_ =	sdelay $0x3  }
0x96: {  	_ =	strace s3  }
0x97: {  	_ =	strace $0x8FFFFFFF  }
0x98: {  	s19 =	sld [smem:$0x3FDB];
	_ =	sdelay $0x1  }
0x99: {  	s4 =	simm.s32 $_scs_section_size  }
0x9a: {  	s5 =	simm.s32 $_size__tile_overlayer_lowered;
	s6 =	simm.s32 $_tile_overlayer_lowered  }
0x9b: {  	s22 =	simm.s32 $0x1BFF;
	s21 =	sshll.u32 s6, $0x1;
	s3 =	sadd.s32 s4, s19  }
0x9c: {  	s7 =	simm.s32 $0x0;
	s20 =	sshll.u32 s5, $0x1;
	s5 =	sadd.s32 s21, s3  }
0x9d: {  	[timem:s7], [sflag:s22] =	dma.local [hbm:s5], s20  }
0x9e: {  	_ =	swait.ge [sflag:s22], s20  }
0x9f: {  	s4 =	ssub.s32 $0x0, s20;
	[sflag:s22] =	ssyncset.done $0x0  }
0xa0: {  	[sflag:s22] =	ssyncadd.s32 s4;
	_ =	sdelay $0x1  }
0xa1: {  	s23 =	simm.s32 $0x1B8B  }
0xa2: {  	_ =	swait.ge [sflag:s23], $0x1  }
0xa3: {  	[sflag:s23] =	ssyncset.done $0x0  }
0xa4: {  	s25 =	simm.s32 $0x1B8E;
	s24 =	sld [smem:$0x3FFE];
	[sflag:s23] =	ssyncadd.s32 $0xFFFFFFFF  }
0xa5: {  	s26 =	simm.s32 $execute0_lowered;
	[smem:$0x3FD2] =	sst s25  }
0xa6: {  	s5 =	sshll.u32 s26, $0x1;
	_ =	strace $0x80000049;
	[dreg:$0x1] =	wrdreg $0xFFFFFFFF  }
0xa7: {  	s28 =	simm.s32 $_size_execute0_lowered;
	s3 =	sadd.s32 s3, s5;
	[dreg:$0x0] =	wrdreg $0x0  }
0xa8: {  	s5 =	sshll.u32 s28, $0x1;
	[dreg:$0x2] =	wrdreg s3  }
0xa9: {  	[dreg:$0x3] =	wrdreg s5  }
0xaa: {  	[dreg:$0x4] =	wrdreg $0xC0  }
0xab: {  	_ =	task [dreg:s7], $0x5FFFF  }
0xac: {  	[dreg:$0x1] =	wrdreg $0xFFFFFFFF  }
0xad: {  	[dreg:$0x0] =	wrdreg $0x60  }
0xae: {  	[dreg:$0x2] =	wrdreg s24  }
0xaf: {  	[dreg:$0x3] =	wrdreg s2  }
0xb0: {  	[dreg:$0x4] =	wrdreg $0xA8000  }
0xb1: {  	[dreg:$0x5] =	wrdreg $0x9  }
0xb2: {  	_ =	task.clear_ibuf [dreg:s7], $0x6FFFF;
	_ =	strace $0x90000049  }
0xb3: {  	s29 =	simm.s32 $0x9;
	_ =	strace $0x8000004B  }
0xb4: {  	_ =	swait.ge [sflag:s29], $0x1  }
0xb5: {  	[sflag:s29] =	ssyncadd.s32 $0xFFFFFFFF  }
0xb6: {  	_ =	strace $0x9000004B  }
0xb7: {  	_ =	sfence  }
0xb8: {  	s30 =	sld [smem:$0x0];
	_ =	sdelay $0x2  }
0xb9: {  	s31 =	sshll.u32 s1, $0xD;
	s1 =	sshrl.u32 s1, $0x2  }
0xba: {  	s3 =	sand.u32 $0x4000, s31;
	s1 =	sadd.s32 s1, s30  }
0xbb: {  	s0 =	sor.u32 s3, s0;
	s1 =	sshll.u32 s1, $0x11  }
0xbc: {  	s0 =	sor.u32 s1, s0  }
0xbd: {  	s0 =	sadd.s32 $0x8F2B, s0  }
0xbe: {  	[sflag:s0] =	ssyncadd.remote.s32 $0x1  }
0xbf: {  	_ =	sfence.sel $0xFFFF  }
0xc0: {  	[dreg:$0x0] =	wrdreg $0xFFFFFFFF;
	(pc) =	sbr.abs _section_cstart, $3  }
0xc1: {  	[dreg:$0x1] =	wrdreg $0xFFFFFFFF  }
0xc2: {  	_ =	task.clear_ibuf [dreg:s7], $0x2FFFF;
	_ =	strace $0x9FFFFFFF  }
0xc3: {  	(tm) =	ssettm $0x7FFFFFFF  }
tec
execute0_lowered:
.L_overlay_start_1:
0x0: {  	(tag) =	ssettag $0x1  }
0x1: {  	s5 =	rddreg [dreg:$0x0]  }
0x2: {  	s9 =	rddreg [dreg:$0x1]  }
0x3: {  	s2 =	rddreg [dreg:$0x2]  }
0x4: {  	s0 =	rddreg [dreg:$0x3];
	s3 =	simm.s32 $0x0;
	s1 =	stileid.u32  }
0x5: {  	s7 =	srdreg.scid;
	s17 =	simm.s32 $0x2800;
	s18 =	simm.s32 $0x1  }
0x6: {  	s19 =	simm.s32 $0x6800;
	s20 =	simm.s32 $0x2;
	s21 =	simm.s32 $0x100  }
0x7: {  	s22 =	simm.s32 $0x1480;
	s23 =	simm.s32 $0x3;
	s24 =	simm.s32 $0x1380  }
0x8: {  	s28 =	simm.s32 $0x0;
	[smem:$0x7FF] =	sst s3;
	s6 =	smul.u32 $0x2800, s1  }
0x9: {  	s4 =	sadd.s32 $0x34200, s5;
	s7 =	sand.u32 $0x1, s7;
	s10 =	sadd.s32 $0x2200, s5  }
0xa: {  	s12 =	smul.u32 $0x50000, s1;
	s13 =	sshll.u32 s1, $0x2;
	s29 =	sshll.u32 s1, $0x6  }
0xb: {  	_ =	strace $0x8000004A;
	s11 =	smul.u32 $0x28000, s7;
	s14 =	sshll.u32 s7, $0x1  }
0xc: {  	s7 =	ssub.s32 $0x2, s7;
	s8 =	sadd.s32 s6, s5;
	s25 =	sor.u32 s14, s13  }
0xd: {  	s26 =	sshrl.u32 s7, $0x1;
	s12 =	sshrl.u32 s12, $0x2;
	s6 =	sadd.s32 s6, s11  }
0xe: {  	s14 =	smul.u32 $0x1400, s25;
	s13 =	ssub.s32 s7, s26;
	s16 =	sadd.s32 s12, s2  }
0xf: {  	s11 =	smul.u32 $0x280, s25;
	s25 =	simm.s32 $0x2700;
	s26 =	simm.s32 $0x2780  }
0x10: {  	s15 =	sadd.s32 s6, s5;
	s5 =	sadd.s32 $0xC200, s8;
	s6 =	sor.u32 $0x1C04, s29  }
0x11: {  	s12 =	smax.u32 s13, $0x1;
	s13 =	sshrl.u32 s16, $0x3;
	s16 =	simm.s32 $0x80  }
0x12: {  	s30 =	sshrl.u32 s14, $0x3;
	s7 =	sadd.s32 s9, s11;
	s8 =	sadd.s32 s10, s11  }
0x13: {  	s11 =	sadd.s32 $0x5C200, s15;
	s14 =	simm.s32 $0x4;
	s31 =	sadd.s32 $0x280, s30  }
0x14: {  	s15 =	simm.s32 $0x1400;
	s9 =	sadd.s32 s9, s31;
	s10 =	sadd.s32 s10, s31  }
.LBB2_1:
0x15: {  	[spmem:s13], [sflag:s6] =	dma.local [hbm:s5], $0x2800  }
0x16: {  	_ =	swait.ge [sflag:s14], $0x2800  }
0x17: {  	[sflag:s14] =	ssyncset.done $0x0  }
0x18: {  	[sflag:s14] =	ssyncadd.s32 $0xFFFFD800  }
0x19: {  	[bflag:$0x0] =	sbarrier.arrive $0xFFFF  }
0x1a: {  	[tilespmem:s3], [sflag:$0x4] =	stream.linear.gather [hbm4b:s7+s3], $0x1400, $0x38;
	[tilespmem:$0x1E800] =	vst v63  }
0x1b: {  	_ =	swait.ge [sflag:s14], $0x1400  }
0x1c: {  	[sflag:s14] =	ssyncset.done $0x0  }
0x1d: {  	[sflag:s14] =	ssyncadd.s32 $0xFFFFEC00  }
0x1e: {  	[tilespmem:s15], [sflag:$0x4] =	stream.linear.gather [hbm4b:s8+s3], $0x1400, $0x38;
	[tilespmem:$0x1E800] =	vst v63  }
0x1f: {  	_ =	swait.ge [sflag:s14], $0x1400  }
0x20: {  	[sflag:s14] =	ssyncset.done $0x0  }
0x21: {  	[sflag:s14] =	ssyncadd.s32 $0xFFFFEC00  }
0x22: {  	[tilespmem:s17], [sflag:$0x1] =	stream.indirect.gather [hbm4b:s4+s16], $0x80, s3, s16, $0xb8;
	[tilespmem:$0x1E800] =	vst v63  }
0x23: {  	_ =	swait.ge [sflag:s18], $0x4000  }
0x24: {  	[sflag:s18] =	ssyncset.done $0x0  }
0x25: {  	[sflag:s18] =	ssyncadd.s32 $0xFFFFC000  }
0x26: {  	[tilespmem:s19], [sflag:$0x1] =	stream.indirect.gather [hbm4b:s4+s16], $0x80, s16, s16, $0xb8;
	[tilespmem:$0x1E800] =	vst v63  }
0x27: {  	_ = 	snop  }
0x28: {  	[spmem:s2] =	stream.indirect.scatter.add.f32 [tilespmem:s17], [sflag:$0x2], $0x80, s15, s16, $0xb8;
	[tilespmem:$0x1E800] =	vst v63  }
0x29: {  	_ =	swait.ge [sflag:s18], $0x4000  }
0x2a: {  	[sflag:s18] =	ssyncset.done $0x0  }
0x2b: {  	[sflag:s18] =	ssyncadd.s32 $0xFFFFC000  }
0x2c: {  	_ =	swait.ge [sflag:s20], $0x4000  }
0x2d: {  	[sflag:s20] =	ssyncset.done $0x0  }
0x2e: {  	[sflag:s20] =	ssyncadd.s32 $0xFFFFC000  }
0x2f: {  	[tilespmem:s17], [sflag:$0x1] =	stream.indirect.gather [hbm4b:s4+s16], $0x80, s21, s16, $0xb8;
	[tilespmem:$0x1E800] =	vst v63  }
0x30: {  	_ = 	snop  }
0x31: {  	[spmem:s2] =	stream.indirect.scatter.add.f32 [tilespmem:s19], [sflag:$0x3], $0x80, s22, s16, $0xb8;
	[tilespmem:$0x1E800] =	vst v63  }
0x32: {  	_ =	swait.ge [sflag:s18], $0x4000  }
0x33: {  	[sflag:s18] =	ssyncset.done $0x0  }
0x34: {  	[sflag:s18] =	ssyncadd.s32 $0xFFFFC000  }
0x35: {  	_ =	swait.ge [sflag:s23], $0x4000  }
0x36: {  	[sflag:s23] =	ssyncset.done $0x0  }
0x37: {  	s29 =	simm.s32 $0x180;
	[sflag:s23] =	ssyncadd.s32 $0xFFFFC000  }
0x38: {  	[tilespmem:s19], [sflag:$0x1] =	stream.indirect.gather [hbm4b:s4+s16], $0x80, s29, s16, $0xb8;
	[tilespmem:$0x1E800] =	vst v63  }
0x39: {  	s29 =	simm.s32 $0x1500  }
0x3a: {  	[spmem:s2] =	stream.indirect.scatter.add.f32 [tilespmem:s17], [sflag:$0x2], $0x80, s29, s16, $0xb8;
	[tilespmem:$0x1E800] =	vst v63  }
0x3b: {  	_ =	swait.ge [sflag:s18], $0x4000  }
0x3c: {  	[sflag:s18] =	ssyncset.done $0x0  }
0x3d: {  	[sflag:s18] =	ssyncadd.s32 $0xFFFFC000  }
0x3e: {  	_ =	swait.ge [sflag:s20], $0x4000  }
0x3f: {  	[sflag:s20] =	ssyncset.done $0x0  }
0x40: {  	s29 =	simm.s32 $0x200;
	[sflag:s20] =	ssyncadd.s32 $0xFFFFC000  }
0x41: {  	[tilespmem:s17], [sflag:$0x1] =	stream.indirect.gather [hbm4b:s4+s16], $0x80, s29, s16, $0xb8;
	[tilespmem:$0x1E800] =	vst v63  }
0x42: {  	s30 =	simm.s32 $0x1580;
	s29 =	simm.s32 $0xFFFFBC00  }
.LBB2_2:
0x43: {  	[spmem:s2] =	stream.indirect.scatter.add.f32 [tilespmem:s19], [sflag:$0x3], $0x80, s30, s16, $0xb8;
	[tilespmem:$0x1E800] =	vst v63  }
0x44: {  	s30 =	smov.u32 s29  }
0x45: {  	p0 =	sne.s32 s29, $0xFFFFFC00;
	s29 =	sadd.s32 $0x400, s29;
	_ =	swait.ge [sflag:s18], $0x4000  }
0x46: {  	[sflag:s18] =	ssyncset.done $0x0  }
0x47: {  	[sflag:s18] =	ssyncadd.s32 $0xFFFFC000  }
0x48: {  	_ =	swait.ge [sflag:s23], $0x4000  }
0x49: {  	s30 =	sshra.s32 s30, $0x2;
	[sflag:s23] =	ssyncset.done $0x0  }
0x4a: {  	s31 =	sadd.s32 $0x1380, s30;
	[sflag:s23] =	ssyncadd.s32 $0xFFFFC000  }
0x4b: {  	[tilespmem:s19], [sflag:$0x1] =	stream.indirect.gather [hbm4b:s4+s16], $0x80, s31, s16, $0xb8;
	[tilespmem:$0x1E800] =	vst v63  }
0x4c: {  	s31 =	sadd.s32 $0x2700, s30  }
0x4d: {  	[spmem:s2] =	stream.indirect.scatter.add.f32 [tilespmem:s17], [sflag:$0x2], $0x80, s31, s16, $0xb8;
	[tilespmem:$0x1E800] =	vst v63  }
0x4e: {  	_ =	swait.ge [sflag:s18], $0x4000  }
0x4f: {  	[sflag:s18] =	ssyncset.done $0x0  }
0x50: {  	[sflag:s18] =	ssyncadd.s32 $0xFFFFC000  }
.Ltmp0:
0x51: {  	_ =	swait.ge [sflag:s20], $0x4000;
	(pc) =	sbr.rel @p0 .LBB2_2-.Ltmp0, $4  }
0x52: {  	[sflag:s20] =	ssyncset.done $0x0  }
0x53: {  	s31 =	sadd.s32 $0x1400, s30;
	[sflag:s20] =	ssyncadd.s32 $0xFFFFC000  }
0x54: {  	[tilespmem:s17], [sflag:$0x1] =	stream.indirect.gather [hbm4b:s4+s16], $0x80, s31, s16, $0xb8;
	[tilespmem:$0x1E800] =	vst v63  }
0x55: {  	s30 =	sadd.s32 $0x2780, s30  }
0x56: {  	[spmem:s2] =	stream.indirect.scatter.add.f32 [tilespmem:s19], [sflag:$0x3], $0x80, s30, s16, $0xb8;
	[tilespmem:$0x1E800] =	vst v63  }
0x57: {  	_ =	swait.ge [sflag:s18], $0x4000  }
0x58: {  	[sflag:s18] =	ssyncset.done $0x0  }
0x59: {  	[sflag:s18] =	ssyncadd.s32 $0xFFFFC000  }
0x5a: {  	_ =	swait.ge [sflag:s23], $0x4000  }
0x5b: {  	[sflag:s23] =	ssyncset.done $0x0  }
0x5c: {  	[sflag:s23] =	ssyncadd.s32 $0xFFFFC000  }
0x5d: {  	[tilespmem:s19], [sflag:$0x1] =	stream.indirect.gather [hbm4b:s4+s16], $0x80, s24, s16, $0xb8;
	[tilespmem:$0x1E800] =	vst v63  }
0x5e: {  	_ = 	snop  }
0x5f: {  	[spmem:s2] =	stream.indirect.scatter.add.f32 [tilespmem:s17], [sflag:$0x2], $0x80, s25, s16, $0xb8;
	[tilespmem:$0x1E800] =	vst v63  }
0x60: {  	_ =	swait.ge [sflag:s18], $0x4000  }
0x61: {  	[sflag:s18] =	ssyncset.done $0x0  }
0x62: {  	[sflag:s18] =	ssyncadd.s32 $0xFFFFC000  }
0x63: {  	_ =	swait.ge [sflag:s20], $0x4000  }
0x64: {  	[sflag:s20] =	ssyncset.done $0x0  }
0x65: {  	[sflag:s20] =	ssyncadd.s32 $0xFFFFC000  }
0x66: {  	[spmem:s2] =	stream.indirect.scatter.add.f32 [tilespmem:s19], [sflag:$0x3], $0x80, s26, s16, $0xb8;
	[tilespmem:$0x1E800] =	vst v63  }
0x67: {  	_ =	swait.ge [sflag:s23], $0x4000  }
0x68: {  	[sflag:s23] =	ssyncset.done $0x0  }
0x69: {  	[sflag:s23] =	ssyncadd.s32 $0xFFFFC000  }
0x6a: {  	[tilespmem:s3], [sflag:$0x4] =	stream.linear.gather [hbm4b:s9+s3], $0x1400, $0x38;
	[tilespmem:$0x1E800] =	vst v63  }
0x6b: {  	_ =	swait.ge [sflag:s14], $0x1400  }
0x6c: {  	[sflag:s14] =	ssyncset.done $0x0  }
0x6d: {  	[sflag:s14] =	ssyncadd.s32 $0xFFFFEC00  }
0x6e: {  	[tilespmem:s15], [sflag:$0x4] =	stream.linear.gather [hbm4b:s10+s3], $0x1400, $0x38;
	[tilespmem:$0x1E800] =	vst v63  }
0x6f: {  	_ =	swait.ge [sflag:s14], $0x1400  }
0x70: {  	[sflag:s14] =	ssyncset.done $0x0  }
0x71: {  	[sflag:s14] =	ssyncadd.s32 $0xFFFFEC00  }
0x72: {  	[tilespmem:s17], [sflag:$0x1] =	stream.indirect.gather [hbm4b:s4+s16], $0x80, s3, s16, $0xb8;
	[tilespmem:$0x1E800] =	vst v63  }
0x73: {  	_ =	swait.ge [sflag:s18], $0x4000  }
0x74: {  	[sflag:s18] =	ssyncset.done $0x0  }
0x75: {  	[sflag:s18] =	ssyncadd.s32 $0xFFFFC000  }
0x76: {  	[tilespmem:s19], [sflag:$0x1] =	stream.indirect.gather [hbm4b:s4+s16], $0x80, s16, s16, $0xb8;
	[tilespmem:$0x1E800] =	vst v63  }
0x77: {  	_ = 	snop  }
0x78: {  	[spmem:s2] =	stream.indirect.scatter.add.f32 [tilespmem:s17], [sflag:$0x2], $0x80, s15, s16, $0xb8;
	[tilespmem:$0x1E800] =	vst v63  }
0x79: {  	_ =	swait.ge [sflag:s18], $0x4000  }
0x7a: {  	[sflag:s18] =	ssyncset.done $0x0  }
0x7b: {  	[sflag:s18] =	ssyncadd.s32 $0xFFFFC000  }
0x7c: {  	_ =	swait.ge [sflag:s20], $0x4000  }
0x7d: {  	[sflag:s20] =	ssyncset.done $0x0  }
0x7e: {  	[sflag:s20] =	ssyncadd.s32 $0xFFFFC000  }
0x7f: {  	[tilespmem:s17], [sflag:$0x1] =	stream.indirect.gather [hbm4b:s4+s16], $0x80, s21, s16, $0xb8;
	[tilespmem:$0x1E800] =	vst v63  }
0x80: {  	_ = 	snop  }
0x81: {  	[spmem:s2] =	stream.indirect.scatter.add.f32 [tilespmem:s19], [sflag:$0x3], $0x80, s22, s16, $0xb8;
	[tilespmem:$0x1E800] =	vst v63  }
0x82: {  	_ =	swait.ge [sflag:s18], $0x4000  }
0x83: {  	[sflag:s18] =	ssyncset.done $0x0  }
0x84: {  	[sflag:s18] =	ssyncadd.s32 $0xFFFFC000  }
0x85: {  	_ =	swait.ge [sflag:s23], $0x4000  }
0x86: {  	[sflag:s23] =	ssyncset.done $0x0  }
0x87: {  	s29 =	simm.s32 $0x180;
	[sflag:s23] =	ssyncadd.s32 $0xFFFFC000  }
0x88: {  	[tilespmem:s19], [sflag:$0x1] =	stream.indirect.gather [hbm4b:s4+s16], $0x80, s29, s16, $0xb8;
	[tilespmem:$0x1E800] =	vst v63  }
0x89: {  	s29 =	simm.s32 $0x1500  }
0x8a: {  	[spmem:s2] =	stream.indirect.scatter.add.f32 [tilespmem:s17], [sflag:$0x2], $0x80, s29, s16, $0xb8;
	[tilespmem:$0x1E800] =	vst v63  }
0x8b: {  	_ =	swait.ge [sflag:s18], $0x4000  }
0x8c: {  	[sflag:s18] =	ssyncset.done $0x0  }
0x8d: {  	[sflag:s18] =	ssyncadd.s32 $0xFFFFC000  }
0x8e: {  	_ =	swait.ge [sflag:s20], $0x4000  }
0x8f: {  	[sflag:s20] =	ssyncset.done $0x0  }
0x90: {  	s29 =	simm.s32 $0x200;
	[sflag:s20] =	ssyncadd.s32 $0xFFFFC000  }
0x91: {  	[tilespmem:s17], [sflag:$0x1] =	stream.indirect.gather [hbm4b:s4+s16], $0x80, s29, s16, $0xb8;
	[tilespmem:$0x1E800] =	vst v63  }
0x92: {  	s30 =	simm.s32 $0x1580;
	s29 =	simm.s32 $0xFFFFBC00  }
.LBB2_4:
0x93: {  	[spmem:s2] =	stream.indirect.scatter.add.f32 [tilespmem:s19], [sflag:$0x3], $0x80, s30, s16, $0xb8;
	[tilespmem:$0x1E800] =	vst v63  }
0x94: {  	s30 =	smov.u32 s29  }
0x95: {  	p0 =	sne.s32 s29, $0xFFFFFC00;
	s29 =	sadd.s32 $0x400, s29;
	_ =	swait.ge [sflag:s18], $0x4000  }
0x96: {  	[sflag:s18] =	ssyncset.done $0x0  }
0x97: {  	[sflag:s18] =	ssyncadd.s32 $0xFFFFC000  }
0x98: {  	_ =	swait.ge [sflag:s23], $0x4000  }
0x99: {  	s30 =	sshra.s32 s30, $0x2;
	[sflag:s23] =	ssyncset.done $0x0  }
0x9a: {  	s31 =	sadd.s32 $0x1380, s30;
	[sflag:s23] =	ssyncadd.s32 $0xFFFFC000  }
0x9b: {  	[tilespmem:s19], [sflag:$0x1] =	stream.indirect.gather [hbm4b:s4+s16], $0x80, s31, s16, $0xb8;
	[tilespmem:$0x1E800] =	vst v63  }
0x9c: {  	s31 =	sadd.s32 $0x2700, s30  }
0x9d: {  	[spmem:s2] =	stream.indirect.scatter.add.f32 [tilespmem:s17], [sflag:$0x2], $0x80, s31, s16, $0xb8;
	[tilespmem:$0x1E800] =	vst v63  }
0x9e: {  	_ =	swait.ge [sflag:s18], $0x4000  }
0x9f: {  	[sflag:s18] =	ssyncset.done $0x0  }
0xa0: {  	[sflag:s18] =	ssyncadd.s32 $0xFFFFC000  }
.Ltmp1:
0xa1: {  	_ =	swait.ge [sflag:s20], $0x4000;
	(pc) =	sbr.rel @p0 .LBB2_4-.Ltmp1, $4  }
0xa2: {  	[sflag:s20] =	ssyncset.done $0x0  }
0xa3: {  	s31 =	sadd.s32 $0x1400, s30;
	[sflag:s20] =	ssyncadd.s32 $0xFFFFC000  }
0xa4: {  	[tilespmem:s17], [sflag:$0x1] =	stream.indirect.gather [hbm4b:s4+s16], $0x80, s31, s16, $0xb8;
	[tilespmem:$0x1E800] =	vst v63  }
0xa5: {  	s30 =	sadd.s32 $0x2780, s30  }
0xa6: {  	[spmem:s2] =	stream.indirect.scatter.add.f32 [tilespmem:s19], [sflag:$0x3], $0x80, s30, s16, $0xb8;
	[tilespmem:$0x1E800] =	vst v63  }
0xa7: {  	_ =	swait.ge [sflag:s18], $0x4000  }
0xa8: {  	[sflag:s18] =	ssyncset.done $0x0  }
0xa9: {  	[sflag:s18] =	ssyncadd.s32 $0xFFFFC000  }
0xaa: {  	_ =	swait.ge [sflag:s23], $0x4000  }
0xab: {  	[sflag:s23] =	ssyncset.done $0x0  }
0xac: {  	[sflag:s23] =	ssyncadd.s32 $0xFFFFC000  }
0xad: {  	[tilespmem:s19], [sflag:$0x1] =	stream.indirect.gather [hbm4b:s4+s16], $0x80, s24, s16, $0xb8;
	[tilespmem:$0x1E800] =	vst v63  }
0xae: {  	_ = 	snop  }
0xaf: {  	[spmem:s2] =	stream.indirect.scatter.add.f32 [tilespmem:s17], [sflag:$0x2], $0x80, s25, s16, $0xb8;
	[tilespmem:$0x1E800] =	vst v63  }
0xb0: {  	_ =	swait.ge [sflag:s18], $0x4000  }
0xb1: {  	[sflag:s18] =	ssyncset.done $0x0  }
0xb2: {  	[sflag:s18] =	ssyncadd.s32 $0xFFFFC000  }
0xb3: {  	_ =	swait.ge [sflag:s20], $0x4000  }
0xb4: {  	[sflag:s20] =	ssyncset.done $0x0  }
0xb5: {  	[sflag:s20] =	ssyncadd.s32 $0xFFFFC000  }
0xb6: {  	[spmem:s2] =	stream.indirect.scatter.add.f32 [tilespmem:s19], [sflag:$0x3], $0x80, s26, s16, $0xb8;
	[tilespmem:$0x1E800] =	vst v63  }
0xb7: {  	_ =	swait.ge [sflag:s23], $0x4000  }
0xb8: {  	s28 =	sadd.s32 $0x1, s28;
	[sflag:s23] =	ssyncset.done $0x0  }
0xb9: {  	p0 =	sne.s32 s28, s12;
	[sflag:s23] =	ssyncadd.s32 $0xFFFFC000  }
.Ltmp2:
0xba: {  	[bflag:$0x0] =	sbarrier.arrive $0xFFFF;
	(pc) =	sbr.rel @p0 .LBB2_1-.Ltmp2, $4  }
0xbb: {  	[hbm:s11], [sflag:s6] =	dma.local [spmem:s13], $0x2800  }
0xbc: {  	_ =	swait.ge [sflag:s14], $0x2800  }
0xbd: {  	[sflag:s14] =	ssyncset.done $0x0  }
0xbe: {  	[sflag:s14] =	ssyncadd.s32 $0xFFFFD800  }
0xbf: {  	_ =	sfence.sel $0x180000  }
0xc0: {  	[bflag:$0x0] =	sbarrier.arrive $0xFFFF  }
0xc1: {  	p0 =	sne.s32 s1, $0x0;
	_ =	strace $0x9000004A  }
0xc2: {  	s0 =	sadd.s32 @!p0 $0x100000, s0;
	[bflag:$0x2] =	sbarrier.arrive $0xFFFF  }
0xc3: {  	[sflag:s0] =	ssyncadd.tile.s32 @!p0 $0x1;
	_ =	shalt  }
.Lfunc_end2:
_tile_overlayer_lowered:
.L_overlay_start_2:
0xc4: {  	(tag) =	ssettag $0x2  }
0xc5: {  	s0 =	rddreg [dreg:$0x0];
	s2 =	stileid.u32  }
0xc6: {  	s1 =	rddreg [dreg:$0x1];
	p0 =	sne.s32 s2, $0x0  }
0xc7: {  	s3 =	rddreg [dreg:$0x2];
	[bflag:$0x3] =	sbarrier.arrive $0xFFFF;
	s2 =	simm.s32 @!p0 $0x1C04  }
0xc8: {  	[timem:s3], [sflag:s2] =	dma.local @!p0 [hbm:s0], s1  }
0xc9: {  	s0 =	simm.s32 @!p0 $0x4  }
0xca: {  	_ =	swait.ge @!p0 [sflag:s0], s1  }
0xcb: {  	s1 =	ssub.s32 @!p0 $0x0, s1;
	[sflag:s0] =	ssyncset.done @!p0 $0x0  }
0xcc: {  	[sflag:s0] =	ssyncadd.s32 @!p0 s1  }
0xcd: {  	[bflag:$0x3] =	sbarrier.arrive $0xFFFF  }
0xce: {  	_ =	shalt  }

// kernel: kernel.14.cloned.1.call-start
scs
__scs_entry_jumppad:
0x0: {  	(pc) =	sbr.rel $0x88, $3  }
0x1: {  	(tag) =	ssettag $0x0;
	lr =	simm.s32 $0x1  }
0x2: {  	[smem:$0x3F98] =	sst lr;
	_ =	strace $0xD0000000  }
0x3: {  	_ = 	snop  }
0x4: {  	_ = 	snop  }
0x5: {  	_ = 	snop  }
0x6: {  	_ = 	snop  }
0x7: {  	_ = 	snop  }
__scs_overlays_trampoline_lowered:
0x8: {  	[smem:$0x3FA7] =	sst s0  }
0x9: {  	[smem:$0x3FA8] =	sst s1  }
0xa: {  	[smem:$0x3FA9] =	sst s2  }
0xb: {  	[smem:$0x3FAA] =	sst s3  }
0xc: {  	[smem:$0x3FAB] =	sst s4  }
0xd: {  	[smem:$0x3FAC] =	sst s5  }
0xe: {  	[smem:$0x3FAD] =	sst s6  }
0xf: {  	[smem:$0x3FAE] =	sst s7  }
0x10: {  	[smem:$0x3FAF] =	sst s8  }
0x11: {  	[smem:$0x3FB0] =	sst s9;
	s0 =	simm.s32 @!p0 $0x0  }
0x12: {  	s1 =	sld [smem:$0x3F96];
	s0 =	simm.s32 @p0 $0x1  }
0x13: {  	[smem:$0x3FB1] =	sst s0;
	s0 =	simm.s32 @!p1 $0x0  }
0x14: {  	s2 =	sld [smem:$0x3F95];
	s0 =	simm.s32 @p1 $0x1  }
0x15: {  	[smem:$0x3FB2] =	sst s0;
	s0 =	simm.s32 @!p2 $0x0  }
0x16: {  	s3 =	sld [smem:$0x3FDB];
	s0 =	simm.s32 @p2 $0x1  }
0x17: {  	s4 =	simm.s32 $0x1BF5;
	[smem:$0x3FB4] =	sst s0  }
0x18: {  	s0 =	sld [smem:$0x3F97];
	_ =	swait.ge [sflag:s4], $0x0  }
0x19: {  	s7 =	sld [smem:$0x3F98]  }
0x1a: {  	s8 =	sadd.s32 $0xFFFFE003, lr  }
0x1b: {  	s9 =	sadd.s32 $0xFFFFFEF7, lr;
	s5 =	simm.s32 $0xFFFFFFFF;
	p2 =	slt.u32 s8, $0xFFFFF086  }
0x1c: {  	p1 =	slt.u32 s9, $0xF7A;
	s5 =	simm.s32 @!p2 $0x0  }
0x1d: {  	s5 =	simm.s32 @p1 $0x1;
	p0 =	seq.s32 s7, s2  }
0x1e: {  	s7 =	smul.u32 @!p0 $0xF7A, s2;
	p2 =	seq.s32 @!p0 s5, $0x0  }
0x1f: {  	s9 =	smul.u32 $0xF7A, s1;
	s8 =	simm.s32 @!p0 $0x1BF5;
	p2 =	por !p2, p0  }
0x20: {  	[sflag:s8] =	ssyncset.s32 @!p0 $0xFFFFF086;
	s6 =	sadd.s32 @!p0 s3, s7;
	s7 =	simm.s32 @!p0 $0x108  }
0x21: {  	s3 =	sadd.s32 s3, s9;
	s6 =	sadd.s32 @!p0 $0x88, s6;
	s7 =	simm.s32 @p2 $0x1082  }
0x22: {  	[simem:s7], [sflag:s8] =	dma.local @!p0 [hbm:s6], $0xF7A  }
0x23: {  	s9 =	sor.u32 $0xD0000000, s2;
	s6 =	simm.s32 $0x108;
	_ =	swait.ge @!p0 [sflag:s8], $0x0  }
0x24: {  	s3 =	sadd.s32 $0x88, s3;
	s6 =	simm.s32 @!p1 $0x1082;
	[sflag:s4] =	ssyncset.s32 $0xFFFFF086  }
0x25: {  	[simem:s6], [sflag:s4] =	dma.local [hbm:s3], $0xF7A  }
0x26: {  	[smem:$0x3F98] =	sst s1;
	(tag) =	ssettag s2;
	_ =	strace s9  }
0x27: {  	s1 =	sld [smem:$0x3FA8]  }
0x28: {  	s2 =	sld [smem:$0x3FA9]  }
0x29: {  	s4 =	sld [smem:$0x3FAB]  }
0x2a: {  	p0 =	seq.s32 s5, $0x0;
	s5 =	sld [smem:$0x3FAC]  }
0x2b: {  	s6 =	sld [smem:$0x3FAD]  }
0x2c: {  	s7 =	sld [smem:$0x3FAE]  }
0x2d: {  	s3 =	simm.s32 $0x108;
	s8 =	sld [smem:$0x3FAF]  }
0x2e: {  	s3 =	simm.s32 @!p0 $0x1082;
	s9 =	sld [smem:$0x3FB0]  }
0x2f: {  	lr =	sadd.s32 s0, s3;
	s0 =	sld [smem:$0x3FA7]  }
0x30: {  	s3 =	sld [smem:$0x3FAA]  }
0x31: {  	[smem:$0x3FB3] =	sst s10  }
0x32: {  	s10 =	sld [smem:$0x3FB1];
	_ =	sdelay $0x3  }
0x33: {  	p0 =	seq.s32 s10, $0x1;
	s10 =	sld [smem:$0x3FB3];
	_ =	sdelay $0x3  }
0x34: {  	[smem:$0x3FB3] =	sst s10  }
0x35: {  	s10 =	sld [smem:$0x3FB2];
	_ =	sdelay $0x3  }
0x36: {  	p1 =	seq.s32 s10, $0x1;
	s10 =	sld [smem:$0x3FB3];
	_ =	sdelay $0x3  }
0x37: {  	[smem:$0x3FB3] =	sst s10  }
0x38: {  	s10 =	sld [smem:$0x3FB4]  }
0x39: {  	_ = 	snop;
	(pc) =	sbr.ind lr, $3  }
0x3a: {  	_ = 	snop  }
0x3b: {  	_ = 	snop  }
0x3c: {  	p2 =	seq.s32 s10, $0x1;
	s10 =	sld [smem:$0x3FB3]  }
0x3d: {  	_ =	shalt  }
0x3e: {  	_ =	shalt  }
0x3f: {  	_ =	shalt  }
0x40: {  	_ =	shalt  }
0x41: {  	_ =	shalt  }
0x42: {  	_ =	shalt  }
0x43: {  	_ =	shalt  }
0x44: {  	_ =	shalt  }
0x45: {  	_ =	shalt  }
0x46: {  	_ =	shalt  }
0x47: {  	_ =	shalt  }
0x48: {  	_ =	shalt  }
0x49: {  	_ =	shalt  }
0x4a: {  	_ =	shalt  }
0x4b: {  	_ =	shalt  }
0x4c: {  	_ =	shalt  }
0x4d: {  	_ =	shalt  }
0x4e: {  	_ =	shalt  }
0x4f: {  	_ =	shalt  }
0x50: {  	_ =	shalt  }
0x51: {  	_ =	shalt  }
0x52: {  	_ =	shalt  }
0x53: {  	_ =	shalt  }
0x54: {  	_ =	shalt  }
0x55: {  	_ =	shalt  }
0x56: {  	_ =	shalt  }
0x57: {  	_ =	shalt  }
0x58: {  	_ =	shalt  }
0x59: {  	_ =	shalt  }
0x5a: {  	_ =	shalt  }
0x5b: {  	_ =	shalt  }
0x5c: {  	_ =	shalt  }
0x5d: {  	_ =	shalt  }
0x5e: {  	_ =	shalt  }
0x5f: {  	_ =	shalt  }
0x60: {  	_ =	shalt  }
0x61: {  	_ =	shalt  }
0x62: {  	_ =	shalt  }
0x63: {  	_ =	shalt  }
0x64: {  	_ =	shalt  }
0x65: {  	_ =	shalt  }
0x66: {  	_ =	shalt  }
0x67: {  	_ =	shalt  }
0x68: {  	_ =	shalt  }
0x69: {  	_ =	shalt  }
0x6a: {  	_ =	shalt  }
0x6b: {  	_ =	shalt  }
0x6c: {  	_ =	shalt  }
0x6d: {  	_ =	shalt  }
0x6e: {  	_ =	shalt  }
0x6f: {  	_ =	shalt  }
0x70: {  	_ =	shalt  }
0x71: {  	_ =	shalt  }
0x72: {  	_ =	shalt  }
0x73: {  	_ =	shalt  }
0x74: {  	_ =	shalt  }
0x75: {  	_ =	shalt  }
0x76: {  	_ =	shalt  }
0x77: {  	_ =	shalt  }
0x78: {  	_ =	shalt  }
0x79: {  	_ =	shalt  }
0x7a: {  	_ =	shalt  }
0x7b: {  	_ =	shalt  }
0x7c: {  	_ =	shalt  }
0x7d: {  	_ =	shalt  }
0x7e: {  	_ =	shalt  }
0x7f: {  	_ =	shalt  }
0x80: {  	_ =	shalt  }
0x81: {  	_ =	shalt  }
0x82: {  	_ =	shalt  }
0x83: {  	_ =	shalt  }
0x84: {  	_ =	shalt  }
0x85: {  	_ =	shalt  }
0x86: {  	_ =	shalt  }
0x87: {  	_ =	shalt  }
.Lfunc_end0:
.L_simem_size_0:
called_computation.2_lowered:
.L_overlay_start_0:
0x88: {  	s2 =	sld [smem:$0x3FD9]  }
0x89: {  	s3 =	sld [smem:$0x3FFE];
	_ =	sdelay $0x1  }
0x8a: {  	s1 =	srdreg.scid  }
0x8b: {  	s0 =	sand.u32 $0x1, s1  }
0x8c: {  	s16 =	sshll.u32 s0, $0xA;
	s2 =	sadd.s32 s3, s2  }
0x8d: {  	s2 =	sadd.s32 s2, s16  }
0x8e: {  	[smem:$0x3FBF] =	sst s2  }
0x8f: {  	_ = 	snop  }
0x90: {  	(tm) =	ssettm $0x1  }
0x91: {  	s17 =	sld [smem:$0x3FFB];
	_ =	sdelay $0x3  }
0x92: {  	_ =	strace s17  }
0x93: {  	s2 =	sld [smem:$0x3FFC];
	_ =	sdelay $0x3  }
0x94: {  	_ =	strace s2  }
0x95: {  	s2 =	sld [smem:$0x3FFD];
	_ =	sdelay $0x3  }
0x96: {  	_ =	strace s2  }
0x97: {  	_ =	strace $0x8FFFFFFF  }
0x98: {  	s18 =	sld [smem:$0x3FDB];
	_ =	sdelay $0x1  }
0x99: {  	s19 =	simm.s32 $_scs_section_size  }
0x9a: {  	s4 =	simm.s32 $_size__tile_overlayer_lowered;
	s5 =	simm.s32 $_tile_overlayer_lowered  }
0x9b: {  	s22 =	simm.s32 $0x1BFF;
	s21 =	sshll.u32 s5, $0x1;
	s2 =	sadd.s32 s19, s18  }
0x9c: {  	s6 =	simm.s32 $0x0;
	s20 =	sshll.u32 s4, $0x1;
	s4 =	sadd.s32 s21, s2  }
0x9d: {  	[timem:s6], [sflag:s22] =	dma.local [hbm:s4], s20  }
0x9e: {  	_ =	swait.ge [sflag:s22], s20  }
0x9f: {  	s3 =	ssub.s32 $0x0, s20;
	[sflag:s22] =	ssyncset.done $0x0  }
0xa0: {  	[sflag:s22] =	ssyncadd.s32 s3;
	_ =	sdelay $0x1  }
0xa1: {  	s23 =	simm.s32 $0x1B8B  }
0xa2: {  	_ =	swait.ge [sflag:s23], $0x1  }
0xa3: {  	[sflag:s23] =	ssyncset.done $0x0  }
0xa4: {  	s25 =	simm.s32 $0x1B8E;
	s24 =	sld [smem:$0x3FFE];
	[sflag:s23] =	ssyncadd.s32 $0xFFFFFFFF  }
0xa5: {  	s26 =	simm.s32 $execute0_lowered;
	[smem:$0x3FD2] =	sst s25  }
0xa6: {  	s4 =	sshll.u32 s26, $0x1;
	_ =	strace $0x8000004C;
	[dreg:$0x1] =	wrdreg $0xFFFFFFFF  }
0xa7: {  	s28 =	simm.s32 $_size_execute0_lowered;
	s2 =	sadd.s32 s2, s4;
	[dreg:$0x0] =	wrdreg $0x0  }
0xa8: {  	s4 =	sshll.u32 s28, $0x1;
	[dreg:$0x2] =	wrdreg s2  }
0xa9: {  	[dreg:$0x3] =	wrdreg s4  }
0xaa: {  	[dreg:$0x4] =	wrdreg $0xC0  }
0xab: {  	_ =	task [dreg:s6], $0x5FFFF  }
0xac: {  	[dreg:$0x1] =	wrdreg $0xFFFFFFFF  }
0xad: {  	[dreg:$0x0] =	wrdreg $0x60  }
0xae: {  	[dreg:$0x2] =	wrdreg s24  }
0xaf: {  	[dreg:$0x3] =	wrdreg $0xA8000  }
0xb0: {  	[dreg:$0x4] =	wrdreg $0x9  }
0xb1: {  	_ =	task.clear_ibuf [dreg:s6], $0x5FFFF;
	_ =	strace $0x9000004C  }
0xb2: {  	s29 =	simm.s32 $0x9;
	_ =	strace $0x8000004E  }
0xb3: {  	_ =	swait.ge [sflag:s29], $0x1  }
0xb4: {  	[sflag:s29] =	ssyncadd.s32 $0xFFFFFFFF  }
0xb5: {  	_ =	strace $0x9000004E  }
0xb6: {  	_ =	sfence  }
0xb7: {  	s30 =	sld [smem:$0x0];
	_ =	sdelay $0x2  }
0xb8: {  	s31 =	sshll.u32 s1, $0xD;
	s1 =	sshrl.u32 s1, $0x2  }
0xb9: {  	s3 =	sand.u32 $0x4000, s31;
	s1 =	sadd.s32 s1, s30  }
0xba: {  	s0 =	sor.u32 s3, s0;
	s1 =	sshll.u32 s1, $0x11  }
0xbb: {  	s0 =	sor.u32 s1, s0  }
0xbc: {  	s0 =	sadd.s32 $0x8F2B, s0  }
0xbd: {  	[sflag:s0] =	ssyncadd.remote.s32 $0x1  }
0xbe: {  	_ =	sfence.sel $0xFFFF  }
0xbf: {  	[dreg:$0x0] =	wrdreg $0xFFFFFFFF;
	(pc) =	sbr.abs _section_cstart, $3  }
0xc0: {  	[dreg:$0x1] =	wrdreg $0xFFFFFFFF  }
0xc1: {  	_ =	task.clear_ibuf [dreg:s6], $0x2FFFF;
	_ =	strace $0x9FFFFFFF  }
0xc2: {  	(tm) =	ssettm $0x7FFFFFFF  }
0xc3: {  	_ =	shalt  }
tec
execute0_lowered:
.L_overlay_start_1:
0x0: {  	(tag) =	ssettag $0x1  }
0x1: {  	s0 =	rddreg [dreg:$0x0]  }
0x2: {  	s2 =	rddreg [dreg:$0x1]  }
0x3: {  	s14 =	stileid.u32;
	s3 =	simm.s32 $0x0;
	s4 =	srdreg.scid  }
0x4: {  	s28 =	simm.s32 $0x1;
	s29 =	simm.s32 $0x6800;
	s30 =	simm.s32 $0x2  }
0x5: {  	s31 =	simm.s32 $0x100;
	s1 =	smul.u32 $0x2800, s14;
	[smem:$0x7FF] =	sst s3  }
0x6: {  	s5 =	sand.u32 $0x1, s4;
	s6 =	smul.u32 $0x280, s14;
	s4 =	sadd.s32 $0xD4200, s0  }
0x7: {  	s8 =	sadd.s32 $0xAC200, s0;
	s10 =	sadd.s32 $0x2200, s0;
	s13 =	sshll.u32 s14, $0x1  }
0x8: {  	s9 =	smul.u32 $0x50000, s14;
	s17 =	sshll.u32 s14, $0x6;
	_ =	strace $0x8000004D  }
0x9: {  	s7 =	smul.u32 $0x2800, s5;
	s11 =	ssub.s32 $0x2, s5;
	s5 =	sor.u32 s5, s13  }
0xa: {  	s1 =	sadd.s32 s1, s0;
	s15 =	sshrl.u32 s11, $0x1;
	s12 =	smul.u32 $0x2800, s5  }
0xb: {  	s9 =	sshrl.u32 s9, $0x2;
	s5 =	smul.u32 $0x500, s5;
	s6 =	sadd.s32 s6, s7  }
0xc: {  	s13 =	ssub.s32 s11, s15;
	s16 =	sadd.s32 s9, s2;
	s7 =	sor.u32 $0x1C04, s17  }
0xd: {  	s6 =	sshll.u32 s6, $0x4;
	[dreg:$0x3] =	wrdreg s16;
	s12 =	sshrl.u32 s12, $0x3  }
0xe: {  	s19 =	sadd.s32 s8, s5;
	s9 =	sadd.s32 s10, s5;
	s5 =	simm.s32 $0x1380  }
0xf: {  	s0 =	sadd.s32 s6, s0;
	s6 =	sadd.s32 $0xC200, s1;
	s18 =	sadd.s32 $0x280, s12  }
0x10: {  	[dreg:$0x4] =	wrdreg s19;
	s22 =	sadd.s32 s8, s12;
	s1 =	simm.s32 $0x3  }
0x11: {  	s12 =	simm.s32 $0x0;
	s20 =	sadd.s32 s8, s18;
	s11 =	sadd.s32 s10, s18  }
0x12: {  	s21 =	sadd.s32 $0x174200, s0;
	s23 =	sadd.s32 $0xA000, s22;
	[dreg:$0x5] =	wrdreg s20  }
0x13: {  	s24 =	sadd.s32 $0xA280, s22;
	s25 =	sadd.s32 $0x1C4200, s0;
	[dreg:$0x6] =	wrdreg s21  }
0x14: {  	s26 =	sadd.s32 $0x14000, s22;
	s17 =	sadd.s32 $0x14280, s22;
	[dreg:$0x7] =	wrdreg s23  }
0x15: {  	s18 =	sadd.s32 $0x214200, s0;
	s19 =	sadd.s32 $0x1E000, s22;
	[dreg:$0x8] =	wrdreg s24  }
0x16: {  	s8 =	simm.s32 $0x2700;
	s10 =	simm.s32 $0x2780;
	[dreg:$0x9] =	wrdreg s25  }
0x17: {  	[dreg:$0xa] =	wrdreg s26;
	s20 =	sadd.s32 $0x1E280, s22;
	s21 =	sadd.s32 $0x264200, s0  }
0x18: {  	s22 =	smax.u32 s13, $0x1;
	s23 =	simm.s32 $0x4;
	s24 =	simm.s32 $0x1400  }
0x19: {  	s25 =	simm.s32 $0x80;
	s26 =	simm.s32 $0x2800;
	s0 =	simm.s32 $0x1480  }
.LBB2_1:
0x1a: {  	s13 =	rddreg [dreg:$0x3]  }
0x1b: {  	s13 =	sshrl.u32 s13, $0x3  }
0x1c: {  	[spmem:s13], [sflag:s7] =	dma.local [hbm:s6], $0x2800  }
0x1d: {  	_ =	swait.ge [sflag:s23], $0x2800  }
0x1e: {  	[sflag:s23] =	ssyncset.done $0x0  }
0x1f: {  	[sflag:s23] =	ssyncadd.s32 $0xFFFFD800  }
0x20: {  	[bflag:$0x0] =	sbarrier.arrive $0xFFFF  }
0x21: {  	s14 =	rddreg [dreg:$0x4]  }
0x22: {  	[tilespmem:s3], [sflag:$0x4] =	stream.linear.gather [hbm4b:s14+s3], $0x1400, $0x38;
	[tilespmem:$0x1E800] =	vst v63  }
0x23: {  	_ =	swait.ge [sflag:s23], $0x1400  }
0x24: {  	[sflag:s23] =	ssyncset.done $0x0  }
0x25: {  	[sflag:s23] =	ssyncadd.s32 $0xFFFFEC00  }
0x26: {  	[tilespmem:s24], [sflag:$0x4] =	stream.linear.gather [hbm4b:s9+s3], $0x1400, $0x38;
	[tilespmem:$0x1E800] =	vst v63  }
0x27: {  	_ =	swait.ge [sflag:s23], $0x1400  }
0x28: {  	[sflag:s23] =	ssyncset.done $0x0  }
0x29: {  	[sflag:s23] =	ssyncadd.s32 $0xFFFFEC00  }
0x2a: {  	[tilespmem:s26], [sflag:$0x1] =	stream.indirect.gather [hbm4b:s4+s25], $0x80, s3, s25, $0xb8;
	[tilespmem:$0x1E800] =	vst v63  }
0x2b: {  	_ =	swait.ge [sflag:s28], $0x4000  }
0x2c: {  	[sflag:s28] =	ssyncset.done $0x0  }
0x2d: {  	[sflag:s28] =	ssyncadd.s32 $0xFFFFC000  }
0x2e: {  	[tilespmem:s29], [sflag:$0x1] =	stream.indirect.gather [hbm4b:s4+s25], $0x80, s25, s25, $0xb8;
	[tilespmem:$0x1E800] =	vst v63  }
0x2f: {  	_ = 	snop  }
0x30: {  	[spmem:s2] =	stream.indirect.scatter.add.f32 [tilespmem:s26], [sflag:$0x2], $0x80, s24, s25, $0xb8;
	[tilespmem:$0x1E800] =	vst v63  }
0x31: {  	_ =	swait.ge [sflag:s28], $0x4000  }
0x32: {  	[sflag:s28] =	ssyncset.done $0x0  }
0x33: {  	[sflag:s28] =	ssyncadd.s32 $0xFFFFC000  }
0x34: {  	_ =	swait.ge [sflag:s30], $0x4000  }
0x35: {  	[sflag:s30] =	ssyncset.done $0x0  }
0x36: {  	[sflag:s30] =	ssyncadd.s32 $0xFFFFC000  }
0x37: {  	[tilespmem:s26], [sflag:$0x1] =	stream.indirect.gather [hbm4b:s4+s25], $0x80, s31, s25, $0xb8;
	[tilespmem:$0x1E800] =	vst v63  }
0x38: {  	_ = 	snop  }
0x39: {  	[spmem:s2] =	stream.indirect.scatter.add.f32 [tilespmem:s29], [sflag:$0x3], $0x80, s0, s25, $0xb8;
	[tilespmem:$0x1E800] =	vst v63  }
0x3a: {  	_ =	swait.ge [sflag:s28], $0x4000  }
0x3b: {  	[sflag:s28] =	ssyncset.done $0x0  }
0x3c: {  	[sflag:s28] =	ssyncadd.s32 $0xFFFFC000  }
0x3d: {  	_ =	swait.ge [sflag:s1], $0x4000  }
0x3e: {  	[sflag:s1] =	ssyncset.done $0x0  }
0x3f: {  	s16 =	simm.s32 $0x180;
	[sflag:s1] =	ssyncadd.s32 $0xFFFFC000  }
0x40: {  	[tilespmem:s29], [sflag:$0x1] =	stream.indirect.gather [hbm4b:s4+s25], $0x80, s16, s25, $0xb8;
	[tilespmem:$0x1E800] =	vst v63  }
0x41: {  	s15 =	simm.s32 $0x1500  }
0x42: {  	[spmem:s2] =	stream.indirect.scatter.add.f32 [tilespmem:s26], [sflag:$0x2], $0x80, s15, s25, $0xb8;
	[tilespmem:$0x1E800] =	vst v63  }
0x43: {  	_ =	swait.ge [sflag:s28], $0x4000  }
0x44: {  	[sflag:s28] =	ssyncset.done $0x0  }
0x45: {  	[sflag:s28] =	ssyncadd.s32 $0xFFFFC000  }
0x46: {  	_ =	swait.ge [sflag:s30], $0x4000  }
0x47: {  	s14 =	simm.s32 $0xFFFFBC00;
	[sflag:s30] =	ssyncset.done $0x0  }
0x48: {  	s16 =	simm.s32 $0x200;
	s15 =	simm.s32 $0x1580;
	[sflag:s30] =	ssyncadd.s32 $0xFFFFC000  }
0x49: {  	[tilespmem:s26], [sflag:$0x1] =	stream.indirect.gather [hbm4b:s4+s25], $0x80, s16, s25, $0xb8;
	[tilespmem:$0x1E800] =	vst v63  }
.LBB2_2:
0x4a: {  	[spmem:s2] =	stream.indirect.scatter.add.f32 [tilespmem:s29], [sflag:$0x3], $0x80, s15, s25, $0xb8;
	[tilespmem:$0x1E800] =	vst v63  }
0x4b: {  	s15 =	smov.u32 s14  }
0x4c: {  	p0 =	sne.s32 s14, $0xFFFFFC00;
	s14 =	sadd.s32 $0x400, s14;
	_ =	swait.ge [sflag:s28], $0x4000  }
0x4d: {  	[sflag:s28] =	ssyncset.done $0x0  }
0x4e: {  	[sflag:s28] =	ssyncadd.s32 $0xFFFFC000  }
0x4f: {  	_ =	swait.ge [sflag:s1], $0x4000  }
0x50: {  	s15 =	sshra.s32 s15, $0x2;
	[sflag:s1] =	ssyncset.done $0x0  }
0x51: {  	s16 =	sadd.s32 $0x1380, s15;
	[sflag:s1] =	ssyncadd.s32 $0xFFFFC000  }
0x52: {  	[tilespmem:s29], [sflag:$0x1] =	stream.indirect.gather [hbm4b:s4+s25], $0x80, s16, s25, $0xb8;
	[tilespmem:$0x1E800] =	vst v63  }
0x53: {  	s16 =	sadd.s32 $0x2700, s15  }
0x54: {  	[spmem:s2] =	stream.indirect.scatter.add.f32 [tilespmem:s26], [sflag:$0x2], $0x80, s16, s25, $0xb8;
	[tilespmem:$0x1E800] =	vst v63  }
0x55: {  	_ =	swait.ge [sflag:s28], $0x4000  }
0x56: {  	[sflag:s28] =	ssyncset.done $0x0  }
0x57: {  	[sflag:s28] =	ssyncadd.s32 $0xFFFFC000  }
.Ltmp0:
0x58: {  	_ =	swait.ge [sflag:s30], $0x4000;
	(pc) =	sbr.rel @p0 .LBB2_2-.Ltmp0, $4  }
0x59: {  	[sflag:s30] =	ssyncset.done $0x0  }
0x5a: {  	s16 =	sadd.s32 $0x1400, s15;
	[sflag:s30] =	ssyncadd.s32 $0xFFFFC000  }
0x5b: {  	[tilespmem:s26], [sflag:$0x1] =	stream.indirect.gather [hbm4b:s4+s25], $0x80, s16, s25, $0xb8;
	[tilespmem:$0x1E800] =	vst v63  }
0x5c: {  	s15 =	sadd.s32 $0x2780, s15  }
0x5d: {  	[spmem:s2] =	stream.indirect.scatter.add.f32 [tilespmem:s29], [sflag:$0x3], $0x80, s15, s25, $0xb8;
	[tilespmem:$0x1E800] =	vst v63  }
0x5e: {  	_ =	swait.ge [sflag:s28], $0x4000  }
0x5f: {  	[sflag:s28] =	ssyncset.done $0x0  }
0x60: {  	[sflag:s28] =	ssyncadd.s32 $0xFFFFC000  }
0x61: {  	_ =	swait.ge [sflag:s1], $0x4000  }
0x62: {  	[sflag:s1] =	ssyncset.done $0x0  }
0x63: {  	[sflag:s1] =	ssyncadd.s32 $0xFFFFC000  }
0x64: {  	[tilespmem:s29], [sflag:$0x1] =	stream.indirect.gather [hbm4b:s4+s25], $0x80, s5, s25, $0xb8;
	[tilespmem:$0x1E800] =	vst v63  }
0x65: {  	_ = 	snop  }
0x66: {  	[spmem:s2] =	stream.indirect.scatter.add.f32 [tilespmem:s26], [sflag:$0x2], $0x80, s8, s25, $0xb8;
	[tilespmem:$0x1E800] =	vst v63  }
0x67: {  	_ =	swait.ge [sflag:s28], $0x4000  }
0x68: {  	[sflag:s28] =	ssyncset.done $0x0  }
0x69: {  	[sflag:s28] =	ssyncadd.s32 $0xFFFFC000  }
0x6a: {  	_ =	swait.ge [sflag:s30], $0x4000  }
0x6b: {  	[sflag:s30] =	ssyncset.done $0x0  }
0x6c: {  	[sflag:s30] =	ssyncadd.s32 $0xFFFFC000  }
0x6d: {  	[spmem:s2] =	stream.indirect.scatter.add.f32 [tilespmem:s29], [sflag:$0x3], $0x80, s10, s25, $0xb8;
	[tilespmem:$0x1E800] =	vst v63  }
0x6e: {  	_ =	swait.ge [sflag:s1], $0x4000  }
0x6f: {  	[sflag:s1] =	ssyncset.done $0x0  }
0x70: {  	s14 =	rddreg [dreg:$0x5];
	[sflag:s1] =	ssyncadd.s32 $0xFFFFC000  }
0x71: {  	[tilespmem:s3], [sflag:$0x4] =	stream.linear.gather [hbm4b:s14+s3], $0x1400, $0x38;
	[tilespmem:$0x1E800] =	vst v63  }
0x72: {  	_ =	swait.ge [sflag:s23], $0x1400  }
0x73: {  	[sflag:s23] =	ssyncset.done $0x0  }
0x74: {  	[sflag:s23] =	ssyncadd.s32 $0xFFFFEC00  }
0x75: {  	[tilespmem:s24], [sflag:$0x4] =	stream.linear.gather [hbm4b:s11+s3], $0x1400, $0x38;
	[tilespmem:$0x1E800] =	vst v63  }
0x76: {  	_ =	swait.ge [sflag:s23], $0x1400  }
0x77: {  	[sflag:s23] =	ssyncset.done $0x0  }
0x78: {  	[sflag:s23] =	ssyncadd.s32 $0xFFFFEC00  }
0x79: {  	[tilespmem:s26], [sflag:$0x1] =	stream.indirect.gather [hbm4b:s4+s25], $0x80, s3, s25, $0xb8;
	[tilespmem:$0x1E800] =	vst v63  }
0x7a: {  	_ =	swait.ge [sflag:s28], $0x4000  }
0x7b: {  	[sflag:s28] =	ssyncset.done $0x0  }
0x7c: {  	[sflag:s28] =	ssyncadd.s32 $0xFFFFC000  }
0x7d: {  	[tilespmem:s29], [sflag:$0x1] =	stream.indirect.gather [hbm4b:s4+s25], $0x80, s25, s25, $0xb8;
	[tilespmem:$0x1E800] =	vst v63  }
0x7e: {  	_ = 	snop  }
0x7f: {  	[spmem:s2] =	stream.indirect.scatter.add.f32 [tilespmem:s26], [sflag:$0x2], $0x80, s24, s25, $0xb8;
	[tilespmem:$0x1E800] =	vst v63  }
0x80: {  	_ =	swait.ge [sflag:s28], $0x4000  }
0x81: {  	[sflag:s28] =	ssyncset.done $0x0  }
0x82: {  	[sflag:s28] =	ssyncadd.s32 $0xFFFFC000  }
0x83: {  	_ =	swait.ge [sflag:s30], $0x4000  }
0x84: {  	[sflag:s30] =	ssyncset.done $0x0  }
0x85: {  	[sflag:s30] =	ssyncadd.s32 $0xFFFFC000  }
0x86: {  	[tilespmem:s26], [sflag:$0x1] =	stream.indirect.gather [hbm4b:s4+s25], $0x80, s31, s25, $0xb8;
	[tilespmem:$0x1E800] =	vst v63  }
0x87: {  	_ = 	snop  }
0x88: {  	[spmem:s2] =	stream.indirect.scatter.add.f32 [tilespmem:s29], [sflag:$0x3], $0x80, s0, s25, $0xb8;
	[tilespmem:$0x1E800] =	vst v63  }
0x89: {  	_ =	swait.ge [sflag:s28], $0x4000  }
0x8a: {  	[sflag:s28] =	ssyncset.done $0x0  }
0x8b: {  	[sflag:s28] =	ssyncadd.s32 $0xFFFFC000  }
0x8c: {  	_ =	swait.ge [sflag:s1], $0x4000  }
0x8d: {  	[sflag:s1] =	ssyncset.done $0x0  }
0x8e: {  	s16 =	simm.s32 $0x180;
	[sflag:s1] =	ssyncadd.s32 $0xFFFFC000  }
0x8f: {  	[tilespmem:s29], [sflag:$0x1] =	stream.indirect.gather [hbm4b:s4+s25], $0x80, s16, s25, $0xb8;
	[tilespmem:$0x1E800] =	vst v63  }
0x90: {  	s15 =	simm.s32 $0x1500  }
0x91: {  	[spmem:s2] =	stream.indirect.scatter.add.f32 [tilespmem:s26], [sflag:$0x2], $0x80, s15, s25, $0xb8;
	[tilespmem:$0x1E800] =	vst v63  }
0x92: {  	_ =	swait.ge [sflag:s28], $0x4000  }
0x93: {  	[sflag:s28] =	ssyncset.done $0x0  }
0x94: {  	[sflag:s28] =	ssyncadd.s32 $0xFFFFC000  }
0x95: {  	_ =	swait.ge [sflag:s30], $0x4000  }
0x96: {  	s14 =	simm.s32 $0xFFFFBC00;
	[sflag:s30] =	ssyncset.done $0x0  }
0x97: {  	s16 =	simm.s32 $0x200;
	s15 =	simm.s32 $0x1580;
	[sflag:s30] =	ssyncadd.s32 $0xFFFFC000  }
0x98: {  	[tilespmem:s26], [sflag:$0x1] =	stream.indirect.gather [hbm4b:s4+s25], $0x80, s16, s25, $0xb8;
	[tilespmem:$0x1E800] =	vst v63  }
.LBB2_4:
0x99: {  	[spmem:s2] =	stream.indirect.scatter.add.f32 [tilespmem:s29], [sflag:$0x3], $0x80, s15, s25, $0xb8;
	[tilespmem:$0x1E800] =	vst v63  }
0x9a: {  	s15 =	smov.u32 s14  }
0x9b: {  	p0 =	sne.s32 s14, $0xFFFFFC00;
	s14 =	sadd.s32 $0x400, s14;
	_ =	swait.ge [sflag:s28], $0x4000  }
0x9c: {  	[sflag:s28] =	ssyncset.done $0x0  }
0x9d: {  	[sflag:s28] =	ssyncadd.s32 $0xFFFFC000  }
0x9e: {  	_ =	swait.ge [sflag:s1], $0x4000  }
0x9f: {  	s15 =	sshra.s32 s15, $0x2;
	[sflag:s1] =	ssyncset.done $0x0  }
0xa0: {  	s16 =	sadd.s32 $0x1380, s15;
	[sflag:s1] =	ssyncadd.s32 $0xFFFFC000  }
0xa1: {  	[tilespmem:s29], [sflag:$0x1] =	stream.indirect.gather [hbm4b:s4+s25], $0x80, s16, s25, $0xb8;
	[tilespmem:$0x1E800] =	vst v63  }
0xa2: {  	s16 =	sadd.s32 $0x2700, s15  }
0xa3: {  	[spmem:s2] =	stream.indirect.scatter.add.f32 [tilespmem:s26], [sflag:$0x2], $0x80, s16, s25, $0xb8;
	[tilespmem:$0x1E800] =	vst v63  }
0xa4: {  	_ =	swait.ge [sflag:s28], $0x4000  }
0xa5: {  	[sflag:s28] =	ssyncset.done $0x0  }
0xa6: {  	[sflag:s28] =	ssyncadd.s32 $0xFFFFC000  }
.Ltmp1:
0xa7: {  	_ =	swait.ge [sflag:s30], $0x4000;
	(pc) =	sbr.rel @p0 .LBB2_4-.Ltmp1, $4  }
0xa8: {  	[sflag:s30] =	ssyncset.done $0x0  }
0xa9: {  	s16 =	sadd.s32 $0x1400, s15;
	[sflag:s30] =	ssyncadd.s32 $0xFFFFC000  }
0xaa: {  	[tilespmem:s26], [sflag:$0x1] =	stream.indirect.gather [hbm4b:s4+s25], $0x80, s16, s25, $0xb8;
	[tilespmem:$0x1E800] =	vst v63  }
0xab: {  	s15 =	sadd.s32 $0x2780, s15  }
0xac: {  	[spmem:s2] =	stream.indirect.scatter.add.f32 [tilespmem:s29], [sflag:$0x3], $0x80, s15, s25, $0xb8;
	[tilespmem:$0x1E800] =	vst v63  }
0xad: {  	_ =	swait.ge [sflag:s28], $0x4000  }
0xae: {  	[sflag:s28] =	ssyncset.done $0x0  }
0xaf: {  	[sflag:s28] =	ssyncadd.s32 $0xFFFFC000  }
0xb0: {  	_ =	swait.ge [sflag:s1], $0x4000  }
0xb1: {  	[sflag:s1] =	ssyncset.done $0x0  }
0xb2: {  	[sflag:s1] =	ssyncadd.s32 $0xFFFFC000  }
0xb3: {  	[tilespmem:s29], [sflag:$0x1] =	stream.indirect.gather [hbm4b:s4+s25], $0x80, s5, s25, $0xb8;
	[tilespmem:$0x1E800] =	vst v63  }
0xb4: {  	_ = 	snop  }
0xb5: {  	[spmem:s2] =	stream.indirect.scatter.add.f32 [tilespmem:s26], [sflag:$0x2], $0x80, s8, s25, $0xb8;
	[tilespmem:$0x1E800] =	vst v63  }
0xb6: {  	_ =	swait.ge [sflag:s28], $0x4000  }
0xb7: {  	[sflag:s28] =	ssyncset.done $0x0  }
0xb8: {  	[sflag:s28] =	ssyncadd.s32 $0xFFFFC000  }
0xb9: {  	_ =	swait.ge [sflag:s30], $0x4000  }
0xba: {  	[sflag:s30] =	ssyncset.done $0x0  }
0xbb: {  	[sflag:s30] =	ssyncadd.s32 $0xFFFFC000  }
0xbc: {  	[spmem:s2] =	stream.indirect.scatter.add.f32 [tilespmem:s29], [sflag:$0x3], $0x80, s10, s25, $0xb8;
	[tilespmem:$0x1E800] =	vst v63  }
0xbd: {  	_ =	swait.ge [sflag:s1], $0x4000  }
0xbe: {  	[sflag:s1] =	ssyncset.done $0x0  }
0xbf: {  	[sflag:s1] =	ssyncadd.s32 $0xFFFFC000  }
0xc0: {  	[bflag:$0x0] =	sbarrier.arrive $0xFFFF  }
0xc1: {  	s14 =	rddreg [dreg:$0x6]  }
0xc2: {  	[hbm:s14], [sflag:s7] =	dma.local [spmem:s13], $0x2800  }
0xc3: {  	_ =	swait.ge [sflag:s23], $0x2800  }
0xc4: {  	[sflag:s23] =	ssyncset.done $0x0  }
0xc5: {  	[sflag:s23] =	ssyncadd.s32 $0xFFFFD800  }
0xc6: {  	[spmem:s13], [sflag:s7] =	dma.local [hbm:s6], $0x2800  }
0xc7: {  	_ =	swait.ge [sflag:s23], $0x2800  }
0xc8: {  	[sflag:s23] =	ssyncset.done $0x0  }
0xc9: {  	[sflag:s23] =	ssyncadd.s32 $0xFFFFD800  }
0xca: {  	[bflag:$0x0] =	sbarrier.arrive $0xFFFF  }
0xcb: {  	s15 =	rddreg [dreg:$0x7]  }
0xcc: {  	[tilespmem:s3], [sflag:$0x4] =	stream.linear.gather [hbm4b:s15+s3], $0x1400, $0x38;
	[tilespmem:$0x1E800] =	vst v63  }
0xcd: {  	_ =	swait.ge [sflag:s23], $0x1400  }
0xce: {  	[sflag:s23] =	ssyncset.done $0x0  }
0xcf: {  	[sflag:s23] =	ssyncadd.s32 $0xFFFFEC00  }
0xd0: {  	[tilespmem:s24], [sflag:$0x4] =	stream.linear.gather [hbm4b:s9+s3], $0x1400, $0x38;
	[tilespmem:$0x1E800] =	vst v63  }
0xd1: {  	_ =	swait.ge [sflag:s23], $0x1400  }
0xd2: {  	[sflag:s23] =	ssyncset.done $0x0  }
0xd3: {  	[sflag:s23] =	ssyncadd.s32 $0xFFFFEC00  }
0xd4: {  	[tilespmem:s26], [sflag:$0x1] =	stream.indirect.gather [hbm4b:s4+s25], $0x80, s3, s25, $0xb8;
	[tilespmem:$0x1E800] =	vst v63  }
0xd5: {  	_ =	swait.ge [sflag:s28], $0x4000  }
0xd6: {  	[sflag:s28] =	ssyncset.done $0x0  }
0xd7: {  	[sflag:s28] =	ssyncadd.s32 $0xFFFFC000  }
0xd8: {  	[tilespmem:s29], [sflag:$0x1] =	stream.indirect.gather [hbm4b:s4+s25], $0x80, s25, s25, $0xb8;
	[tilespmem:$0x1E800] =	vst v63  }
0xd9: {  	_ = 	snop  }
0xda: {  	[spmem:s2] =	stream.indirect.scatter.add.f32 [tilespmem:s26], [sflag:$0x2], $0x80, s24, s25, $0xb8;
	[tilespmem:$0x1E800] =	vst v63  }
0xdb: {  	_ =	swait.ge [sflag:s28], $0x4000  }
0xdc: {  	[sflag:s28] =	ssyncset.done $0x0  }
0xdd: {  	[sflag:s28] =	ssyncadd.s32 $0xFFFFC000  }
0xde: {  	_ =	swait.ge [sflag:s30], $0x4000  }
0xdf: {  	[sflag:s30] =	ssyncset.done $0x0  }
0xe0: {  	[sflag:s30] =	ssyncadd.s32 $0xFFFFC000  }
0xe1: {  	[tilespmem:s26], [sflag:$0x1] =	stream.indirect.gather [hbm4b:s4+s25], $0x80, s31, s25, $0xb8;
	[tilespmem:$0x1E800] =	vst v63  }
0xe2: {  	_ = 	snop  }
0xe3: {  	[spmem:s2] =	stream.indirect.scatter.add.f32 [tilespmem:s29], [sflag:$0x3], $0x80, s0, s25, $0xb8;
	[tilespmem:$0x1E800] =	vst v63  }
0xe4: {  	_ =	swait.ge [sflag:s28], $0x4000  }
0xe5: {  	[sflag:s28] =	ssyncset.done $0x0  }
0xe6: {  	[sflag:s28] =	ssyncadd.s32 $0xFFFFC000  }
0xe7: {  	_ =	swait.ge [sflag:s1], $0x4000  }
0xe8: {  	[sflag:s1] =	ssyncset.done $0x0  }
0xe9: {  	s16 =	simm.s32 $0x180;
	[sflag:s1] =	ssyncadd.s32 $0xFFFFC000  }
0xea: {  	[tilespmem:s29], [sflag:$0x1] =	stream.indirect.gather [hbm4b:s4+s25], $0x80, s16, s25, $0xb8;
	[tilespmem:$0x1E800] =	vst v63  }
0xeb: {  	s15 =	simm.s32 $0x1500  }
0xec: {  	[spmem:s2] =	stream.indirect.scatter.add.f32 [tilespmem:s26], [sflag:$0x2], $0x80, s15, s25, $0xb8;
	[tilespmem:$0x1E800] =	vst v63  }
0xed: {  	_ =	swait.ge [sflag:s28], $0x4000  }
0xee: {  	[sflag:s28] =	ssyncset.done $0x0  }
0xef: {  	[sflag:s28] =	ssyncadd.s32 $0xFFFFC000  }
0xf0: {  	_ =	swait.ge [sflag:s30], $0x4000  }
0xf1: {  	s14 =	simm.s32 $0xFFFFBC00;
	[sflag:s30] =	ssyncset.done $0x0  }
0xf2: {  	s16 =	simm.s32 $0x200;
	s15 =	simm.s32 $0x1580;
	[sflag:s30] =	ssyncadd.s32 $0xFFFFC000  }
0xf3: {  	[tilespmem:s26], [sflag:$0x1] =	stream.indirect.gather [hbm4b:s4+s25], $0x80, s16, s25, $0xb8;
	[tilespmem:$0x1E800] =	vst v63  }
.LBB2_6:
0xf4: {  	[spmem:s2] =	stream.indirect.scatter.add.f32 [tilespmem:s29], [sflag:$0x3], $0x80, s15, s25, $0xb8;
	[tilespmem:$0x1E800] =	vst v63  }
0xf5: {  	s15 =	smov.u32 s14  }
0xf6: {  	p0 =	sne.s32 s14, $0xFFFFFC00;
	s14 =	sadd.s32 $0x400, s14;
	_ =	swait.ge [sflag:s28], $0x4000  }
0xf7: {  	[sflag:s28] =	ssyncset.done $0x0  }
0xf8: {  	[sflag:s28] =	ssyncadd.s32 $0xFFFFC000  }
0xf9: {  	_ =	swait.ge [sflag:s1], $0x4000  }
0xfa: {  	s15 =	sshra.s32 s15, $0x2;
	[sflag:s1] =	ssyncset.done $0x0  }
0xfb: {  	s16 =	sadd.s32 $0x1380, s15;
	[sflag:s1] =	ssyncadd.s32 $0xFFFFC000  }
0xfc: {  	[tilespmem:s29], [sflag:$0x1] =	stream.indirect.gather [hbm4b:s4+s25], $0x80, s16, s25, $0xb8;
	[tilespmem:$0x1E800] =	vst v63  }
0xfd: {  	s16 =	sadd.s32 $0x2700, s15  }
0xfe: {  	[spmem:s2] =	stream.indirect.scatter.add.f32 [tilespmem:s26], [sflag:$0x2], $0x80, s16, s25, $0xb8;
	[tilespmem:$0x1E800] =	vst v63  }
0xff: {  	_ =	swait.ge [sflag:s28], $0x4000  }
0x100: {  	[sflag:s28] =	ssyncset.done $0x0  }
0x101: {  	[sflag:s28] =	ssyncadd.s32 $0xFFFFC000  }
.Ltmp2:
0x102: {  	_ =	swait.ge [sflag:s30], $0x4000;
	(pc) =	sbr.rel @p0 .LBB2_6-.Ltmp2, $4  }
0x103: {  	[sflag:s30] =	ssyncset.done $0x0  }
0x104: {  	s16 =	sadd.s32 $0x1400, s15;
	[sflag:s30] =	ssyncadd.s32 $0xFFFFC000  }
0x105: {  	[tilespmem:s26], [sflag:$0x1] =	stream.indirect.gather [hbm4b:s4+s25], $0x80, s16, s25, $0xb8;
	[tilespmem:$0x1E800] =	vst v63  }
0x106: {  	s15 =	sadd.s32 $0x2780, s15  }
0x107: {  	[spmem:s2] =	stream.indirect.scatter.add.f32 [tilespmem:s29], [sflag:$0x3], $0x80, s15, s25, $0xb8;
	[tilespmem:$0x1E800] =	vst v63  }
0x108: {  	_ =	swait.ge [sflag:s28], $0x4000  }
0x109: {  	[sflag:s28] =	ssyncset.done $0x0  }
0x10a: {  	[sflag:s28] =	ssyncadd.s32 $0xFFFFC000  }
0x10b: {  	_ =	swait.ge [sflag:s1], $0x4000  }
0x10c: {  	[sflag:s1] =	ssyncset.done $0x0  }
0x10d: {  	[sflag:s1] =	ssyncadd.s32 $0xFFFFC000  }
0x10e: {  	[tilespmem:s29], [sflag:$0x1] =	stream.indirect.gather [hbm4b:s4+s25], $0x80, s5, s25, $0xb8;
	[tilespmem:$0x1E800] =	vst v63  }
0x10f: {  	_ = 	snop  }
0x110: {  	[spmem:s2] =	stream.indirect.scatter.add.f32 [tilespmem:s26], [sflag:$0x2], $0x80, s8, s25, $0xb8;
	[tilespmem:$0x1E800] =	vst v63  }
0x111: {  	_ =	swait.ge [sflag:s28], $0x4000  }
0x112: {  	[sflag:s28] =	ssyncset.done $0x0  }
0x113: {  	[sflag:s28] =	ssyncadd.s32 $0xFFFFC000  }
0x114: {  	_ =	swait.ge [sflag:s30], $0x4000  }
0x115: {  	[sflag:s30] =	ssyncset.done $0x0  }
0x116: {  	[sflag:s30] =	ssyncadd.s32 $0xFFFFC000  }
0x117: {  	[spmem:s2] =	stream.indirect.scatter.add.f32 [tilespmem:s29], [sflag:$0x3], $0x80, s10, s25, $0xb8;
	[tilespmem:$0x1E800] =	vst v63  }
0x118: {  	_ =	swait.ge [sflag:s1], $0x4000  }
0x119: {  	[sflag:s1] =	ssyncset.done $0x0  }
0x11a: {  	s14 =	rddreg [dreg:$0x8];
	[sflag:s1] =	ssyncadd.s32 $0xFFFFC000  }
0x11b: {  	[tilespmem:s3], [sflag:$0x4] =	stream.linear.gather [hbm4b:s14+s3], $0x1400, $0x38;
	[tilespmem:$0x1E800] =	vst v63  }
0x11c: {  	_ =	swait.ge [sflag:s23], $0x1400  }
0x11d: {  	[sflag:s23] =	ssyncset.done $0x0  }
0x11e: {  	[sflag:s23] =	ssyncadd.s32 $0xFFFFEC00  }
0x11f: {  	[tilespmem:s24], [sflag:$0x4] =	stream.linear.gather [hbm4b:s11+s3], $0x1400, $0x38;
	[tilespmem:$0x1E800] =	vst v63  }
0x120: {  	_ =	swait.ge [sflag:s23], $0x1400  }
0x121: {  	[sflag:s23] =	ssyncset.done $0x0  }
0x122: {  	[sflag:s23] =	ssyncadd.s32 $0xFFFFEC00  }
0x123: {  	[tilespmem:s26], [sflag:$0x1] =	stream.indirect.gather [hbm4b:s4+s25], $0x80, s3, s25, $0xb8;
	[tilespmem:$0x1E800] =	vst v63  }
0x124: {  	_ =	swait.ge [sflag:s28], $0x4000  }
0x125: {  	[sflag:s28] =	ssyncset.done $0x0  }
0x126: {  	[sflag:s28] =	ssyncadd.s32 $0xFFFFC000  }
0x127: {  	[tilespmem:s29], [sflag:$0x1] =	stream.indirect.gather [hbm4b:s4+s25], $0x80, s25, s25, $0xb8;
	[tilespmem:$0x1E800] =	vst v63  }
0x128: {  	_ = 	snop  }
0x129: {  	[spmem:s2] =	stream.indirect.scatter.add.f32 [tilespmem:s26], [sflag:$0x2], $0x80, s24, s25, $0xb8;
	[tilespmem:$0x1E800] =	vst v63  }
0x12a: {  	_ =	swait.ge [sflag:s28], $0x4000  }
0x12b: {  	[sflag:s28] =	ssyncset.done $0x0  }
0x12c: {  	[sflag:s28] =	ssyncadd.s32 $0xFFFFC000  }
0x12d: {  	_ =	swait.ge [sflag:s30], $0x4000  }
0x12e: {  	[sflag:s30] =	ssyncset.done $0x0  }
0x12f: {  	[sflag:s30] =	ssyncadd.s32 $0xFFFFC000  }
0x130: {  	[tilespmem:s26], [sflag:$0x1] =	stream.indirect.gather [hbm4b:s4+s25], $0x80, s31, s25, $0xb8;
	[tilespmem:$0x1E800] =	vst v63  }
0x131: {  	_ = 	snop  }
0x132: {  	[spmem:s2] =	stream.indirect.scatter.add.f32 [tilespmem:s29], [sflag:$0x3], $0x80, s0, s25, $0xb8;
	[tilespmem:$0x1E800] =	vst v63  }
0x133: {  	_ =	swait.ge [sflag:s28], $0x4000  }
0x134: {  	[sflag:s28] =	ssyncset.done $0x0  }
0x135: {  	[sflag:s28] =	ssyncadd.s32 $0xFFFFC000  }
0x136: {  	_ =	swait.ge [sflag:s1], $0x4000  }
0x137: {  	[sflag:s1] =	ssyncset.done $0x0  }
0x138: {  	s16 =	simm.s32 $0x180;
	[sflag:s1] =	ssyncadd.s32 $0xFFFFC000  }
0x139: {  	[tilespmem:s29], [sflag:$0x1] =	stream.indirect.gather [hbm4b:s4+s25], $0x80, s16, s25, $0xb8;
	[tilespmem:$0x1E800] =	vst v63  }
0x13a: {  	s15 =	simm.s32 $0x1500  }
0x13b: {  	[spmem:s2] =	stream.indirect.scatter.add.f32 [tilespmem:s26], [sflag:$0x2], $0x80, s15, s25, $0xb8;
	[tilespmem:$0x1E800] =	vst v63  }
0x13c: {  	_ =	swait.ge [sflag:s28], $0x4000  }
0x13d: {  	[sflag:s28] =	ssyncset.done $0x0  }
0x13e: {  	[sflag:s28] =	ssyncadd.s32 $0xFFFFC000  }
0x13f: {  	_ =	swait.ge [sflag:s30], $0x4000  }
0x140: {  	s14 =	simm.s32 $0xFFFFBC00;
	[sflag:s30] =	ssyncset.done $0x0  }
0x141: {  	s16 =	simm.s32 $0x200;
	s15 =	simm.s32 $0x1580;
	[sflag:s30] =	ssyncadd.s32 $0xFFFFC000  }
0x142: {  	[tilespmem:s26], [sflag:$0x1] =	stream.indirect.gather [hbm4b:s4+s25], $0x80, s16, s25, $0xb8;
	[tilespmem:$0x1E800] =	vst v63  }
.LBB2_8:
0x143: {  	[spmem:s2] =	stream.indirect.scatter.add.f32 [tilespmem:s29], [sflag:$0x3], $0x80, s15, s25, $0xb8;
	[tilespmem:$0x1E800] =	vst v63  }
0x144: {  	s15 =	smov.u32 s14  }
0x145: {  	p0 =	sne.s32 s14, $0xFFFFFC00;
	s14 =	sadd.s32 $0x400, s14;
	_ =	swait.ge [sflag:s28], $0x4000  }
0x146: {  	[sflag:s28] =	ssyncset.done $0x0  }
0x147: {  	[sflag:s28] =	ssyncadd.s32 $0xFFFFC000  }
0x148: {  	_ =	swait.ge [sflag:s1], $0x4000  }
0x149: {  	s15 =	sshra.s32 s15, $0x2;
	[sflag:s1] =	ssyncset.done $0x0  }
0x14a: {  	s16 =	sadd.s32 $0x1380, s15;
	[sflag:s1] =	ssyncadd.s32 $0xFFFFC000  }
0x14b: {  	[tilespmem:s29], [sflag:$0x1] =	stream.indirect.gather [hbm4b:s4+s25], $0x80, s16, s25, $0xb8;
	[tilespmem:$0x1E800] =	vst v63  }
0x14c: {  	s16 =	sadd.s32 $0x2700, s15  }
0x14d: {  	[spmem:s2] =	stream.indirect.scatter.add.f32 [tilespmem:s26], [sflag:$0x2], $0x80, s16, s25, $0xb8;
	[tilespmem:$0x1E800] =	vst v63  }
0x14e: {  	_ =	swait.ge [sflag:s28], $0x4000  }
0x14f: {  	[sflag:s28] =	ssyncset.done $0x0  }
0x150: {  	[sflag:s28] =	ssyncadd.s32 $0xFFFFC000  }
.Ltmp3:
0x151: {  	_ =	swait.ge [sflag:s30], $0x4000;
	(pc) =	sbr.rel @p0 .LBB2_8-.Ltmp3, $4  }
0x152: {  	[sflag:s30] =	ssyncset.done $0x0  }
0x153: {  	s16 =	sadd.s32 $0x1400, s15;
	[sflag:s30] =	ssyncadd.s32 $0xFFFFC000  }
0x154: {  	[tilespmem:s26], [sflag:$0x1] =	stream.indirect.gather [hbm4b:s4+s25], $0x80, s16, s25, $0xb8;
	[tilespmem:$0x1E800] =	vst v63  }
0x155: {  	s15 =	sadd.s32 $0x2780, s15  }
0x156: {  	[spmem:s2] =	stream.indirect.scatter.add.f32 [tilespmem:s29], [sflag:$0x3], $0x80, s15, s25, $0xb8;
	[tilespmem:$0x1E800] =	vst v63  }
0x157: {  	_ =	swait.ge [sflag:s28], $0x4000  }
0x158: {  	[sflag:s28] =	ssyncset.done $0x0  }
0x159: {  	[sflag:s28] =	ssyncadd.s32 $0xFFFFC000  }
0x15a: {  	_ =	swait.ge [sflag:s1], $0x4000  }
0x15b: {  	[sflag:s1] =	ssyncset.done $0x0  }
0x15c: {  	[sflag:s1] =	ssyncadd.s32 $0xFFFFC000  }
0x15d: {  	[tilespmem:s29], [sflag:$0x1] =	stream.indirect.gather [hbm4b:s4+s25], $0x80, s5, s25, $0xb8;
	[tilespmem:$0x1E800] =	vst v63  }
0x15e: {  	_ = 	snop  }
0x15f: {  	[spmem:s2] =	stream.indirect.scatter.add.f32 [tilespmem:s26], [sflag:$0x2], $0x80, s8, s25, $0xb8;
	[tilespmem:$0x1E800] =	vst v63  }
0x160: {  	_ =	swait.ge [sflag:s28], $0x4000  }
0x161: {  	[sflag:s28] =	ssyncset.done $0x0  }
0x162: {  	[sflag:s28] =	ssyncadd.s32 $0xFFFFC000  }
0x163: {  	_ =	swait.ge [sflag:s30], $0x4000  }
0x164: {  	[sflag:s30] =	ssyncset.done $0x0  }
0x165: {  	[sflag:s30] =	ssyncadd.s32 $0xFFFFC000  }
0x166: {  	[spmem:s2] =	stream.indirect.scatter.add.f32 [tilespmem:s29], [sflag:$0x3], $0x80, s10, s25, $0xb8;
	[tilespmem:$0x1E800] =	vst v63  }
0x167: {  	_ =	swait.ge [sflag:s1], $0x4000  }
0x168: {  	[sflag:s1] =	ssyncset.done $0x0  }
0x169: {  	[sflag:s1] =	ssyncadd.s32 $0xFFFFC000  }
0x16a: {  	[bflag:$0x0] =	sbarrier.arrive $0xFFFF  }
0x16b: {  	s14 =	rddreg [dreg:$0x9]  }
0x16c: {  	[hbm:s14], [sflag:s7] =	dma.local [spmem:s13], $0x2800  }
0x16d: {  	_ =	swait.ge [sflag:s23], $0x2800  }
0x16e: {  	[sflag:s23] =	ssyncset.done $0x0  }
0x16f: {  	[sflag:s23] =	ssyncadd.s32 $0xFFFFD800  }
0x170: {  	[spmem:s13], [sflag:s7] =	dma.local [hbm:s6], $0x2800  }
0x171: {  	_ =	swait.ge [sflag:s23], $0x2800  }
0x172: {  	[sflag:s23] =	ssyncset.done $0x0  }
0x173: {  	[sflag:s23] =	ssyncadd.s32 $0xFFFFD800  }
0x174: {  	[bflag:$0x0] =	sbarrier.arrive $0xFFFF  }
0x175: {  	s15 =	rddreg [dreg:$0xa]  }
0x176: {  	[tilespmem:s3], [sflag:$0x4] =	stream.linear.gather [hbm4b:s15+s3], $0x1400, $0x38;
	[tilespmem:$0x1E800] =	vst v63  }
0x177: {  	_ =	swait.ge [sflag:s23], $0x1400  }
0x178: {  	[sflag:s23] =	ssyncset.done $0x0  }
0x179: {  	[sflag:s23] =	ssyncadd.s32 $0xFFFFEC00  }
0x17a: {  	[tilespmem:s24], [sflag:$0x4] =	stream.linear.gather [hbm4b:s9+s3], $0x1400, $0x38;
	[tilespmem:$0x1E800] =	vst v63  }
0x17b: {  	_ =	swait.ge [sflag:s23], $0x1400  }
0x17c: {  	[sflag:s23] =	ssyncset.done $0x0  }
0x17d: {  	[sflag:s23] =	ssyncadd.s32 $0xFFFFEC00  }
0x17e: {  	[tilespmem:s26], [sflag:$0x1] =	stream.indirect.gather [hbm4b:s4+s25], $0x80, s3, s25, $0xb8;
	[tilespmem:$0x1E800] =	vst v63  }
0x17f: {  	_ =	swait.ge [sflag:s28], $0x4000  }
0x180: {  	[sflag:s28] =	ssyncset.done $0x0  }
0x181: {  	[sflag:s28] =	ssyncadd.s32 $0xFFFFC000  }
0x182: {  	[tilespmem:s29], [sflag:$0x1] =	stream.indirect.gather [hbm4b:s4+s25], $0x80, s25, s25, $0xb8;
	[tilespmem:$0x1E800] =	vst v63  }
0x183: {  	_ = 	snop  }
0x184: {  	[spmem:s2] =	stream.indirect.scatter.add.f32 [tilespmem:s26], [sflag:$0x2], $0x80, s24, s25, $0xb8;
	[tilespmem:$0x1E800] =	vst v63  }
0x185: {  	_ =	swait.ge [sflag:s28], $0x4000  }
0x186: {  	[sflag:s28] =	ssyncset.done $0x0  }
0x187: {  	[sflag:s28] =	ssyncadd.s32 $0xFFFFC000  }
0x188: {  	_ =	swait.ge [sflag:s30], $0x4000  }
0x189: {  	[sflag:s30] =	ssyncset.done $0x0  }
0x18a: {  	[sflag:s30] =	ssyncadd.s32 $0xFFFFC000  }
0x18b: {  	[tilespmem:s26], [sflag:$0x1] =	stream.indirect.gather [hbm4b:s4+s25], $0x80, s31, s25, $0xb8;
	[tilespmem:$0x1E800] =	vst v63  }
0x18c: {  	_ = 	snop  }
0x18d: {  	[spmem:s2] =	stream.indirect.scatter.add.f32 [tilespmem:s29], [sflag:$0x3], $0x80, s0, s25, $0xb8;
	[tilespmem:$0x1E800] =	vst v63  }
0x18e: {  	_ =	swait.ge [sflag:s28], $0x4000  }
0x18f: {  	[sflag:s28] =	ssyncset.done $0x0  }
0x190: {  	[sflag:s28] =	ssyncadd.s32 $0xFFFFC000  }
0x191: {  	_ =	swait.ge [sflag:s1], $0x4000  }
0x192: {  	[sflag:s1] =	ssyncset.done $0x0  }
0x193: {  	s16 =	simm.s32 $0x180;
	[sflag:s1] =	ssyncadd.s32 $0xFFFFC000  }
0x194: {  	[tilespmem:s29], [sflag:$0x1] =	stream.indirect.gather [hbm4b:s4+s25], $0x80, s16, s25, $0xb8;
	[tilespmem:$0x1E800] =	vst v63  }
0x195: {  	s15 =	simm.s32 $0x1500  }
0x196: {  	[spmem:s2] =	stream.indirect.scatter.add.f32 [tilespmem:s26], [sflag:$0x2], $0x80, s15, s25, $0xb8;
	[tilespmem:$0x1E800] =	vst v63  }
0x197: {  	_ =	swait.ge [sflag:s28], $0x4000  }
0x198: {  	[sflag:s28] =	ssyncset.done $0x0  }
0x199: {  	[sflag:s28] =	ssyncadd.s32 $0xFFFFC000  }
0x19a: {  	_ =	swait.ge [sflag:s30], $0x4000  }
0x19b: {  	s14 =	simm.s32 $0xFFFFBC00;
	[sflag:s30] =	ssyncset.done $0x0  }
0x19c: {  	s16 =	simm.s32 $0x200;
	s15 =	simm.s32 $0x1580;
	[sflag:s30] =	ssyncadd.s32 $0xFFFFC000  }
0x19d: {  	[tilespmem:s26], [sflag:$0x1] =	stream.indirect.gather [hbm4b:s4+s25], $0x80, s16, s25, $0xb8;
	[tilespmem:$0x1E800] =	vst v63  }
.LBB2_10:
0x19e: {  	[spmem:s2] =	stream.indirect.scatter.add.f32 [tilespmem:s29], [sflag:$0x3], $0x80, s15, s25, $0xb8;
	[tilespmem:$0x1E800] =	vst v63  }
0x19f: {  	s15 =	smov.u32 s14  }
0x1a0: {  	p0 =	sne.s32 s14, $0xFFFFFC00;
	s14 =	sadd.s32 $0x400, s14;
	_ =	swait.ge [sflag:s28], $0x4000  }
0x1a1: {  	[sflag:s28] =	ssyncset.done $0x0  }
0x1a2: {  	[sflag:s28] =	ssyncadd.s32 $0xFFFFC000  }
0x1a3: {  	_ =	swait.ge [sflag:s1], $0x4000  }
0x1a4: {  	s15 =	sshra.s32 s15, $0x2;
	[sflag:s1] =	ssyncset.done $0x0  }
0x1a5: {  	s16 =	sadd.s32 $0x1380, s15;
	[sflag:s1] =	ssyncadd.s32 $0xFFFFC000  }
0x1a6: {  	[tilespmem:s29], [sflag:$0x1] =	stream.indirect.gather [hbm4b:s4+s25], $0x80, s16, s25, $0xb8;
	[tilespmem:$0x1E800] =	vst v63  }
0x1a7: {  	s16 =	sadd.s32 $0x2700, s15  }
0x1a8: {  	[spmem:s2] =	stream.indirect.scatter.add.f32 [tilespmem:s26], [sflag:$0x2], $0x80, s16, s25, $0xb8;
	[tilespmem:$0x1E800] =	vst v63  }
0x1a9: {  	_ =	swait.ge [sflag:s28], $0x4000  }
0x1aa: {  	[sflag:s28] =	ssyncset.done $0x0  }
0x1ab: {  	[sflag:s28] =	ssyncadd.s32 $0xFFFFC000  }
.Ltmp4:
0x1ac: {  	_ =	swait.ge [sflag:s30], $0x4000;
	(pc) =	sbr.rel @p0 .LBB2_10-.Ltmp4, $4  }
0x1ad: {  	[sflag:s30] =	ssyncset.done $0x0  }
0x1ae: {  	s16 =	sadd.s32 $0x1400, s15;
	[sflag:s30] =	ssyncadd.s32 $0xFFFFC000  }
0x1af: {  	[tilespmem:s26], [sflag:$0x1] =	stream.indirect.gather [hbm4b:s4+s25], $0x80, s16, s25, $0xb8;
	[tilespmem:$0x1E800] =	vst v63  }
0x1b0: {  	s15 =	sadd.s32 $0x2780, s15  }
0x1b1: {  	[spmem:s2] =	stream.indirect.scatter.add.f32 [tilespmem:s29], [sflag:$0x3], $0x80, s15, s25, $0xb8;
	[tilespmem:$0x1E800] =	vst v63  }
0x1b2: {  	_ =	swait.ge [sflag:s28], $0x4000  }
0x1b3: {  	[sflag:s28] =	ssyncset.done $0x0  }
0x1b4: {  	[sflag:s28] =	ssyncadd.s32 $0xFFFFC000  }
0x1b5: {  	_ =	swait.ge [sflag:s1], $0x4000  }
0x1b6: {  	[sflag:s1] =	ssyncset.done $0x0  }
0x1b7: {  	[sflag:s1] =	ssyncadd.s32 $0xFFFFC000  }
0x1b8: {  	[tilespmem:s29], [sflag:$0x1] =	stream.indirect.gather [hbm4b:s4+s25], $0x80, s5, s25, $0xb8;
	[tilespmem:$0x1E800] =	vst v63  }
0x1b9: {  	_ = 	snop  }
0x1ba: {  	[spmem:s2] =	stream.indirect.scatter.add.f32 [tilespmem:s26], [sflag:$0x2], $0x80, s8, s25, $0xb8;
	[tilespmem:$0x1E800] =	vst v63  }
0x1bb: {  	_ =	swait.ge [sflag:s28], $0x4000  }
0x1bc: {  	[sflag:s28] =	ssyncset.done $0x0  }
0x1bd: {  	[sflag:s28] =	ssyncadd.s32 $0xFFFFC000  }
0x1be: {  	_ =	swait.ge [sflag:s30], $0x4000  }
0x1bf: {  	[sflag:s30] =	ssyncset.done $0x0  }
0x1c0: {  	[sflag:s30] =	ssyncadd.s32 $0xFFFFC000  }
0x1c1: {  	[spmem:s2] =	stream.indirect.scatter.add.f32 [tilespmem:s29], [sflag:$0x3], $0x80, s10, s25, $0xb8;
	[tilespmem:$0x1E800] =	vst v63  }
0x1c2: {  	_ =	swait.ge [sflag:s1], $0x4000  }
0x1c3: {  	[sflag:s1] =	ssyncset.done $0x0  }
0x1c4: {  	[sflag:s1] =	ssyncadd.s32 $0xFFFFC000  }
0x1c5: {  	[tilespmem:s3], [sflag:$0x4] =	stream.linear.gather [hbm4b:s17+s3], $0x1400, $0x38;
	[tilespmem:$0x1E800] =	vst v63  }
0x1c6: {  	_ =	swait.ge [sflag:s23], $0x1400  }
0x1c7: {  	[sflag:s23] =	ssyncset.done $0x0  }
0x1c8: {  	[sflag:s23] =	ssyncadd.s32 $0xFFFFEC00  }
0x1c9: {  	[tilespmem:s24], [sflag:$0x4] =	stream.linear.gather [hbm4b:s11+s3], $0x1400, $0x38;
	[tilespmem:$0x1E800] =	vst v63  }
0x1ca: {  	_ =	swait.ge [sflag:s23], $0x1400  }
0x1cb: {  	[sflag:s23] =	ssyncset.done $0x0  }
0x1cc: {  	[sflag:s23] =	ssyncadd.s32 $0xFFFFEC00  }
0x1cd: {  	[tilespmem:s26], [sflag:$0x1] =	stream.indirect.gather [hbm4b:s4+s25], $0x80, s3, s25, $0xb8;
	[tilespmem:$0x1E800] =	vst v63  }
0x1ce: {  	_ =	swait.ge [sflag:s28], $0x4000  }
0x1cf: {  	[sflag:s28] =	ssyncset.done $0x0  }
0x1d0: {  	[sflag:s28] =	ssyncadd.s32 $0xFFFFC000  }
0x1d1: {  	[tilespmem:s29], [sflag:$0x1] =	stream.indirect.gather [hbm4b:s4+s25], $0x80, s25, s25, $0xb8;
	[tilespmem:$0x1E800] =	vst v63  }
0x1d2: {  	_ = 	snop  }
0x1d3: {  	[spmem:s2] =	stream.indirect.scatter.add.f32 [tilespmem:s26], [sflag:$0x2], $0x80, s24, s25, $0xb8;
	[tilespmem:$0x1E800] =	vst v63  }
0x1d4: {  	_ =	swait.ge [sflag:s28], $0x4000  }
0x1d5: {  	[sflag:s28] =	ssyncset.done $0x0  }
0x1d6: {  	[sflag:s28] =	ssyncadd.s32 $0xFFFFC000  }
0x1d7: {  	_ =	swait.ge [sflag:s30], $0x4000  }
0x1d8: {  	[sflag:s30] =	ssyncset.done $0x0  }
0x1d9: {  	[sflag:s30] =	ssyncadd.s32 $0xFFFFC000  }
0x1da: {  	[tilespmem:s26], [sflag:$0x1] =	stream.indirect.gather [hbm4b:s4+s25], $0x80, s31, s25, $0xb8;
	[tilespmem:$0x1E800] =	vst v63  }
0x1db: {  	_ = 	snop  }
0x1dc: {  	[spmem:s2] =	stream.indirect.scatter.add.f32 [tilespmem:s29], [sflag:$0x3], $0x80, s0, s25, $0xb8;
	[tilespmem:$0x1E800] =	vst v63  }
0x1dd: {  	_ =	swait.ge [sflag:s28], $0x4000  }
0x1de: {  	[sflag:s28] =	ssyncset.done $0x0  }
0x1df: {  	[sflag:s28] =	ssyncadd.s32 $0xFFFFC000  }
0x1e0: {  	_ =	swait.ge [sflag:s1], $0x4000  }
0x1e1: {  	[sflag:s1] =	ssyncset.done $0x0  }
0x1e2: {  	s14 =	simm.s32 $0x180;
	[sflag:s1] =	ssyncadd.s32 $0xFFFFC000  }
0x1e3: {  	[tilespmem:s29], [sflag:$0x1] =	stream.indirect.gather [hbm4b:s4+s25], $0x80, s14, s25, $0xb8;
	[tilespmem:$0x1E800] =	vst v63  }
0x1e4: {  	s15 =	simm.s32 $0x1500  }
0x1e5: {  	[spmem:s2] =	stream.indirect.scatter.add.f32 [tilespmem:s26], [sflag:$0x2], $0x80, s15, s25, $0xb8;
	[tilespmem:$0x1E800] =	vst v63  }
0x1e6: {  	_ =	swait.ge [sflag:s28], $0x4000  }
0x1e7: {  	[sflag:s28] =	ssyncset.done $0x0  }
0x1e8: {  	[sflag:s28] =	ssyncadd.s32 $0xFFFFC000  }
0x1e9: {  	_ =	swait.ge [sflag:s30], $0x4000  }
0x1ea: {  	s16 =	simm.s32 $0x200;
	[sflag:s30] =	ssyncset.done $0x0  }
0x1eb: {  	s14 =	simm.s32 $0xFFFFBC00;
	s15 =	simm.s32 $0x1580;
	[sflag:s30] =	ssyncadd.s32 $0xFFFFC000  }
0x1ec: {  	[tilespmem:s26], [sflag:$0x1] =	stream.indirect.gather [hbm4b:s4+s25], $0x80, s16, s25, $0xb8;
	[tilespmem:$0x1E800] =	vst v63  }
.LBB2_12:
0x1ed: {  	[spmem:s2] =	stream.indirect.scatter.add.f32 [tilespmem:s29], [sflag:$0x3], $0x80, s15, s25, $0xb8;
	[tilespmem:$0x1E800] =	vst v63  }
0x1ee: {  	s15 =	smov.u32 s14  }
0x1ef: {  	p0 =	sne.s32 s14, $0xFFFFFC00;
	s14 =	sadd.s32 $0x400, s14;
	_ =	swait.ge [sflag:s28], $0x4000  }
0x1f0: {  	[sflag:s28] =	ssyncset.done $0x0  }
0x1f1: {  	[sflag:s28] =	ssyncadd.s32 $0xFFFFC000  }
0x1f2: {  	_ =	swait.ge [sflag:s1], $0x4000  }
0x1f3: {  	s15 =	sshra.s32 s15, $0x2;
	[sflag:s1] =	ssyncset.done $0x0  }
0x1f4: {  	s16 =	sadd.s32 $0x1380, s15;
	[sflag:s1] =	ssyncadd.s32 $0xFFFFC000  }
0x1f5: {  	[tilespmem:s29], [sflag:$0x1] =	stream.indirect.gather [hbm4b:s4+s25], $0x80, s16, s25, $0xb8;
	[tilespmem:$0x1E800] =	vst v63  }
0x1f6: {  	s16 =	sadd.s32 $0x2700, s15  }
0x1f7: {  	[spmem:s2] =	stream.indirect.scatter.add.f32 [tilespmem:s26], [sflag:$0x2], $0x80, s16, s25, $0xb8;
	[tilespmem:$0x1E800] =	vst v63  }
0x1f8: {  	_ =	swait.ge [sflag:s28], $0x4000  }
0x1f9: {  	[sflag:s28] =	ssyncset.done $0x0  }
0x1fa: {  	[sflag:s28] =	ssyncadd.s32 $0xFFFFC000  }
.Ltmp5:
0x1fb: {  	_ =	swait.ge [sflag:s30], $0x4000;
	(pc) =	sbr.rel @p0 .LBB2_12-.Ltmp5, $4  }
0x1fc: {  	[sflag:s30] =	ssyncset.done $0x0  }
0x1fd: {  	s16 =	sadd.s32 $0x1400, s15;
	[sflag:s30] =	ssyncadd.s32 $0xFFFFC000  }
0x1fe: {  	[tilespmem:s26], [sflag:$0x1] =	stream.indirect.gather [hbm4b:s4+s25], $0x80, s16, s25, $0xb8;
	[tilespmem:$0x1E800] =	vst v63  }
0x1ff: {  	s15 =	sadd.s32 $0x2780, s15  }
0x200: {  	[spmem:s2] =	stream.indirect.scatter.add.f32 [tilespmem:s29], [sflag:$0x3], $0x80, s15, s25, $0xb8;
	[tilespmem:$0x1E800] =	vst v63  }
0x201: {  	_ =	swait.ge [sflag:s28], $0x4000  }
0x202: {  	[sflag:s28] =	ssyncset.done $0x0  }
0x203: {  	[sflag:s28] =	ssyncadd.s32 $0xFFFFC000  }
0x204: {  	_ =	swait.ge [sflag:s1], $0x4000  }
0x205: {  	[sflag:s1] =	ssyncset.done $0x0  }
0x206: {  	[sflag:s1] =	ssyncadd.s32 $0xFFFFC000  }
0x207: {  	[tilespmem:s29], [sflag:$0x1] =	stream.indirect.gather [hbm4b:s4+s25], $0x80, s5, s25, $0xb8;
	[tilespmem:$0x1E800] =	vst v63  }
0x208: {  	_ = 	snop  }
0x209: {  	[spmem:s2] =	stream.indirect.scatter.add.f32 [tilespmem:s26], [sflag:$0x2], $0x80, s8, s25, $0xb8;
	[tilespmem:$0x1E800] =	vst v63  }
0x20a: {  	_ =	swait.ge [sflag:s28], $0x4000  }
0x20b: {  	[sflag:s28] =	ssyncset.done $0x0  }
0x20c: {  	[sflag:s28] =	ssyncadd.s32 $0xFFFFC000  }
0x20d: {  	_ =	swait.ge [sflag:s30], $0x4000  }
0x20e: {  	[sflag:s30] =	ssyncset.done $0x0  }
0x20f: {  	[sflag:s30] =	ssyncadd.s32 $0xFFFFC000  }
0x210: {  	[spmem:s2] =	stream.indirect.scatter.add.f32 [tilespmem:s29], [sflag:$0x3], $0x80, s10, s25, $0xb8;
	[tilespmem:$0x1E800] =	vst v63  }
0x211: {  	_ =	swait.ge [sflag:s1], $0x4000  }
0x212: {  	[sflag:s1] =	ssyncset.done $0x0  }
0x213: {  	[sflag:s1] =	ssyncadd.s32 $0xFFFFC000  }
0x214: {  	[bflag:$0x0] =	sbarrier.arrive $0xFFFF  }
0x215: {  	[hbm:s18], [sflag:s7] =	dma.local [spmem:s13], $0x2800  }
0x216: {  	_ =	swait.ge [sflag:s23], $0x2800  }
0x217: {  	[sflag:s23] =	ssyncset.done $0x0  }
0x218: {  	[sflag:s23] =	ssyncadd.s32 $0xFFFFD800  }
0x219: {  	[spmem:s13], [sflag:s7] =	dma.local [hbm:s6], $0x2800  }
0x21a: {  	_ =	swait.ge [sflag:s23], $0x2800  }
0x21b: {  	[sflag:s23] =	ssyncset.done $0x0  }
0x21c: {  	[sflag:s23] =	ssyncadd.s32 $0xFFFFD800  }
0x21d: {  	[bflag:$0x0] =	sbarrier.arrive $0xFFFF  }
0x21e: {  	[tilespmem:s3], [sflag:$0x4] =	stream.linear.gather [hbm4b:s19+s3], $0x1400, $0x38;
	[tilespmem:$0x1E800] =	vst v63  }
0x21f: {  	_ =	swait.ge [sflag:s23], $0x1400  }
0x220: {  	[sflag:s23] =	ssyncset.done $0x0  }
0x221: {  	[sflag:s23] =	ssyncadd.s32 $0xFFFFEC00  }
0x222: {  	[tilespmem:s24], [sflag:$0x4] =	stream.linear.gather [hbm4b:s9+s3], $0x1400, $0x38;
	[tilespmem:$0x1E800] =	vst v63  }
0x223: {  	_ =	swait.ge [sflag:s23], $0x1400  }
0x224: {  	[sflag:s23] =	ssyncset.done $0x0  }
0x225: {  	[sflag:s23] =	ssyncadd.s32 $0xFFFFEC00  }
0x226: {  	[tilespmem:s26], [sflag:$0x1] =	stream.indirect.gather [hbm4b:s4+s25], $0x80, s3, s25, $0xb8;
	[tilespmem:$0x1E800] =	vst v63  }
0x227: {  	_ =	swait.ge [sflag:s28], $0x4000  }
0x228: {  	[sflag:s28] =	ssyncset.done $0x0  }
0x229: {  	[sflag:s28] =	ssyncadd.s32 $0xFFFFC000  }
0x22a: {  	[tilespmem:s29], [sflag:$0x1] =	stream.indirect.gather [hbm4b:s4+s25], $0x80, s25, s25, $0xb8;
	[tilespmem:$0x1E800] =	vst v63  }
0x22b: {  	_ = 	snop  }
0x22c: {  	[spmem:s2] =	stream.indirect.scatter.add.f32 [tilespmem:s26], [sflag:$0x2], $0x80, s24, s25, $0xb8;
	[tilespmem:$0x1E800] =	vst v63  }
0x22d: {  	_ =	swait.ge [sflag:s28], $0x4000  }
0x22e: {  	[sflag:s28] =	ssyncset.done $0x0  }
0x22f: {  	[sflag:s28] =	ssyncadd.s32 $0xFFFFC000  }
0x230: {  	_ =	swait.ge [sflag:s30], $0x4000  }
0x231: {  	[sflag:s30] =	ssyncset.done $0x0  }
0x232: {  	[sflag:s30] =	ssyncadd.s32 $0xFFFFC000  }
0x233: {  	[tilespmem:s26], [sflag:$0x1] =	stream.indirect.gather [hbm4b:s4+s25], $0x80, s31, s25, $0xb8;
	[tilespmem:$0x1E800] =	vst v63  }
0x234: {  	_ = 	snop  }
0x235: {  	[spmem:s2] =	stream.indirect.scatter.add.f32 [tilespmem:s29], [sflag:$0x3], $0x80, s0, s25, $0xb8;
	[tilespmem:$0x1E800] =	vst v63  }
0x236: {  	_ =	swait.ge [sflag:s28], $0x4000  }
0x237: {  	[sflag:s28] =	ssyncset.done $0x0  }
0x238: {  	[sflag:s28] =	ssyncadd.s32 $0xFFFFC000  }
0x239: {  	_ =	swait.ge [sflag:s1], $0x4000  }
0x23a: {  	[sflag:s1] =	ssyncset.done $0x0  }
0x23b: {  	s14 =	simm.s32 $0x180;
	[sflag:s1] =	ssyncadd.s32 $0xFFFFC000  }
0x23c: {  	[tilespmem:s29], [sflag:$0x1] =	stream.indirect.gather [hbm4b:s4+s25], $0x80, s14, s25, $0xb8;
	[tilespmem:$0x1E800] =	vst v63  }
0x23d: {  	s15 =	simm.s32 $0x1500  }
0x23e: {  	[spmem:s2] =	stream.indirect.scatter.add.f32 [tilespmem:s26], [sflag:$0x2], $0x80, s15, s25, $0xb8;
	[tilespmem:$0x1E800] =	vst v63  }
0x23f: {  	_ =	swait.ge [sflag:s28], $0x4000  }
0x240: {  	[sflag:s28] =	ssyncset.done $0x0  }
0x241: {  	[sflag:s28] =	ssyncadd.s32 $0xFFFFC000  }
0x242: {  	_ =	swait.ge [sflag:s30], $0x4000  }
0x243: {  	s16 =	simm.s32 $0x200;
	[sflag:s30] =	ssyncset.done $0x0  }
0x244: {  	s14 =	simm.s32 $0xFFFFBC00;
	s15 =	simm.s32 $0x1580;
	[sflag:s30] =	ssyncadd.s32 $0xFFFFC000  }
0x245: {  	[tilespmem:s26], [sflag:$0x1] =	stream.indirect.gather [hbm4b:s4+s25], $0x80, s16, s25, $0xb8;
	[tilespmem:$0x1E800] =	vst v63  }
.LBB2_14:
0x246: {  	[spmem:s2] =	stream.indirect.scatter.add.f32 [tilespmem:s29], [sflag:$0x3], $0x80, s15, s25, $0xb8;
	[tilespmem:$0x1E800] =	vst v63  }
0x247: {  	s15 =	smov.u32 s14  }
0x248: {  	p0 =	sne.s32 s14, $0xFFFFFC00;
	s14 =	sadd.s32 $0x400, s14;
	_ =	swait.ge [sflag:s28], $0x4000  }
0x249: {  	[sflag:s28] =	ssyncset.done $0x0  }
0x24a: {  	[sflag:s28] =	ssyncadd.s32 $0xFFFFC000  }
0x24b: {  	_ =	swait.ge [sflag:s1], $0x4000  }
0x24c: {  	s15 =	sshra.s32 s15, $0x2;
	[sflag:s1] =	ssyncset.done $0x0  }
0x24d: {  	s16 =	sadd.s32 $0x1380, s15;
	[sflag:s1] =	ssyncadd.s32 $0xFFFFC000  }
0x24e: {  	[tilespmem:s29], [sflag:$0x1] =	stream.indirect.gather [hbm4b:s4+s25], $0x80, s16, s25, $0xb8;
	[tilespmem:$0x1E800] =	vst v63  }
0x24f: {  	s16 =	sadd.s32 $0x2700, s15  }
0x250: {  	[spmem:s2] =	stream.indirect.scatter.add.f32 [tilespmem:s26], [sflag:$0x2], $0x80, s16, s25, $0xb8;
	[tilespmem:$0x1E800] =	vst v63  }
0x251: {  	_ =	swait.ge [sflag:s28], $0x4000  }
0x252: {  	[sflag:s28] =	ssyncset.done $0x0  }
0x253: {  	[sflag:s28] =	ssyncadd.s32 $0xFFFFC000  }
.Ltmp6:
0x254: {  	_ =	swait.ge [sflag:s30], $0x4000;
	(pc) =	sbr.rel @p0 .LBB2_14-.Ltmp6, $4  }
0x255: {  	[sflag:s30] =	ssyncset.done $0x0  }
0x256: {  	s16 =	sadd.s32 $0x1400, s15;
	[sflag:s30] =	ssyncadd.s32 $0xFFFFC000  }
0x257: {  	[tilespmem:s26], [sflag:$0x1] =	stream.indirect.gather [hbm4b:s4+s25], $0x80, s16, s25, $0xb8;
	[tilespmem:$0x1E800] =	vst v63  }
0x258: {  	s15 =	sadd.s32 $0x2780, s15  }
0x259: {  	[spmem:s2] =	stream.indirect.scatter.add.f32 [tilespmem:s29], [sflag:$0x3], $0x80, s15, s25, $0xb8;
	[tilespmem:$0x1E800] =	vst v63  }
0x25a: {  	_ =	swait.ge [sflag:s28], $0x4000  }
0x25b: {  	[sflag:s28] =	ssyncset.done $0x0  }
0x25c: {  	[sflag:s28] =	ssyncadd.s32 $0xFFFFC000  }
0x25d: {  	_ =	swait.ge [sflag:s1], $0x4000  }
0x25e: {  	[sflag:s1] =	ssyncset.done $0x0  }
0x25f: {  	[sflag:s1] =	ssyncadd.s32 $0xFFFFC000  }
0x260: {  	[tilespmem:s29], [sflag:$0x1] =	stream.indirect.gather [hbm4b:s4+s25], $0x80, s5, s25, $0xb8;
	[tilespmem:$0x1E800] =	vst v63  }
0x261: {  	_ = 	snop  }
0x262: {  	[spmem:s2] =	stream.indirect.scatter.add.f32 [tilespmem:s26], [sflag:$0x2], $0x80, s8, s25, $0xb8;
	[tilespmem:$0x1E800] =	vst v63  }
0x263: {  	_ =	swait.ge [sflag:s28], $0x4000  }
0x264: {  	[sflag:s28] =	ssyncset.done $0x0  }
0x265: {  	[sflag:s28] =	ssyncadd.s32 $0xFFFFC000  }
0x266: {  	_ =	swait.ge [sflag:s30], $0x4000  }
0x267: {  	[sflag:s30] =	ssyncset.done $0x0  }
0x268: {  	[sflag:s30] =	ssyncadd.s32 $0xFFFFC000  }
0x269: {  	[spmem:s2] =	stream.indirect.scatter.add.f32 [tilespmem:s29], [sflag:$0x3], $0x80, s10, s25, $0xb8;
	[tilespmem:$0x1E800] =	vst v63  }
0x26a: {  	_ =	swait.ge [sflag:s1], $0x4000  }
0x26b: {  	[sflag:s1] =	ssyncset.done $0x0  }
0x26c: {  	[sflag:s1] =	ssyncadd.s32 $0xFFFFC000  }
0x26d: {  	[tilespmem:s3], [sflag:$0x4] =	stream.linear.gather [hbm4b:s20+s3], $0x1400, $0x38;
	[tilespmem:$0x1E800] =	vst v63  }
0x26e: {  	_ =	swait.ge [sflag:s23], $0x1400  }
0x26f: {  	[sflag:s23] =	ssyncset.done $0x0  }
0x270: {  	[sflag:s23] =	ssyncadd.s32 $0xFFFFEC00  }
0x271: {  	[tilespmem:s24], [sflag:$0x4] =	stream.linear.gather [hbm4b:s11+s3], $0x1400, $0x38;
	[tilespmem:$0x1E800] =	vst v63  }
0x272: {  	_ =	swait.ge [sflag:s23], $0x1400  }
0x273: {  	[sflag:s23] =	ssyncset.done $0x0  }
0x274: {  	[sflag:s23] =	ssyncadd.s32 $0xFFFFEC00  }
0x275: {  	[tilespmem:s26], [sflag:$0x1] =	stream.indirect.gather [hbm4b:s4+s25], $0x80, s3, s25, $0xb8;
	[tilespmem:$0x1E800] =	vst v63  }
0x276: {  	_ =	swait.ge [sflag:s28], $0x4000  }
0x277: {  	[sflag:s28] =	ssyncset.done $0x0  }
0x278: {  	[sflag:s28] =	ssyncadd.s32 $0xFFFFC000  }
0x279: {  	[tilespmem:s29], [sflag:$0x1] =	stream.indirect.gather [hbm4b:s4+s25], $0x80, s25, s25, $0xb8;
	[tilespmem:$0x1E800] =	vst v63  }
0x27a: {  	_ = 	snop  }
0x27b: {  	[spmem:s2] =	stream.indirect.scatter.add.f32 [tilespmem:s26], [sflag:$0x2], $0x80, s24, s25, $0xb8;
	[tilespmem:$0x1E800] =	vst v63  }
0x27c: {  	_ =	swait.ge [sflag:s28], $0x4000  }
0x27d: {  	[sflag:s28] =	ssyncset.done $0x0  }
0x27e: {  	[sflag:s28] =	ssyncadd.s32 $0xFFFFC000  }
0x27f: {  	_ =	swait.ge [sflag:s30], $0x4000  }
0x280: {  	[sflag:s30] =	ssyncset.done $0x0  }
0x281: {  	[sflag:s30] =	ssyncadd.s32 $0xFFFFC000  }
0x282: {  	[tilespmem:s26], [sflag:$0x1] =	stream.indirect.gather [hbm4b:s4+s25], $0x80, s31, s25, $0xb8;
	[tilespmem:$0x1E800] =	vst v63  }
0x283: {  	_ = 	snop  }
0x284: {  	[spmem:s2] =	stream.indirect.scatter.add.f32 [tilespmem:s29], [sflag:$0x3], $0x80, s0, s25, $0xb8;
	[tilespmem:$0x1E800] =	vst v63  }
0x285: {  	_ =	swait.ge [sflag:s28], $0x4000  }
0x286: {  	[sflag:s28] =	ssyncset.done $0x0  }
0x287: {  	[sflag:s28] =	ssyncadd.s32 $0xFFFFC000  }
0x288: {  	_ =	swait.ge [sflag:s1], $0x4000  }
0x289: {  	[sflag:s1] =	ssyncset.done $0x0  }
0x28a: {  	s14 =	simm.s32 $0x180;
	[sflag:s1] =	ssyncadd.s32 $0xFFFFC000  }
0x28b: {  	[tilespmem:s29], [sflag:$0x1] =	stream.indirect.gather [hbm4b:s4+s25], $0x80, s14, s25, $0xb8;
	[tilespmem:$0x1E800] =	vst v63  }
0x28c: {  	s15 =	simm.s32 $0x1500  }
0x28d: {  	[spmem:s2] =	stream.indirect.scatter.add.f32 [tilespmem:s26], [sflag:$0x2], $0x80, s15, s25, $0xb8;
	[tilespmem:$0x1E800] =	vst v63  }
0x28e: {  	_ =	swait.ge [sflag:s28], $0x4000  }
0x28f: {  	[sflag:s28] =	ssyncset.done $0x0  }
0x290: {  	[sflag:s28] =	ssyncadd.s32 $0xFFFFC000  }
0x291: {  	_ =	swait.ge [sflag:s30], $0x4000  }
0x292: {  	s16 =	simm.s32 $0x200;
	[sflag:s30] =	ssyncset.done $0x0  }
0x293: {  	s14 =	simm.s32 $0xFFFFBC00;
	s15 =	simm.s32 $0x1580;
	[sflag:s30] =	ssyncadd.s32 $0xFFFFC000  }
0x294: {  	[tilespmem:s26], [sflag:$0x1] =	stream.indirect.gather [hbm4b:s4+s25], $0x80, s16, s25, $0xb8;
	[tilespmem:$0x1E800] =	vst v63  }
.LBB2_16:
0x295: {  	[spmem:s2] =	stream.indirect.scatter.add.f32 [tilespmem:s29], [sflag:$0x3], $0x80, s15, s25, $0xb8;
	[tilespmem:$0x1E800] =	vst v63  }
0x296: {  	s15 =	smov.u32 s14  }
0x297: {  	p0 =	sne.s32 s14, $0xFFFFFC00;
	s14 =	sadd.s32 $0x400, s14;
	_ =	swait.ge [sflag:s28], $0x4000  }
0x298: {  	[sflag:s28] =	ssyncset.done $0x0  }
0x299: {  	[sflag:s28] =	ssyncadd.s32 $0xFFFFC000  }
0x29a: {  	_ =	swait.ge [sflag:s1], $0x4000  }
0x29b: {  	s15 =	sshra.s32 s15, $0x2;
	[sflag:s1] =	ssyncset.done $0x0  }
0x29c: {  	s16 =	sadd.s32 $0x1380, s15;
	[sflag:s1] =	ssyncadd.s32 $0xFFFFC000  }
0x29d: {  	[tilespmem:s29], [sflag:$0x1] =	stream.indirect.gather [hbm4b:s4+s25], $0x80, s16, s25, $0xb8;
	[tilespmem:$0x1E800] =	vst v63  }
0x29e: {  	s16 =	sadd.s32 $0x2700, s15  }
0x29f: {  	[spmem:s2] =	stream.indirect.scatter.add.f32 [tilespmem:s26], [sflag:$0x2], $0x80, s16, s25, $0xb8;
	[tilespmem:$0x1E800] =	vst v63  }
0x2a0: {  	_ =	swait.ge [sflag:s28], $0x4000  }
0x2a1: {  	[sflag:s28] =	ssyncset.done $0x0  }
0x2a2: {  	[sflag:s28] =	ssyncadd.s32 $0xFFFFC000  }
.Ltmp7:
0x2a3: {  	_ =	swait.ge [sflag:s30], $0x4000;
	(pc) =	sbr.rel @p0 .LBB2_16-.Ltmp7, $4  }
0x2a4: {  	[sflag:s30] =	ssyncset.done $0x0  }
0x2a5: {  	s16 =	sadd.s32 $0x1400, s15;
	[sflag:s30] =	ssyncadd.s32 $0xFFFFC000  }
0x2a6: {  	[tilespmem:s26], [sflag:$0x1] =	stream.indirect.gather [hbm4b:s4+s25], $0x80, s16, s25, $0xb8;
	[tilespmem:$0x1E800] =	vst v63  }
0x2a7: {  	s15 =	sadd.s32 $0x2780, s15  }
0x2a8: {  	[spmem:s2] =	stream.indirect.scatter.add.f32 [tilespmem:s29], [sflag:$0x3], $0x80, s15, s25, $0xb8;
	[tilespmem:$0x1E800] =	vst v63  }
0x2a9: {  	_ =	swait.ge [sflag:s28], $0x4000  }
0x2aa: {  	[sflag:s28] =	ssyncset.done $0x0  }
0x2ab: {  	[sflag:s28] =	ssyncadd.s32 $0xFFFFC000  }
0x2ac: {  	_ =	swait.ge [sflag:s1], $0x4000  }
0x2ad: {  	[sflag:s1] =	ssyncset.done $0x0  }
0x2ae: {  	[sflag:s1] =	ssyncadd.s32 $0xFFFFC000  }
0x2af: {  	[tilespmem:s29], [sflag:$0x1] =	stream.indirect.gather [hbm4b:s4+s25], $0x80, s5, s25, $0xb8;
	[tilespmem:$0x1E800] =	vst v63  }
0x2b0: {  	_ = 	snop  }
0x2b1: {  	[spmem:s2] =	stream.indirect.scatter.add.f32 [tilespmem:s26], [sflag:$0x2], $0x80, s8, s25, $0xb8;
	[tilespmem:$0x1E800] =	vst v63  }
0x2b2: {  	_ =	swait.ge [sflag:s28], $0x4000  }
0x2b3: {  	[sflag:s28] =	ssyncset.done $0x0  }
0x2b4: {  	[sflag:s28] =	ssyncadd.s32 $0xFFFFC000  }
0x2b5: {  	_ =	swait.ge [sflag:s30], $0x4000  }
0x2b6: {  	[sflag:s30] =	ssyncset.done $0x0  }
0x2b7: {  	[sflag:s30] =	ssyncadd.s32 $0xFFFFC000  }
0x2b8: {  	[spmem:s2] =	stream.indirect.scatter.add.f32 [tilespmem:s29], [sflag:$0x3], $0x80, s10, s25, $0xb8;
	[tilespmem:$0x1E800] =	vst v63  }
0x2b9: {  	_ =	swait.ge [sflag:s1], $0x4000  }
0x2ba: {  	s12 =	sadd.s32 $0x1, s12;
	[sflag:s1] =	ssyncset.done $0x0  }
0x2bb: {  	p0 =	sne.s32 s12, s22;
	[sflag:s1] =	ssyncadd.s32 $0xFFFFC000  }
.Ltmp8:
0x2bc: {  	[bflag:$0x0] =	sbarrier.arrive $0xFFFF;
	(pc) =	sbr.rel @p0 .LBB2_1-.Ltmp8, $4  }
0x2bd: {  	[hbm:s21], [sflag:s7] =	dma.local [spmem:s13], $0x2800  }
0x2be: {  	_ =	swait.ge [sflag:s23], $0x2800  }
0x2bf: {  	[sflag:s23] =	ssyncset.done $0x0  }
0x2c0: {  	[sflag:s23] =	ssyncadd.s32 $0xFFFFD800  }
0x2c1: {  	_ =	sfence.sel $0x180000  }
0x2c2: {  	[bflag:$0x0] =	sbarrier.arrive $0xFFFF  }
0x2c3: {  	_ =	strace $0x9000004D  }
0x2c4: {  	s0 =	stileid.u32;
	[bflag:$0x2] =	sbarrier.arrive $0xFFFF  }
0x2c5: {  	p0 =	sne.s32 s0, $0x0;
	s0 =	rddreg [dreg:$0x2]  }
0x2c6: {  	s0 =	sadd.s32 @!p0 $0x100000, s0  }
0x2c7: {  	[sflag:s0] =	ssyncadd.tile.s32 @!p0 $0x1;
	_ =	shalt  }
.Lfunc_end2:
_tile_overlayer_lowered:
.L_overlay_start_2:
0x2c8: {  	(tag) =	ssettag $0x2  }
0x2c9: {  	s0 =	rddreg [dreg:$0x0];
	s2 =	stileid.u32  }
0x2ca: {  	s1 =	rddreg [dreg:$0x1];
	p0 =	sne.s32 s2, $0x0  }
0x2cb: {  	s3 =	rddreg [dreg:$0x2];
	[bflag:$0x3] =	sbarrier.arrive $0xFFFF;
	s2 =	simm.s32 @!p0 $0x1C04  }
0x2cc: {  	[timem:s3], [sflag:s2] =	dma.local @!p0 [hbm:s0], s1  }
0x2cd: {  	s0 =	simm.s32 @!p0 $0x4  }
0x2ce: {  	_ =	swait.ge @!p0 [sflag:s0], s1  }
0x2cf: {  	s1 =	ssub.s32 @!p0 $0x0, s1;
	[sflag:s0] =	ssyncset.done @!p0 $0x0  }
0x2d0: {  	[sflag:s0] =	ssyncadd.s32 @!p0 s1  }
0x2d1: {  	[bflag:$0x3] =	sbarrier.arrive $0xFFFF  }
0x2d2: {  	_ =	shalt  }

// kernel: kernel.8.cloned.1.call-start
scs
__scs_entry_jumppad:
0x0: {  	(pc) =	sbr.rel $0x88, $3  }
0x1: {  	(tag) =	ssettag $0x0;
	lr =	simm.s32 $0x1  }
0x2: {  	[smem:$0x3F98] =	sst lr;
	_ =	strace $0xD0000000  }
0x3: {  	_ = 	snop  }
0x4: {  	_ = 	snop  }
0x5: {  	_ = 	snop  }
0x6: {  	_ = 	snop  }
0x7: {  	_ = 	snop  }
__scs_overlays_trampoline_lowered:
0x8: {  	[smem:$0x3FA7] =	sst s0  }
0x9: {  	[smem:$0x3FA8] =	sst s1  }
0xa: {  	[smem:$0x3FA9] =	sst s2  }
0xb: {  	[smem:$0x3FAA] =	sst s3  }
0xc: {  	[smem:$0x3FAB] =	sst s4  }
0xd: {  	[smem:$0x3FAC] =	sst s5  }
0xe: {  	[smem:$0x3FAD] =	sst s6  }
0xf: {  	[smem:$0x3FAE] =	sst s7  }
0x10: {  	[smem:$0x3FAF] =	sst s8  }
0x11: {  	[smem:$0x3FB0] =	sst s9;
	s0 =	simm.s32 @!p0 $0x0  }
0x12: {  	s1 =	sld [smem:$0x3F96];
	s0 =	simm.s32 @p0 $0x1  }
0x13: {  	[smem:$0x3FB1] =	sst s0;
	s0 =	simm.s32 @!p1 $0x0  }
0x14: {  	s2 =	sld [smem:$0x3F95];
	s0 =	simm.s32 @p1 $0x1  }
0x15: {  	[smem:$0x3FB2] =	sst s0;
	s0 =	simm.s32 @!p2 $0x0  }
0x16: {  	s3 =	sld [smem:$0x3FDB];
	s0 =	simm.s32 @p2 $0x1  }
0x17: {  	s4 =	simm.s32 $0x1BF5;
	[smem:$0x3FB4] =	sst s0  }
0x18: {  	s0 =	sld [smem:$0x3F97];
	_ =	swait.ge [sflag:s4], $0x0  }
0x19: {  	s7 =	sld [smem:$0x3F98]  }
0x1a: {  	s8 =	sadd.s32 $0xFFFFE003, lr  }
0x1b: {  	s9 =	sadd.s32 $0xFFFFFEF7, lr;
	s5 =	simm.s32 $0xFFFFFFFF;
	p2 =	slt.u32 s8, $0xFFFFF086  }
0x1c: {  	p1 =	slt.u32 s9, $0xF7A;
	s5 =	simm.s32 @!p2 $0x0  }
0x1d: {  	s5 =	simm.s32 @p1 $0x1;
	p0 =	seq.s32 s7, s2  }
0x1e: {  	s7 =	smul.u32 @!p0 $0xF7A, s2;
	p2 =	seq.s32 @!p0 s5, $0x0  }
0x1f: {  	s9 =	smul.u32 $0xF7A, s1;
	s8 =	simm.s32 @!p0 $0x1BF5;
	p2 =	por !p2, p0  }
0x20: {  	[sflag:s8] =	ssyncset.s32 @!p0 $0xFFFFF086;
	s6 =	sadd.s32 @!p0 s3, s7;
	s7 =	simm.s32 @!p0 $0x108  }
0x21: {  	s3 =	sadd.s32 s3, s9;
	s6 =	sadd.s32 @!p0 $0x88, s6;
	s7 =	simm.s32 @p2 $0x1082  }
0x22: {  	[simem:s7], [sflag:s8] =	dma.local @!p0 [hbm:s6], $0xF7A  }
0x23: {  	s9 =	sor.u32 $0xD0000000, s2;
	s6 =	simm.s32 $0x108;
	_ =	swait.ge @!p0 [sflag:s8], $0x0  }
0x24: {  	s3 =	sadd.s32 $0x88, s3;
	s6 =	simm.s32 @!p1 $0x1082;
	[sflag:s4] =	ssyncset.s32 $0xFFFFF086  }
0x25: {  	[simem:s6], [sflag:s4] =	dma.local [hbm:s3], $0xF7A  }
0x26: {  	[smem:$0x3F98] =	sst s1;
	(tag) =	ssettag s2;
	_ =	strace s9  }
0x27: {  	s1 =	sld [smem:$0x3FA8]  }
0x28: {  	s2 =	sld [smem:$0x3FA9]  }
0x29: {  	s4 =	sld [smem:$0x3FAB]  }
0x2a: {  	p0 =	seq.s32 s5, $0x0;
	s5 =	sld [smem:$0x3FAC]  }
0x2b: {  	s6 =	sld [smem:$0x3FAD]  }
0x2c: {  	s7 =	sld [smem:$0x3FAE]  }
0x2d: {  	s3 =	simm.s32 $0x108;
	s8 =	sld [smem:$0x3FAF]  }
0x2e: {  	s3 =	simm.s32 @!p0 $0x1082;
	s9 =	sld [smem:$0x3FB0]  }
0x2f: {  	lr =	sadd.s32 s0, s3;
	s0 =	sld [smem:$0x3FA7]  }
0x30: {  	s3 =	sld [smem:$0x3FAA]  }
0x31: {  	[smem:$0x3FB3] =	sst s10  }
0x32: {  	s10 =	sld [smem:$0x3FB1];
	_ =	sdelay $0x3  }
0x33: {  	p0 =	seq.s32 s10, $0x1;
	s10 =	sld [smem:$0x3FB3];
	_ =	sdelay $0x3  }
0x34: {  	[smem:$0x3FB3] =	sst s10  }
0x35: {  	s10 =	sld [smem:$0x3FB2];
	_ =	sdelay $0x3  }
0x36: {  	p1 =	seq.s32 s10, $0x1;
	s10 =	sld [smem:$0x3FB3];
	_ =	sdelay $0x3  }
0x37: {  	[smem:$0x3FB3] =	sst s10  }
0x38: {  	s10 =	sld [smem:$0x3FB4]  }
0x39: {  	_ = 	snop;
	(pc) =	sbr.ind lr, $3  }
0x3a: {  	_ = 	snop  }
0x3b: {  	_ = 	snop  }
0x3c: {  	p2 =	seq.s32 s10, $0x1;
	s10 =	sld [smem:$0x3FB3]  }
0x3d: {  	_ =	shalt  }
0x3e: {  	_ =	shalt  }
0x3f: {  	_ =	shalt  }
0x40: {  	_ =	shalt  }
0x41: {  	_ =	shalt  }
0x42: {  	_ =	shalt  }
0x43: {  	_ =	shalt  }
0x44: {  	_ =	shalt  }
0x45: {  	_ =	shalt  }
0x46: {  	_ =	shalt  }
0x47: {  	_ =	shalt  }
0x48: {  	_ =	shalt  }
0x49: {  	_ =	shalt  }
0x4a: {  	_ =	shalt  }
0x4b: {  	_ =	shalt  }
0x4c: {  	_ =	shalt  }
0x4d: {  	_ =	shalt  }
0x4e: {  	_ =	shalt  }
0x4f: {  	_ =	shalt  }
0x50: {  	_ =	shalt  }
0x51: {  	_ =	shalt  }
0x52: {  	_ =	shalt  }
0x53: {  	_ =	shalt  }
0x54: {  	_ =	shalt  }
0x55: {  	_ =	shalt  }
0x56: {  	_ =	shalt  }
0x57: {  	_ =	shalt  }
0x58: {  	_ =	shalt  }
0x59: {  	_ =	shalt  }
0x5a: {  	_ =	shalt  }
0x5b: {  	_ =	shalt  }
0x5c: {  	_ =	shalt  }
0x5d: {  	_ =	shalt  }
0x5e: {  	_ =	shalt  }
0x5f: {  	_ =	shalt  }
0x60: {  	_ =	shalt  }
0x61: {  	_ =	shalt  }
0x62: {  	_ =	shalt  }
0x63: {  	_ =	shalt  }
0x64: {  	_ =	shalt  }
0x65: {  	_ =	shalt  }
0x66: {  	_ =	shalt  }
0x67: {  	_ =	shalt  }
0x68: {  	_ =	shalt  }
0x69: {  	_ =	shalt  }
0x6a: {  	_ =	shalt  }
0x6b: {  	_ =	shalt  }
0x6c: {  	_ =	shalt  }
0x6d: {  	_ =	shalt  }
0x6e: {  	_ =	shalt  }
0x6f: {  	_ =	shalt  }
0x70: {  	_ =	shalt  }
0x71: {  	_ =	shalt  }
0x72: {  	_ =	shalt  }
0x73: {  	_ =	shalt  }
0x74: {  	_ =	shalt  }
0x75: {  	_ =	shalt  }
0x76: {  	_ =	shalt  }
0x77: {  	_ =	shalt  }
0x78: {  	_ =	shalt  }
0x79: {  	_ =	shalt  }
0x7a: {  	_ =	shalt  }
0x7b: {  	_ =	shalt  }
0x7c: {  	_ =	shalt  }
0x7d: {  	_ =	shalt  }
0x7e: {  	_ =	shalt  }
0x7f: {  	_ =	shalt  }
0x80: {  	_ =	shalt  }
0x81: {  	_ =	shalt  }
0x82: {  	_ =	shalt  }
0x83: {  	_ =	shalt  }
0x84: {  	_ =	shalt  }
0x85: {  	_ =	shalt  }
0x86: {  	_ =	shalt  }
0x87: {  	_ =	shalt  }
.Lfunc_end0:
.L_simem_size_0:
called_computation_lowered:
.L_overlay_start_0:
0x88: {  	s2 =	sld [smem:$0x3FD9]  }
0x89: {  	s3 =	sld [smem:$0x3FFE];
	_ =	sdelay $0x1  }
0x8a: {  	s1 =	srdreg.scid  }
0x8b: {  	s0 =	sand.u32 $0x1, s1  }
0x8c: {  	s16 =	sshll.u32 s0, $0xA;
	s2 =	sadd.s32 s3, s2  }
0x8d: {  	s2 =	sadd.s32 s2, s16  }
0x8e: {  	[smem:$0x3FBF] =	sst s2  }
0x8f: {  	_ = 	snop  }
0x90: {  	(tm) =	ssettm $0x1  }
0x91: {  	s17 =	sld [smem:$0x3FFB];
	_ =	sdelay $0x3  }
0x92: {  	_ =	strace s17  }
0x93: {  	s2 =	sld [smem:$0x3FFC];
	_ =	sdelay $0x3  }
0x94: {  	_ =	strace s2  }
0x95: {  	s2 =	sld [smem:$0x3FFD];
	_ =	sdelay $0x3  }
0x96: {  	_ =	strace s2  }
0x97: {  	_ =	strace $0x8FFFFFFF  }
0x98: {  	s18 =	sld [smem:$0x3FDB];
	_ =	sdelay $0x1  }
0x99: {  	s19 =	simm.s32 $_scs_section_size  }
0x9a: {  	s4 =	simm.s32 $_size__tile_overlayer_lowered;
	s5 =	simm.s32 $_tile_overlayer_lowered  }
0x9b: {  	s22 =	simm.s32 $0x1BFF;
	s21 =	sshll.u32 s5, $0x1;
	s2 =	sadd.s32 s19, s18  }
0x9c: {  	s6 =	simm.s32 $0x0;
	s20 =	sshll.u32 s4, $0x1;
	s4 =	sadd.s32 s21, s2  }
0x9d: {  	[timem:s6], [sflag:s22] =	dma.local [hbm:s4], s20  }
0x9e: {  	_ =	swait.ge [sflag:s22], s20  }
0x9f: {  	s3 =	ssub.s32 $0x0, s20;
	[sflag:s22] =	ssyncset.done $0x0  }
0xa0: {  	[sflag:s22] =	ssyncadd.s32 s3;
	_ =	sdelay $0x1  }
0xa1: {  	s23 =	simm.s32 $0x1B8B  }
0xa2: {  	_ =	swait.ge [sflag:s23], $0x1  }
0xa3: {  	[sflag:s23] =	ssyncset.done $0x0  }
0xa4: {  	s25 =	simm.s32 $0x1B8E;
	s24 =	sld [smem:$0x3FFE];
	[sflag:s23] =	ssyncadd.s32 $0xFFFFFFFF  }
0xa5: {  	s26 =	simm.s32 $execute0_lowered;
	[smem:$0x3FD2] =	sst s25  }
0xa6: {  	s4 =	sshll.u32 s26, $0x1;
	_ =	strace $0x80000046;
	[dreg:$0x1] =	wrdreg $0xFFFFFFFF  }
0xa7: {  	s28 =	simm.s32 $_size_execute0_lowered;
	s2 =	sadd.s32 s2, s4;
	[dreg:$0x0] =	wrdreg $0x0  }
0xa8: {  	s4 =	sshll.u32 s28, $0x1;
	[dreg:$0x2] =	wrdreg s2  }
0xa9: {  	[dreg:$0x3] =	wrdreg s4  }
0xaa: {  	[dreg:$0x4] =	wrdreg $0xC0  }
0xab: {  	_ =	task [dreg:s6], $0x5FFFF  }
0xac: {  	[dreg:$0x1] =	wrdreg $0xFFFFFFFF  }
0xad: {  	[dreg:$0x0] =	wrdreg $0x60  }
0xae: {  	[dreg:$0x2] =	wrdreg s24  }
0xaf: {  	[dreg:$0x3] =	wrdreg $0x68000  }
0xb0: {  	[dreg:$0x4] =	wrdreg $0x9  }
0xb1: {  	_ =	task.clear_ibuf [dreg:s6], $0x5FFFF;
	_ =	strace $0x90000046  }
0xb2: {  	s29 =	simm.s32 $0x9;
	_ =	strace $0x80000048  }
0xb3: {  	_ =	swait.ge [sflag:s29], $0x1  }
0xb4: {  	[sflag:s29] =	ssyncadd.s32 $0xFFFFFFFF  }
0xb5: {  	_ =	strace $0x90000048  }
0xb6: {  	_ =	sfence  }
0xb7: {  	s30 =	sld [smem:$0x0];
	_ =	sdelay $0x2  }
0xb8: {  	s31 =	sshll.u32 s1, $0xD;
	s1 =	sshrl.u32 s1, $0x2  }
0xb9: {  	s3 =	sand.u32 $0x4000, s31;
	s1 =	sadd.s32 s1, s30  }
0xba: {  	s0 =	sor.u32 s3, s0;
	s1 =	sshll.u32 s1, $0x11  }
0xbb: {  	s0 =	sor.u32 s1, s0  }
0xbc: {  	s0 =	sadd.s32 $0x8F2B, s0  }
0xbd: {  	[sflag:s0] =	ssyncadd.remote.s32 $0x1  }
0xbe: {  	_ =	sfence.sel $0xFFFF  }
0xbf: {  	[dreg:$0x0] =	wrdreg $0xFFFFFFFF;
	(pc) =	sbr.abs _section_cstart, $3  }
0xc0: {  	[dreg:$0x1] =	wrdreg $0xFFFFFFFF  }
0xc1: {  	_ =	task.clear_ibuf [dreg:s6], $0x2FFFF;
	_ =	strace $0x9FFFFFFF  }
0xc2: {  	(tm) =	ssettm $0x7FFFFFFF  }
0xc3: {  	_ =	shalt  }
tec
execute0_lowered:
.L_overlay_start_1:
0x0: {  	(tag) =	ssettag $0x1  }
0x1: {  	s1 =	srdreg.scid;
	s6 =	rddreg [dreg:$0x0]  }
0x2: {  	s0 =	stileid.u32;
	s2 =	rddreg [dreg:$0x1]  }
0x3: {  	s3 =	simm.s32 $0x0;
	s12 =	simm.s32 $0x2800;
	s13 =	simm.s32 $0x80  }
0x4: {  	s14 =	simm.s32 $0x1;
	s15 =	simm.s32 $0x0;
	s7 =	smul.u32 $0x2800, s0  }
0x5: {  	s5 =	sand.u32 $0x1, s1;
	s28 =	sshll.u32 s0, $0x1;
	s10 =	smul.u32 $0x50000, s0  }
0x6: {  	[smem:$0x7FF] =	sst s3;
	s1 =	sor.u32 s5, s28;
	s8 =	smul.u32 $0x28000, s5  }
0x7: {  	s31 =	sshll.u32 s0, $0x6;
	s5 =	ssub.s32 $0x2, s5;
	s4 =	smul.u32 $0x500, s1  }
0x8: {  	s1 =	rddreg [dreg:$0x2];
	_ =	strace $0x80000047;
	s29 =	sshrl.u32 s5, $0x1  }
0x9: {  	s30 =	sshrl.u32 s10, $0x2;
	s8 =	sadd.s32 s7, s8;
	s7 =	sadd.s32 s7, s6  }
0xa: {  	s11 =	ssub.s32 s5, s29;
	s10 =	sadd.s32 s30, s2;
	s9 =	sadd.s32 s4, s6  }
0xb: {  	s4 =	sadd.s32 $0x34200, s6;
	s8 =	sadd.s32 s8, s6;
	s5 =	sadd.s32 $0xC200, s7  }
0xc: {  	s6 =	sor.u32 $0x1C02, s31;
	s10 =	sshrl.u32 s10, $0x3;
	s7 =	sadd.s32 $0x2200, s9  }
0xd: {  	s8 =	sadd.s32 $0x34A00, s8;
	s9 =	smax.u32 s11, $0x1;
	s11 =	simm.s32 $0x2  }
.LBB2_1:
0xe: {  	[spmem:s10], [sflag:s6] =	dma.local [hbm:s5], $0x2800  }
0xf: {  	_ =	swait.ge [sflag:s11], $0x2800  }
0x10: {  	[sflag:s11] =	ssyncset.done $0x0  }
0x11: {  	[sflag:s11] =	ssyncadd.s32 $0xFFFFD800  }
0x12: {  	[tilespmem:s12], [sflag:$0x2] =	stream.linear.gather [hbm4b:s4+s3], $0x4000, $0x38;
	[tilespmem:$0x1A800] =	vst v63  }
0x13: {  	_ =	swait.ge [sflag:s11], $0x4000  }
0x14: {  	[sflag:s11] =	ssyncset.done $0x0  }
0x15: {  	[sflag:s11] =	ssyncadd.s32 $0xFFFFC000  }
0x16: {  	[tilespmem:s3], [sflag:$0x2] =	stream.linear.gather [hbm4b:s7+s3], $0x2800, $0x38;
	[tilespmem:$0x1A800] =	vst v63  }
0x17: {  	_ =	swait.ge [sflag:s11], $0x2800  }
0x18: {  	[sflag:s11] =	ssyncset.done $0x0  }
0x19: {  	[sflag:s11] =	ssyncadd.s32 $0xFFFFD800  }
0x1a: {  	s16 =	simm.s32 $0x0;
	[bflag:$0x0] =	sbarrier.arrive $0xFFFF  }
0x1b: {  	[spmem:s2] =	stream.indirect.scatter.add.f32 [tilespmem:s12], [sflag:$0x1], $0x80, s16, s13, $0xb8;
	[tilespmem:$0x1A800] =	vst v63  }
0x1c: {  	s31 =	simm.s32 $0x80  }
0x1d: {  	[spmem:s2] =	stream.indirect.scatter.add.f32 [tilespmem:s12], [sflag:$0x1], $0x80, s31, s13, $0xb8;
	[tilespmem:$0x1A800] =	vst v63  }
0x1e: {  	_ =	swait.ge [sflag:s14], $0x4000  }
0x1f: {  	[sflag:s14] =	ssyncset.done $0x0  }
0x20: {  	[sflag:s14] =	ssyncadd.s32 $0xFFFFC000  }
0x21: {  	_ =	swait.ge [sflag:s14], $0x4000  }
0x22: {  	s17 =	simm.s32 $0x800;
	s16 =	simm.s32 $0x400;
	[sflag:s14] =	ssyncset.done $0x0  }
.LBB2_2:
0x23: {  	s18 =	sshra.s32 s16, $0x2  }
0x24: {  	[sflag:s14] =	ssyncadd.s32 $0xFFFFC000;
	s16 =	smov.u32 s17;
	s19 =	sadd.s32 $0x400, s17  }
0x25: {  	[spmem:s2] =	stream.indirect.scatter.add.f32 [tilespmem:s12], [sflag:$0x1], $0x80, s18, s13, $0xb8;
	[tilespmem:$0x1A800] =	vst v63  }
0x26: {  	p0 =	sne.s32 s17, $0x9C00;
	s17 =	sadd.s32 $0x80, s18  }
0x27: {  	[spmem:s2] =	stream.indirect.scatter.add.f32 [tilespmem:s12], [sflag:$0x1], $0x80, s17, s13, $0xb8;
	[tilespmem:$0x1A800] =	vst v63  }
.Ltmp0:
0x28: {  	_ =	swait.ge [sflag:s14], $0x4000;
	(pc) =	sbr.rel @p0 .LBB2_2-.Ltmp0, $4  }
0x29: {  	[sflag:s14] =	ssyncset.done $0x0  }
0x2a: {  	[sflag:s14] =	ssyncadd.s32 $0xFFFFC000  }
0x2b: {  	_ =	swait.ge [sflag:s14], $0x4000  }
0x2c: {  	s17 =	smov.u32 s19;
	[sflag:s14] =	ssyncset.done $0x0  }
0x2d: {  	s16 =	sshra.s32 s16, $0x2;
	[sflag:s14] =	ssyncadd.s32 $0xFFFFC000  }
0x2e: {  	[spmem:s2] =	stream.indirect.scatter.add.f32 [tilespmem:s12], [sflag:$0x1], $0x80, s16, s13, $0xb8;
	[tilespmem:$0x1A800] =	vst v63  }
0x2f: {  	s16 =	sadd.s32 $0x80, s16  }
0x30: {  	[spmem:s2] =	stream.indirect.scatter.add.f32 [tilespmem:s12], [sflag:$0x1], $0x80, s16, s13, $0xb8;
	[tilespmem:$0x1A800] =	vst v63  }
0x31: {  	_ =	swait.ge [sflag:s14], $0x4000  }
0x32: {  	[sflag:s14] =	ssyncset.done $0x0  }
0x33: {  	[sflag:s14] =	ssyncadd.s32 $0xFFFFC000  }
0x34: {  	_ =	swait.ge [sflag:s14], $0x4000  }
0x35: {  	s15 =	sadd.s32 $0x1, s15;
	[sflag:s14] =	ssyncset.done $0x0  }
0x36: {  	p0 =	sne.s32 s15, s9;
	[sflag:s14] =	ssyncadd.s32 $0xFFFFC000  }
.Ltmp1:
0x37: {  	[bflag:$0x0] =	sbarrier.arrive $0xFFFF;
	(pc) =	sbr.rel @p0 .LBB2_1-.Ltmp1, $4  }
0x38: {  	[hbm:s8], [sflag:s6] =	dma.local [spmem:s10], $0x2800  }
0x39: {  	_ =	swait.ge [sflag:s11], $0x2800  }
0x3a: {  	[sflag:s11] =	ssyncset.done $0x0  }
0x3b: {  	[sflag:s11] =	ssyncadd.s32 $0xFFFFD800  }
0x3c: {  	_ =	sfence.sel $0x180000  }
0x3d: {  	[bflag:$0x0] =	sbarrier.arrive $0xFFFF  }
0x3e: {  	p0 =	sne.s32 s0, $0x0;
	_ =	strace $0x90000047  }
0x3f: {  	s0 =	sadd.s32 @!p0 $0x100000, s1;
	[bflag:$0x2] =	sbarrier.arrive $0xFFFF  }
0x40: {  	[sflag:s0] =	ssyncadd.tile.s32 @!p0 $0x1;
	_ =	shalt  }
.Lfunc_end2:
_tile_overlayer_lowered:
.L_overlay_start_2:
0x41: {  	(tag) =	ssettag $0x2  }
0x42: {  	s0 =	rddreg [dreg:$0x0];
	s2 =	stileid.u32  }
0x43: {  	s1 =	rddreg [dreg:$0x1];
	p0 =	sne.s32 s2, $0x0  }
0x44: {  	s3 =	rddreg [dreg:$0x2];
	[bflag:$0x3] =	sbarrier.arrive $0xFFFF;
	s2 =	simm.s32 @!p0 $0x1C02  }
0x45: {  	[timem:s3], [sflag:s2] =	dma.local @!p0 [hbm:s0], s1  }
0x46: {  	s0 =	simm.s32 @!p0 $0x2  }
0x47: {  	_ =	swait.ge @!p0 [sflag:s0], s1  }
0x48: {  	s1 =	ssub.s32 @!p0 $0x0, s1;
	[sflag:s0] =	ssyncset.done @!p0 $0x0  }
0x49: {  	[sflag:s0] =	ssyncadd.s32 @!p0 s1  }
0x4a: {  	[bflag:$0x3] =	sbarrier.arrive $0xFFFF  }
0x4b: {  	_ =	shalt  }

</sc_bundles>
